<compile_context>
chip_gen: v7x
topology: tpu7x:2x2x1
jax: 0.10.2.dev20260603
libtpu: 0.0.44.dev20260713+nightly
codegen_flags: <defaults>
</compile_context>

<pallas_src>
import jax
import jax.numpy as jnp
from jax import lax
from jax.experimental import pallas as pl
from jax.experimental.pallas import tpu as pltpu
from jax.experimental.pallas import tpu_sc as plsc

N = 500000
F = 32
NBIN = 256
HIST = F * NBIN

NTILES = 32
ROWS_PER_TILE = 15616
CH = 512
NCHUNK = 30
NBUF = 3
NOUTER = 10
HALF_CH = 256
TAIL_BASE = NTILES * ROWS_PER_TILE
TAIL1 = 256
TAIL2 = 32
GBUF = CH + 16
XPAD = CH


def _sc_body(xt_hbm, g_hbm, h_hbm, pg_hbm, ph_hbm,
             xb0, xb1, xb2, gb0, gb1, gb2, hb0, hb1, hb2,
             histg, histh, sem0, sem1, sem2):
  c = lax.axis_index("c")
  s = lax.axis_index("s")
  wid = s * 2 + c
  base = wid * ROWS_PER_TILE

  zeros16 = jnp.zeros((16,), jnp.float32)

  xbufs = (xb0, xb1, xb2)
  gbufs = (gb0, gb1, gb2)
  hbufs = (hb0, hb1, hb2)
  sems = (sem0, sem1, sem2)

  def start(st, nrows, slot):
    pltpu.async_copy(xt_hbm.at[:, pl.ds(st, nrows)],
                     xbufs[slot].at[:, pl.ds(0, nrows)], sems[slot])
    pltpu.async_copy(g_hbm.at[pl.ds(st, nrows)],
                     gbufs[slot].at[pl.ds(0, nrows)], sems[slot])
    pltpu.async_copy(h_hbm.at[pl.ds(st, nrows)],
                     hbufs[slot].at[pl.ds(0, nrows)], sems[slot])

  def wait_slot(slot, nrows):
    pltpu.make_async_copy(xt_hbm.at[:, pl.ds(0, nrows)],
                          xbufs[slot].at[:, pl.ds(0, nrows)],
                          sems[slot]).wait()
    pltpu.make_async_copy(g_hbm.at[pl.ds(0, nrows)],
                          gbufs[slot].at[pl.ds(0, nrows)], sems[slot]).wait()
    pltpu.make_async_copy(h_hbm.at[pl.ds(0, nrows)],
                          hbufs[slot].at[pl.ds(0, nrows)], sems[slot]).wait()

  def process(slot, nrows):
    xb = xbufs[slot]
    gb = gbufs[slot]
    hb = hbufs[slot]

    @plsc.parallel_loop(0, nrows // 16, 1, unroll=2)
    def _grp(gi):
      r = gi * 16
      gv = gb[pl.ds(r, 16)]
      hv = hb[pl.ds(r, 16)]
      for f in range(0, F, 2):
        xv0 = xb[f, pl.ds(r, 16)]
        xv1 = xb[f + 1, pl.ds(r, 16)]
        idx0 = xv0 + (f * NBIN)
        idx1 = xv1 + ((f + 1) * NBIN)
        plsc.addupdate_scatter(histg, [idx0], gv)
        plsc.addupdate_scatter(histg, [idx1], gv)
        plsc.addupdate_scatter(histh, [idx0], hv)
        plsc.addupdate_scatter(histh, [idx1], hv)

  start(base, CH, 0)
  start(base + CH, CH, 1)

  @plsc.parallel_loop(0, HIST // 16, 1, unroll=8)
  def _zero(i):
    histg[pl.ds(i * 16, 16)] = zeros16
    histh[pl.ds(i * 16, 16)] = zeros16

  def outer(j, carry):
    for k in range(NBUF):
      ci = j * NBUF + k
      wait_slot(k, CH)

      @pl.when(ci + 2 < NCHUNK)
      def _():
        start(base + (ci + 2) * CH, CH, (k + 2) % NBUF)

      @pl.when(ci + 2 == NCHUNK)
      def _():
        start(base + NCHUNK * CH, HALF_CH, (k + 2) % NBUF)

      process(k, CH)
    return carry
  lax.fori_loop(0, NOUTER, outer, 0)

  wait_slot(0, HALF_CH)
  process(0, HALF_CH)

  @pl.when(wid == 0)
  def _tail():
    start(TAIL_BASE, TAIL1, 1)
    wait_slot(1, TAIL1)
    process(1, TAIL1)

  pltpu.sync_copy(histg, pg_hbm.at[pl.ds(wid * HIST, HIST)])
  pltpu.sync_copy(histh, ph_hbm.at[pl.ds(wid * HIST, HIST)])


def _tc_body(pg_ref, ph_ref, xt_ref, gt_ref, ht_ref, gl_ref, hl_ref):
  xt = jnp.broadcast_to(xt_ref[...][:, :, None], (TAIL2, F, NBIN))
  bins = lax.broadcasted_iota(jnp.int32, (TAIL2, F, NBIN), 2)
  m = (xt == bins).astype(jnp.float32)
  hg_t = jnp.sum(m * gt_ref[...][:, None, None], axis=0)
  hh_t = jnp.sum(m * ht_ref[...][:, None, None], axis=0)
  hg = jnp.sum(pg_ref[...], axis=0) + hg_t
  hh = jnp.sum(ph_ref[...], axis=0) + hh_t
  rows = lax.broadcasted_iota(jnp.int32, (NBIN, NBIN), 0)
  cols = lax.broadcasted_iota(jnp.int32, (NBIN, NBIN), 1)
  tri = (rows <= cols).astype(jnp.float32)
  gl_ref[...] = jnp.dot(hg, tri, preferred_element_type=jnp.float32)
  hl_ref[...] = jnp.dot(hh, tri, preferred_element_type=jnp.float32)


@jax.jit
def kernel(X, gradient, hessian):
  mesh = plsc.VectorSubcoreMesh(core_axis_name="c", subcore_axis_name="s")
  sc = pl.kernel(
      _sc_body,
      out_type=(
          jax.ShapeDtypeStruct((NTILES * HIST,), jnp.float32),
          jax.ShapeDtypeStruct((NTILES * HIST,), jnp.float32),
      ),
      mesh=mesh,
      compiler_params=pltpu.CompilerParams(needs_layout_passes=False),
      scratch_types=[
          pltpu.VMEM((F, XPAD), jnp.int32),
          pltpu.VMEM((F, XPAD), jnp.int32),
          pltpu.VMEM((F, XPAD), jnp.int32),
          pltpu.VMEM((GBUF,), jnp.float32),
          pltpu.VMEM((GBUF,), jnp.float32),
          pltpu.VMEM((GBUF,), jnp.float32),
          pltpu.VMEM((GBUF,), jnp.float32),
          pltpu.VMEM((GBUF,), jnp.float32),
          pltpu.VMEM((GBUF,), jnp.float32),
          pltpu.VMEM((HIST,), jnp.float32),
          pltpu.VMEM((HIST,), jnp.float32),
          pltpu.SemaphoreType.DMA,
          pltpu.SemaphoreType.DMA,
          pltpu.SemaphoreType.DMA,
      ],
  )
  pg, ph = sc(X.T, gradient, hessian)

  pg3 = pg.reshape(NTILES, F, NBIN)
  ph3 = ph.reshape(NTILES, F, NBIN)
  gl, hl = pl.pallas_call(
      _tc_body,
      out_shape=(
          jax.ShapeDtypeStruct((F, NBIN), jnp.float32),
          jax.ShapeDtypeStruct((F, NBIN), jnp.float32),
      ),
  )(pg3, ph3, X[TAIL_BASE + TAIL1:], gradient[TAIL_BASE + TAIL1:],
    hessian[TAIL_BASE + TAIL1:])
  return (gl[None], hl[None])

# --- scband reference (transcript-rebuilt; emitter-appended) ---
"""Pipeline reference for scband-split-decision-19670950215707 (READ-ONLY COPY).

The authoritative reference and input builder live on the scoring server;
editing this copy changes nothing except your own understanding.
"""

import jax, jax.numpy as jnp
import numpy as np

MAX_BIN = 256

def setup_inputs(seed: int = 0) -> dict:
    key = jax.random.key(seed)
    k1, k2, k3 = jax.random.split(key, 3)
    N, F = 500000, 32
    X = jax.random.randint(k1, (N, F), 0, MAX_BIN, dtype=jnp.int32)
    gradient = jax.random.normal(k2, (N,), dtype=jnp.float32)
    hessian = jax.random.normal(k3, (N,), dtype=jnp.float32)
    return {"X": X, "gradient": gradient, "hessian": hessian}

def reference(X, gradient, hessian):
    # Faithful JAX translation of parallelsum_kernel.split_decision(X.T, gradient, hessian, max_bin):
    # for each feature f and bin b, accumulate sum of gradients/hessians of samples with X[n, f] == b,
    # then take the cumulative (left-side) sums over bins -> Gl, Hl of shape [F, max_bin].
    N, F = X.shape
    offsets = (jnp.arange(F, dtype=X.dtype) * MAX_BIN)[None, :]
    flat_idx = (X + offsets).reshape(-1)  # [N*F], index into per-feature histogram rows
    g_flat = jnp.broadcast_to(gradient[:, None], (N, F)).reshape(-1)
    h_flat = jnp.broadcast_to(hessian[:, None], (N, F)).reshape(-1)
    hist_g = jnp.zeros(F * MAX_BIN, dtype=gradient.dtype).at[flat_idx].add(g_flat).reshape(F, MAX_BIN)
    hist_h = jnp.zeros(F * MAX_BIN, dtype=hessian.dtype).at[flat_idx].add(h_flat).reshape(F, MAX_BIN)
    Gl = jnp.cumsum(hist_g, axis=1)
    Hl = jnp.cumsum(hist_h, axis=1)
    return (Gl[None, :, :], Hl[None, :, :])

if __name__ == "__main__":
    import jax
    _d = setup_inputs()
    print(jax.jit(kernel)(*tuple(_d.values())))

</pallas_src>

<mosaic_0001>
#map = affine_map<(d0, d1) -> (0, 0)>
#map1 = affine_map<(d0, d1) -> (0)>
module attributes {stable_mosaic.version = 14 : i64} {
  func.func @_sc_body(%arg0: i32, %arg1: i32, %arg2: memref<32x500000xi32, #tpu.memory_space<hbm>>, %arg3: memref<500000xf32, #tpu.memory_space<hbm>>, %arg4: memref<500000xf32, #tpu.memory_space<hbm>>, %arg5: memref<262144xf32, #tpu.memory_space<hbm>>, %arg6: memref<262144xf32, #tpu.memory_space<hbm>>, %arg7: memref<32x512xi32, #tpu.memory_space<vmem>>, %arg8: memref<32x512xi32, #tpu.memory_space<vmem>>, %arg9: memref<32x512xi32, #tpu.memory_space<vmem>>, %arg10: memref<528xf32, #tpu.memory_space<vmem>>, %arg11: memref<528xf32, #tpu.memory_space<vmem>>, %arg12: memref<528xf32, #tpu.memory_space<vmem>>, %arg13: memref<528xf32, #tpu.memory_space<vmem>>, %arg14: memref<528xf32, #tpu.memory_space<vmem>>, %arg15: memref<528xf32, #tpu.memory_space<vmem>>, %arg16: memref<8192xf32, #tpu.memory_space<vmem>>, %arg17: memref<8192xf32, #tpu.memory_space<vmem>>, %arg18: memref<!tpu.dma_semaphore, #tpu.memory_space<semaphore_mem>>, %arg19: memref<!tpu.dma_semaphore, #tpu.memory_space<semaphore_mem>>, %arg20: memref<!tpu.dma_semaphore, #tpu.memory_space<semaphore_mem>>) attributes {dimension_semantics = [#tpu.dimension_semantics<core_parallel>, #tpu.dimension_semantics<subcore_parallel>], iteration_bounds = array<i64: 2, 16>, scalar_prefetch = 0 : i64, scratch_operands = 14 : i64, tpu.core_type = #tpu.core_type<sc_vector_subcore>, window_params = [{transform_indices = #map}, {transform_indices = #map1}, {transform_indices = #map1}, {transform_indices = #map1}, {transform_indices = #map1}]} {
    %mul3A = arith.constant 2 : i32
    %mul3A_0 = arith.muli %arg1, %mul3A : i32
    %add3A = arith.addi %mul3A_0, %arg0 : i32
    %mul3A_1 = arith.constant 15616 : i32
    %mul3A_2 = arith.muli %add3A, %mul3A_1 : i32
    %broadcast_in_dim3A = arith.constant 0.000000e+00 : f32
    %broadcast_in_dim3A_3 = vector.broadcast %broadcast_in_dim3A : f32 to vector<16xf32>
    %dma_start3A = arith.constant 0 : i32
    %dma_start3A_4 = arith.constant 0 : i32
    %dma_start3A_5 = tpu.memref_slice %arg7[%dma_start3A, %dma_start3A_4] : memref<32x512xi32, #tpu.memory_space<vmem>> -> memref<32x512xi32, #tpu.memory_space<vmem>>
    %dma_start3A_6 = arith.constant 0 : i32
    %dma_start3A_7 = tpu.memref_slice %arg2[%dma_start3A_6, %mul3A_2] : memref<32x500000xi32, #tpu.memory_space<hbm>> -> memref<32x512xi32, #tpu.memory_space<hbm>>
    %dma_start3A_8 = arith.constant 0 : i32
    %dma_start3A_9 = arith.constant 0 : i32
    %dma_start3A_10 = tpu.memref_slice %arg7[%dma_start3A_8, %dma_start3A_9] : memref<32x512xi32, #tpu.memory_space<vmem>> -> memref<32x512xi32, #tpu.memory_space<vmem>>
    %dma_start3A_11 = arith.constant 0 : i32
    %dma_start3A_12 = tpu.memref_slice %arg2[%dma_start3A_11, %mul3A_2] : memref<32x500000xi32, #tpu.memory_space<hbm>> -> memref<32x512xi32, #tpu.memory_space<hbm>>
    tpu.enqueue_dma source(%dma_start3A_12 : memref<32x512xi32, #tpu.memory_space<hbm>>) target(%dma_start3A_10 : memref<32x512xi32, #tpu.memory_space<vmem>>) target_semaphore(%arg18 : memref<!tpu.dma_semaphore, #tpu.memory_space<semaphore_mem>>)
    %dma_start3A_13 = arith.constant 0 : i32
    %dma_start3A_14 = tpu.memref_slice %arg10[%dma_start3A_13] : memref<528xf32, #tpu.memory_space<vmem>> -> memref<512xf32, #tpu.memory_space<vmem>>
    %dma_start3A_15 = tpu.memref_slice %arg3[%mul3A_2] : memref<500000xf32, #tpu.memory_space<hbm>> -> memref<512xf32, #tpu.memory_space<hbm>>
    %dma_start3A_16 = arith.constant 0 : i32
    %dma_start3A_17 = tpu.memref_slice %arg10[%dma_start3A_16] : memref<528xf32, #tpu.memory_space<vmem>> -> memref<512xf32, #tpu.memory_space<vmem>>
    %dma_start3A_18 = tpu.memref_slice %arg3[%mul3A_2] : memref<500000xf32, #tpu.memory_space<hbm>> -> memref<512xf32, #tpu.memory_space<hbm>>
    tpu.enqueue_dma source(%dma_start3A_18 : memref<512xf32, #tpu.memory_space<hbm>>) target(%dma_start3A_17 : memref<512xf32, #tpu.memory_space<vmem>>) target_semaphore(%arg18 : memref<!tpu.dma_semaphore, #tpu.memory_space<semaphore_mem>>)
    %dma_start3A_19 = arith.constant 0 : i32
    %dma_start3A_20 = tpu.memref_slice %arg13[%dma_start3A_19] : memref<528xf32, #tpu.memory_space<vmem>> -> memref<512xf32, #tpu.memory_space<vmem>>
    %dma_start3A_21 = tpu.memref_slice %arg4[%mul3A_2] : memref<500000xf32, #tpu.memory_space<hbm>> -> memref<512xf32, #tpu.memory_space<hbm>>
    %dma_start3A_22 = arith.constant 0 : i32
    %dma_start3A_23 = tpu.memref_slice %arg13[%dma_start3A_22] : memref<528xf32, #tpu.memory_space<vmem>> -> memref<512xf32, #tpu.memory_space<vmem>>
    %dma_start3A_24 = tpu.memref_slice %arg4[%mul3A_2] : memref<500000xf32, #tpu.memory_space<hbm>> -> memref<512xf32, #tpu.memory_space<hbm>>
    tpu.enqueue_dma source(%dma_start3A_24 : memref<512xf32, #tpu.memory_space<hbm>>) target(%dma_start3A_23 : memref<512xf32, #tpu.memory_space<vmem>>) target_semaphore(%arg18 : memref<!tpu.dma_semaphore, #tpu.memory_space<semaphore_mem>>)
    %add3A_25 = arith.constant 512 : i32
    %add3A_26 = arith.addi %mul3A_2, %add3A_25 : i32
    %dma_start3A_27 = arith.constant 0 : i32
    %dma_start3A_28 = arith.constant 0 : i32
    %dma_start3A_29 = tpu.memref_slice %arg8[%dma_start3A_27, %dma_start3A_28] : memref<32x512xi32, #tpu.memory_space<vmem>> -> memref<32x512xi32, #tpu.memory_space<vmem>>
    %dma_start3A_30 = arith.constant 0 : i32
    %dma_start3A_31 = tpu.memref_slice %arg2[%dma_start3A_30, %add3A_26] : memref<32x500000xi32, #tpu.memory_space<hbm>> -> memref<32x512xi32, #tpu.memory_space<hbm>>
    %dma_start3A_32 = arith.constant 0 : i32
    %dma_start3A_33 = arith.constant 0 : i32
    %dma_start3A_34 = tpu.memref_slice %arg8[%dma_start3A_32, %dma_start3A_33] : memref<32x512xi32, #tpu.memory_space<vmem>> -> memref<32x512xi32, #tpu.memory_space<vmem>>
    %dma_start3A_35 = arith.constant 0 : i32
    %dma_start3A_36 = tpu.memref_slice %arg2[%dma_start3A_35, %add3A_26] : memref<32x500000xi32, #tpu.memory_space<hbm>> -> memref<32x512xi32, #tpu.memory_space<hbm>>
    tpu.enqueue_dma source(%dma_start3A_36 : memref<32x512xi32, #tpu.memory_space<hbm>>) target(%dma_start3A_34 : memref<32x512xi32, #tpu.memory_space<vmem>>) target_semaphore(%arg19 : memref<!tpu.dma_semaphore, #tpu.memory_space<semaphore_mem>>)
    %dma_start3A_37 = arith.constant 0 : i32
    %dma_start3A_38 = tpu.memref_slice %arg11[%dma_start3A_37] : memref<528xf32, #tpu.memory_space<vmem>> -> memref<512xf32, #tpu.memory_space<vmem>>
    %dma_start3A_39 = tpu.memref_slice %arg3[%add3A_26] : memref<500000xf32, #tpu.memory_space<hbm>> -> memref<512xf32, #tpu.memory_space<hbm>>
    %dma_start3A_40 = arith.constant 0 : i32
    %dma_start3A_41 = tpu.memref_slice %arg11[%dma_start3A_40] : memref<528xf32, #tpu.memory_space<vmem>> -> memref<512xf32, #tpu.memory_space<vmem>>
    %dma_start3A_42 = tpu.memref_slice %arg3[%add3A_26] : memref<500000xf32, #tpu.memory_space<hbm>> -> memref<512xf32, #tpu.memory_space<hbm>>
    tpu.enqueue_dma source(%dma_start3A_42 : memref<512xf32, #tpu.memory_space<hbm>>) target(%dma_start3A_41 : memref<512xf32, #tpu.memory_space<vmem>>) target_semaphore(%arg19 : memref<!tpu.dma_semaphore, #tpu.memory_space<semaphore_mem>>)
    %dma_start3A_43 = arith.constant 0 : i32
    %dma_start3A_44 = tpu.memref_slice %arg14[%dma_start3A_43] : memref<528xf32, #tpu.memory_space<vmem>> -> memref<512xf32, #tpu.memory_space<vmem>>
    %dma_start3A_45 = tpu.memref_slice %arg4[%add3A_26] : memref<500000xf32, #tpu.memory_space<hbm>> -> memref<512xf32, #tpu.memory_space<hbm>>
    %dma_start3A_46 = arith.constant 0 : i32
    %dma_start3A_47 = tpu.memref_slice %arg14[%dma_start3A_46] : memref<528xf32, #tpu.memory_space<vmem>> -> memref<512xf32, #tpu.memory_space<vmem>>
    %dma_start3A_48 = tpu.memref_slice %arg4[%add3A_26] : memref<500000xf32, #tpu.memory_space<hbm>> -> memref<512xf32, #tpu.memory_space<hbm>>
    tpu.enqueue_dma source(%dma_start3A_48 : memref<512xf32, #tpu.memory_space<hbm>>) target(%dma_start3A_47 : memref<512xf32, #tpu.memory_space<vmem>>) target_semaphore(%arg19 : memref<!tpu.dma_semaphore, #tpu.memory_space<semaphore_mem>>)
    %parallel_loop3A = arith.constant 0 : i32
    %parallel_loop3A_49 = arith.constant 512 : i32
    %parallel_loop3A_50 = arith.constant 1 : i32
    scf.for %parallel_loop3A_92 = %parallel_loop3A to %parallel_loop3A_49 step %parallel_loop3A_50  : i32 {
      %parallel_loop3A_93 = arith.constant 16 : i32
      %parallel_loop3A_94 = arith.muli %parallel_loop3A_92, %parallel_loop3A_93 : i32
      %parallel_loop3A_95 = arith.index_cast %parallel_loop3A_94 : i32 to index
      %parallel_loop3A_96 = tpu.vector_load %arg16[%parallel_loop3A_95] {strides = array<i32>} : memref<8192xf32, #tpu.memory_space<vmem>>, vector<16xf32>,
      tpu.vector_store %arg16[%parallel_loop3A_95], %broadcast_in_dim3A_3 {strides = array<i32>} : memref<8192xf32, #tpu.memory_space<vmem>>, vector<16xf32>,
      %parallel_loop3A_97 = arith.constant 16 : i32
      %parallel_loop3A_98 = arith.muli %parallel_loop3A_92, %parallel_loop3A_97 : i32
      %parallel_loop3A_99 = arith.index_cast %parallel_loop3A_98 : i32 to index
      %parallel_loop3A_100 = tpu.vector_load %arg17[%parallel_loop3A_99] {strides = array<i32>} : memref<8192xf32, #tpu.memory_space<vmem>>, vector<16xf32>,
      tpu.vector_store %arg17[%parallel_loop3A_99], %broadcast_in_dim3A_3 {strides = array<i32>} : memref<8192xf32, #tpu.memory_space<vmem>>, vector<16xf32>,
    } {sc.loop_unroll_factor = 8 : i64, sc.parallel_access}
    %scan3A = arith.constant 0 : i32
    %scan3A_51 = arith.constant 0 : i32
    %scan3A_52 = arith.constant 10 : i32
    %scan3A_53 = arith.addi %scan3A_51, %scan3A_52 : i32
    %scan3A_54 = arith.constant 1 : i32
    scf.for %scan3A_92 = %scan3A_51 to %scan3A_53 step %scan3A_54  : i32 {
      %mul3A_93 = arith.constant 3 : i32
      %mul3A_94 = arith.muli %scan3A_92, %mul3A_93 : i32
      %add3A_95 = arith.constant 0 : i32
      %add3A_96 = arith.addi %mul3A_94, %add3A_95 : i32
      %dma_wait3A_97 = arith.constant 0 : i32
      %dma_wait3A_98 = arith.constant 0 : i32
      %dma_wait3A_99 = tpu.memref_slice %arg7[%dma_wait3A_97, %dma_wait3A_98] : memref<32x512xi32, #tpu.memory_space<vmem>> -> memref<32x512xi32, #tpu.memory_space<vmem>>
      %dma_wait3A_100 = arith.constant 0 : i32
      %dma_wait3A_101 = arith.constant 0 : i32
      %dma_wait3A_102 = tpu.memref_slice %arg2[%dma_wait3A_100, %dma_wait3A_101] : memref<32x500000xi32, #tpu.memory_space<hbm>> -> memref<32x512xi32, #tpu.memory_space<hbm>>
      %dma_wait3A_103 = arith.constant 0 : i32
      %dma_wait3A_104 = arith.constant 0 : i32
      %dma_wait3A_105 = tpu.memref_slice %arg7[%dma_wait3A_103, %dma_wait3A_104] : memref<32x512xi32, #tpu.memory_space<vmem>> -> memref<32x512xi32, #tpu.memory_space<vmem>>
      %dma_wait3A_106 = arith.constant 0 : i32
      %dma_wait3A_107 = arith.constant 0 : i32
      %dma_wait3A_108 = tpu.memref_slice %arg2[%dma_wait3A_106, %dma_wait3A_107] : memref<32x500000xi32, #tpu.memory_space<hbm>> -> memref<32x512xi32, #tpu.memory_space<hbm>>
      tpu.wait_dma2 semaphore(%arg18 : memref<!tpu.dma_semaphore, #tpu.memory_space<semaphore_mem>>) src(%dma_wait3A_108 : memref<32x512xi32, #tpu.memory_space<hbm>>) dst(%dma_wait3A_105 : memref<32x512xi32, #tpu.memory_space<vmem>>)
      %dma_wait3A_109 = arith.constant 0 : i32
      %dma_wait3A_110 = tpu.memref_slice %arg10[%dma_wait3A_109] : memref<528xf32, #tpu.memory_space<vmem>> -> memref<512xf32, #tpu.memory_space<vmem>>
      %dma_wait3A_111 = arith.constant 0 : i32
      %dma_wait3A_112 = tpu.memref_slice %arg3[%dma_wait3A_111] : memref<500000xf32, #tpu.memory_space<hbm>> -> memref<512xf32, #tpu.memory_space<hbm>>
      %dma_wait3A_113 = arith.constant 0 : i32
      %dma_wait3A_114 = tpu.memref_slice %arg10[%dma_wait3A_113] : memref<528xf32, #tpu.memory_space<vmem>> -> memref<512xf32, #tpu.memory_space<vmem>>
      %dma_wait3A_115 = arith.constant 0 : i32
      %dma_wait3A_116 = tpu.memref_slice %arg3[%dma_wait3A_115] : memref<500000xf32, #tpu.memory_space<hbm>> -> memref<512xf32, #tpu.memory_space<hbm>>
      tpu.wait_dma2 semaphore(%arg18 : memref<!tpu.dma_semaphore, #tpu.memory_space<semaphore_mem>>) src(%dma_wait3A_116 : memref<512xf32, #tpu.memory_space<hbm>>) dst(%dma_wait3A_114 : memref<512xf32, #tpu.memory_space<vmem>>)
      %dma_wait3A_117 = arith.constant 0 : i32
      %dma_wait3A_118 = tpu.memref_slice %arg13[%dma_wait3A_117] : memref<528xf32, #tpu.memory_space<vmem>> -> memref<512xf32, #tpu.memory_space<vmem>>
      %dma_wait3A_119 = arith.constant 0 : i32
      %dma_wait3A_120 = tpu.memref_slice %arg4[%dma_wait3A_119] : memref<500000xf32, #tpu.memory_space<hbm>> -> memref<512xf32, #tpu.memory_space<hbm>>
      %dma_wait3A_121 = arith.constant 0 : i32
      %dma_wait3A_122 = tpu.memref_slice %arg13[%dma_wait3A_121] : memref<528xf32, #tpu.memory_space<vmem>> -> memref<512xf32, #tpu.memory_space<vmem>>
      %dma_wait3A_123 = arith.constant 0 : i32
      %dma_wait3A_124 = tpu.memref_slice %arg4[%dma_wait3A_123] : memref<500000xf32, #tpu.memory_space<hbm>> -> memref<512xf32, #tpu.memory_space<hbm>>
      tpu.wait_dma2 semaphore(%arg18 : memref<!tpu.dma_semaphore, #tpu.memory_space<semaphore_mem>>) src(%dma_wait3A_124 : memref<512xf32, #tpu.memory_space<hbm>>) dst(%dma_wait3A_122 : memref<512xf32, #tpu.memory_space<vmem>>)
      %add3A_125 = arith.constant 2 : i32
      %add3A_126 = arith.addi %add3A_96, %add3A_125 : i32
      %lt3A = arith.constant 30 : i32
      %lt3A_127 = arith.cmpi slt, %add3A_126, %lt3A : i32
      %convert_element_type3A_128 = arith.extui %lt3A_127 : i1 to i32
      %cond3A_129 = arith.constant 0 : i32
      %cond3A_130 = arith.cmpi ne, %convert_element_type3A_128, %cond3A_129 : i32
      scf.if %cond3A_130 {
        %add3A_239 = arith.constant 2 : i32
        %add3A_240 = arith.addi %add3A_96, %add3A_239 : i32
        %mul3A_241 = arith.constant 512 : i32
        %mul3A_242 = arith.muli %add3A_240, %mul3A_241 : i32
        %add3A_243 = arith.addi %mul3A_2, %mul3A_242 : i32
        %dma_start3A_244 = arith.constant 0 : i32
        %dma_start3A_245 = arith.constant 0 : i32
        %dma_start3A_246 = tpu.memref_slice %arg9[%dma_start3A_244, %dma_start3A_245] : memref<32x512xi32, #tpu.memory_space<vmem>> -> memref<32x512xi32, #tpu.memory_space<vmem>>
        %dma_start3A_247 = arith.constant 0 : i32
        %dma_start3A_248 = tpu.memref_slice %arg2[%dma_start3A_247, %add3A_243] : memref<32x500000xi32, #tpu.memory_space<hbm>> -> memref<32x512xi32, #tpu.memory_space<hbm>>
        %dma_start3A_249 = arith.constant 0 : i32
        %dma_start3A_250 = arith.constant 0 : i32
        %dma_start3A_251 = tpu.memref_slice %arg9[%dma_start3A_249, %dma_start3A_250] : memref<32x512xi32, #tpu.memory_space<vmem>> -> memref<32x512xi32, #tpu.memory_space<vmem>>
        %dma_start3A_252 = arith.constant 0 : i32
        %dma_start3A_253 = tpu.memref_slice %arg2[%dma_start3A_252, %add3A_243] : memref<32x500000xi32, #tpu.memory_space<hbm>> -> memref<32x512xi32, #tpu.memory_space<hbm>>
        tpu.enqueue_dma source(%dma_start3A_253 : memref<32x512xi32, #tpu.memory_space<hbm>>) target(%dma_start3A_251 : memref<32x512xi32, #tpu.memory_space<vmem>>) target_semaphore(%arg20 : memref<!tpu.dma_semaphore, #tpu.memory_space<semaphore_mem>>)
        %dma_start3A_254 = arith.constant 0 : i32
        %dma_start3A_255 = tpu.memref_slice %arg12[%dma_start3A_254] : memref<528xf32, #tpu.memory_space<vmem>> -> memref<512xf32, #tpu.memory_space<vmem>>
        %dma_start3A_256 = tpu.memref_slice %arg3[%add3A_243] : memref<500000xf32, #tpu.memory_space<hbm>> -> memref<512xf32, #tpu.memory_space<hbm>>
        %dma_start3A_257 = arith.constant 0 : i32
        %dma_start3A_258 = tpu.memref_slice %arg12[%dma_start3A_257] : memref<528xf32, #tpu.memory_space<vmem>> -> memref<512xf32, #tpu.memory_space<vmem>>
        %dma_start3A_259 = tpu.memref_slice %arg3[%add3A_243] : memref<500000xf32, #tpu.memory_space<hbm>> -> memref<512xf32, #tpu.memory_space<hbm>>
        tpu.enqueue_dma source(%dma_start3A_259 : memref<512xf32, #tpu.memory_space<hbm>>) target(%dma_start3A_258 : memref<512xf32, #tpu.memory_space<vmem>>) target_semaphore(%arg20 : memref<!tpu.dma_semaphore, #tpu.memory_space<semaphore_mem>>)
        %dma_start3A_260 = arith.constant 0 : i32
        %dma_start3A_261 = tpu.memref_slice %arg15[%dma_start3A_260] : memref<528xf32, #tpu.memory_space<vmem>> -> memref<512xf32, #tpu.memory_space<vmem>>
        %dma_start3A_262 = tpu.memref_slice %arg4[%add3A_243] : memref<500000xf32, #tpu.memory_space<hbm>> -> memref<512xf32, #tpu.memory_space<hbm>>
        %dma_start3A_263 = arith.constant 0 : i32
        %dma_start3A_264 = tpu.memref_slice %arg15[%dma_start3A_263] : memref<528xf32, #tpu.memory_space<vmem>> -> memref<512xf32, #tpu.memory_space<vmem>>
        %dma_start3A_265 = tpu.memref_slice %arg4[%add3A_243] : memref<500000xf32, #tpu.memory_space<hbm>> -> memref<512xf32, #tpu.memory_space<hbm>>
        tpu.enqueue_dma source(%dma_start3A_265 : memref<512xf32, #tpu.memory_space<hbm>>) target(%dma_start3A_264 : memref<512xf32, #tpu.memory_space<vmem>>) target_semaphore(%arg20 : memref<!tpu.dma_semaphore, #tpu.memory_space<semaphore_mem>>)
      } else {
      }
      %add3A_131 = arith.constant 2 : i32
      %add3A_132 = arith.addi %add3A_96, %add3A_131 : i32
      %eq3A_133 = arith.constant 30 : i32
      %eq3A_134 = arith.cmpi eq, %add3A_132, %eq3A_133 : i32
      %convert_element_type3A_135 = arith.extui %eq3A_134 : i1 to i32
      %cond3A_136 = arith.constant 0 : i32
      %cond3A_137 = arith.cmpi ne, %convert_element_type3A_135, %cond3A_136 : i32
      scf.if %cond3A_137 {
        %add3A_239 = arith.constant 15360 : i32
        %add3A_240 = arith.addi %mul3A_2, %add3A_239 : i32
        %dma_start3A_241 = arith.constant 0 : i32
        %dma_start3A_242 = arith.constant 0 : i32
        %dma_start3A_243 = tpu.memref_slice %arg9[%dma_start3A_241, %dma_start3A_242] : memref<32x512xi32, #tpu.memory_space<vmem>> -> memref<32x256xi32, #tpu.memory_space<vmem>>
        %dma_start3A_244 = arith.constant 0 : i32
        %dma_start3A_245 = tpu.memref_slice %arg2[%dma_start3A_244, %add3A_240] : memref<32x500000xi32, #tpu.memory_space<hbm>> -> memref<32x256xi32, #tpu.memory_space<hbm>>
        %dma_start3A_246 = arith.constant 0 : i32
        %dma_start3A_247 = arith.constant 0 : i32
        %dma_start3A_248 = tpu.memref_slice %arg9[%dma_start3A_246, %dma_start3A_247] : memref<32x512xi32, #tpu.memory_space<vmem>> -> memref<32x256xi32, #tpu.memory_space<vmem>>
        %dma_start3A_249 = arith.constant 0 : i32
        %dma_start3A_250 = tpu.memref_slice %arg2[%dma_start3A_249, %add3A_240] : memref<32x500000xi32, #tpu.memory_space<hbm>> -> memref<32x256xi32, #tpu.memory_space<hbm>>
        tpu.enqueue_dma source(%dma_start3A_250 : memref<32x256xi32, #tpu.memory_space<hbm>>) target(%dma_start3A_248 : memref<32x256xi32, #tpu.memory_space<vmem>>) target_semaphore(%arg20 : memref<!tpu.dma_semaphore, #tpu.memory_space<semaphore_mem>>)
        %dma_start3A_251 = arith.constant 0 : i32
        %dma_start3A_252 = tpu.memref_slice %arg12[%dma_start3A_251] : memref<528xf32, #tpu.memory_space<vmem>> -> memref<256xf32, #tpu.memory_space<vmem>>
        %dma_start3A_253 = tpu.memref_slice %arg3[%add3A_240] : memref<500000xf32, #tpu.memory_space<hbm>> -> memref<256xf32, #tpu.memory_space<hbm>>
        %dma_start3A_254 = arith.constant 0 : i32
        %dma_start3A_255 = tpu.memref_slice %arg12[%dma_start3A_254] : memref<528xf32, #tpu.memory_space<vmem>> -> memref<256xf32, #tpu.memory_space<vmem>>
        %dma_start3A_256 = tpu.memref_slice %arg3[%add3A_240] : memref<500000xf32, #tpu.memory_space<hbm>> -> memref<256xf32, #tpu.memory_space<hbm>>
        tpu.enqueue_dma source(%dma_start3A_256 : memref<256xf32, #tpu.memory_space<hbm>>) target(%dma_start3A_255 : memref<256xf32, #tpu.memory_space<vmem>>) target_semaphore(%arg20 : memref<!tpu.dma_semaphore, #tpu.memory_space<semaphore_mem>>)
        %dma_start3A_257 = arith.constant 0 : i32
        %dma_start3A_258 = tpu.memref_slice %arg15[%dma_start3A_257] : memref<528xf32, #tpu.memory_space<vmem>> -> memref<256xf32, #tpu.memory_space<vmem>>
        %dma_start3A_259 = tpu.memref_slice %arg4[%add3A_240] : memref<500000xf32, #tpu.memory_space<hbm>> -> memref<256xf32, #tpu.memory_space<hbm>>
        %dma_start3A_260 = arith.constant 0 : i32
        %dma_start3A_261 = tpu.memref_slice %arg15[%dma_start3A_260] : memref<528xf32, #tpu.memory_space<vmem>> -> memref<256xf32, #tpu.memory_space<vmem>>
        %dma_start3A_262 = tpu.memref_slice %arg4[%add3A_240] : memref<500000xf32, #tpu.memory_space<hbm>> -> memref<256xf32, #tpu.memory_space<hbm>>
        tpu.enqueue_dma source(%dma_start3A_262 : memref<256xf32, #tpu.memory_space<hbm>>) target(%dma_start3A_261 : memref<256xf32, #tpu.memory_space<vmem>>) target_semaphore(%arg20 : memref<!tpu.dma_semaphore, #tpu.memory_space<semaphore_mem>>)
      } else {
      }
      %parallel_loop3A_138 = arith.constant 0 : i32
      %parallel_loop3A_139 = arith.constant 32 : i32
      %parallel_loop3A_140 = arith.constant 1 : i32
      scf.for %parallel_loop3A_239 = %parallel_loop3A_138 to %parallel_loop3A_139 step %parallel_loop3A_140  : i32 {
        %parallel_loop3A_240 = arith.constant 16 : i32
        %parallel_loop3A_241 = arith.muli %parallel_loop3A_239, %parallel_loop3A_240 : i32
        %parallel_loop3A_242 = arith.index_cast %parallel_loop3A_241 : i32 to index
        %parallel_loop3A_243 = tpu.vector_load %arg10[%parallel_loop3A_242] {strides = array<i32>} : memref<528xf32, #tpu.memory_space<vmem>>, vector<16xf32>,
        %parallel_loop3A_244 = arith.index_cast %parallel_loop3A_241 : i32 to index
        %parallel_loop3A_245 = tpu.vector_load %arg13[%parallel_loop3A_244] {strides = array<i32>} : memref<528xf32, #tpu.memory_space<vmem>>, vector<16xf32>,
        %parallel_loop3A_246 = arith.constant 0 : i32
        %parallel_loop3A_247 = arith.index_cast %parallel_loop3A_246 : i32 to index
        %parallel_loop3A_248 = arith.index_cast %parallel_loop3A_241 : i32 to index
        %parallel_loop3A_249 = tpu.vector_load %arg7[%parallel_loop3A_247, %parallel_loop3A_248] {strides = array<i32>} : memref<32x512xi32, #tpu.memory_space<vmem>>, vector<16xi32>,
        %parallel_loop3A_250 = arith.constant 1 : i32
        %parallel_loop3A_251 = arith.index_cast %parallel_loop3A_250 : i32 to index
        %parallel_loop3A_252 = arith.index_cast %parallel_loop3A_241 : i32 to index
        %parallel_loop3A_253 = tpu.vector_load %arg7[%parallel_loop3A_251, %parallel_loop3A_252] {strides = array<i32>} : memref<32x512xi32, #tpu.memory_space<vmem>>, vector<16xi32>,
        %parallel_loop3A_254 = arith.constant 0 : i32
        %parallel_loop3A_255 = vector.broadcast %parallel_loop3A_254 : i32 to vector<16xi32>
        %parallel_loop3A_256 = arith.addi %parallel_loop3A_249, %parallel_loop3A_255 : vector<16xi32>
        %parallel_loop3A_257 = arith.constant 256 : i32
        %parallel_loop3A_258 = vector.broadcast %parallel_loop3A_257 : i32 to vector<16xi32>
        %parallel_loop3A_259 = arith.addi %parallel_loop3A_253, %parallel_loop3A_258 : vector<16xi32>
        tpu.vector_store_idx %arg16[%parallel_loop3A_256], %parallel_loop3A_243 {add = true} : memref<8192xf32, #tpu.memory_space<vmem>>[vector<16xi32>], vector<16xf32>,
        tpu.vector_store_idx %arg16[%parallel_loop3A_259], %parallel_loop3A_243 {add = true} : memref<8192xf32, #tpu.memory_space<vmem>>[vector<16xi32>], vector<16xf32>,
        tpu.vector_store_idx %arg17[%parallel_loop3A_256], %parallel_loop3A_245 {add = true} : memref<8192xf32, #tpu.memory_space<vmem>>[vector<16xi32>], vector<16xf32>,
        tpu.vector_store_idx %arg17[%parallel_loop3A_259], %parallel_loop3A_245 {add = true} : memref<8192xf32, #tpu.memory_space<vmem>>[vector<16xi32>], vector<16xf32>,
        %parallel_loop3A_260 = arith.constant 2 : i32
        %parallel_loop3A_261 = arith.index_cast %parallel_loop3A_260 : i32 to index
        %parallel_loop3A_262 = arith.index_cast %parallel_loop3A_241 : i32 to index
        %parallel_loop3A_263 = tpu.vector_load %arg7[%parallel_loop3A_261, %parallel_loop3A_262] {strides = array<i32>} : memref<32x512xi32, #tpu.memory_space<vmem>>, vector<16xi32>,
        %parallel_loop3A_264 = arith.constant 3 : i32
        %parallel_loop3A_265 = arith.index_cast %parallel_loop3A_264 : i32 to index
        %parallel_loop3A_266 = arith.index_cast %parallel_loop3A_241 : i32 to index
        %parallel_loop3A_267 = tpu.vector_load %arg7[%parallel_loop3A_265, %parallel_loop3A_266] {strides = array<i32>} : memref<32x512xi32, #tpu.memory_space<vmem>>, vector<16xi32>,
        %parallel_loop3A_268 = arith.constant 512 : i32
        %parallel_loop3A_269 = vector.broadcast %parallel_loop3A_268 : i32 to vector<16xi32>
        %parallel_loop3A_270 = arith.addi %parallel_loop3A_263, %parallel_loop3A_269 : vector<16xi32>
        %parallel_loop3A_271 = arith.constant 768 : i32
        %parallel_loop3A_272 = vector.broadcast %parallel_loop3A_271 : i32 to vector<16xi32>
        %parallel_loop3A_273 = arith.addi %parallel_loop3A_267, %parallel_loop3A_272 : vector<16xi32>
        tpu.vector_store_idx %arg16[%parallel_loop3A_270], %parallel_loop3A_243 {add = true} : memref<8192xf32, #tpu.memory_space<vmem>>[vector<16xi32>], vector<16xf32>,
        tpu.vector_store_idx %arg16[%parallel_loop3A_273], %parallel_loop3A_243 {add = true} : memref<8192xf32, #tpu.memory_space<vmem>>[vector<16xi32>], vector<16xf32>,
        tpu.vector_store_idx %arg17[%parallel_loop3A_270], %parallel_loop3A_245 {add = true} : memref<8192xf32, #tpu.memory_space<vmem>>[vector<16xi32>], vector<16xf32>,
        tpu.vector_store_idx %arg17[%parallel_loop3A_273], %parallel_loop3A_245 {add = true} : memref<8192xf32, #tpu.memory_space<vmem>>[vector<16xi32>], vector<16xf32>,
        %parallel_loop3A_274 = arith.constant 4 : i32
        %parallel_loop3A_275 = arith.index_cast %parallel_loop3A_274 : i32 to index
        %parallel_loop3A_276 = arith.index_cast %parallel_loop3A_241 : i32 to index
        %parallel_loop3A_277 = tpu.vector_load %arg7[%parallel_loop3A_275, %parallel_loop3A_276] {strides = array<i32>} : memref<32x512xi32, #tpu.memory_space<vmem>>, vector<16xi32>,
        %parallel_loop3A_278 = arith.constant 5 : i32
        %parallel_loop3A_279 = arith.index_cast %parallel_loop3A_278 : i32 to index
        %parallel_loop3A_280 = arith.index_cast %parallel_loop3A_241 : i32 to index
        %parallel_loop3A_281 = tpu.vector_load %arg7[%parallel_loop3A_279, %parallel_loop3A_280] {strides = array<i32>} : memref<32x512xi32, #tpu.memory_space<vmem>>, vector<16xi32>,
        %parallel_loop3A_282 = arith.constant 1024 : i32
        %parallel_loop3A_283 = vector.broadcast %parallel_loop3A_282 : i32 to vector<16xi32>
        %parallel_loop3A_284 = arith.addi %parallel_loop3A_277, %parallel_loop3A_283 : vector<16xi32>
        %parallel_loop3A_285 = arith.constant 1280 : i32
        %parallel_loop3A_286 = vector.broadcast %parallel_loop3A_285 : i32 to vector<16xi32>
        %parallel_loop3A_287 = arith.addi %parallel_loop3A_281, %parallel_loop3A_286 : vector<16xi32>
        tpu.vector_store_idx %arg16[%parallel_loop3A_284], %parallel_loop3A_243 {add = true} : memref<8192xf32, #tpu.memory_space<vmem>>[vector<16xi32>], vector<16xf32>,
        tpu.vector_store_idx %arg16[%parallel_loop3A_287], %parallel_loop3A_243 {add = true} : memref<8192xf32, #tpu.memory_space<vmem>>[vector<16xi32>], vector<16xf32>,
        tpu.vector_store_idx %arg17[%parallel_loop3A_284], %parallel_loop3A_245 {add = true} : memref<8192xf32, #tpu.memory_space<vmem>>[vector<16xi32>], vector<16xf32>,
        tpu.vector_store_idx %arg17[%parallel_loop3A_287], %parallel_loop3A_245 {add = true} : memref<8192xf32, #tpu.memory_space<vmem>>[vector<16xi32>], vector<16xf32>,
        %parallel_loop3A_288 = arith.constant 6 : i32
        %parallel_loop3A_289 = arith.index_cast %parallel_loop3A_288 : i32 to index
        %parallel_loop3A_290 = arith.index_cast %parallel_loop3A_241 : i32 to index
        %parallel_loop3A_291 = tpu.vector_load %arg7[%parallel_loop3A_289, %parallel_loop3A_290] {strides = array<i32>} : memref<32x512xi32, #tpu.memory_space<vmem>>, vector<16xi32>,
        %parallel_loop3A_292 = arith.constant 7 : i32
        %parallel_loop3A_293 = arith.index_cast %parallel_loop3A_292 : i32 to index
        %parallel_loop3A_294 = arith.index_cast %parallel_loop3A_241 : i32 to index
        %parallel_loop3A_295 = tpu.vector_load %arg7[%parallel_loop3A_293, %parallel_loop3A_294] {strides = array<i32>} : memref<32x512xi32, #tpu.memory_space<vmem>>, vector<16xi32>,
        %parallel_loop3A_296 = arith.constant 1536 : i32
        %parallel_loop3A_297 = vector.broadcast %parallel_loop3A_296 : i32 to vector<16xi32>
        %parallel_loop3A_298 = arith.addi %parallel_loop3A_291, %parallel_loop3A_297 : vector<16xi32>
        %parallel_loop3A_299 = arith.constant 1792 : i32
        %parallel_loop3A_300 = vector.broadcast %parallel_loop3A_299 : i32 to vector<16xi32>
        %parallel_loop3A_301 = arith.addi %parallel_loop3A_295, %parallel_loop3A_300 : vector<16xi32>
        tpu.vector_store_idx %arg16[%parallel_loop3A_298], %parallel_loop3A_243 {add = true} : memref<8192xf32, #tpu.memory_space<vmem>>[vector<16xi32>], vector<16xf32>,
        tpu.vector_store_idx %arg16[%parallel_loop3A_301], %parallel_loop3A_243 {add = true} : memref<8192xf32, #tpu.memory_space<vmem>>[vector<16xi32>], vector<16xf32>,
        tpu.vector_store_idx %arg17[%parallel_loop3A_298], %parallel_loop3A_245 {add = true} : memref<8192xf32, #tpu.memory_space<vmem>>[vector<16xi32>], vector<16xf32>,
        tpu.vector_store_idx %arg17[%parallel_loop3A_301], %parallel_loop3A_245 {add = true} : memref<8192xf32, #tpu.memory_space<vmem>>[vector<16xi32>], vector<16xf32>,
        %parallel_loop3A_302 = arith.constant 8 : i32
        %parallel_loop3A_303 = arith.index_cast %parallel_loop3A_302 : i32 to index
        %parallel_loop3A_304 = arith.index_cast %parallel_loop3A_241 : i32 to index
        %parallel_loop3A_305 = tpu.vector_load %arg7[%parallel_loop3A_303, %parallel_loop3A_304] {strides = array<i32>} : memref<32x512xi32, #tpu.memory_space<vmem>>, vector<16xi32>,
        %parallel_loop3A_306 = arith.constant 9 : i32
        %parallel_loop3A_307 = arith.index_cast %parallel_loop3A_306 : i32 to index
        %parallel_loop3A_308 = arith.index_cast %parallel_loop3A_241 : i32 to index
        %parallel_loop3A_309 = tpu.vector_load %arg7[%parallel_loop3A_307, %parallel_loop3A_308] {strides = array<i32>} : memref<32x512xi32, #tpu.memory_space<vmem>>, vector<16xi32>,
        %parallel_loop3A_310 = arith.constant 2048 : i32
        %parallel_loop3A_311 = vector.broadcast %parallel_loop3A_310 : i32 to vector<16xi32>
        %parallel_loop3A_312 = arith.addi %parallel_loop3A_305, %parallel_loop3A_311 : vector<16xi32>
        %parallel_loop3A_313 = arith.constant 2304 : i32
        %parallel_loop3A_314 = vector.broadcast %parallel_loop3A_313 : i32 to vector<16xi32>
        %parallel_loop3A_315 = arith.addi %parallel_loop3A_309, %parallel_loop3A_314 : vector<16xi32>
        tpu.vector_store_idx %arg16[%parallel_loop3A_312], %parallel_loop3A_243 {add = true} : memref<8192xf32, #tpu.memory_space<vmem>>[vector<16xi32>], vector<16xf32>,
        tpu.vector_store_idx %arg16[%parallel_loop3A_315], %parallel_loop3A_243 {add = true} : memref<8192xf32, #tpu.memory_space<vmem>>[vector<16xi32>], vector<16xf32>,
        tpu.vector_store_idx %arg17[%parallel_loop3A_312], %parallel_loop3A_245 {add = true} : memref<8192xf32, #tpu.memory_space<vmem>>[vector<16xi32>], vector<16xf32>,
        tpu.vector_store_idx %arg17[%parallel_loop3A_315], %parallel_loop3A_245 {add = true} : memref<8192xf32, #tpu.memory_space<vmem>>[vector<16xi32>], vector<16xf32>,
        %parallel_loop3A_316 = arith.constant 10 : i32
        %parallel_loop3A_317 = arith.index_cast %parallel_loop3A_316 : i32 to index
        %parallel_loop3A_318 = arith.index_cast %parallel_loop3A_241 : i32 to index
        %parallel_loop3A_319 = tpu.vector_load %arg7[%parallel_loop3A_317, %parallel_loop3A_318] {strides = array<i32>} : memref<32x512xi32, #tpu.memory_space<vmem>>, vector<16xi32>,
        %parallel_loop3A_320 = arith.constant 11 : i32
        %parallel_loop3A_321 = arith.index_cast %parallel_loop3A_320 : i32 to index
        %parallel_loop3A_322 = arith.index_cast %parallel_loop3A_241 : i32 to index
        %parallel_loop3A_323 = tpu.vector_load %arg7[%parallel_loop3A_321, %parallel_loop3A_322] {strides = array<i32>} : memref<32x512xi32, #tpu.memory_space<vmem>>, vector<16xi32>,
        %parallel_loop3A_324 = arith.constant 2560 : i32
        %parallel_loop3A_325 = vector.broadcast %parallel_loop3A_324 : i32 to vector<16xi32>
        %parallel_loop3A_326 = arith.addi %parallel_loop3A_319, %parallel_loop3A_325 : vector<16xi32>
        %parallel_loop3A_327 = arith.constant 2816 : i32
        %parallel_loop3A_328 = vector.broadcast %parallel_loop3A_327 : i32 to vector<16xi32>
        %parallel_loop3A_329 = arith.addi %parallel_loop3A_323, %parallel_loop3A_328 : vector<16xi32>
        tpu.vector_store_idx %arg16[%parallel_loop3A_326], %parallel_loop3A_243 {add = true} : memref<8192xf32, #tpu.memory_space<vmem>>[vector<16xi32>], vector<16xf32>,
        tpu.vector_store_idx %arg16[%parallel_loop3A_329], %parallel_loop3A_243 {add = true} : memref<8192xf32, #tpu.memory_space<vmem>>[vector<16xi32>], vector<16xf32>,
        tpu.vector_store_idx %arg17[%parallel_loop3A_326], %parallel_loop3A_245 {add = true} : memref<8192xf32, #tpu.memory_space<vmem>>[vector<16xi32>], vector<16xf32>,
        tpu.vector_store_idx %arg17[%parallel_loop3A_329], %parallel_loop3A_245 {add = true} : memref<8192xf32, #tpu.memory_space<vmem>>[vector<16xi32>], vector<16xf32>,
        %parallel_loop3A_330 = arith.constant 12 : i32
        %parallel_loop3A_331 = arith.index_cast %parallel_loop3A_330 : i32 to index
        %parallel_loop3A_332 = arith.index_cast %parallel_loop3A_241 : i32 to index
        %parallel_loop3A_333 = tpu.vector_load %arg7[%parallel_loop3A_331, %parallel_loop3A_332] {strides = array<i32>} : memref<32x512xi32, #tpu.memory_space<vmem>>, vector<16xi32>,
        %parallel_loop3A_334 = arith.constant 13 : i32
        %parallel_loop3A_335 = arith.index_cast %parallel_loop3A_334 : i32 to index
        %parallel_loop3A_336 = arith.index_cast %parallel_loop3A_241 : i32 to index
        %parallel_loop3A_337 = tpu.vector_load %arg7[%parallel_loop3A_335, %parallel_loop3A_336] {strides = array<i32>} : memref<32x512xi32, #tpu.memory_space<vmem>>, vector<16xi32>,
        %parallel_loop3A_338 = arith.constant 3072 : i32
        %parallel_loop3A_339 = vector.broadcast %parallel_loop3A_338 : i32 to vector<16xi32>
        %parallel_loop3A_340 = arith.addi %parallel_loop3A_333, %parallel_loop3A_339 : vector<16xi32>
        %parallel_loop3A_341 = arith.constant 3328 : i32
        %parallel_loop3A_342 = vector.broadcast %parallel_loop3A_341 : i32 to vector<16xi32>
        %parallel_loop3A_343 = arith.addi %parallel_loop3A_337, %parallel_loop3A_342 : vector<16xi32>
        tpu.vector_store_idx %arg16[%parallel_loop3A_340], %parallel_loop3A_243 {add = true} : memref<8192xf32, #tpu.memory_space<vmem>>[vector<16xi32>], vector<16xf32>,
        tpu.vector_store_idx %arg16[%parallel_loop3A_343], %parallel_loop3A_243 {add = true} : memref<8192xf32, #tpu.memory_space<vmem>>[vector<16xi32>], vector<16xf32>,
        tpu.vector_store_idx %arg17[%parallel_loop3A_340], %parallel_loop3A_245 {add = true} : memref<8192xf32, #tpu.memory_space<vmem>>[vector<16xi32>], vector<16xf32>,
        tpu.vector_store_idx %arg17[%parallel_loop3A_343], %parallel_loop3A_245 {add = true} : memref<8192xf32, #tpu.memory_space<vmem>>[vector<16xi32>], vector<16xf32>,
        %parallel_loop3A_344 = arith.constant 14 : i32
        %parallel_loop3A_345 = arith.index_cast %parallel_loop3A_344 : i32 to index
        %parallel_loop3A_346 = arith.index_cast %parallel_loop3A_241 : i32 to index
        %parallel_loop3A_347 = tpu.vector_load %arg7[%parallel_loop3A_345, %parallel_loop3A_346] {strides = array<i32>} : memref<32x512xi32, #tpu.memory_space<vmem>>, vector<16xi32>,
        %parallel_loop3A_348 = arith.constant 15 : i32
        %parallel_loop3A_349 = arith.index_cast %parallel_loop3A_348 : i32 to index
        %parallel_loop3A_350 = arith.index_cast %parallel_loop3A_241 : i32 to index
        %parallel_loop3A_351 = tpu.vector_load %arg7[%parallel_loop3A_349, %parallel_loop3A_350] {strides = array<i32>} : memref<32x512xi32, #tpu.memory_space<vmem>>, vector<16xi32>,
        %parallel_loop3A_352 = arith.constant 3584 : i32
        %parallel_loop3A_353 = vector.broadcast %parallel_loop3A_352 : i32 to vector<16xi32>
        %parallel_loop3A_354 = arith.addi %parallel_loop3A_347, %parallel_loop3A_353 : vector<16xi32>
        %parallel_loop3A_355 = arith.constant 3840 : i32
        %parallel_loop3A_356 = vector.broadcast %parallel_loop3A_355 : i32 to vector<16xi32>
        %parallel_loop3A_357 = arith.addi %parallel_loop3A_351, %parallel_loop3A_356 : vector<16xi32>
        tpu.vector_store_idx %arg16[%parallel_loop3A_354], %parallel_loop3A_243 {add = true} : memref<8192xf32, #tpu.memory_space<vmem>>[vector<16xi32>], vector<16xf32>,
        tpu.vector_store_idx %arg16[%parallel_loop3A_357], %parallel_loop3A_243 {add = true} : memref<8192xf32, #tpu.memory_space<vmem>>[vector<16xi32>], vector<16xf32>,
        tpu.vector_store_idx %arg17[%parallel_loop3A_354], %parallel_loop3A_245 {add = true} : memref<8192xf32, #tpu.memory_space<vmem>>[vector<16xi32>], vector<16xf32>,
        tpu.vector_store_idx %arg17[%parallel_loop3A_357], %parallel_loop3A_245 {add = true} : memref<8192xf32, #tpu.memory_space<vmem>>[vector<16xi32>], vector<16xf32>,
        %parallel_loop3A_358 = arith.constant 16 : i32
        %parallel_loop3A_359 = arith.index_cast %parallel_loop3A_358 : i32 to index
        %parallel_loop3A_360 = arith.index_cast %parallel_loop3A_241 : i32 to index
        %parallel_loop3A_361 = tpu.vector_load %arg7[%parallel_loop3A_359, %parallel_loop3A_360] {strides = array<i32>} : memref<32x512xi32, #tpu.memory_space<vmem>>, vector<16xi32>,
        %parallel_loop3A_362 = arith.constant 17 : i32
        %parallel_loop3A_363 = arith.index_cast %parallel_loop3A_362 : i32 to index
        %parallel_loop3A_364 = arith.index_cast %parallel_loop3A_241 : i32 to index
        %parallel_loop3A_365 = tpu.vector_load %arg7[%parallel_loop3A_363, %parallel_loop3A_364] {strides = array<i32>} : memref<32x512xi32, #tpu.memory_space<vmem>>, vector<16xi32>,
        %parallel_loop3A_366 = arith.constant 4096 : i32
        %parallel_loop3A_367 = vector.broadcast %parallel_loop3A_366 : i32 to vector<16xi32>
        %parallel_loop3A_368 = arith.addi %parallel_loop3A_361, %parallel_loop3A_367 : vector<16xi32>
        %parallel_loop3A_369 = arith.constant 4352 : i32
        %parallel_loop3A_370 = vector.broadcast %parallel_loop3A_369 : i32 to vector<16xi32>
        %parallel_loop3A_371 = arith.addi %parallel_loop3A_365, %parallel_loop3A_370 : vector<16xi32>
        tpu.vector_store_idx %arg16[%parallel_loop3A_368], %parallel_loop3A_243 {add = true} : memref<8192xf32, #tpu.memory_space<vmem>>[vector<16xi32>], vector<16xf32>,
        tpu.vector_store_idx %arg16[%parallel_loop3A_371], %parallel_loop3A_243 {add = true} : memref<8192xf32, #tpu.memory_space<vmem>>[vector<16xi32>], vector<16xf32>,
        tpu.vector_store_idx %arg17[%parallel_loop3A_368], %parallel_loop3A_245 {add = true} : memref<8192xf32, #tpu.memory_space<vmem>>[vector<16xi32>], vector<16xf32>,
        tpu.vector_store_idx %arg17[%parallel_loop3A_371], %parallel_loop3A_245 {add = true} : memref<8192xf32, #tpu.memory_space<vmem>>[vector<16xi32>], vector<16xf32>,
        %parallel_loop3A_372 = arith.constant 18 : i32
        %parallel_loop3A_373 = arith.index_cast %parallel_loop3A_372 : i32 to index
        %parallel_loop3A_374 = arith.index_cast %parallel_loop3A_241 : i32 to index
        %parallel_loop3A_375 = tpu.vector_load %arg7[%parallel_loop3A_373, %parallel_loop3A_374] {strides = array<i32>} : memref<32x512xi32, #tpu.memory_space<vmem>>, vector<16xi32>,
        %parallel_loop3A_376 = arith.constant 19 : i32
        %parallel_loop3A_377 = arith.index_cast %parallel_loop3A_376 : i32 to index
        %parallel_loop3A_378 = arith.index_cast %parallel_loop3A_241 : i32 to index
        %parallel_loop3A_379 = tpu.vector_load %arg7[%parallel_loop3A_377, %parallel_loop3A_378] {strides = array<i32>} : memref<32x512xi32, #tpu.memory_space<vmem>>, vector<16xi32>,
        %parallel_loop3A_380 = arith.constant 4608 : i32
        %parallel_loop3A_381 = vector.broadcast %parallel_loop3A_380 : i32 to vector<16xi32>
        %parallel_loop3A_382 = arith.addi %parallel_loop3A_375, %parallel_loop3A_381 : vector<16xi32>
        %parallel_loop3A_383 = arith.constant 4864 : i32
        %parallel_loop3A_384 = vector.broadcast %parallel_loop3A_383 : i32 to vector<16xi32>
        %parallel_loop3A_385 = arith.addi %parallel_loop3A_379, %parallel_loop3A_384 : vector<16xi32>
        tpu.vector_store_idx %arg16[%parallel_loop3A_382], %parallel_loop3A_243 {add = true} : memref<8192xf32, #tpu.memory_space<vmem>>[vector<16xi32>], vector<16xf32>,
        tpu.vector_store_idx %arg16[%parallel_loop3A_385], %parallel_loop3A_243 {add = true} : memref<8192xf32, #tpu.memory_space<vmem>>[vector<16xi32>], vector<16xf32>,
        tpu.vector_store_idx %arg17[%parallel_loop3A_382], %parallel_loop3A_245 {add = true} : memref<8192xf32, #tpu.memory_space<vmem>>[vector<16xi32>], vector<16xf32>,
        tpu.vector_store_idx %arg17[%parallel_loop3A_385], %parallel_loop3A_245 {add = true} : memref<8192xf32, #tpu.memory_space<vmem>>[vector<16xi32>], vector<16xf32>,
        %parallel_loop3A_386 = arith.constant 20 : i32
        %parallel_loop3A_387 = arith.index_cast %parallel_loop3A_386 : i32 to index
        %parallel_loop3A_388 = arith.index_cast %parallel_loop3A_241 : i32 to index
        %parallel_loop3A_389 = tpu.vector_load %arg7[%parallel_loop3A_387, %parallel_loop3A_388] {strides = array<i32>} : memref<32x512xi32, #tpu.memory_space<vmem>>, vector<16xi32>,
        %parallel_loop3A_390 = arith.constant 21 : i32
        %parallel_loop3A_391 = arith.index_cast %parallel_loop3A_390 : i32 to index
        %parallel_loop3A_392 = arith.index_cast %parallel_loop3A_241 : i32 to index
        %parallel_loop3A_393 = tpu.vector_load %arg7[%parallel_loop3A_391, %parallel_loop3A_392] {strides = array<i32>} : memref<32x512xi32, #tpu.memory_space<vmem>>, vector<16xi32>,
        %parallel_loop3A_394 = arith.constant 5120 : i32
        %parallel_loop3A_395 = vector.broadcast %parallel_loop3A_394 : i32 to vector<16xi32>
        %parallel_loop3A_396 = arith.addi %parallel_loop3A_389, %parallel_loop3A_395 : vector<16xi32>
        %parallel_loop3A_397 = arith.constant 5376 : i32
        %parallel_loop3A_398 = vector.broadcast %parallel_loop3A_397 : i32 to vector<16xi32>
        %parallel_loop3A_399 = arith.addi %parallel_loop3A_393, %parallel_loop3A_398 : vector<16xi32>
        tpu.vector_store_idx %arg16[%parallel_loop3A_396], %parallel_loop3A_243 {add = true} : memref<8192xf32, #tpu.memory_space<vmem>>[vector<16xi32>], vector<16xf32>,
        tpu.vector_store_idx %arg16[%parallel_loop3A_399], %parallel_loop3A_243 {add = true} : memref<8192xf32, #tpu.memory_space<vmem>>[vector<16xi32>], vector<16xf32>,
        tpu.vector_store_idx %arg17[%parallel_loop3A_396], %parallel_loop3A_245 {add = true} : memref<8192xf32, #tpu.memory_space<vmem>>[vector<16xi32>], vector<16xf32>,
        tpu.vector_store_idx %arg17[%parallel_loop3A_399], %parallel_loop3A_245 {add = true} : memref<8192xf32, #tpu.memory_space<vmem>>[vector<16xi32>], vector<16xf32>,
        %parallel_loop3A_400 = arith.constant 22 : i32
        %parallel_loop3A_401 = arith.index_cast %parallel_loop3A_400 : i32 to index
        %parallel_loop3A_402 = arith.index_cast %parallel_loop3A_241 : i32 to index
        %parallel_loop3A_403 = tpu.vector_load %arg7[%parallel_loop3A_401, %parallel_loop3A_402] {strides = array<i32>} : memref<32x512xi32, #tpu.memory_space<vmem>>, vector<16xi32>,
        %parallel_loop3A_404 = arith.constant 23 : i32
        %parallel_loop3A_405 = arith.index_cast %parallel_loop3A_404 : i32 to index
        %parallel_loop3A_406 = arith.index_cast %parallel_loop3A_241 : i32 to index
        %parallel_loop3A_407 = tpu.vector_load %arg7[%parallel_loop3A_405, %parallel_loop3A_406] {strides = array<i32>} : memref<32x512xi32, #tpu.memory_space<vmem>>, vector<16xi32>,
        %parallel_loop3A_408 = arith.constant 5632 : i32
        %parallel_loop3A_409 = vector.broadcast %parallel_loop3A_408 : i32 to vector<16xi32>
        %parallel_loop3A_410 = arith.addi %parallel_loop3A_403, %parallel_loop3A_409 : vector<16xi32>
        %parallel_loop3A_411 = arith.constant 5888 : i32
        %parallel_loop3A_412 = vector.broadcast %parallel_loop3A_411 : i32 to vector<16xi32>
        %parallel_loop3A_413 = arith.addi %parallel_loop3A_407, %parallel_loop3A_412 : vector<16xi32>
        tpu.vector_store_idx %arg16[%parallel_loop3A_410], %parallel_loop3A_243 {add = true} : memref<8192xf32, #tpu.memory_space<vmem>>[vector<16xi32>], vector<16xf32>,
        tpu.vector_store_idx %arg16[%parallel_loop3A_413], %parallel_loop3A_243 {add = true} : memref<8192xf32, #tpu.memory_space<vmem>>[vector<16xi32>], vector<16xf32>,
        tpu.vector_store_idx %arg17[%parallel_loop3A_410], %parallel_loop3A_245 {add = true} : memref<8192xf32, #tpu.memory_space<vmem>>[vector<16xi32>], vector<16xf32>,
        tpu.vector_store_idx %arg17[%parallel_loop3A_413], %parallel_loop3A_245 {add = true} : memref<8192xf32, #tpu.memory_space<vmem>>[vector<16xi32>], vector<16xf32>,
        %parallel_loop3A_414 = arith.constant 24 : i32
        %parallel_loop3A_415 = arith.index_cast %parallel_loop3A_414 : i32 to index
        %parallel_loop3A_416 = arith.index_cast %parallel_loop3A_241 : i32 to index
        %parallel_loop3A_417 = tpu.vector_load %arg7[%parallel_loop3A_415, %parallel_loop3A_416] {strides = array<i32>} : memref<32x512xi32, #tpu.memory_space<vmem>>, vector<16xi32>,
        %parallel_loop3A_418 = arith.constant 25 : i32
        %parallel_loop3A_419 = arith.index_cast %parallel_loop3A_418 : i32 to index
        %parallel_loop3A_420 = arith.index_cast %parallel_loop3A_241 : i32 to index
        %parallel_loop3A_421 = tpu.vector_load %arg7[%parallel_loop3A_419, %parallel_loop3A_420] {strides = array<i32>} : memref<32x512xi32, #tpu.memory_space<vmem>>, vector<16xi32>,
        %parallel_loop3A_422 = arith.constant 6144 : i32
        %parallel_loop3A_423 = vector.broadcast %parallel_loop3A_422 : i32 to vector<16xi32>
        %parallel_loop3A_424 = arith.addi %parallel_loop3A_417, %parallel_loop3A_423 : vector<16xi32>
        %parallel_loop3A_425 = arith.constant 6400 : i32
        %parallel_loop3A_426 = vector.broadcast %parallel_loop3A_425 : i32 to vector<16xi32>
        %parallel_loop3A_427 = arith.addi %parallel_loop3A_421, %parallel_loop3A_426 : vector<16xi32>
        tpu.vector_store_idx %arg16[%parallel_loop3A_424], %parallel_loop3A_243 {add = true} : memref<8192xf32, #tpu.memory_space<vmem>>[vector<16xi32>], vector<16xf32>,
        tpu.vector_store_idx %arg16[%parallel_loop3A_427], %parallel_loop3A_243 {add = true} : memref<8192xf32, #tpu.memory_space<vmem>>[vector<16xi32>], vector<16xf32>,
        tpu.vector_store_idx %arg17[%parallel_loop3A_424], %parallel_loop3A_245 {add = true} : memref<8192xf32, #tpu.memory_space<vmem>>[vector<16xi32>], vector<16xf32>,
        tpu.vector_store_idx %arg17[%parallel_loop3A_427], %parallel_loop3A_245 {add = true} : memref<8192xf32, #tpu.memory_space<vmem>>[vector<16xi32>], vector<16xf32>,
        %parallel_loop3A_428 = arith.constant 26 : i32
        %parallel_loop3A_429 = arith.index_cast %parallel_loop3A_428 : i32 to index
        %parallel_loop3A_430 = arith.index_cast %parallel_loop3A_241 : i32 to index
        %parallel_loop3A_431 = tpu.vector_load %arg7[%parallel_loop3A_429, %parallel_loop3A_430] {strides = array<i32>} : memref<32x512xi32, #tpu.memory_space<vmem>>, vector<16xi32>,
        %parallel_loop3A_432 = arith.constant 27 : i32
        %parallel_loop3A_433 = arith.index_cast %parallel_loop3A_432 : i32 to index
        %parallel_loop3A_434 = arith.index_cast %parallel_loop3A_241 : i32 to index
        %parallel_loop3A_435 = tpu.vector_load %arg7[%parallel_loop3A_433, %parallel_loop3A_434] {strides = array<i32>} : memref<32x512xi32, #tpu.memory_space<vmem>>, vector<16xi32>,
        %parallel_loop3A_436 = arith.constant 6656 : i32
        %parallel_loop3A_437 = vector.broadcast %parallel_loop3A_436 : i32 to vector<16xi32>
        %parallel_loop3A_438 = arith.addi %parallel_loop3A_431, %parallel_loop3A_437 : vector<16xi32>
        %parallel_loop3A_439 = arith.constant 6912 : i32
        %parallel_loop3A_440 = vector.broadcast %parallel_loop3A_439 : i32 to vector<16xi32>
        %parallel_loop3A_441 = arith.addi %parallel_loop3A_435, %parallel_loop3A_440 : vector<16xi32>
        tpu.vector_store_idx %arg16[%parallel_loop3A_438], %parallel_loop3A_243 {add = true} : memref<8192xf32, #tpu.memory_space<vmem>>[vector<16xi32>], vector<16xf32>,
        tpu.vector_store_idx %arg16[%parallel_loop3A_441], %parallel_loop3A_243 {add = true} : memref<8192xf32, #tpu.memory_space<vmem>>[vector<16xi32>], vector<16xf32>,
        tpu.vector_store_idx %arg17[%parallel_loop3A_438], %parallel_loop3A_245 {add = true} : memref<8192xf32, #tpu.memory_space<vmem>>[vector<16xi32>], vector<16xf32>,
        tpu.vector_store_idx %arg17[%parallel_loop3A_441], %parallel_loop3A_245 {add = true} : memref<8192xf32, #tpu.memory_space<vmem>>[vector<16xi32>], vector<16xf32>,
        %parallel_loop3A_442 = arith.constant 28 : i32
        %parallel_loop3A_443 = arith.index_cast %parallel_loop3A_442 : i32 to index
        %parallel_loop3A_444 = arith.index_cast %parallel_loop3A_241 : i32 to index
        %parallel_loop3A_445 = tpu.vector_load %arg7[%parallel_loop3A_443, %parallel_loop3A_444] {strides = array<i32>} : memref<32x512xi32, #tpu.memory_space<vmem>>, vector<16xi32>,
        %parallel_loop3A_446 = arith.constant 29 : i32
        %parallel_loop3A_447 = arith.index_cast %parallel_loop3A_446 : i32 to index
        %parallel_loop3A_448 = arith.index_cast %parallel_loop3A_241 : i32 to index
        %parallel_loop3A_449 = tpu.vector_load %arg7[%parallel_loop3A_447, %parallel_loop3A_448] {strides = array<i32>} : memref<32x512xi32, #tpu.memory_space<vmem>>, vector<16xi32>,
        %parallel_loop3A_450 = arith.constant 7168 : i32
        %parallel_loop3A_451 = vector.broadcast %parallel_loop3A_450 : i32 to vector<16xi32>
        %parallel_loop3A_452 = arith.addi %parallel_loop3A_445, %parallel_loop3A_451 : vector<16xi32>
        %parallel_loop3A_453 = arith.constant 7424 : i32
        %parallel_loop3A_454 = vector.broadcast %parallel_loop3A_453 : i32 to vector<16xi32>
        %parallel_loop3A_455 = arith.addi %parallel_loop3A_449, %parallel_loop3A_454 : vector<16xi32>
        tpu.vector_store_idx %arg16[%parallel_loop3A_452], %parallel_loop3A_243 {add = true} : memref<8192xf32, #tpu.memory_space<vmem>>[vector<16xi32>], vector<16xf32>,
        tpu.vector_store_idx %arg16[%parallel_loop3A_455], %parallel_loop3A_243 {add = true} : memref<8192xf32, #tpu.memory_space<vmem>>[vector<16xi32>], vector<16xf32>,
        tpu.vector_store_idx %arg17[%parallel_loop3A_452], %parallel_loop3A_245 {add = true} : memref<8192xf32, #tpu.memory_space<vmem>>[vector<16xi32>], vector<16xf32>,
        tpu.vector_store_idx %arg17[%parallel_loop3A_455], %parallel_loop3A_245 {add = true} : memref<8192xf32, #tpu.memory_space<vmem>>[vector<16xi32>], vector<16xf32>,
        %parallel_loop3A_456 = arith.constant 30 : i32
        %parallel_loop3A_457 = arith.index_cast %parallel_loop3A_456 : i32 to index
        %parallel_loop3A_458 = arith.index_cast %parallel_loop3A_241 : i32 to index
        %parallel_loop3A_459 = tpu.vector_load %arg7[%parallel_loop3A_457, %parallel_loop3A_458] {strides = array<i32>} : memref<32x512xi32, #tpu.memory_space<vmem>>, vector<16xi32>,
        %parallel_loop3A_460 = arith.constant 31 : i32
        %parallel_loop3A_461 = arith.index_cast %parallel_loop3A_460 : i32 to index
        %parallel_loop3A_462 = arith.index_cast %parallel_loop3A_241 : i32 to index
        %parallel_loop3A_463 = tpu.vector_load %arg7[%parallel_loop3A_461, %parallel_loop3A_462] {strides = array<i32>} : memref<32x512xi32, #tpu.memory_space<vmem>>, vector<16xi32>,
        %parallel_loop3A_464 = arith.constant 7680 : i32
        %parallel_loop3A_465 = vector.broadcast %parallel_loop3A_464 : i32 to vector<16xi32>
        %parallel_loop3A_466 = arith.addi %parallel_loop3A_459, %parallel_loop3A_465 : vector<16xi32>
        %parallel_loop3A_467 = arith.constant 7936 : i32
        %parallel_loop3A_468 = vector.broadcast %parallel_loop3A_467 : i32 to vector<16xi32>
        %parallel_loop3A_469 = arith.addi %parallel_loop3A_463, %parallel_loop3A_468 : vector<16xi32>
        tpu.vector_store_idx %arg16[%parallel_loop3A_466], %parallel_loop3A_243 {add = true} : memref<8192xf32, #tpu.memory_space<vmem>>[vector<16xi32>], vector<16xf32>,
        tpu.vector_store_idx %arg16[%parallel_loop3A_469], %parallel_loop3A_243 {add = true} : memref<8192xf32, #tpu.memory_space<vmem>>[vector<16xi32>], vector<16xf32>,
        tpu.vector_store_idx %arg17[%parallel_loop3A_466], %parallel_loop3A_245 {add = true} : memref<8192xf32, #tpu.memory_space<vmem>>[vector<16xi32>], vector<16xf32>,
        tpu.vector_store_idx %arg17[%parallel_loop3A_469], %parallel_loop3A_245 {add = true} : memref<8192xf32, #tpu.memory_space<vmem>>[vector<16xi32>], vector<16xf32>,
      } {sc.loop_unroll_factor = 2 : i64, sc.parallel_access}
      %mul3A_141 = arith.constant 3 : i32
      %mul3A_142 = arith.muli %scan3A_92, %mul3A_141 : i32
      %add3A_143 = arith.constant 1 : i32
      %add3A_144 = arith.addi %mul3A_142, %add3A_143 : i32
      %dma_wait3A_145 = arith.constant 0 : i32
      %dma_wait3A_146 = arith.constant 0 : i32
      %dma_wait3A_147 = tpu.memref_slice %arg8[%dma_wait3A_145, %dma_wait3A_146] : memref<32x512xi32, #tpu.memory_space<vmem>> -> memref<32x512xi32, #tpu.memory_space<vmem>>
      %dma_wait3A_148 = arith.constant 0 : i32
      %dma_wait3A_149 = arith.constant 0 : i32
      %dma_wait3A_150 = tpu.memref_slice %arg2[%dma_wait3A_148, %dma_wait3A_149] : memref<32x500000xi32, #tpu.memory_space<hbm>> -> memref<32x512xi32, #tpu.memory_space<hbm>>
      %dma_wait3A_151 = arith.constant 0 : i32
      %dma_wait3A_152 = arith.constant 0 : i32
      %dma_wait3A_153 = tpu.memref_slice %arg8[%dma_wait3A_151, %dma_wait3A_152] : memref<32x512xi32, #tpu.memory_space<vmem>> -> memref<32x512xi32, #tpu.memory_space<vmem>>
      %dma_wait3A_154 = arith.constant 0 : i32
      %dma_wait3A_155 = arith.constant 0 : i32
      %dma_wait3A_156 = tpu.memref_slice %arg2[%dma_wait3A_154, %dma_wait3A_155] : memref<32x500000xi32, #tpu.memory_space<hbm>> -> memref<32x512xi32, #tpu.memory_space<hbm>>
      tpu.wait_dma2 semaphore(%arg19 : memref<!tpu.dma_semaphore, #tpu.memory_space<semaphore_mem>>) src(%dma_wait3A_156 : memref<32x512xi32, #tpu.memory_space<hbm>>) dst(%dma_wait3A_153 : memref<32x512xi32, #tpu.memory_space<vmem>>)
      %dma_wait3A_157 = arith.constant 0 : i32
      %dma_wait3A_158 = tpu.memref_slice %arg11[%dma_wait3A_157] : memref<528xf32, #tpu.memory_space<vmem>> -> memref<512xf32, #tpu.memory_space<vmem>>
      %dma_wait3A_159 = arith.constant 0 : i32
      %dma_wait3A_160 = tpu.memref_slice %arg3[%dma_wait3A_159] : memref<500000xf32, #tpu.memory_space<hbm>> -> memref<512xf32, #tpu.memory_space<hbm>>
      %dma_wait3A_161 = arith.constant 0 : i32
      %dma_wait3A_162 = tpu.memref_slice %arg11[%dma_wait3A_161] : memref<528xf32, #tpu.memory_space<vmem>> -> memref<512xf32, #tpu.memory_space<vmem>>
      %dma_wait3A_163 = arith.constant 0 : i32
      %dma_wait3A_164 = tpu.memref_slice %arg3[%dma_wait3A_163] : memref<500000xf32, #tpu.memory_space<hbm>> -> memref<512xf32, #tpu.memory_space<hbm>>
      tpu.wait_dma2 semaphore(%arg19 : memref<!tpu.dma_semaphore, #tpu.memory_space<semaphore_mem>>) src(%dma_wait3A_164 : memref<512xf32, #tpu.memory_space<hbm>>) dst(%dma_wait3A_162 : memref<512xf32, #tpu.memory_space<vmem>>)
      %dma_wait3A_165 = arith.constant 0 : i32
      %dma_wait3A_166 = tpu.memref_slice %arg14[%dma_wait3A_165] : memref<528xf32, #tpu.memory_space<vmem>> -> memref<512xf32, #tpu.memory_space<vmem>>
      %dma_wait3A_167 = arith.constant 0 : i32
      %dma_wait3A_168 = tpu.memref_slice %arg4[%dma_wait3A_167] : memref<500000xf32, #tpu.memory_space<hbm>> -> memref<512xf32, #tpu.memory_space<hbm>>
      %dma_wait3A_169 = arith.constant 0 : i32
      %dma_wait3A_170 = tpu.memref_slice %arg14[%dma_wait3A_169] : memref<528xf32, #tpu.memory_space<vmem>> -> memref<512xf32, #tpu.memory_space<vmem>>
      %dma_wait3A_171 = arith.constant 0 : i32
      %dma_wait3A_172 = tpu.memref_slice %arg4[%dma_wait3A_171] : memref<500000xf32, #tpu.memory_space<hbm>> -> memref<512xf32, #tpu.memory_space<hbm>>
      tpu.wait_dma2 semaphore(%arg19 : memref<!tpu.dma_semaphore, #tpu.memory_space<semaphore_mem>>) src(%dma_wait3A_172 : memref<512xf32, #tpu.memory_space<hbm>>) dst(%dma_wait3A_170 : memref<512xf32, #tpu.memory_space<vmem>>)
      %add3A_173 = arith.constant 2 : i32
      %add3A_174 = arith.addi %add3A_144, %add3A_173 : i32
      %lt3A_175 = arith.constant 30 : i32
      %lt3A_176 = arith.cmpi slt, %add3A_174, %lt3A_175 : i32
      %convert_element_type3A_177 = arith.extui %lt3A_176 : i1 to i32
      %cond3A_178 = arith.constant 0 : i32
      %cond3A_179 = arith.cmpi ne, %convert_element_type3A_177, %cond3A_178 : i32
      scf.if %cond3A_179 {
        %add3A_239 = arith.constant 2 : i32
        %add3A_240 = arith.addi %add3A_144, %add3A_239 : i32
        %mul3A_241 = arith.constant 512 : i32
        %mul3A_242 = arith.muli %add3A_240, %mul3A_241 : i32
        %add3A_243 = arith.addi %mul3A_2, %mul3A_242 : i32
        %dma_start3A_244 = arith.constant 0 : i32
        %dma_start3A_245 = arith.constant 0 : i32
        %dma_start3A_246 = tpu.memref_slice %arg7[%dma_start3A_244, %dma_start3A_245] : memref<32x512xi32, #tpu.memory_space<vmem>> -> memref<32x512xi32, #tpu.memory_space<vmem>>
        %dma_start3A_247 = arith.constant 0 : i32
        %dma_start3A_248 = tpu.memref_slice %arg2[%dma_start3A_247, %add3A_243] : memref<32x500000xi32, #tpu.memory_space<hbm>> -> memref<32x512xi32, #tpu.memory_space<hbm>>
        %dma_start3A_249 = arith.constant 0 : i32
        %dma_start3A_250 = arith.constant 0 : i32
        %dma_start3A_251 = tpu.memref_slice %arg7[%dma_start3A_249, %dma_start3A_250] : memref<32x512xi32, #tpu.memory_space<vmem>> -> memref<32x512xi32, #tpu.memory_space<vmem>>
        %dma_start3A_252 = arith.constant 0 : i32
        %dma_start3A_253 = tpu.memref_slice %arg2[%dma_start3A_252, %add3A_243] : memref<32x500000xi32, #tpu.memory_space<hbm>> -> memref<32x512xi32, #tpu.memory_space<hbm>>
        tpu.enqueue_dma source(%dma_start3A_253 : memref<32x512xi32, #tpu.memory_space<hbm>>) target(%dma_start3A_251 : memref<32x512xi32, #tpu.memory_space<vmem>>) target_semaphore(%arg18 : memref<!tpu.dma_semaphore, #tpu.memory_space<semaphore_mem>>)
        %dma_start3A_254 = arith.constant 0 : i32
        %dma_start3A_255 = tpu.memref_slice %arg10[%dma_start3A_254] : memref<528xf32, #tpu.memory_space<vmem>> -> memref<512xf32, #tpu.memory_space<vmem>>
        %dma_start3A_256 = tpu.memref_slice %arg3[%add3A_243] : memref<500000xf32, #tpu.memory_space<hbm>> -> memref<512xf32, #tpu.memory_space<hbm>>
        %dma_start3A_257 = arith.constant 0 : i32
        %dma_start3A_258 = tpu.memref_slice %arg10[%dma_start3A_257] : memref<528xf32, #tpu.memory_space<vmem>> -> memref<512xf32, #tpu.memory_space<vmem>>
        %dma_start3A_259 = tpu.memref_slice %arg3[%add3A_243] : memref<500000xf32, #tpu.memory_space<hbm>> -> memref<512xf32, #tpu.memory_space<hbm>>
        tpu.enqueue_dma source(%dma_start3A_259 : memref<512xf32, #tpu.memory_space<hbm>>) target(%dma_start3A_258 : memref<512xf32, #tpu.memory_space<vmem>>) target_semaphore(%arg18 : memref<!tpu.dma_semaphore, #tpu.memory_space<semaphore_mem>>)
        %dma_start3A_260 = arith.constant 0 : i32
        %dma_start3A_261 = tpu.memref_slice %arg13[%dma_start3A_260] : memref<528xf32, #tpu.memory_space<vmem>> -> memref<512xf32, #tpu.memory_space<vmem>>
        %dma_start3A_262 = tpu.memref_slice %arg4[%add3A_243] : memref<500000xf32, #tpu.memory_space<hbm>> -> memref<512xf32, #tpu.memory_space<hbm>>
        %dma_start3A_263 = arith.constant 0 : i32
        %dma_start3A_264 = tpu.memref_slice %arg13[%dma_start3A_263] : memref<528xf32, #tpu.memory_space<vmem>> -> memref<512xf32, #tpu.memory_space<vmem>>
        %dma_start3A_265 = tpu.memref_slice %arg4[%add3A_243] : memref<500000xf32, #tpu.memory_space<hbm>> -> memref<512xf32, #tpu.memory_space<hbm>>
        tpu.enqueue_dma source(%dma_start3A_265 : memref<512xf32, #tpu.memory_space<hbm>>) target(%dma_start3A_264 : memref<512xf32, #tpu.memory_space<vmem>>) target_semaphore(%arg18 : memref<!tpu.dma_semaphore, #tpu.memory_space<semaphore_mem>>)
      } else {
      }
      %add3A_180 = arith.constant 2 : i32
      %add3A_181 = arith.addi %add3A_144, %add3A_180 : i32
      %eq3A_182 = arith.constant 30 : i32
      %eq3A_183 = arith.cmpi eq, %add3A_181, %eq3A_182 : i32
      %convert_element_type3A_184 = arith.extui %eq3A_183 : i1 to i32
      %cond3A_185 = arith.constant 0 : i32
      %cond3A_186 = arith.cmpi ne, %convert_element_type3A_184, %cond3A_185 : i32
      scf.if %cond3A_186 {
        %add3A_239 = arith.constant 15360 : i32
        %add3A_240 = arith.addi %mul3A_2, %add3A_239 : i32
        %dma_start3A_241 = arith.constant 0 : i32
        %dma_start3A_242 = arith.constant 0 : i32
        %dma_start3A_243 = tpu.memref_slice %arg7[%dma_start3A_241, %dma_start3A_242] : memref<32x512xi32, #tpu.memory_space<vmem>> -> memref<32x256xi32, #tpu.memory_space<vmem>>
        %dma_start3A_244 = arith.constant 0 : i32
        %dma_start3A_245 = tpu.memref_slice %arg2[%dma_start3A_244, %add3A_240] : memref<32x500000xi32, #tpu.memory_space<hbm>> -> memref<32x256xi32, #tpu.memory_space<hbm>>
        %dma_start3A_246 = arith.constant 0 : i32
        %dma_start3A_247 = arith.constant 0 : i32
        %dma_start3A_248 = tpu.memref_slice %arg7[%dma_start3A_246, %dma_start3A_247] : memref<32x512xi32, #tpu.memory_space<vmem>> -> memref<32x256xi32, #tpu.memory_space<vmem>>
        %dma_start3A_249 = arith.constant 0 : i32
        %dma_start3A_250 = tpu.memref_slice %arg2[%dma_start3A_249, %add3A_240] : memref<32x500000xi32, #tpu.memory_space<hbm>> -> memref<32x256xi32, #tpu.memory_space<hbm>>
        tpu.enqueue_dma source(%dma_start3A_250 : memref<32x256xi32, #tpu.memory_space<hbm>>) target(%dma_start3A_248 : memref<32x256xi32, #tpu.memory_space<vmem>>) target_semaphore(%arg18 : memref<!tpu.dma_semaphore, #tpu.memory_space<semaphore_mem>>)
        %dma_start3A_251 = arith.constant 0 : i32
        %dma_start3A_252 = tpu.memref_slice %arg10[%dma_start3A_251] : memref<528xf32, #tpu.memory_space<vmem>> -> memref<256xf32, #tpu.memory_space<vmem>>
        %dma_start3A_253 = tpu.memref_slice %arg3[%add3A_240] : memref<500000xf32, #tpu.memory_space<hbm>> -> memref<256xf32, #tpu.memory_space<hbm>>
        %dma_start3A_254 = arith.constant 0 : i32
        %dma_start3A_255 = tpu.memref_slice %arg10[%dma_start3A_254] : memref<528xf32, #tpu.memory_space<vmem>> -> memref<256xf32, #tpu.memory_space<vmem>>
        %dma_start3A_256 = tpu.memref_slice %arg3[%add3A_240] : memref<500000xf32, #tpu.memory_space<hbm>> -> memref<256xf32, #tpu.memory_space<hbm>>
        tpu.enqueue_dma source(%dma_start3A_256 : memref<256xf32, #tpu.memory_space<hbm>>) target(%dma_start3A_255 : memref<256xf32, #tpu.memory_space<vmem>>) target_semaphore(%arg18 : memref<!tpu.dma_semaphore, #tpu.memory_space<semaphore_mem>>)
        %dma_start3A_257 = arith.constant 0 : i32
        %dma_start3A_258 = tpu.memref_slice %arg13[%dma_start3A_257] : memref<528xf32, #tpu.memory_space<vmem>> -> memref<256xf32, #tpu.memory_space<vmem>>
        %dma_start3A_259 = tpu.memref_slice %arg4[%add3A_240] : memref<500000xf32, #tpu.memory_space<hbm>> -> memref<256xf32, #tpu.memory_space<hbm>>
        %dma_start3A_260 = arith.constant 0 : i32
        %dma_start3A_261 = tpu.memref_slice %arg13[%dma_start3A_260] : memref<528xf32, #tpu.memory_space<vmem>> -> memref<256xf32, #tpu.memory_space<vmem>>
        %dma_start3A_262 = tpu.memref_slice %arg4[%add3A_240] : memref<500000xf32, #tpu.memory_space<hbm>> -> memref<256xf32, #tpu.memory_space<hbm>>
        tpu.enqueue_dma source(%dma_start3A_262 : memref<256xf32, #tpu.memory_space<hbm>>) target(%dma_start3A_261 : memref<256xf32, #tpu.memory_space<vmem>>) target_semaphore(%arg18 : memref<!tpu.dma_semaphore, #tpu.memory_space<semaphore_mem>>)
      } else {
      }
      %parallel_loop3A_187 = arith.constant 0 : i32
      %parallel_loop3A_188 = arith.constant 32 : i32
      %parallel_loop3A_189 = arith.constant 1 : i32
      scf.for %parallel_loop3A_239 = %parallel_loop3A_187 to %parallel_loop3A_188 step %parallel_loop3A_189  : i32 {
        %parallel_loop3A_240 = arith.constant 16 : i32
        %parallel_loop3A_241 = arith.muli %parallel_loop3A_239, %parallel_loop3A_240 : i32
        %parallel_loop3A_242 = arith.index_cast %parallel_loop3A_241 : i32 to index
        %parallel_loop3A_243 = tpu.vector_load %arg11[%parallel_loop3A_242] {strides = array<i32>} : memref<528xf32, #tpu.memory_space<vmem>>, vector<16xf32>,
        %parallel_loop3A_244 = arith.index_cast %parallel_loop3A_241 : i32 to index
        %parallel_loop3A_245 = tpu.vector_load %arg14[%parallel_loop3A_244] {strides = array<i32>} : memref<528xf32, #tpu.memory_space<vmem>>, vector<16xf32>,
        %parallel_loop3A_246 = arith.constant 0 : i32
        %parallel_loop3A_247 = arith.index_cast %parallel_loop3A_246 : i32 to index
        %parallel_loop3A_248 = arith.index_cast %parallel_loop3A_241 : i32 to index
        %parallel_loop3A_249 = tpu.vector_load %arg8[%parallel_loop3A_247, %parallel_loop3A_248] {strides = array<i32>} : memref<32x512xi32, #tpu.memory_space<vmem>>, vector<16xi32>,
        %parallel_loop3A_250 = arith.constant 1 : i32
        %parallel_loop3A_251 = arith.index_cast %parallel_loop3A_250 : i32 to index
        %parallel_loop3A_252 = arith.index_cast %parallel_loop3A_241 : i32 to index
        %parallel_loop3A_253 = tpu.vector_load %arg8[%parallel_loop3A_251, %parallel_loop3A_252] {strides = array<i32>} : memref<32x512xi32, #tpu.memory_space<vmem>>, vector<16xi32>,
        %parallel_loop3A_254 = arith.constant 0 : i32
        %parallel_loop3A_255 = vector.broadcast %parallel_loop3A_254 : i32 to vector<16xi32>
        %parallel_loop3A_256 = arith.addi %parallel_loop3A_249, %parallel_loop3A_255 : vector<16xi32>
        %parallel_loop3A_257 = arith.constant 256 : i32
        %parallel_loop3A_258 = vector.broadcast %parallel_loop3A_257 : i32 to vector<16xi32>
        %parallel_loop3A_259 = arith.addi %parallel_loop3A_253, %parallel_loop3A_258 : vector<16xi32>
        tpu.vector_store_idx %arg16[%parallel_loop3A_256], %parallel_loop3A_243 {add = true} : memref<8192xf32, #tpu.memory_space<vmem>>[vector<16xi32>], vector<16xf32>,
        tpu.vector_store_idx %arg16[%parallel_loop3A_259], %parallel_loop3A_243 {add = true} : memref<8192xf32, #tpu.memory_space<vmem>>[vector<16xi32>], vector<16xf32>,
        tpu.vector_store_idx %arg17[%parallel_loop3A_256], %parallel_loop3A_245 {add = true} : memref<8192xf32, #tpu.memory_space<vmem>>[vector<16xi32>], vector<16xf32>,
        tpu.vector_store_idx %arg17[%parallel_loop3A_259], %parallel_loop3A_245 {add = true} : memref<8192xf32, #tpu.memory_space<vmem>>[vector<16xi32>], vector<16xf32>,
        %parallel_loop3A_260 = arith.constant 2 : i32
        %parallel_loop3A_261 = arith.index_cast %parallel_loop3A_260 : i32 to index
        %parallel_loop3A_262 = arith.index_cast %parallel_loop3A_241 : i32 to index
        %parallel_loop3A_263 = tpu.vector_load %arg8[%parallel_loop3A_261, %parallel_loop3A_262] {strides = array<i32>} : memref<32x512xi32, #tpu.memory_space<vmem>>, vector<16xi32>,
        %parallel_loop3A_264 = arith.constant 3 : i32
        %parallel_loop3A_265 = arith.index_cast %parallel_loop3A_264 : i32 to index
        %parallel_loop3A_266 = arith.index_cast %parallel_loop3A_241 : i32 to index
        %parallel_loop3A_267 = tpu.vector_load %arg8[%parallel_loop3A_265, %parallel_loop3A_266] {strides = array<i32>} : memref<32x512xi32, #tpu.memory_space<vmem>>, vector<16xi32>,
        %parallel_loop3A_268 = arith.constant 512 : i32
        %parallel_loop3A_269 = vector.broadcast %parallel_loop3A_268 : i32 to vector<16xi32>
        %parallel_loop3A_270 = arith.addi %parallel_loop3A_263, %parallel_loop3A_269 : vector<16xi32>
        %parallel_loop3A_271 = arith.constant 768 : i32
        %parallel_loop3A_272 = vector.broadcast %parallel_loop3A_271 : i32 to vector<16xi32>
        %parallel_loop3A_273 = arith.addi %parallel_loop3A_267, %parallel_loop3A_272 : vector<16xi32>
        tpu.vector_store_idx %arg16[%parallel_loop3A_270], %parallel_loop3A_243 {add = true} : memref<8192xf32, #tpu.memory_space<vmem>>[vector<16xi32>], vector<16xf32>,
        tpu.vector_store_idx %arg16[%parallel_loop3A_273], %parallel_loop3A_243 {add = true} : memref<8192xf32, #tpu.memory_space<vmem>>[vector<16xi32>], vector<16xf32>,
        tpu.vector_store_idx %arg17[%parallel_loop3A_270], %parallel_loop3A_245 {add = true} : memref<8192xf32, #tpu.memory_space<vmem>>[vector<16xi32>], vector<16xf32>,
        tpu.vector_store_idx %arg17[%parallel_loop3A_273], %parallel_loop3A_245 {add = true} : memref<8192xf32, #tpu.memory_space<vmem>>[vector<16xi32>], vector<16xf32>,
        %parallel_loop3A_274 = arith.constant 4 : i32
        %parallel_loop3A_275 = arith.index_cast %parallel_loop3A_274 : i32 to index
        %parallel_loop3A_276 = arith.index_cast %parallel_loop3A_241 : i32 to index
        %parallel_loop3A_277 = tpu.vector_load %arg8[%parallel_loop3A_275, %parallel_loop3A_276] {strides = array<i32>} : memref<32x512xi32, #tpu.memory_space<vmem>>, vector<16xi32>,
        %parallel_loop3A_278 = arith.constant 5 : i32
        %parallel_loop3A_279 = arith.index_cast %parallel_loop3A_278 : i32 to index
        %parallel_loop3A_280 = arith.index_cast %parallel_loop3A_241 : i32 to index
        %parallel_loop3A_281 = tpu.vector_load %arg8[%parallel_loop3A_279, %parallel_loop3A_280] {strides = array<i32>} : memref<32x512xi32, #tpu.memory_space<vmem>>, vector<16xi32>,
        %parallel_loop3A_282 = arith.constant 1024 : i32
        %parallel_loop3A_283 = vector.broadcast %parallel_loop3A_282 : i32 to vector<16xi32>
        %parallel_loop3A_284 = arith.addi %parallel_loop3A_277, %parallel_loop3A_283 : vector<16xi32>
        %parallel_loop3A_285 = arith.constant 1280 : i32
        %parallel_loop3A_286 = vector.broadcast %parallel_loop3A_285 : i32 to vector<16xi32>
        %parallel_loop3A_287 = arith.addi %parallel_loop3A_281, %parallel_loop3A_286 : vector<16xi32>
        tpu.vector_store_idx %arg16[%parallel_loop3A_284], %parallel_loop3A_243 {add = true} : memref<8192xf32, #tpu.memory_space<vmem>>[vector<16xi32>], vector<16xf32>,
        tpu.vector_store_idx %arg16[%parallel_loop3A_287], %parallel_loop3A_243 {add = true} : memref<8192xf32, #tpu.memory_space<vmem>>[vector<16xi32>], vector<16xf32>,
        tpu.vector_store_idx %arg17[%parallel_loop3A_284], %parallel_loop3A_245 {add = true} : memref<8192xf32, #tpu.memory_space<vmem>>[vector<16xi32>], vector<16xf32>,
        tpu.vector_store_idx %arg17[%parallel_loop3A_287], %parallel_loop3A_245 {add = true} : memref<8192xf32, #tpu.memory_space<vmem>>[vector<16xi32>], vector<16xf32>,
        %parallel_loop3A_288 = arith.constant 6 : i32
        %parallel_loop3A_289 = arith.index_cast %parallel_loop3A_288 : i32 to index
        %parallel_loop3A_290 = arith.index_cast %parallel_loop3A_241 : i32 to index
        %parallel_loop3A_291 = tpu.vector_load %arg8[%parallel_loop3A_289, %parallel_loop3A_290] {strides = array<i32>} : memref<32x512xi32, #tpu.memory_space<vmem>>, vector<16xi32>,
        %parallel_loop3A_292 = arith.constant 7 : i32
        %parallel_loop3A_293 = arith.index_cast %parallel_loop3A_292 : i32 to index
        %parallel_loop3A_294 = arith.index_cast %parallel_loop3A_241 : i32 to index
        %parallel_loop3A_295 = tpu.vector_load %arg8[%parallel_loop3A_293, %parallel_loop3A_294] {strides = array<i32>} : memref<32x512xi32, #tpu.memory_space<vmem>>, vector<16xi32>,
        %parallel_loop3A_296 = arith.constant 1536 : i32
        %parallel_loop3A_297 = vector.broadcast %parallel_loop3A_296 : i32 to vector<16xi32>
        %parallel_loop3A_298 = arith.addi %parallel_loop3A_291, %parallel_loop3A_297 : vector<16xi32>
        %parallel_loop3A_299 = arith.constant 1792 : i32
        %parallel_loop3A_300 = vector.broadcast %parallel_loop3A_299 : i32 to vector<16xi32>
        %parallel_loop3A_301 = arith.addi %parallel_loop3A_295, %parallel_loop3A_300 : vector<16xi32>
        tpu.vector_store_idx %arg16[%parallel_loop3A_298], %parallel_loop3A_243 {add = true} : memref<8192xf32, #tpu.memory_space<vmem>>[vector<16xi32>], vector<16xf32>,
        tpu.vector_store_idx %arg16[%parallel_loop3A_301], %parallel_loop3A_243 {add = true} : memref<8192xf32, #tpu.memory_space<vmem>>[vector<16xi32>], vector<16xf32>,
        tpu.vector_store_idx %arg17[%parallel_loop3A_298], %parallel_loop3A_245 {add = true} : memref<8192xf32, #tpu.memory_space<vmem>>[vector<16xi32>], vector<16xf32>,
        tpu.vector_store_idx %arg17[%parallel_loop3A_301], %parallel_loop3A_245 {add = true} : memref<8192xf32, #tpu.memory_space<vmem>>[vector<16xi32>], vector<16xf32>,
        %parallel_loop3A_302 = arith.constant 8 : i32
        %parallel_loop3A_303 = arith.index_cast %parallel_loop3A_302 : i32 to index
        %parallel_loop3A_304 = arith.index_cast %parallel_loop3A_241 : i32 to index
        %parallel_loop3A_305 = tpu.vector_load %arg8[%parallel_loop3A_303, %parallel_loop3A_304] {strides = array<i32>} : memref<32x512xi32, #tpu.memory_space<vmem>>, vector<16xi32>,
        %parallel_loop3A_306 = arith.constant 9 : i32
        %parallel_loop3A_307 = arith.index_cast %parallel_loop3A_306 : i32 to index
        %parallel_loop3A_308 = arith.index_cast %parallel_loop3A_241 : i32 to index
        %parallel_loop3A_309 = tpu.vector_load %arg8[%parallel_loop3A_307, %parallel_loop3A_308] {strides = array<i32>} : memref<32x512xi32, #tpu.memory_space<vmem>>, vector<16xi32>,
        %parallel_loop3A_310 = arith.constant 2048 : i32
        %parallel_loop3A_311 = vector.broadcast %parallel_loop3A_310 : i32 to vector<16xi32>
        %parallel_loop3A_312 = arith.addi %parallel_loop3A_305, %parallel_loop3A_311 : vector<16xi32>
        %parallel_loop3A_313 = arith.constant 2304 : i32
        %parallel_loop3A_314 = vector.broadcast %parallel_loop3A_313 : i32 to vector<16xi32>
        %parallel_loop3A_315 = arith.addi %parallel_loop3A_309, %parallel_loop3A_314 : vector<16xi32>
        tpu.vector_store_idx %arg16[%parallel_loop3A_312], %parallel_loop3A_243 {add = true} : memref<8192xf32, #tpu.memory_space<vmem>>[vector<16xi32>], vector<16xf32>,
        tpu.vector_store_idx %arg16[%parallel_loop3A_315], %parallel_loop3A_243 {add = true} : memref<8192xf32, #tpu.memory_space<vmem>>[vector<16xi32>], vector<16xf32>,
        tpu.vector_store_idx %arg17[%parallel_loop3A_312], %parallel_loop3A_245 {add = true} : memref<8192xf32, #tpu.memory_space<vmem>>[vector<16xi32>], vector<16xf32>,
        tpu.vector_store_idx %arg17[%parallel_loop3A_315], %parallel_loop3A_245 {add = true} : memref<8192xf32, #tpu.memory_space<vmem>>[vector<16xi32>], vector<16xf32>,
        %parallel_loop3A_316 = arith.constant 10 : i32
        %parallel_loop3A_317 = arith.index_cast %parallel_loop3A_316 : i32 to index
        %parallel_loop3A_318 = arith.index_cast %parallel_loop3A_241 : i32 to index
        %parallel_loop3A_319 = tpu.vector_load %arg8[%parallel_loop3A_317, %parallel_loop3A_318] {strides = array<i32>} : memref<32x512xi32, #tpu.memory_space<vmem>>, vector<16xi32>,
        %parallel_loop3A_320 = arith.constant 11 : i32
        %parallel_loop3A_321 = arith.index_cast %parallel_loop3A_320 : i32 to index
        %parallel_loop3A_322 = arith.index_cast %parallel_loop3A_241 : i32 to index
        %parallel_loop3A_323 = tpu.vector_load %arg8[%parallel_loop3A_321, %parallel_loop3A_322] {strides = array<i32>} : memref<32x512xi32, #tpu.memory_space<vmem>>, vector<16xi32>,
        %parallel_loop3A_324 = arith.constant 2560 : i32
        %parallel_loop3A_325 = vector.broadcast %parallel_loop3A_324 : i32 to vector<16xi32>
        %parallel_loop3A_326 = arith.addi %parallel_loop3A_319, %parallel_loop3A_325 : vector<16xi32>
        %parallel_loop3A_327 = arith.constant 2816 : i32
        %parallel_loop3A_328 = vector.broadcast %parallel_loop3A_327 : i32 to vector<16xi32>
        %parallel_loop3A_329 = arith.addi %parallel_loop3A_323, %parallel_loop3A_328 : vector<16xi32>
        tpu.vector_store_idx %arg16[%parallel_loop3A_326], %parallel_loop3A_243 {add = true} : memref<8192xf32, #tpu.memory_space<vmem>>[vector<16xi32>], vector<16xf32>,
        tpu.vector_store_idx %arg16[%parallel_loop3A_329], %parallel_loop3A_243 {add = true} : memref<8192xf32, #tpu.memory_space<vmem>>[vector<16xi32>], vector<16xf32>,
        tpu.vector_store_idx %arg17[%parallel_loop3A_326], %parallel_loop3A_245 {add = true} : memref<8192xf32, #tpu.memory_space<vmem>>[vector<16xi32>], vector<16xf32>,
        tpu.vector_store_idx %arg17[%parallel_loop3A_329], %parallel_loop3A_245 {add = true} : memref<8192xf32, #tpu.memory_space<vmem>>[vector<16xi32>], vector<16xf32>,
        %parallel_loop3A_330 = arith.constant 12 : i32
        %parallel_loop3A_331 = arith.index_cast %parallel_loop3A_330 : i32 to index
        %parallel_loop3A_332 = arith.index_cast %parallel_loop3A_241 : i32 to index
        %parallel_loop3A_333 = tpu.vector_load %arg8[%parallel_loop3A_331, %parallel_loop3A_332] {strides = array<i32>} : memref<32x512xi32, #tpu.memory_space<vmem>>, vector<16xi32>,
        %parallel_loop3A_334 = arith.constant 13 : i32
        %parallel_loop3A_335 = arith.index_cast %parallel_loop3A_334 : i32 to index
        %parallel_loop3A_336 = arith.index_cast %parallel_loop3A_241 : i32 to index
        %parallel_loop3A_337 = tpu.vector_load %arg8[%parallel_loop3A_335, %parallel_loop3A_336] {strides = array<i32>} : memref<32x512xi32, #tpu.memory_space<vmem>>, vector<16xi32>,
        %parallel_loop3A_338 = arith.constant 3072 : i32
        %parallel_loop3A_339 = vector.broadcast %parallel_loop3A_338 : i32 to vector<16xi32>
        %parallel_loop3A_340 = arith.addi %parallel_loop3A_333, %parallel_loop3A_339 : vector<16xi32>
        %parallel_loop3A_341 = arith.constant 3328 : i32
        %parallel_loop3A_342 = vector.broadcast %parallel_loop3A_341 : i32 to vector<16xi32>
        %parallel_loop3A_343 = arith.addi %parallel_loop3A_337, %parallel_loop3A_342 : vector<16xi32>
        tpu.vector_store_idx %arg16[%parallel_loop3A_340], %parallel_loop3A_243 {add = true} : memref<8192xf32, #tpu.memory_space<vmem>>[vector<16xi32>], vector<16xf32>,
        tpu.vector_store_idx %arg16[%parallel_loop3A_343], %parallel_loop3A_243 {add = true} : memref<8192xf32, #tpu.memory_space<vmem>>[vector<16xi32>], vector<16xf32>,
        tpu.vector_store_idx %arg17[%parallel_loop3A_340], %parallel_loop3A_245 {add = true} : memref<8192xf32, #tpu.memory_space<vmem>>[vector<16xi32>], vector<16xf32>,
        tpu.vector_store_idx %arg17[%parallel_loop3A_343], %parallel_loop3A_245 {add = true} : memref<8192xf32, #tpu.memory_space<vmem>>[vector<16xi32>], vector<16xf32>,
        %parallel_loop3A_344 = arith.constant 14 : i32
        %parallel_loop3A_345 = arith.index_cast %parallel_loop3A_344 : i32 to index
        %parallel_loop3A_346 = arith.index_cast %parallel_loop3A_241 : i32 to index
        %parallel_loop3A_347 = tpu.vector_load %arg8[%parallel_loop3A_345, %parallel_loop3A_346] {strides = array<i32>} : memref<32x512xi32, #tpu.memory_space<vmem>>, vector<16xi32>,
        %parallel_loop3A_348 = arith.constant 15 : i32
        %parallel_loop3A_349 = arith.index_cast %parallel_loop3A_348 : i32 to index
        %parallel_loop3A_350 = arith.index_cast %parallel_loop3A_241 : i32 to index
        %parallel_loop3A_351 = tpu.vector_load %arg8[%parallel_loop3A_349, %parallel_loop3A_350] {strides = array<i32>} : memref<32x512xi32, #tpu.memory_space<vmem>>, vector<16xi32>,
        %parallel_loop3A_352 = arith.constant 3584 : i32
        %parallel_loop3A_353 = vector.broadcast %parallel_loop3A_352 : i32 to vector<16xi32>
        %parallel_loop3A_354 = arith.addi %parallel_loop3A_347, %parallel_loop3A_353 : vector<16xi32>
        %parallel_loop3A_355 = arith.constant 3840 : i32
        %parallel_loop3A_356 = vector.broadcast %parallel_loop3A_355 : i32 to vector<16xi32>
        %parallel_loop3A_357 = arith.addi %parallel_loop3A_351, %parallel_loop3A_356 : vector<16xi32>
        tpu.vector_store_idx %arg16[%parallel_loop3A_354], %parallel_loop3A_243 {add = true} : memref<8192xf32, #tpu.memory_space<vmem>>[vector<16xi32>], vector<16xf32>,
        tpu.vector_store_idx %arg16[%parallel_loop3A_357], %parallel_loop3A_243 {add = true} : memref<8192xf32, #tpu.memory_space<vmem>>[vector<16xi32>], vector<16xf32>,
        tpu.vector_store_idx %arg17[%parallel_loop3A_354], %parallel_loop3A_245 {add = true} : memref<8192xf32, #tpu.memory_space<vmem>>[vector<16xi32>], vector<16xf32>,
        tpu.vector_store_idx %arg17[%parallel_loop3A_357], %parallel_loop3A_245 {add = true} : memref<8192xf32, #tpu.memory_space<vmem>>[vector<16xi32>], vector<16xf32>,
        %parallel_loop3A_358 = arith.constant 16 : i32
        %parallel_loop3A_359 = arith.index_cast %parallel_loop3A_358 : i32 to index
        %parallel_loop3A_360 = arith.index_cast %parallel_loop3A_241 : i32 to index
        %parallel_loop3A_361 = tpu.vector_load %arg8[%parallel_loop3A_359, %parallel_loop3A_360] {strides = array<i32>} : memref<32x512xi32, #tpu.memory_space<vmem>>, vector<16xi32>,
        %parallel_loop3A_362 = arith.constant 17 : i32
        %parallel_loop3A_363 = arith.index_cast %parallel_loop3A_362 : i32 to index
        %parallel_loop3A_364 = arith.index_cast %parallel_loop3A_241 : i32 to index
        %parallel_loop3A_365 = tpu.vector_load %arg8[%parallel_loop3A_363, %parallel_loop3A_364] {strides = array<i32>} : memref<32x512xi32, #tpu.memory_space<vmem>>, vector<16xi32>,
        %parallel_loop3A_366 = arith.constant 4096 : i32
        %parallel_loop3A_367 = vector.broadcast %parallel_loop3A_366 : i32 to vector<16xi32>
        %parallel_loop3A_368 = arith.addi %parallel_loop3A_361, %parallel_loop3A_367 : vector<16xi32>
        %parallel_loop3A_369 = arith.constant 4352 : i32
        %parallel_loop3A_370 = vector.broadcast %parallel_loop3A_369 : i32 to vector<16xi32>
        %parallel_loop3A_371 = arith.addi %parallel_loop3A_365, %parallel_loop3A_370 : vector<16xi32>
        tpu.vector_store_idx %arg16[%parallel_loop3A_368], %parallel_loop3A_243 {add = true} : memref<8192xf32, #tpu.memory_space<vmem>>[vector<16xi32>], vector<16xf32>,
        tpu.vector_store_idx %arg16[%parallel_loop3A_371], %parallel_loop3A_243 {add = true} : memref<8192xf32, #tpu.memory_space<vmem>>[vector<16xi32>], vector<16xf32>,
        tpu.vector_store_idx %arg17[%parallel_loop3A_368], %parallel_loop3A_245 {add = true} : memref<8192xf32, #tpu.memory_space<vmem>>[vector<16xi32>], vector<16xf32>,
        tpu.vector_store_idx %arg17[%parallel_loop3A_371], %parallel_loop3A_245 {add = true} : memref<8192xf32, #tpu.memory_space<vmem>>[vector<16xi32>], vector<16xf32>,
        %parallel_loop3A_372 = arith.constant 18 : i32
        %parallel_loop3A_373 = arith.index_cast %parallel_loop3A_372 : i32 to index
        %parallel_loop3A_374 = arith.index_cast %parallel_loop3A_241 : i32 to index
        %parallel_loop3A_375 = tpu.vector_load %arg8[%parallel_loop3A_373, %parallel_loop3A_374] {strides = array<i32>} : memref<32x512xi32, #tpu.memory_space<vmem>>, vector<16xi32>,
        %parallel_loop3A_376 = arith.constant 19 : i32
        %parallel_loop3A_377 = arith.index_cast %parallel_loop3A_376 : i32 to index
        %parallel_loop3A_378 = arith.index_cast %parallel_loop3A_241 : i32 to index
        %parallel_loop3A_379 = tpu.vector_load %arg8[%parallel_loop3A_377, %parallel_loop3A_378] {strides = array<i32>} : memref<32x512xi32, #tpu.memory_space<vmem>>, vector<16xi32>,
        %parallel_loop3A_380 = arith.constant 4608 : i32
        %parallel_loop3A_381 = vector.broadcast %parallel_loop3A_380 : i32 to vector<16xi32>
        %parallel_loop3A_382 = arith.addi %parallel_loop3A_375, %parallel_loop3A_381 : vector<16xi32>
        %parallel_loop3A_383 = arith.constant 4864 : i32
        %parallel_loop3A_384 = vector.broadcast %parallel_loop3A_383 : i32 to vector<16xi32>
        %parallel_loop3A_385 = arith.addi %parallel_loop3A_379, %parallel_loop3A_384 : vector<16xi32>
        tpu.vector_store_idx %arg16[%parallel_loop3A_382], %parallel_loop3A_243 {add = true} : memref<8192xf32, #tpu.memory_space<vmem>>[vector<16xi32>], vector<16xf32>,
        tpu.vector_store_idx %arg16[%parallel_loop3A_385], %parallel_loop3A_243 {add = true} : memref<8192xf32, #tpu.memory_space<vmem>>[vector<16xi32>], vector<16xf32>,
        tpu.vector_store_idx %arg17[%parallel_loop3A_382], %parallel_loop3A_245 {add = true} : memref<8192xf32, #tpu.memory_space<vmem>>[vector<16xi32>], vector<16xf32>,
        tpu.vector_store_idx %arg17[%parallel_loop3A_385], %parallel_loop3A_245 {add = true} : memref<8192xf32, #tpu.memory_space<vmem>>[vector<16xi32>], vector<16xf32>,
        %parallel_loop3A_386 = arith.constant 20 : i32
        %parallel_loop3A_387 = arith.index_cast %parallel_loop3A_386 : i32 to index
        %parallel_loop3A_388 = arith.index_cast %parallel_loop3A_241 : i32 to index
        %parallel_loop3A_389 = tpu.vector_load %arg8[%parallel_loop3A_387, %parallel_loop3A_388] {strides = array<i32>} : memref<32x512xi32, #tpu.memory_space<vmem>>, vector<16xi32>,
        %parallel_loop3A_390 = arith.constant 21 : i32
        %parallel_loop3A_391 = arith.index_cast %parallel_loop3A_390 : i32 to index
        %parallel_loop3A_392 = arith.index_cast %parallel_loop3A_241 : i32 to index
        %parallel_loop3A_393 = tpu.vector_load %arg8[%parallel_loop3A_391, %parallel_loop3A_392] {strides = array<i32>} : memref<32x512xi32, #tpu.memory_space<vmem>>, vector<16xi32>,
        %parallel_loop3A_394 = arith.constant 5120 : i32
        %parallel_loop3A_395 = vector.broadcast %parallel_loop3A_394 : i32 to vector<16xi32>
        %parallel_loop3A_396 = arith.addi %parallel_loop3A_389, %parallel_loop3A_395 : vector<16xi32>
        %parallel_loop3A_397 = arith.constant 5376 : i32
        %parallel_loop3A_398 = vector.broadcast %parallel_loop3A_397 : i32 to vector<16xi32>
        %parallel_loop3A_399 = arith.addi %parallel_loop3A_393, %parallel_loop3A_398 : vector<16xi32>
        tpu.vector_store_idx %arg16[%parallel_loop3A_396], %parallel_loop3A_243 {add = true} : memref<8192xf32, #tpu.memory_space<vmem>>[vector<16xi32>], vector<16xf32>,
        tpu.vector_store_idx %arg16[%parallel_loop3A_399], %parallel_loop3A_243 {add = true} : memref<8192xf32, #tpu.memory_space<vmem>>[vector<16xi32>], vector<16xf32>,
        tpu.vector_store_idx %arg17[%parallel_loop3A_396], %parallel_loop3A_245 {add = true} : memref<8192xf32, #tpu.memory_space<vmem>>[vector<16xi32>], vector<16xf32>,
        tpu.vector_store_idx %arg17[%parallel_loop3A_399], %parallel_loop3A_245 {add = true} : memref<8192xf32, #tpu.memory_space<vmem>>[vector<16xi32>], vector<16xf32>,
        %parallel_loop3A_400 = arith.constant 22 : i32
        %parallel_loop3A_401 = arith.index_cast %parallel_loop3A_400 : i32 to index
        %parallel_loop3A_402 = arith.index_cast %parallel_loop3A_241 : i32 to index
        %parallel_loop3A_403 = tpu.vector_load %arg8[%parallel_loop3A_401, %parallel_loop3A_402] {strides = array<i32>} : memref<32x512xi32, #tpu.memory_space<vmem>>, vector<16xi32>,
        %parallel_loop3A_404 = arith.constant 23 : i32
        %parallel_loop3A_405 = arith.index_cast %parallel_loop3A_404 : i32 to index
        %parallel_loop3A_406 = arith.index_cast %parallel_loop3A_241 : i32 to index
        %parallel_loop3A_407 = tpu.vector_load %arg8[%parallel_loop3A_405, %parallel_loop3A_406] {strides = array<i32>} : memref<32x512xi32, #tpu.memory_space<vmem>>, vector<16xi32>,
        %parallel_loop3A_408 = arith.constant 5632 : i32
        %parallel_loop3A_409 = vector.broadcast %parallel_loop3A_408 : i32 to vector<16xi32>
        %parallel_loop3A_410 = arith.addi %parallel_loop3A_403, %parallel_loop3A_409 : vector<16xi32>
        %parallel_loop3A_411 = arith.constant 5888 : i32
        %parallel_loop3A_412 = vector.broadcast %parallel_loop3A_411 : i32 to vector<16xi32>
        %parallel_loop3A_413 = arith.addi %parallel_loop3A_407, %parallel_loop3A_412 : vector<16xi32>
        tpu.vector_store_idx %arg16[%parallel_loop3A_410], %parallel_loop3A_243 {add = true} : memref<8192xf32, #tpu.memory_space<vmem>>[vector<16xi32>], vector<16xf32>,
        tpu.vector_store_idx %arg16[%parallel_loop3A_413], %parallel_loop3A_243 {add = true} : memref<8192xf32, #tpu.memory_space<vmem>>[vector<16xi32>], vector<16xf32>,
        tpu.vector_store_idx %arg17[%parallel_loop3A_410], %parallel_loop3A_245 {add = true} : memref<8192xf32, #tpu.memory_space<vmem>>[vector<16xi32>], vector<16xf32>,
        tpu.vector_store_idx %arg17[%parallel_loop3A_413], %parallel_loop3A_245 {add = true} : memref<8192xf32, #tpu.memory_space<vmem>>[vector<16xi32>], vector<16xf32>,
        %parallel_loop3A_414 = arith.constant 24 : i32
        %parallel_loop3A_415 = arith.index_cast %parallel_loop3A_414 : i32 to index
        %parallel_loop3A_416 = arith.index_cast %parallel_loop3A_241 : i32 to index
        %parallel_loop3A_417 = tpu.vector_load %arg8[%parallel_loop3A_415, %parallel_loop3A_416] {strides = array<i32>} : memref<32x512xi32, #tpu.memory_space<vmem>>, vector<16xi32>,
        %parallel_loop3A_418 = arith.constant 25 : i32
        %parallel_loop3A_419 = arith.index_cast %parallel_loop3A_418 : i32 to index
        %parallel_loop3A_420 = arith.index_cast %parallel_loop3A_241 : i32 to index
        %parallel_loop3A_421 = tpu.vector_load %arg8[%parallel_loop3A_419, %parallel_loop3A_420] {strides = array<i32>} : memref<32x512xi32, #tpu.memory_space<vmem>>, vector<16xi32>,
        %parallel_loop3A_422 = arith.constant 6144 : i32
        %parallel_loop3A_423 = vector.broadcast %parallel_loop3A_422 : i32 to vector<16xi32>
        %parallel_loop3A_424 = arith.addi %parallel_loop3A_417, %parallel_loop3A_423 : vector<16xi32>
        %parallel_loop3A_425 = arith.constant 6400 : i32
        %parallel_loop3A_426 = vector.broadcast %parallel_loop3A_425 : i32 to vector<16xi32>
        %parallel_loop3A_427 = arith.addi %parallel_loop3A_421, %parallel_loop3A_426 : vector<16xi32>
        tpu.vector_store_idx %arg16[%parallel_loop3A_424], %parallel_loop3A_243 {add = true} : memref<8192xf32, #tpu.memory_space<vmem>>[vector<16xi32>], vector<16xf32>,
        tpu.vector_store_idx %arg16[%parallel_loop3A_427], %parallel_loop3A_243 {add = true} : memref<8192xf32, #tpu.memory_space<vmem>>[vector<16xi32>], vector<16xf32>,
        tpu.vector_store_idx %arg17[%parallel_loop3A_424], %parallel_loop3A_245 {add = true} : memref<8192xf32, #tpu.memory_space<vmem>>[vector<16xi32>], vector<16xf32>,
        tpu.vector_store_idx %arg17[%parallel_loop3A_427], %parallel_loop3A_245 {add = true} : memref<8192xf32, #tpu.memory_space<vmem>>[vector<16xi32>], vector<16xf32>,
        %parallel_loop3A_428 = arith.constant 26 : i32
        %parallel_loop3A_429 = arith.index_cast %parallel_loop3A_428 : i32 to index
        %parallel_loop3A_430 = arith.index_cast %parallel_loop3A_241 : i32 to index
        %parallel_loop3A_431 = tpu.vector_load %arg8[%parallel_loop3A_429, %parallel_loop3A_430] {strides = array<i32>} : memref<32x512xi32, #tpu.memory_space<vmem>>, vector<16xi32>,
        %parallel_loop3A_432 = arith.constant 27 : i32
        %parallel_loop3A_433 = arith.index_cast %parallel_loop3A_432 : i32 to index
        %parallel_loop3A_434 = arith.index_cast %parallel_loop3A_241 : i32 to index
        %parallel_loop3A_435 = tpu.vector_load %arg8[%parallel_loop3A_433, %parallel_loop3A_434] {strides = array<i32>} : memref<32x512xi32, #tpu.memory_space<vmem>>, vector<16xi32>,
        %parallel_loop3A_436 = arith.constant 6656 : i32
        %parallel_loop3A_437 = vector.broadcast %parallel_loop3A_436 : i32 to vector<16xi32>
        %parallel_loop3A_438 = arith.addi %parallel_loop3A_431, %parallel_loop3A_437 : vector<16xi32>
        %parallel_loop3A_439 = arith.constant 6912 : i32
        %parallel_loop3A_440 = vector.broadcast %parallel_loop3A_439 : i32 to vector<16xi32>
        %parallel_loop3A_441 = arith.addi %parallel_loop3A_435, %parallel_loop3A_440 : vector<16xi32>
        tpu.vector_store_idx %arg16[%parallel_loop3A_438], %parallel_loop3A_243 {add = true} : memref<8192xf32, #tpu.memory_space<vmem>>[vector<16xi32>], vector<16xf32>,
        tpu.vector_store_idx %arg16[%parallel_loop3A_441], %parallel_loop3A_243 {add = true} : memref<8192xf32, #tpu.memory_space<vmem>>[vector<16xi32>], vector<16xf32>,
        tpu.vector_store_idx %arg17[%parallel_loop3A_438], %parallel_loop3A_245 {add = true} : memref<8192xf32, #tpu.memory_space<vmem>>[vector<16xi32>], vector<16xf32>,
        tpu.vector_store_idx %arg17[%parallel_loop3A_441], %parallel_loop3A_245 {add = true} : memref<8192xf32, #tpu.memory_space<vmem>>[vector<16xi32>], vector<16xf32>,
        %parallel_loop3A_442 = arith.constant 28 : i32
        %parallel_loop3A_443 = arith.index_cast %parallel_loop3A_442 : i32 to index
        %parallel_loop3A_444 = arith.index_cast %parallel_loop3A_241 : i32 to index
        %parallel_loop3A_445 = tpu.vector_load %arg8[%parallel_loop3A_443, %parallel_loop3A_444] {strides = array<i32>} : memref<32x512xi32, #tpu.memory_space<vmem>>, vector<16xi32>,
        %parallel_loop3A_446 = arith.constant 29 : i32
        %parallel_loop3A_447 = arith.index_cast %parallel_loop3A_446 : i32 to index
        %parallel_loop3A_448 = arith.index_cast %parallel_loop3A_241 : i32 to index
        %parallel_loop3A_449 = tpu.vector_load %arg8[%parallel_loop3A_447, %parallel_loop3A_448] {strides = array<i32>} : memref<32x512xi32, #tpu.memory_space<vmem>>, vector<16xi32>,
        %parallel_loop3A_450 = arith.constant 7168 : i32
        %parallel_loop3A_451 = vector.broadcast %parallel_loop3A_450 : i32 to vector<16xi32>
        %parallel_loop3A_452 = arith.addi %parallel_loop3A_445, %parallel_loop3A_451 : vector<16xi32>
        %parallel_loop3A_453 = arith.constant 7424 : i32
        %parallel_loop3A_454 = vector.broadcast %parallel_loop3A_453 : i32 to vector<16xi32>
        %parallel_loop3A_455 = arith.addi %parallel_loop3A_449, %parallel_loop3A_454 : vector<16xi32>
        tpu.vector_store_idx %arg16[%parallel_loop3A_452], %parallel_loop3A_243 {add = true} : memref<8192xf32, #tpu.memory_space<vmem>>[vector<16xi32>], vector<16xf32>,
        tpu.vector_store_idx %arg16[%parallel_loop3A_455], %parallel_loop3A_243 {add = true} : memref<8192xf32, #tpu.memory_space<vmem>>[vector<16xi32>], vector<16xf32>,
        tpu.vector_store_idx %arg17[%parallel_loop3A_452], %parallel_loop3A_245 {add = true} : memref<8192xf32, #tpu.memory_space<vmem>>[vector<16xi32>], vector<16xf32>,
        tpu.vector_store_idx %arg17[%parallel_loop3A_455], %parallel_loop3A_245 {add = true} : memref<8192xf32, #tpu.memory_space<vmem>>[vector<16xi32>], vector<16xf32>,
        %parallel_loop3A_456 = arith.constant 30 : i32
        %parallel_loop3A_457 = arith.index_cast %parallel_loop3A_456 : i32 to index
        %parallel_loop3A_458 = arith.index_cast %parallel_loop3A_241 : i32 to index
        %parallel_loop3A_459 = tpu.vector_load %arg8[%parallel_loop3A_457, %parallel_loop3A_458] {strides = array<i32>} : memref<32x512xi32, #tpu.memory_space<vmem>>, vector<16xi32>,
        %parallel_loop3A_460 = arith.constant 31 : i32
        %parallel_loop3A_461 = arith.index_cast %parallel_loop3A_460 : i32 to index
        %parallel_loop3A_462 = arith.index_cast %parallel_loop3A_241 : i32 to index
        %parallel_loop3A_463 = tpu.vector_load %arg8[%parallel_loop3A_461, %parallel_loop3A_462] {strides = array<i32>} : memref<32x512xi32, #tpu.memory_space<vmem>>, vector<16xi32>,
        %parallel_loop3A_464 = arith.constant 7680 : i32
        %parallel_loop3A_465 = vector.broadcast %parallel_loop3A_464 : i32 to vector<16xi32>
        %parallel_loop3A_466 = arith.addi %parallel_loop3A_459, %parallel_loop3A_465 : vector<16xi32>
        %parallel_loop3A_467 = arith.constant 7936 : i32
        %parallel_loop3A_468 = vector.broadcast %parallel_loop3A_467 : i32 to vector<16xi32>
        %parallel_loop3A_469 = arith.addi %parallel_loop3A_463, %parallel_loop3A_468 : vector<16xi32>
        tpu.vector_store_idx %arg16[%parallel_loop3A_466], %parallel_loop3A_243 {add = true} : memref<8192xf32, #tpu.memory_space<vmem>>[vector<16xi32>], vector<16xf32>,
        tpu.vector_store_idx %arg16[%parallel_loop3A_469], %parallel_loop3A_243 {add = true} : memref<8192xf32, #tpu.memory_space<vmem>>[vector<16xi32>], vector<16xf32>,
        tpu.vector_store_idx %arg17[%parallel_loop3A_466], %parallel_loop3A_245 {add = true} : memref<8192xf32, #tpu.memory_space<vmem>>[vector<16xi32>], vector<16xf32>,
        tpu.vector_store_idx %arg17[%parallel_loop3A_469], %parallel_loop3A_245 {add = true} : memref<8192xf32, #tpu.memory_space<vmem>>[vector<16xi32>], vector<16xf32>,
      } {sc.loop_unroll_factor = 2 : i64, sc.parallel_access}
      %mul3A_190 = arith.constant 3 : i32
      %mul3A_191 = arith.muli %scan3A_92, %mul3A_190 : i32
      %add3A_192 = arith.constant 2 : i32
      %add3A_193 = arith.addi %mul3A_191, %add3A_192 : i32
      %dma_wait3A_194 = arith.constant 0 : i32
      %dma_wait3A_195 = arith.constant 0 : i32
      %dma_wait3A_196 = tpu.memref_slice %arg9[%dma_wait3A_194, %dma_wait3A_195] : memref<32x512xi32, #tpu.memory_space<vmem>> -> memref<32x512xi32, #tpu.memory_space<vmem>>
      %dma_wait3A_197 = arith.constant 0 : i32
      %dma_wait3A_198 = arith.constant 0 : i32
      %dma_wait3A_199 = tpu.memref_slice %arg2[%dma_wait3A_197, %dma_wait3A_198] : memref<32x500000xi32, #tpu.memory_space<hbm>> -> memref<32x512xi32, #tpu.memory_space<hbm>>
      %dma_wait3A_200 = arith.constant 0 : i32
      %dma_wait3A_201 = arith.constant 0 : i32
      %dma_wait3A_202 = tpu.memref_slice %arg9[%dma_wait3A_200, %dma_wait3A_201] : memref<32x512xi32, #tpu.memory_space<vmem>> -> memref<32x512xi32, #tpu.memory_space<vmem>>
      %dma_wait3A_203 = arith.constant 0 : i32
      %dma_wait3A_204 = arith.constant 0 : i32
      %dma_wait3A_205 = tpu.memref_slice %arg2[%dma_wait3A_203, %dma_wait3A_204] : memref<32x500000xi32, #tpu.memory_space<hbm>> -> memref<32x512xi32, #tpu.memory_space<hbm>>
      tpu.wait_dma2 semaphore(%arg20 : memref<!tpu.dma_semaphore, #tpu.memory_space<semaphore_mem>>) src(%dma_wait3A_205 : memref<32x512xi32, #tpu.memory_space<hbm>>) dst(%dma_wait3A_202 : memref<32x512xi32, #tpu.memory_space<vmem>>)
      %dma_wait3A_206 = arith.constant 0 : i32
      %dma_wait3A_207 = tpu.memref_slice %arg12[%dma_wait3A_206] : memref<528xf32, #tpu.memory_space<vmem>> -> memref<512xf32, #tpu.memory_space<vmem>>
      %dma_wait3A_208 = arith.constant 0 : i32
      %dma_wait3A_209 = tpu.memref_slice %arg3[%dma_wait3A_208] : memref<500000xf32, #tpu.memory_space<hbm>> -> memref<512xf32, #tpu.memory_space<hbm>>
      %dma_wait3A_210 = arith.constant 0 : i32
      %dma_wait3A_211 = tpu.memref_slice %arg12[%dma_wait3A_210] : memref<528xf32, #tpu.memory_space<vmem>> -> memref<512xf32, #tpu.memory_space<vmem>>
      %dma_wait3A_212 = arith.constant 0 : i32
      %dma_wait3A_213 = tpu.memref_slice %arg3[%dma_wait3A_212] : memref<500000xf32, #tpu.memory_space<hbm>> -> memref<512xf32, #tpu.memory_space<hbm>>
      tpu.wait_dma2 semaphore(%arg20 : memref<!tpu.dma_semaphore, #tpu.memory_space<semaphore_mem>>) src(%dma_wait3A_213 : memref<512xf32, #tpu.memory_space<hbm>>) dst(%dma_wait3A_211 : memref<512xf32, #tpu.memory_space<vmem>>)
      %dma_wait3A_214 = arith.constant 0 : i32
      %dma_wait3A_215 = tpu.memref_slice %arg15[%dma_wait3A_214] : memref<528xf32, #tpu.memory_space<vmem>> -> memref<512xf32, #tpu.memory_space<vmem>>
      %dma_wait3A_216 = arith.constant 0 : i32
      %dma_wait3A_217 = tpu.memref_slice %arg4[%dma_wait3A_216] : memref<500000xf32, #tpu.memory_space<hbm>> -> memref<512xf32, #tpu.memory_space<hbm>>
      %dma_wait3A_218 = arith.constant 0 : i32
      %dma_wait3A_219 = tpu.memref_slice %arg15[%dma_wait3A_218] : memref<528xf32, #tpu.memory_space<vmem>> -> memref<512xf32, #tpu.memory_space<vmem>>
      %dma_wait3A_220 = arith.constant 0 : i32
      %dma_wait3A_221 = tpu.memref_slice %arg4[%dma_wait3A_220] : memref<500000xf32, #tpu.memory_space<hbm>> -> memref<512xf32, #tpu.memory_space<hbm>>
      tpu.wait_dma2 semaphore(%arg20 : memref<!tpu.dma_semaphore, #tpu.memory_space<semaphore_mem>>) src(%dma_wait3A_221 : memref<512xf32, #tpu.memory_space<hbm>>) dst(%dma_wait3A_219 : memref<512xf32, #tpu.memory_space<vmem>>)
      %add3A_222 = arith.constant 2 : i32
      %add3A_223 = arith.addi %add3A_193, %add3A_222 : i32
      %lt3A_224 = arith.constant 30 : i32
      %lt3A_225 = arith.cmpi slt, %add3A_223, %lt3A_224 : i32
      %convert_element_type3A_226 = arith.extui %lt3A_225 : i1 to i32
      %cond3A_227 = arith.constant 0 : i32
      %cond3A_228 = arith.cmpi ne, %convert_element_type3A_226, %cond3A_227 : i32
      scf.if %cond3A_228 {
        %add3A_239 = arith.constant 2 : i32
        %add3A_240 = arith.addi %add3A_193, %add3A_239 : i32
        %mul3A_241 = arith.constant 512 : i32
        %mul3A_242 = arith.muli %add3A_240, %mul3A_241 : i32
        %add3A_243 = arith.addi %mul3A_2, %mul3A_242 : i32
        %dma_start3A_244 = arith.constant 0 : i32
        %dma_start3A_245 = arith.constant 0 : i32
        %dma_start3A_246 = tpu.memref_slice %arg8[%dma_start3A_244, %dma_start3A_245] : memref<32x512xi32, #tpu.memory_space<vmem>> -> memref<32x512xi32, #tpu.memory_space<vmem>>
        %dma_start3A_247 = arith.constant 0 : i32
        %dma_start3A_248 = tpu.memref_slice %arg2[%dma_start3A_247, %add3A_243] : memref<32x500000xi32, #tpu.memory_space<hbm>> -> memref<32x512xi32, #tpu.memory_space<hbm>>
        %dma_start3A_249 = arith.constant 0 : i32
        %dma_start3A_250 = arith.constant 0 : i32
        %dma_start3A_251 = tpu.memref_slice %arg8[%dma_start3A_249, %dma_start3A_250] : memref<32x512xi32, #tpu.memory_space<vmem>> -> memref<32x512xi32, #tpu.memory_space<vmem>>
        %dma_start3A_252 = arith.constant 0 : i32
        %dma_start3A_253 = tpu.memref_slice %arg2[%dma_start3A_252, %add3A_243] : memref<32x500000xi32, #tpu.memory_space<hbm>> -> memref<32x512xi32, #tpu.memory_space<hbm>>
        tpu.enqueue_dma source(%dma_start3A_253 : memref<32x512xi32, #tpu.memory_space<hbm>>) target(%dma_start3A_251 : memref<32x512xi32, #tpu.memory_space<vmem>>) target_semaphore(%arg19 : memref<!tpu.dma_semaphore, #tpu.memory_space<semaphore_mem>>)
        %dma_start3A_254 = arith.constant 0 : i32
        %dma_start3A_255 = tpu.memref_slice %arg11[%dma_start3A_254] : memref<528xf32, #tpu.memory_space<vmem>> -> memref<512xf32, #tpu.memory_space<vmem>>
        %dma_start3A_256 = tpu.memref_slice %arg3[%add3A_243] : memref<500000xf32, #tpu.memory_space<hbm>> -> memref<512xf32, #tpu.memory_space<hbm>>
        %dma_start3A_257 = arith.constant 0 : i32
        %dma_start3A_258 = tpu.memref_slice %arg11[%dma_start3A_257] : memref<528xf32, #tpu.memory_space<vmem>> -> memref<512xf32, #tpu.memory_space<vmem>>
        %dma_start3A_259 = tpu.memref_slice %arg3[%add3A_243] : memref<500000xf32, #tpu.memory_space<hbm>> -> memref<512xf32, #tpu.memory_space<hbm>>
        tpu.enqueue_dma source(%dma_start3A_259 : memref<512xf32, #tpu.memory_space<hbm>>) target(%dma_start3A_258 : memref<512xf32, #tpu.memory_space<vmem>>) target_semaphore(%arg19 : memref<!tpu.dma_semaphore, #tpu.memory_space<semaphore_mem>>)
        %dma_start3A_260 = arith.constant 0 : i32
        %dma_start3A_261 = tpu.memref_slice %arg14[%dma_start3A_260] : memref<528xf32, #tpu.memory_space<vmem>> -> memref<512xf32, #tpu.memory_space<vmem>>
        %dma_start3A_262 = tpu.memref_slice %arg4[%add3A_243] : memref<500000xf32, #tpu.memory_space<hbm>> -> memref<512xf32, #tpu.memory_space<hbm>>
        %dma_start3A_263 = arith.constant 0 : i32
        %dma_start3A_264 = tpu.memref_slice %arg14[%dma_start3A_263] : memref<528xf32, #tpu.memory_space<vmem>> -> memref<512xf32, #tpu.memory_space<vmem>>
        %dma_start3A_265 = tpu.memref_slice %arg4[%add3A_243] : memref<500000xf32, #tpu.memory_space<hbm>> -> memref<512xf32, #tpu.memory_space<hbm>>
        tpu.enqueue_dma source(%dma_start3A_265 : memref<512xf32, #tpu.memory_space<hbm>>) target(%dma_start3A_264 : memref<512xf32, #tpu.memory_space<vmem>>) target_semaphore(%arg19 : memref<!tpu.dma_semaphore, #tpu.memory_space<semaphore_mem>>)
      } else {
      }
      %add3A_229 = arith.constant 2 : i32
      %add3A_230 = arith.addi %add3A_193, %add3A_229 : i32
      %eq3A_231 = arith.constant 30 : i32
      %eq3A_232 = arith.cmpi eq, %add3A_230, %eq3A_231 : i32
      %convert_element_type3A_233 = arith.extui %eq3A_232 : i1 to i32
      %cond3A_234 = arith.constant 0 : i32
      %cond3A_235 = arith.cmpi ne, %convert_element_type3A_233, %cond3A_234 : i32
      scf.if %cond3A_235 {
        %add3A_239 = arith.constant 15360 : i32
        %add3A_240 = arith.addi %mul3A_2, %add3A_239 : i32
        %dma_start3A_241 = arith.constant 0 : i32
        %dma_start3A_242 = arith.constant 0 : i32
        %dma_start3A_243 = tpu.memref_slice %arg8[%dma_start3A_241, %dma_start3A_242] : memref<32x512xi32, #tpu.memory_space<vmem>> -> memref<32x256xi32, #tpu.memory_space<vmem>>
        %dma_start3A_244 = arith.constant 0 : i32
        %dma_start3A_245 = tpu.memref_slice %arg2[%dma_start3A_244, %add3A_240] : memref<32x500000xi32, #tpu.memory_space<hbm>> -> memref<32x256xi32, #tpu.memory_space<hbm>>
        %dma_start3A_246 = arith.constant 0 : i32
        %dma_start3A_247 = arith.constant 0 : i32
        %dma_start3A_248 = tpu.memref_slice %arg8[%dma_start3A_246, %dma_start3A_247] : memref<32x512xi32, #tpu.memory_space<vmem>> -> memref<32x256xi32, #tpu.memory_space<vmem>>
        %dma_start3A_249 = arith.constant 0 : i32
        %dma_start3A_250 = tpu.memref_slice %arg2[%dma_start3A_249, %add3A_240] : memref<32x500000xi32, #tpu.memory_space<hbm>> -> memref<32x256xi32, #tpu.memory_space<hbm>>
        tpu.enqueue_dma source(%dma_start3A_250 : memref<32x256xi32, #tpu.memory_space<hbm>>) target(%dma_start3A_248 : memref<32x256xi32, #tpu.memory_space<vmem>>) target_semaphore(%arg19 : memref<!tpu.dma_semaphore, #tpu.memory_space<semaphore_mem>>)
        %dma_start3A_251 = arith.constant 0 : i32
        %dma_start3A_252 = tpu.memref_slice %arg11[%dma_start3A_251] : memref<528xf32, #tpu.memory_space<vmem>> -> memref<256xf32, #tpu.memory_space<vmem>>
        %dma_start3A_253 = tpu.memref_slice %arg3[%add3A_240] : memref<500000xf32, #tpu.memory_space<hbm>> -> memref<256xf32, #tpu.memory_space<hbm>>
        %dma_start3A_254 = arith.constant 0 : i32
        %dma_start3A_255 = tpu.memref_slice %arg11[%dma_start3A_254] : memref<528xf32, #tpu.memory_space<vmem>> -> memref<256xf32, #tpu.memory_space<vmem>>
        %dma_start3A_256 = tpu.memref_slice %arg3[%add3A_240] : memref<500000xf32, #tpu.memory_space<hbm>> -> memref<256xf32, #tpu.memory_space<hbm>>
        tpu.enqueue_dma source(%dma_start3A_256 : memref<256xf32, #tpu.memory_space<hbm>>) target(%dma_start3A_255 : memref<256xf32, #tpu.memory_space<vmem>>) target_semaphore(%arg19 : memref<!tpu.dma_semaphore, #tpu.memory_space<semaphore_mem>>)
        %dma_start3A_257 = arith.constant 0 : i32
        %dma_start3A_258 = tpu.memref_slice %arg14[%dma_start3A_257] : memref<528xf32, #tpu.memory_space<vmem>> -> memref<256xf32, #tpu.memory_space<vmem>>
        %dma_start3A_259 = tpu.memref_slice %arg4[%add3A_240] : memref<500000xf32, #tpu.memory_space<hbm>> -> memref<256xf32, #tpu.memory_space<hbm>>
        %dma_start3A_260 = arith.constant 0 : i32
        %dma_start3A_261 = tpu.memref_slice %arg14[%dma_start3A_260] : memref<528xf32, #tpu.memory_space<vmem>> -> memref<256xf32, #tpu.memory_space<vmem>>
        %dma_start3A_262 = tpu.memref_slice %arg4[%add3A_240] : memref<500000xf32, #tpu.memory_space<hbm>> -> memref<256xf32, #tpu.memory_space<hbm>>
        tpu.enqueue_dma source(%dma_start3A_262 : memref<256xf32, #tpu.memory_space<hbm>>) target(%dma_start3A_261 : memref<256xf32, #tpu.memory_space<vmem>>) target_semaphore(%arg19 : memref<!tpu.dma_semaphore, #tpu.memory_space<semaphore_mem>>)
      } else {
      }
      %parallel_loop3A_236 = arith.constant 0 : i32
      %parallel_loop3A_237 = arith.constant 32 : i32
      %parallel_loop3A_238 = arith.constant 1 : i32
      scf.for %parallel_loop3A_239 = %parallel_loop3A_236 to %parallel_loop3A_237 step %parallel_loop3A_238  : i32 {
        %parallel_loop3A_240 = arith.constant 16 : i32
        %parallel_loop3A_241 = arith.muli %parallel_loop3A_239, %parallel_loop3A_240 : i32
        %parallel_loop3A_242 = arith.index_cast %parallel_loop3A_241 : i32 to index
        %parallel_loop3A_243 = tpu.vector_load %arg12[%parallel_loop3A_242] {strides = array<i32>} : memref<528xf32, #tpu.memory_space<vmem>>, vector<16xf32>,
        %parallel_loop3A_244 = arith.index_cast %parallel_loop3A_241 : i32 to index
        %parallel_loop3A_245 = tpu.vector_load %arg15[%parallel_loop3A_244] {strides = array<i32>} : memref<528xf32, #tpu.memory_space<vmem>>, vector<16xf32>,
        %parallel_loop3A_246 = arith.constant 0 : i32
        %parallel_loop3A_247 = arith.index_cast %parallel_loop3A_246 : i32 to index
        %parallel_loop3A_248 = arith.index_cast %parallel_loop3A_241 : i32 to index
        %parallel_loop3A_249 = tpu.vector_load %arg9[%parallel_loop3A_247, %parallel_loop3A_248] {strides = array<i32>} : memref<32x512xi32, #tpu.memory_space<vmem>>, vector<16xi32>,
        %parallel_loop3A_250 = arith.constant 1 : i32
        %parallel_loop3A_251 = arith.index_cast %parallel_loop3A_250 : i32 to index
        %parallel_loop3A_252 = arith.index_cast %parallel_loop3A_241 : i32 to index
        %parallel_loop3A_253 = tpu.vector_load %arg9[%parallel_loop3A_251, %parallel_loop3A_252] {strides = array<i32>} : memref<32x512xi32, #tpu.memory_space<vmem>>, vector<16xi32>,
        %parallel_loop3A_254 = arith.constant 0 : i32
        %parallel_loop3A_255 = vector.broadcast %parallel_loop3A_254 : i32 to vector<16xi32>
        %parallel_loop3A_256 = arith.addi %parallel_loop3A_249, %parallel_loop3A_255 : vector<16xi32>
        %parallel_loop3A_257 = arith.constant 256 : i32
        %parallel_loop3A_258 = vector.broadcast %parallel_loop3A_257 : i32 to vector<16xi32>
        %parallel_loop3A_259 = arith.addi %parallel_loop3A_253, %parallel_loop3A_258 : vector<16xi32>
        tpu.vector_store_idx %arg16[%parallel_loop3A_256], %parallel_loop3A_243 {add = true} : memref<8192xf32, #tpu.memory_space<vmem>>[vector<16xi32>], vector<16xf32>,
        tpu.vector_store_idx %arg16[%parallel_loop3A_259], %parallel_loop3A_243 {add = true} : memref<8192xf32, #tpu.memory_space<vmem>>[vector<16xi32>], vector<16xf32>,
        tpu.vector_store_idx %arg17[%parallel_loop3A_256], %parallel_loop3A_245 {add = true} : memref<8192xf32, #tpu.memory_space<vmem>>[vector<16xi32>], vector<16xf32>,
        tpu.vector_store_idx %arg17[%parallel_loop3A_259], %parallel_loop3A_245 {add = true} : memref<8192xf32, #tpu.memory_space<vmem>>[vector<16xi32>], vector<16xf32>,
        %parallel_loop3A_260 = arith.constant 2 : i32
        %parallel_loop3A_261 = arith.index_cast %parallel_loop3A_260 : i32 to index
        %parallel_loop3A_262 = arith.index_cast %parallel_loop3A_241 : i32 to index
        %parallel_loop3A_263 = tpu.vector_load %arg9[%parallel_loop3A_261, %parallel_loop3A_262] {strides = array<i32>} : memref<32x512xi32, #tpu.memory_space<vmem>>, vector<16xi32>,
        %parallel_loop3A_264 = arith.constant 3 : i32
        %parallel_loop3A_265 = arith.index_cast %parallel_loop3A_264 : i32 to index
        %parallel_loop3A_266 = arith.index_cast %parallel_loop3A_241 : i32 to index
        %parallel_loop3A_267 = tpu.vector_load %arg9[%parallel_loop3A_265, %parallel_loop3A_266] {strides = array<i32>} : memref<32x512xi32, #tpu.memory_space<vmem>>, vector<16xi32>,
        %parallel_loop3A_268 = arith.constant 512 : i32
        %parallel_loop3A_269 = vector.broadcast %parallel_loop3A_268 : i32 to vector<16xi32>
        %parallel_loop3A_270 = arith.addi %parallel_loop3A_263, %parallel_loop3A_269 : vector<16xi32>
        %parallel_loop3A_271 = arith.constant 768 : i32
        %parallel_loop3A_272 = vector.broadcast %parallel_loop3A_271 : i32 to vector<16xi32>
        %parallel_loop3A_273 = arith.addi %parallel_loop3A_267, %parallel_loop3A_272 : vector<16xi32>
        tpu.vector_store_idx %arg16[%parallel_loop3A_270], %parallel_loop3A_243 {add = true} : memref<8192xf32, #tpu.memory_space<vmem>>[vector<16xi32>], vector<16xf32>,
        tpu.vector_store_idx %arg16[%parallel_loop3A_273], %parallel_loop3A_243 {add = true} : memref<8192xf32, #tpu.memory_space<vmem>>[vector<16xi32>], vector<16xf32>,
        tpu.vector_store_idx %arg17[%parallel_loop3A_270], %parallel_loop3A_245 {add = true} : memref<8192xf32, #tpu.memory_space<vmem>>[vector<16xi32>], vector<16xf32>,
        tpu.vector_store_idx %arg17[%parallel_loop3A_273], %parallel_loop3A_245 {add = true} : memref<8192xf32, #tpu.memory_space<vmem>>[vector<16xi32>], vector<16xf32>,
        %parallel_loop3A_274 = arith.constant 4 : i32
        %parallel_loop3A_275 = arith.index_cast %parallel_loop3A_274 : i32 to index
        %parallel_loop3A_276 = arith.index_cast %parallel_loop3A_241 : i32 to index
        %parallel_loop3A_277 = tpu.vector_load %arg9[%parallel_loop3A_275, %parallel_loop3A_276] {strides = array<i32>} : memref<32x512xi32, #tpu.memory_space<vmem>>, vector<16xi32>,
        %parallel_loop3A_278 = arith.constant 5 : i32
        %parallel_loop3A_279 = arith.index_cast %parallel_loop3A_278 : i32 to index
        %parallel_loop3A_280 = arith.index_cast %parallel_loop3A_241 : i32 to index
        %parallel_loop3A_281 = tpu.vector_load %arg9[%parallel_loop3A_279, %parallel_loop3A_280] {strides = array<i32>} : memref<32x512xi32, #tpu.memory_space<vmem>>, vector<16xi32>,
        %parallel_loop3A_282 = arith.constant 1024 : i32
        %parallel_loop3A_283 = vector.broadcast %parallel_loop3A_282 : i32 to vector<16xi32>
        %parallel_loop3A_284 = arith.addi %parallel_loop3A_277, %parallel_loop3A_283 : vector<16xi32>
        %parallel_loop3A_285 = arith.constant 1280 : i32
        %parallel_loop3A_286 = vector.broadcast %parallel_loop3A_285 : i32 to vector<16xi32>
        %parallel_loop3A_287 = arith.addi %parallel_loop3A_281, %parallel_loop3A_286 : vector<16xi32>
        tpu.vector_store_idx %arg16[%parallel_loop3A_284], %parallel_loop3A_243 {add = true} : memref<8192xf32, #tpu.memory_space<vmem>>[vector<16xi32>], vector<16xf32>,
        tpu.vector_store_idx %arg16[%parallel_loop3A_287], %parallel_loop3A_243 {add = true} : memref<8192xf32, #tpu.memory_space<vmem>>[vector<16xi32>], vector<16xf32>,
        tpu.vector_store_idx %arg17[%parallel_loop3A_284], %parallel_loop3A_245 {add = true} : memref<8192xf32, #tpu.memory_space<vmem>>[vector<16xi32>], vector<16xf32>,
        tpu.vector_store_idx %arg17[%parallel_loop3A_287], %parallel_loop3A_245 {add = true} : memref<8192xf32, #tpu.memory_space<vmem>>[vector<16xi32>], vector<16xf32>,
        %parallel_loop3A_288 = arith.constant 6 : i32
        %parallel_loop3A_289 = arith.index_cast %parallel_loop3A_288 : i32 to index
        %parallel_loop3A_290 = arith.index_cast %parallel_loop3A_241 : i32 to index
        %parallel_loop3A_291 = tpu.vector_load %arg9[%parallel_loop3A_289, %parallel_loop3A_290] {strides = array<i32>} : memref<32x512xi32, #tpu.memory_space<vmem>>, vector<16xi32>,
        %parallel_loop3A_292 = arith.constant 7 : i32
        %parallel_loop3A_293 = arith.index_cast %parallel_loop3A_292 : i32 to index
        %parallel_loop3A_294 = arith.index_cast %parallel_loop3A_241 : i32 to index
        %parallel_loop3A_295 = tpu.vector_load %arg9[%parallel_loop3A_293, %parallel_loop3A_294] {strides = array<i32>} : memref<32x512xi32, #tpu.memory_space<vmem>>, vector<16xi32>,
        %parallel_loop3A_296 = arith.constant 1536 : i32
        %parallel_loop3A_297 = vector.broadcast %parallel_loop3A_296 : i32 to vector<16xi32>
        %parallel_loop3A_298 = arith.addi %parallel_loop3A_291, %parallel_loop3A_297 : vector<16xi32>
        %parallel_loop3A_299 = arith.constant 1792 : i32
        %parallel_loop3A_300 = vector.broadcast %parallel_loop3A_299 : i32 to vector<16xi32>
        %parallel_loop3A_301 = arith.addi %parallel_loop3A_295, %parallel_loop3A_300 : vector<16xi32>
        tpu.vector_store_idx %arg16[%parallel_loop3A_298], %parallel_loop3A_243 {add = true} : memref<8192xf32, #tpu.memory_space<vmem>>[vector<16xi32>], vector<16xf32>,
        tpu.vector_store_idx %arg16[%parallel_loop3A_301], %parallel_loop3A_243 {add = true} : memref<8192xf32, #tpu.memory_space<vmem>>[vector<16xi32>], vector<16xf32>,
        tpu.vector_store_idx %arg17[%parallel_loop3A_298], %parallel_loop3A_245 {add = true} : memref<8192xf32, #tpu.memory_space<vmem>>[vector<16xi32>], vector<16xf32>,
        tpu.vector_store_idx %arg17[%parallel_loop3A_301], %parallel_loop3A_245 {add = true} : memref<8192xf32, #tpu.memory_space<vmem>>[vector<16xi32>], vector<16xf32>,
        %parallel_loop3A_302 = arith.constant 8 : i32
        %parallel_loop3A_303 = arith.index_cast %parallel_loop3A_302 : i32 to index
        %parallel_loop3A_304 = arith.index_cast %parallel_loop3A_241 : i32 to index
        %parallel_loop3A_305 = tpu.vector_load %arg9[%parallel_loop3A_303, %parallel_loop3A_304] {strides = array<i32>} : memref<32x512xi32, #tpu.memory_space<vmem>>, vector<16xi32>,
        %parallel_loop3A_306 = arith.constant 9 : i32
        %parallel_loop3A_307 = arith.index_cast %parallel_loop3A_306 : i32 to index
        %parallel_loop3A_308 = arith.index_cast %parallel_loop3A_241 : i32 to index
        %parallel_loop3A_309 = tpu.vector_load %arg9[%parallel_loop3A_307, %parallel_loop3A_308] {strides = array<i32>} : memref<32x512xi32, #tpu.memory_space<vmem>>, vector<16xi32>,
        %parallel_loop3A_310 = arith.constant 2048 : i32
        %parallel_loop3A_311 = vector.broadcast %parallel_loop3A_310 : i32 to vector<16xi32>
        %parallel_loop3A_312 = arith.addi %parallel_loop3A_305, %parallel_loop3A_311 : vector<16xi32>
        %parallel_loop3A_313 = arith.constant 2304 : i32
        %parallel_loop3A_314 = vector.broadcast %parallel_loop3A_313 : i32 to vector<16xi32>
        %parallel_loop3A_315 = arith.addi %parallel_loop3A_309, %parallel_loop3A_314 : vector<16xi32>
        tpu.vector_store_idx %arg16[%parallel_loop3A_312], %parallel_loop3A_243 {add = true} : memref<8192xf32, #tpu.memory_space<vmem>>[vector<16xi32>], vector<16xf32>,
        tpu.vector_store_idx %arg16[%parallel_loop3A_315], %parallel_loop3A_243 {add = true} : memref<8192xf32, #tpu.memory_space<vmem>>[vector<16xi32>], vector<16xf32>,
        tpu.vector_store_idx %arg17[%parallel_loop3A_312], %parallel_loop3A_245 {add = true} : memref<8192xf32, #tpu.memory_space<vmem>>[vector<16xi32>], vector<16xf32>,
        tpu.vector_store_idx %arg17[%parallel_loop3A_315], %parallel_loop3A_245 {add = true} : memref<8192xf32, #tpu.memory_space<vmem>>[vector<16xi32>], vector<16xf32>,
        %parallel_loop3A_316 = arith.constant 10 : i32
        %parallel_loop3A_317 = arith.index_cast %parallel_loop3A_316 : i32 to index
        %parallel_loop3A_318 = arith.index_cast %parallel_loop3A_241 : i32 to index
        %parallel_loop3A_319 = tpu.vector_load %arg9[%parallel_loop3A_317, %parallel_loop3A_318] {strides = array<i32>} : memref<32x512xi32, #tpu.memory_space<vmem>>, vector<16xi32>,
        %parallel_loop3A_320 = arith.constant 11 : i32
        %parallel_loop3A_321 = arith.index_cast %parallel_loop3A_320 : i32 to index
        %parallel_loop3A_322 = arith.index_cast %parallel_loop3A_241 : i32 to index
        %parallel_loop3A_323 = tpu.vector_load %arg9[%parallel_loop3A_321, %parallel_loop3A_322] {strides = array<i32>} : memref<32x512xi32, #tpu.memory_space<vmem>>, vector<16xi32>,
        %parallel_loop3A_324 = arith.constant 2560 : i32
        %parallel_loop3A_325 = vector.broadcast %parallel_loop3A_324 : i32 to vector<16xi32>
        %parallel_loop3A_326 = arith.addi %parallel_loop3A_319, %parallel_loop3A_325 : vector<16xi32>
        %parallel_loop3A_327 = arith.constant 2816 : i32
        %parallel_loop3A_328 = vector.broadcast %parallel_loop3A_327 : i32 to vector<16xi32>
        %parallel_loop3A_329 = arith.addi %parallel_loop3A_323, %parallel_loop3A_328 : vector<16xi32>
        tpu.vector_store_idx %arg16[%parallel_loop3A_326], %parallel_loop3A_243 {add = true} : memref<8192xf32, #tpu.memory_space<vmem>>[vector<16xi32>], vector<16xf32>,
        tpu.vector_store_idx %arg16[%parallel_loop3A_329], %parallel_loop3A_243 {add = true} : memref<8192xf32, #tpu.memory_space<vmem>>[vector<16xi32>], vector<16xf32>,
        tpu.vector_store_idx %arg17[%parallel_loop3A_326], %parallel_loop3A_245 {add = true} : memref<8192xf32, #tpu.memory_space<vmem>>[vector<16xi32>], vector<16xf32>,
        tpu.vector_store_idx %arg17[%parallel_loop3A_329], %parallel_loop3A_245 {add = true} : memref<8192xf32, #tpu.memory_space<vmem>>[vector<16xi32>], vector<16xf32>,
        %parallel_loop3A_330 = arith.constant 12 : i32
        %parallel_loop3A_331 = arith.index_cast %parallel_loop3A_330 : i32 to index
        %parallel_loop3A_332 = arith.index_cast %parallel_loop3A_241 : i32 to index
        %parallel_loop3A_333 = tpu.vector_load %arg9[%parallel_loop3A_331, %parallel_loop3A_332] {strides = array<i32>} : memref<32x512xi32, #tpu.memory_space<vmem>>, vector<16xi32>,
        %parallel_loop3A_334 = arith.constant 13 : i32
        %parallel_loop3A_335 = arith.index_cast %parallel_loop3A_334 : i32 to index
        %parallel_loop3A_336 = arith.index_cast %parallel_loop3A_241 : i32 to index
        %parallel_loop3A_337 = tpu.vector_load %arg9[%parallel_loop3A_335, %parallel_loop3A_336] {strides = array<i32>} : memref<32x512xi32, #tpu.memory_space<vmem>>, vector<16xi32>,
        %parallel_loop3A_338 = arith.constant 3072 : i32
        %parallel_loop3A_339 = vector.broadcast %parallel_loop3A_338 : i32 to vector<16xi32>
        %parallel_loop3A_340 = arith.addi %parallel_loop3A_333, %parallel_loop3A_339 : vector<16xi32>
        %parallel_loop3A_341 = arith.constant 3328 : i32
        %parallel_loop3A_342 = vector.broadcast %parallel_loop3A_341 : i32 to vector<16xi32>
        %parallel_loop3A_343 = arith.addi %parallel_loop3A_337, %parallel_loop3A_342 : vector<16xi32>
        tpu.vector_store_idx %arg16[%parallel_loop3A_340], %parallel_loop3A_243 {add = true} : memref<8192xf32, #tpu.memory_space<vmem>>[vector<16xi32>], vector<16xf32>,
        tpu.vector_store_idx %arg16[%parallel_loop3A_343], %parallel_loop3A_243 {add = true} : memref<8192xf32, #tpu.memory_space<vmem>>[vector<16xi32>], vector<16xf32>,
        tpu.vector_store_idx %arg17[%parallel_loop3A_340], %parallel_loop3A_245 {add = true} : memref<8192xf32, #tpu.memory_space<vmem>>[vector<16xi32>], vector<16xf32>,
        tpu.vector_store_idx %arg17[%parallel_loop3A_343], %parallel_loop3A_245 {add = true} : memref<8192xf32, #tpu.memory_space<vmem>>[vector<16xi32>], vector<16xf32>,
        %parallel_loop3A_344 = arith.constant 14 : i32
        %parallel_loop3A_345 = arith.index_cast %parallel_loop3A_344 : i32 to index
        %parallel_loop3A_346 = arith.index_cast %parallel_loop3A_241 : i32 to index
        %parallel_loop3A_347 = tpu.vector_load %arg9[%parallel_loop3A_345, %parallel_loop3A_346] {strides = array<i32>} : memref<32x512xi32, #tpu.memory_space<vmem>>, vector<16xi32>,
        %parallel_loop3A_348 = arith.constant 15 : i32
        %parallel_loop3A_349 = arith.index_cast %parallel_loop3A_348 : i32 to index
        %parallel_loop3A_350 = arith.index_cast %parallel_loop3A_241 : i32 to index
        %parallel_loop3A_351 = tpu.vector_load %arg9[%parallel_loop3A_349, %parallel_loop3A_350] {strides = array<i32>} : memref<32x512xi32, #tpu.memory_space<vmem>>, vector<16xi32>,
        %parallel_loop3A_352 = arith.constant 3584 : i32
        %parallel_loop3A_353 = vector.broadcast %parallel_loop3A_352 : i32 to vector<16xi32>
        %parallel_loop3A_354 = arith.addi %parallel_loop3A_347, %parallel_loop3A_353 : vector<16xi32>
        %parallel_loop3A_355 = arith.constant 3840 : i32
        %parallel_loop3A_356 = vector.broadcast %parallel_loop3A_355 : i32 to vector<16xi32>
        %parallel_loop3A_357 = arith.addi %parallel_loop3A_351, %parallel_loop3A_356 : vector<16xi32>
        tpu.vector_store_idx %arg16[%parallel_loop3A_354], %parallel_loop3A_243 {add = true} : memref<8192xf32, #tpu.memory_space<vmem>>[vector<16xi32>], vector<16xf32>,
        tpu.vector_store_idx %arg16[%parallel_loop3A_357], %parallel_loop3A_243 {add = true} : memref<8192xf32, #tpu.memory_space<vmem>>[vector<16xi32>], vector<16xf32>,
        tpu.vector_store_idx %arg17[%parallel_loop3A_354], %parallel_loop3A_245 {add = true} : memref<8192xf32, #tpu.memory_space<vmem>>[vector<16xi32>], vector<16xf32>,
        tpu.vector_store_idx %arg17[%parallel_loop3A_357], %parallel_loop3A_245 {add = true} : memref<8192xf32, #tpu.memory_space<vmem>>[vector<16xi32>], vector<16xf32>,
        %parallel_loop3A_358 = arith.constant 16 : i32
        %parallel_loop3A_359 = arith.index_cast %parallel_loop3A_358 : i32 to index
        %parallel_loop3A_360 = arith.index_cast %parallel_loop3A_241 : i32 to index
        %parallel_loop3A_361 = tpu.vector_load %arg9[%parallel_loop3A_359, %parallel_loop3A_360] {strides = array<i32>} : memref<32x512xi32, #tpu.memory_space<vmem>>, vector<16xi32>,
        %parallel_loop3A_362 = arith.constant 17 : i32
        %parallel_loop3A_363 = arith.index_cast %parallel_loop3A_362 : i32 to index
        %parallel_loop3A_364 = arith.index_cast %parallel_loop3A_241 : i32 to index
        %parallel_loop3A_365 = tpu.vector_load %arg9[%parallel_loop3A_363, %parallel_loop3A_364] {strides = array<i32>} : memref<32x512xi32, #tpu.memory_space<vmem>>, vector<16xi32>,
        %parallel_loop3A_366 = arith.constant 4096 : i32
        %parallel_loop3A_367 = vector.broadcast %parallel_loop3A_366 : i32 to vector<16xi32>
        %parallel_loop3A_368 = arith.addi %parallel_loop3A_361, %parallel_loop3A_367 : vector<16xi32>
        %parallel_loop3A_369 = arith.constant 4352 : i32
        %parallel_loop3A_370 = vector.broadcast %parallel_loop3A_369 : i32 to vector<16xi32>
        %parallel_loop3A_371 = arith.addi %parallel_loop3A_365, %parallel_loop3A_370 : vector<16xi32>
        tpu.vector_store_idx %arg16[%parallel_loop3A_368], %parallel_loop3A_243 {add = true} : memref<8192xf32, #tpu.memory_space<vmem>>[vector<16xi32>], vector<16xf32>,
        tpu.vector_store_idx %arg16[%parallel_loop3A_371], %parallel_loop3A_243 {add = true} : memref<8192xf32, #tpu.memory_space<vmem>>[vector<16xi32>], vector<16xf32>,
        tpu.vector_store_idx %arg17[%parallel_loop3A_368], %parallel_loop3A_245 {add = true} : memref<8192xf32, #tpu.memory_space<vmem>>[vector<16xi32>], vector<16xf32>,
        tpu.vector_store_idx %arg17[%parallel_loop3A_371], %parallel_loop3A_245 {add = true} : memref<8192xf32, #tpu.memory_space<vmem>>[vector<16xi32>], vector<16xf32>,
        %parallel_loop3A_372 = arith.constant 18 : i32
        %parallel_loop3A_373 = arith.index_cast %parallel_loop3A_372 : i32 to index
        %parallel_loop3A_374 = arith.index_cast %parallel_loop3A_241 : i32 to index
        %parallel_loop3A_375 = tpu.vector_load %arg9[%parallel_loop3A_373, %parallel_loop3A_374] {strides = array<i32>} : memref<32x512xi32, #tpu.memory_space<vmem>>, vector<16xi32>,
        %parallel_loop3A_376 = arith.constant 19 : i32
        %parallel_loop3A_377 = arith.index_cast %parallel_loop3A_376 : i32 to index
        %parallel_loop3A_378 = arith.index_cast %parallel_loop3A_241 : i32 to index
        %parallel_loop3A_379 = tpu.vector_load %arg9[%parallel_loop3A_377, %parallel_loop3A_378] {strides = array<i32>} : memref<32x512xi32, #tpu.memory_space<vmem>>, vector<16xi32>,
        %parallel_loop3A_380 = arith.constant 4608 : i32
        %parallel_loop3A_381 = vector.broadcast %parallel_loop3A_380 : i32 to vector<16xi32>
        %parallel_loop3A_382 = arith.addi %parallel_loop3A_375, %parallel_loop3A_381 : vector<16xi32>
        %parallel_loop3A_383 = arith.constant 4864 : i32
        %parallel_loop3A_384 = vector.broadcast %parallel_loop3A_383 : i32 to vector<16xi32>
        %parallel_loop3A_385 = arith.addi %parallel_loop3A_379, %parallel_loop3A_384 : vector<16xi32>
        tpu.vector_store_idx %arg16[%parallel_loop3A_382], %parallel_loop3A_243 {add = true} : memref<8192xf32, #tpu.memory_space<vmem>>[vector<16xi32>], vector<16xf32>,
        tpu.vector_store_idx %arg16[%parallel_loop3A_385], %parallel_loop3A_243 {add = true} : memref<8192xf32, #tpu.memory_space<vmem>>[vector<16xi32>], vector<16xf32>,
        tpu.vector_store_idx %arg17[%parallel_loop3A_382], %parallel_loop3A_245 {add = true} : memref<8192xf32, #tpu.memory_space<vmem>>[vector<16xi32>], vector<16xf32>,
        tpu.vector_store_idx %arg17[%parallel_loop3A_385], %parallel_loop3A_245 {add = true} : memref<8192xf32, #tpu.memory_space<vmem>>[vector<16xi32>], vector<16xf32>,
        %parallel_loop3A_386 = arith.constant 20 : i32
        %parallel_loop3A_387 = arith.index_cast %parallel_loop3A_386 : i32 to index
        %parallel_loop3A_388 = arith.index_cast %parallel_loop3A_241 : i32 to index
        %parallel_loop3A_389 = tpu.vector_load %arg9[%parallel_loop3A_387, %parallel_loop3A_388] {strides = array<i32>} : memref<32x512xi32, #tpu.memory_space<vmem>>, vector<16xi32>,
        %parallel_loop3A_390 = arith.constant 21 : i32
        %parallel_loop3A_391 = arith.index_cast %parallel_loop3A_390 : i32 to index
        %parallel_loop3A_392 = arith.index_cast %parallel_loop3A_241 : i32 to index
        %parallel_loop3A_393 = tpu.vector_load %arg9[%parallel_loop3A_391, %parallel_loop3A_392] {strides = array<i32>} : memref<32x512xi32, #tpu.memory_space<vmem>>, vector<16xi32>,
        %parallel_loop3A_394 = arith.constant 5120 : i32
        %parallel_loop3A_395 = vector.broadcast %parallel_loop3A_394 : i32 to vector<16xi32>
        %parallel_loop3A_396 = arith.addi %parallel_loop3A_389, %parallel_loop3A_395 : vector<16xi32>
        %parallel_loop3A_397 = arith.constant 5376 : i32
        %parallel_loop3A_398 = vector.broadcast %parallel_loop3A_397 : i32 to vector<16xi32>
        %parallel_loop3A_399 = arith.addi %parallel_loop3A_393, %parallel_loop3A_398 : vector<16xi32>
        tpu.vector_store_idx %arg16[%parallel_loop3A_396], %parallel_loop3A_243 {add = true} : memref<8192xf32, #tpu.memory_space<vmem>>[vector<16xi32>], vector<16xf32>,
        tpu.vector_store_idx %arg16[%parallel_loop3A_399], %parallel_loop3A_243 {add = true} : memref<8192xf32, #tpu.memory_space<vmem>>[vector<16xi32>], vector<16xf32>,
        tpu.vector_store_idx %arg17[%parallel_loop3A_396], %parallel_loop3A_245 {add = true} : memref<8192xf32, #tpu.memory_space<vmem>>[vector<16xi32>], vector<16xf32>,
        tpu.vector_store_idx %arg17[%parallel_loop3A_399], %parallel_loop3A_245 {add = true} : memref<8192xf32, #tpu.memory_space<vmem>>[vector<16xi32>], vector<16xf32>,
        %parallel_loop3A_400 = arith.constant 22 : i32
        %parallel_loop3A_401 = arith.index_cast %parallel_loop3A_400 : i32 to index
        %parallel_loop3A_402 = arith.index_cast %parallel_loop3A_241 : i32 to index
        %parallel_loop3A_403 = tpu.vector_load %arg9[%parallel_loop3A_401, %parallel_loop3A_402] {strides = array<i32>} : memref<32x512xi32, #tpu.memory_space<vmem>>, vector<16xi32>,
        %parallel_loop3A_404 = arith.constant 23 : i32
        %parallel_loop3A_405 = arith.index_cast %parallel_loop3A_404 : i32 to index
        %parallel_loop3A_406 = arith.index_cast %parallel_loop3A_241 : i32 to index
        %parallel_loop3A_407 = tpu.vector_load %arg9[%parallel_loop3A_405, %parallel_loop3A_406] {strides = array<i32>} : memref<32x512xi32, #tpu.memory_space<vmem>>, vector<16xi32>,
        %parallel_loop3A_408 = arith.constant 5632 : i32
        %parallel_loop3A_409 = vector.broadcast %parallel_loop3A_408 : i32 to vector<16xi32>
        %parallel_loop3A_410 = arith.addi %parallel_loop3A_403, %parallel_loop3A_409 : vector<16xi32>
        %parallel_loop3A_411 = arith.constant 5888 : i32
        %parallel_loop3A_412 = vector.broadcast %parallel_loop3A_411 : i32 to vector<16xi32>
        %parallel_loop3A_413 = arith.addi %parallel_loop3A_407, %parallel_loop3A_412 : vector<16xi32>
        tpu.vector_store_idx %arg16[%parallel_loop3A_410], %parallel_loop3A_243 {add = true} : memref<8192xf32, #tpu.memory_space<vmem>>[vector<16xi32>], vector<16xf32>,
        tpu.vector_store_idx %arg16[%parallel_loop3A_413], %parallel_loop3A_243 {add = true} : memref<8192xf32, #tpu.memory_space<vmem>>[vector<16xi32>], vector<16xf32>,
        tpu.vector_store_idx %arg17[%parallel_loop3A_410], %parallel_loop3A_245 {add = true} : memref<8192xf32, #tpu.memory_space<vmem>>[vector<16xi32>], vector<16xf32>,
        tpu.vector_store_idx %arg17[%parallel_loop3A_413], %parallel_loop3A_245 {add = true} : memref<8192xf32, #tpu.memory_space<vmem>>[vector<16xi32>], vector<16xf32>,
        %parallel_loop3A_414 = arith.constant 24 : i32
        %parallel_loop3A_415 = arith.index_cast %parallel_loop3A_414 : i32 to index
        %parallel_loop3A_416 = arith.index_cast %parallel_loop3A_241 : i32 to index
        %parallel_loop3A_417 = tpu.vector_load %arg9[%parallel_loop3A_415, %parallel_loop3A_416] {strides = array<i32>} : memref<32x512xi32, #tpu.memory_space<vmem>>, vector<16xi32>,
        %parallel_loop3A_418 = arith.constant 25 : i32
        %parallel_loop3A_419 = arith.index_cast %parallel_loop3A_418 : i32 to index
        %parallel_loop3A_420 = arith.index_cast %parallel_loop3A_241 : i32 to index
        %parallel_loop3A_421 = tpu.vector_load %arg9[%parallel_loop3A_419, %parallel_loop3A_420] {strides = array<i32>} : memref<32x512xi32, #tpu.memory_space<vmem>>, vector<16xi32>,
        %parallel_loop3A_422 = arith.constant 6144 : i32
        %parallel_loop3A_423 = vector.broadcast %parallel_loop3A_422 : i32 to vector<16xi32>
        %parallel_loop3A_424 = arith.addi %parallel_loop3A_417, %parallel_loop3A_423 : vector<16xi32>
        %parallel_loop3A_425 = arith.constant 6400 : i32
        %parallel_loop3A_426 = vector.broadcast %parallel_loop3A_425 : i32 to vector<16xi32>
        %parallel_loop3A_427 = arith.addi %parallel_loop3A_421, %parallel_loop3A_426 : vector<16xi32>
        tpu.vector_store_idx %arg16[%parallel_loop3A_424], %parallel_loop3A_243 {add = true} : memref<8192xf32, #tpu.memory_space<vmem>>[vector<16xi32>], vector<16xf32>,
        tpu.vector_store_idx %arg16[%parallel_loop3A_427], %parallel_loop3A_243 {add = true} : memref<8192xf32, #tpu.memory_space<vmem>>[vector<16xi32>], vector<16xf32>,
        tpu.vector_store_idx %arg17[%parallel_loop3A_424], %parallel_loop3A_245 {add = true} : memref<8192xf32, #tpu.memory_space<vmem>>[vector<16xi32>], vector<16xf32>,
        tpu.vector_store_idx %arg17[%parallel_loop3A_427], %parallel_loop3A_245 {add = true} : memref<8192xf32, #tpu.memory_space<vmem>>[vector<16xi32>], vector<16xf32>,
        %parallel_loop3A_428 = arith.constant 26 : i32
        %parallel_loop3A_429 = arith.index_cast %parallel_loop3A_428 : i32 to index
        %parallel_loop3A_430 = arith.index_cast %parallel_loop3A_241 : i32 to index
        %parallel_loop3A_431 = tpu.vector_load %arg9[%parallel_loop3A_429, %parallel_loop3A_430] {strides = array<i32>} : memref<32x512xi32, #tpu.memory_space<vmem>>, vector<16xi32>,
        %parallel_loop3A_432 = arith.constant 27 : i32
        %parallel_loop3A_433 = arith.index_cast %parallel_loop3A_432 : i32 to index
        %parallel_loop3A_434 = arith.index_cast %parallel_loop3A_241 : i32 to index
        %parallel_loop3A_435 = tpu.vector_load %arg9[%parallel_loop3A_433, %parallel_loop3A_434] {strides = array<i32>} : memref<32x512xi32, #tpu.memory_space<vmem>>, vector<16xi32>,
        %parallel_loop3A_436 = arith.constant 6656 : i32
        %parallel_loop3A_437 = vector.broadcast %parallel_loop3A_436 : i32 to vector<16xi32>
        %parallel_loop3A_438 = arith.addi %parallel_loop3A_431, %parallel_loop3A_437 : vector<16xi32>
        %parallel_loop3A_439 = arith.constant 6912 : i32
        %parallel_loop3A_440 = vector.broadcast %parallel_loop3A_439 : i32 to vector<16xi32>
        %parallel_loop3A_441 = arith.addi %parallel_loop3A_435, %parallel_loop3A_440 : vector<16xi32>
        tpu.vector_store_idx %arg16[%parallel_loop3A_438], %parallel_loop3A_243 {add = true} : memref<8192xf32, #tpu.memory_space<vmem>>[vector<16xi32>], vector<16xf32>,
        tpu.vector_store_idx %arg16[%parallel_loop3A_441], %parallel_loop3A_243 {add = true} : memref<8192xf32, #tpu.memory_space<vmem>>[vector<16xi32>], vector<16xf32>,
        tpu.vector_store_idx %arg17[%parallel_loop3A_438], %parallel_loop3A_245 {add = true} : memref<8192xf32, #tpu.memory_space<vmem>>[vector<16xi32>], vector<16xf32>,
        tpu.vector_store_idx %arg17[%parallel_loop3A_441], %parallel_loop3A_245 {add = true} : memref<8192xf32, #tpu.memory_space<vmem>>[vector<16xi32>], vector<16xf32>,
        %parallel_loop3A_442 = arith.constant 28 : i32
        %parallel_loop3A_443 = arith.index_cast %parallel_loop3A_442 : i32 to index
        %parallel_loop3A_444 = arith.index_cast %parallel_loop3A_241 : i32 to index
        %parallel_loop3A_445 = tpu.vector_load %arg9[%parallel_loop3A_443, %parallel_loop3A_444] {strides = array<i32>} : memref<32x512xi32, #tpu.memory_space<vmem>>, vector<16xi32>,
        %parallel_loop3A_446 = arith.constant 29 : i32
        %parallel_loop3A_447 = arith.index_cast %parallel_loop3A_446 : i32 to index
        %parallel_loop3A_448 = arith.index_cast %parallel_loop3A_241 : i32 to index
        %parallel_loop3A_449 = tpu.vector_load %arg9[%parallel_loop3A_447, %parallel_loop3A_448] {strides = array<i32>} : memref<32x512xi32, #tpu.memory_space<vmem>>, vector<16xi32>,
        %parallel_loop3A_450 = arith.constant 7168 : i32
        %parallel_loop3A_451 = vector.broadcast %parallel_loop3A_450 : i32 to vector<16xi32>
        %parallel_loop3A_452 = arith.addi %parallel_loop3A_445, %parallel_loop3A_451 : vector<16xi32>
        %parallel_loop3A_453 = arith.constant 7424 : i32
        %parallel_loop3A_454 = vector.broadcast %parallel_loop3A_453 : i32 to vector<16xi32>
        %parallel_loop3A_455 = arith.addi %parallel_loop3A_449, %parallel_loop3A_454 : vector<16xi32>
        tpu.vector_store_idx %arg16[%parallel_loop3A_452], %parallel_loop3A_243 {add = true} : memref<8192xf32, #tpu.memory_space<vmem>>[vector<16xi32>], vector<16xf32>,
        tpu.vector_store_idx %arg16[%parallel_loop3A_455], %parallel_loop3A_243 {add = true} : memref<8192xf32, #tpu.memory_space<vmem>>[vector<16xi32>], vector<16xf32>,
        tpu.vector_store_idx %arg17[%parallel_loop3A_452], %parallel_loop3A_245 {add = true} : memref<8192xf32, #tpu.memory_space<vmem>>[vector<16xi32>], vector<16xf32>,
        tpu.vector_store_idx %arg17[%parallel_loop3A_455], %parallel_loop3A_245 {add = true} : memref<8192xf32, #tpu.memory_space<vmem>>[vector<16xi32>], vector<16xf32>,
        %parallel_loop3A_456 = arith.constant 30 : i32
        %parallel_loop3A_457 = arith.index_cast %parallel_loop3A_456 : i32 to index
        %parallel_loop3A_458 = arith.index_cast %parallel_loop3A_241 : i32 to index
        %parallel_loop3A_459 = tpu.vector_load %arg9[%parallel_loop3A_457, %parallel_loop3A_458] {strides = array<i32>} : memref<32x512xi32, #tpu.memory_space<vmem>>, vector<16xi32>,
        %parallel_loop3A_460 = arith.constant 31 : i32
        %parallel_loop3A_461 = arith.index_cast %parallel_loop3A_460 : i32 to index
        %parallel_loop3A_462 = arith.index_cast %parallel_loop3A_241 : i32 to index
        %parallel_loop3A_463 = tpu.vector_load %arg9[%parallel_loop3A_461, %parallel_loop3A_462] {strides = array<i32>} : memref<32x512xi32, #tpu.memory_space<vmem>>, vector<16xi32>,
        %parallel_loop3A_464 = arith.constant 7680 : i32
        %parallel_loop3A_465 = vector.broadcast %parallel_loop3A_464 : i32 to vector<16xi32>
        %parallel_loop3A_466 = arith.addi %parallel_loop3A_459, %parallel_loop3A_465 : vector<16xi32>
        %parallel_loop3A_467 = arith.constant 7936 : i32
        %parallel_loop3A_468 = vector.broadcast %parallel_loop3A_467 : i32 to vector<16xi32>
        %parallel_loop3A_469 = arith.addi %parallel_loop3A_463, %parallel_loop3A_468 : vector<16xi32>
        tpu.vector_store_idx %arg16[%parallel_loop3A_466], %parallel_loop3A_243 {add = true} : memref<8192xf32, #tpu.memory_space<vmem>>[vector<16xi32>], vector<16xf32>,
        tpu.vector_store_idx %arg16[%parallel_loop3A_469], %parallel_loop3A_243 {add = true} : memref<8192xf32, #tpu.memory_space<vmem>>[vector<16xi32>], vector<16xf32>,
        tpu.vector_store_idx %arg17[%parallel_loop3A_466], %parallel_loop3A_245 {add = true} : memref<8192xf32, #tpu.memory_space<vmem>>[vector<16xi32>], vector<16xf32>,
        tpu.vector_store_idx %arg17[%parallel_loop3A_469], %parallel_loop3A_245 {add = true} : memref<8192xf32, #tpu.memory_space<vmem>>[vector<16xi32>], vector<16xf32>,
      } {sc.loop_unroll_factor = 2 : i64, sc.parallel_access}
    }
    %scan3A_55 = arith.constant 10 : i32
    %dma_wait3A = arith.constant 0 : i32
    %dma_wait3A_56 = arith.constant 0 : i32
    %dma_wait3A_57 = tpu.memref_slice %arg7[%dma_wait3A, %dma_wait3A_56] : memref<32x512xi32, #tpu.memory_space<vmem>> -> memref<32x256xi32, #tpu.memory_space<vmem>>
    %dma_wait3A_58 = arith.constant 0 : i32
    %dma_wait3A_59 = arith.constant 0 : i32
    %dma_wait3A_60 = tpu.memref_slice %arg2[%dma_wait3A_58, %dma_wait3A_59] : memref<32x500000xi32, #tpu.memory_space<hbm>> -> memref<32x256xi32, #tpu.memory_space<hbm>>
    %dma_wait3A_61 = arith.constant 0 : i32
    %dma_wait3A_62 = arith.constant 0 : i32
    %dma_wait3A_63 = tpu.memref_slice %arg7[%dma_wait3A_61, %dma_wait3A_62] : memref<32x512xi32, #tpu.memory_space<vmem>> -> memref<32x256xi32, #tpu.memory_space<vmem>>
    %dma_wait3A_64 = arith.constant 0 : i32
    %dma_wait3A_65 = arith.constant 0 : i32
    %dma_wait3A_66 = tpu.memref_slice %arg2[%dma_wait3A_64, %dma_wait3A_65] : memref<32x500000xi32, #tpu.memory_space<hbm>> -> memref<32x256xi32, #tpu.memory_space<hbm>>
    tpu.wait_dma2 semaphore(%arg18 : memref<!tpu.dma_semaphore, #tpu.memory_space<semaphore_mem>>) src(%dma_wait3A_66 : memref<32x256xi32, #tpu.memory_space<hbm>>) dst(%dma_wait3A_63 : memref<32x256xi32, #tpu.memory_space<vmem>>)
    %dma_wait3A_67 = arith.constant 0 : i32
    %dma_wait3A_68 = tpu.memref_slice %arg10[%dma_wait3A_67] : memref<528xf32, #tpu.memory_space<vmem>> -> memref<256xf32, #tpu.memory_space<vmem>>
    %dma_wait3A_69 = arith.constant 0 : i32
    %dma_wait3A_70 = tpu.memref_slice %arg3[%dma_wait3A_69] : memref<500000xf32, #tpu.memory_space<hbm>> -> memref<256xf32, #tpu.memory_space<hbm>>
    %dma_wait3A_71 = arith.constant 0 : i32
    %dma_wait3A_72 = tpu.memref_slice %arg10[%dma_wait3A_71] : memref<528xf32, #tpu.memory_space<vmem>> -> memref<256xf32, #tpu.memory_space<vmem>>
    %dma_wait3A_73 = arith.constant 0 : i32
    %dma_wait3A_74 = tpu.memref_slice %arg3[%dma_wait3A_73] : memref<500000xf32, #tpu.memory_space<hbm>> -> memref<256xf32, #tpu.memory_space<hbm>>
    tpu.wait_dma2 semaphore(%arg18 : memref<!tpu.dma_semaphore, #tpu.memory_space<semaphore_mem>>) src(%dma_wait3A_74 : memref<256xf32, #tpu.memory_space<hbm>>) dst(%dma_wait3A_72 : memref<256xf32, #tpu.memory_space<vmem>>)
    %dma_wait3A_75 = arith.constant 0 : i32
    %dma_wait3A_76 = tpu.memref_slice %arg13[%dma_wait3A_75] : memref<528xf32, #tpu.memory_space<vmem>> -> memref<256xf32, #tpu.memory_space<vmem>>
    %dma_wait3A_77 = arith.constant 0 : i32
    %dma_wait3A_78 = tpu.memref_slice %arg4[%dma_wait3A_77] : memref<500000xf32, #tpu.memory_space<hbm>> -> memref<256xf32, #tpu.memory_space<hbm>>
    %dma_wait3A_79 = arith.constant 0 : i32
    %dma_wait3A_80 = tpu.memref_slice %arg13[%dma_wait3A_79] : memref<528xf32, #tpu.memory_space<vmem>> -> memref<256xf32, #tpu.memory_space<vmem>>
    %dma_wait3A_81 = arith.constant 0 : i32
    %dma_wait3A_82 = tpu.memref_slice %arg4[%dma_wait3A_81] : memref<500000xf32, #tpu.memory_space<hbm>> -> memref<256xf32, #tpu.memory_space<hbm>>
    tpu.wait_dma2 semaphore(%arg18 : memref<!tpu.dma_semaphore, #tpu.memory_space<semaphore_mem>>) src(%dma_wait3A_82 : memref<256xf32, #tpu.memory_space<hbm>>) dst(%dma_wait3A_80 : memref<256xf32, #tpu.memory_space<vmem>>)
    %parallel_loop3A_83 = arith.constant 0 : i32
    %parallel_loop3A_84 = arith.constant 16 : i32
    %parallel_loop3A_85 = arith.constant 1 : i32
    scf.for %parallel_loop3A_92 = %parallel_loop3A_83 to %parallel_loop3A_84 step %parallel_loop3A_85  : i32 {
      %parallel_loop3A_93 = arith.constant 16 : i32
      %parallel_loop3A_94 = arith.muli %parallel_loop3A_92, %parallel_loop3A_93 : i32
      %parallel_loop3A_95 = arith.index_cast %parallel_loop3A_94 : i32 to index
      %parallel_loop3A_96 = tpu.vector_load %arg10[%parallel_loop3A_95] {strides = array<i32>} : memref<528xf32, #tpu.memory_space<vmem>>, vector<16xf32>,
      %parallel_loop3A_97 = arith.index_cast %parallel_loop3A_94 : i32 to index
      %parallel_loop3A_98 = tpu.vector_load %arg13[%parallel_loop3A_97] {strides = array<i32>} : memref<528xf32, #tpu.memory_space<vmem>>, vector<16xf32>,
      %parallel_loop3A_99 = arith.constant 0 : i32
      %parallel_loop3A_100 = arith.index_cast %parallel_loop3A_99 : i32 to index
      %parallel_loop3A_101 = arith.index_cast %parallel_loop3A_94 : i32 to index
      %parallel_loop3A_102 = tpu.vector_load %arg7[%parallel_loop3A_100, %parallel_loop3A_101] {strides = array<i32>} : memref<32x512xi32, #tpu.memory_space<vmem>>, vector<16xi32>,
      %parallel_loop3A_103 = arith.constant 1 : i32
      %parallel_loop3A_104 = arith.index_cast %parallel_loop3A_103 : i32 to index
      %parallel_loop3A_105 = arith.index_cast %parallel_loop3A_94 : i32 to index
      %parallel_loop3A_106 = tpu.vector_load %arg7[%parallel_loop3A_104, %parallel_loop3A_105] {strides = array<i32>} : memref<32x512xi32, #tpu.memory_space<vmem>>, vector<16xi32>,
      %parallel_loop3A_107 = arith.constant 0 : i32
      %parallel_loop3A_108 = vector.broadcast %parallel_loop3A_107 : i32 to vector<16xi32>
      %parallel_loop3A_109 = arith.addi %parallel_loop3A_102, %parallel_loop3A_108 : vector<16xi32>
      %parallel_loop3A_110 = arith.constant 256 : i32
      %parallel_loop3A_111 = vector.broadcast %parallel_loop3A_110 : i32 to vector<16xi32>
      %parallel_loop3A_112 = arith.addi %parallel_loop3A_106, %parallel_loop3A_111 : vector<16xi32>
      tpu.vector_store_idx %arg16[%parallel_loop3A_109], %parallel_loop3A_96 {add = true} : memref<8192xf32, #tpu.memory_space<vmem>>[vector<16xi32>], vector<16xf32>,
      tpu.vector_store_idx %arg16[%parallel_loop3A_112], %parallel_loop3A_96 {add = true} : memref<8192xf32, #tpu.memory_space<vmem>>[vector<16xi32>], vector<16xf32>,
      tpu.vector_store_idx %arg17[%parallel_loop3A_109], %parallel_loop3A_98 {add = true} : memref<8192xf32, #tpu.memory_space<vmem>>[vector<16xi32>], vector<16xf32>,
      tpu.vector_store_idx %arg17[%parallel_loop3A_112], %parallel_loop3A_98 {add = true} : memref<8192xf32, #tpu.memory_space<vmem>>[vector<16xi32>], vector<16xf32>,
      %parallel_loop3A_113 = arith.constant 2 : i32
      %parallel_loop3A_114 = arith.index_cast %parallel_loop3A_113 : i32 to index
      %parallel_loop3A_115 = arith.index_cast %parallel_loop3A_94 : i32 to index
      %parallel_loop3A_116 = tpu.vector_load %arg7[%parallel_loop3A_114, %parallel_loop3A_115] {strides = array<i32>} : memref<32x512xi32, #tpu.memory_space<vmem>>, vector<16xi32>,
      %parallel_loop3A_117 = arith.constant 3 : i32
      %parallel_loop3A_118 = arith.index_cast %parallel_loop3A_117 : i32 to index
      %parallel_loop3A_119 = arith.index_cast %parallel_loop3A_94 : i32 to index
      %parallel_loop3A_120 = tpu.vector_load %arg7[%parallel_loop3A_118, %parallel_loop3A_119] {strides = array<i32>} : memref<32x512xi32, #tpu.memory_space<vmem>>, vector<16xi32>,
      %parallel_loop3A_121 = arith.constant 512 : i32
      %parallel_loop3A_122 = vector.broadcast %parallel_loop3A_121 : i32 to vector<16xi32>
      %parallel_loop3A_123 = arith.addi %parallel_loop3A_116, %parallel_loop3A_122 : vector<16xi32>
      %parallel_loop3A_124 = arith.constant 768 : i32
      %parallel_loop3A_125 = vector.broadcast %parallel_loop3A_124 : i32 to vector<16xi32>
      %parallel_loop3A_126 = arith.addi %parallel_loop3A_120, %parallel_loop3A_125 : vector<16xi32>
      tpu.vector_store_idx %arg16[%parallel_loop3A_123], %parallel_loop3A_96 {add = true} : memref<8192xf32, #tpu.memory_space<vmem>>[vector<16xi32>], vector<16xf32>,
      tpu.vector_store_idx %arg16[%parallel_loop3A_126], %parallel_loop3A_96 {add = true} : memref<8192xf32, #tpu.memory_space<vmem>>[vector<16xi32>], vector<16xf32>,
      tpu.vector_store_idx %arg17[%parallel_loop3A_123], %parallel_loop3A_98 {add = true} : memref<8192xf32, #tpu.memory_space<vmem>>[vector<16xi32>], vector<16xf32>,
      tpu.vector_store_idx %arg17[%parallel_loop3A_126], %parallel_loop3A_98 {add = true} : memref<8192xf32, #tpu.memory_space<vmem>>[vector<16xi32>], vector<16xf32>,
      %parallel_loop3A_127 = arith.constant 4 : i32
      %parallel_loop3A_128 = arith.index_cast %parallel_loop3A_127 : i32 to index
      %parallel_loop3A_129 = arith.index_cast %parallel_loop3A_94 : i32 to index
      %parallel_loop3A_130 = tpu.vector_load %arg7[%parallel_loop3A_128, %parallel_loop3A_129] {strides = array<i32>} : memref<32x512xi32, #tpu.memory_space<vmem>>, vector<16xi32>,
      %parallel_loop3A_131 = arith.constant 5 : i32
      %parallel_loop3A_132 = arith.index_cast %parallel_loop3A_131 : i32 to index
      %parallel_loop3A_133 = arith.index_cast %parallel_loop3A_94 : i32 to index
      %parallel_loop3A_134 = tpu.vector_load %arg7[%parallel_loop3A_132, %parallel_loop3A_133] {strides = array<i32>} : memref<32x512xi32, #tpu.memory_space<vmem>>, vector<16xi32>,
      %parallel_loop3A_135 = arith.constant 1024 : i32
      %parallel_loop3A_136 = vector.broadcast %parallel_loop3A_135 : i32 to vector<16xi32>
      %parallel_loop3A_137 = arith.addi %parallel_loop3A_130, %parallel_loop3A_136 : vector<16xi32>
      %parallel_loop3A_138 = arith.constant 1280 : i32
      %parallel_loop3A_139 = vector.broadcast %parallel_loop3A_138 : i32 to vector<16xi32>
      %parallel_loop3A_140 = arith.addi %parallel_loop3A_134, %parallel_loop3A_139 : vector<16xi32>
      tpu.vector_store_idx %arg16[%parallel_loop3A_137], %parallel_loop3A_96 {add = true} : memref<8192xf32, #tpu.memory_space<vmem>>[vector<16xi32>], vector<16xf32>,
      tpu.vector_store_idx %arg16[%parallel_loop3A_140], %parallel_loop3A_96 {add = true} : memref<8192xf32, #tpu.memory_space<vmem>>[vector<16xi32>], vector<16xf32>,
      tpu.vector_store_idx %arg17[%parallel_loop3A_137], %parallel_loop3A_98 {add = true} : memref<8192xf32, #tpu.memory_space<vmem>>[vector<16xi32>], vector<16xf32>,
      tpu.vector_store_idx %arg17[%parallel_loop3A_140], %parallel_loop3A_98 {add = true} : memref<8192xf32, #tpu.memory_space<vmem>>[vector<16xi32>], vector<16xf32>,
      %parallel_loop3A_141 = arith.constant 6 : i32
      %parallel_loop3A_142 = arith.index_cast %parallel_loop3A_141 : i32 to index
      %parallel_loop3A_143 = arith.index_cast %parallel_loop3A_94 : i32 to index
      %parallel_loop3A_144 = tpu.vector_load %arg7[%parallel_loop3A_142, %parallel_loop3A_143] {strides = array<i32>} : memref<32x512xi32, #tpu.memory_space<vmem>>, vector<16xi32>,
      %parallel_loop3A_145 = arith.constant 7 : i32
      %parallel_loop3A_146 = arith.index_cast %parallel_loop3A_145 : i32 to index
      %parallel_loop3A_147 = arith.index_cast %parallel_loop3A_94 : i32 to index
      %parallel_loop3A_148 = tpu.vector_load %arg7[%parallel_loop3A_146, %parallel_loop3A_147] {strides = array<i32>} : memref<32x512xi32, #tpu.memory_space<vmem>>, vector<16xi32>,
      %parallel_loop3A_149 = arith.constant 1536 : i32
      %parallel_loop3A_150 = vector.broadcast %parallel_loop3A_149 : i32 to vector<16xi32>
      %parallel_loop3A_151 = arith.addi %parallel_loop3A_144, %parallel_loop3A_150 : vector<16xi32>
      %parallel_loop3A_152 = arith.constant 1792 : i32
      %parallel_loop3A_153 = vector.broadcast %parallel_loop3A_152 : i32 to vector<16xi32>
      %parallel_loop3A_154 = arith.addi %parallel_loop3A_148, %parallel_loop3A_153 : vector<16xi32>
      tpu.vector_store_idx %arg16[%parallel_loop3A_151], %parallel_loop3A_96 {add = true} : memref<8192xf32, #tpu.memory_space<vmem>>[vector<16xi32>], vector<16xf32>,
      tpu.vector_store_idx %arg16[%parallel_loop3A_154], %parallel_loop3A_96 {add = true} : memref<8192xf32, #tpu.memory_space<vmem>>[vector<16xi32>], vector<16xf32>,
      tpu.vector_store_idx %arg17[%parallel_loop3A_151], %parallel_loop3A_98 {add = true} : memref<8192xf32, #tpu.memory_space<vmem>>[vector<16xi32>], vector<16xf32>,
      tpu.vector_store_idx %arg17[%parallel_loop3A_154], %parallel_loop3A_98 {add = true} : memref<8192xf32, #tpu.memory_space<vmem>>[vector<16xi32>], vector<16xf32>,
      %parallel_loop3A_155 = arith.constant 8 : i32
      %parallel_loop3A_156 = arith.index_cast %parallel_loop3A_155 : i32 to index
      %parallel_loop3A_157 = arith.index_cast %parallel_loop3A_94 : i32 to index
      %parallel_loop3A_158 = tpu.vector_load %arg7[%parallel_loop3A_156, %parallel_loop3A_157] {strides = array<i32>} : memref<32x512xi32, #tpu.memory_space<vmem>>, vector<16xi32>,
      %parallel_loop3A_159 = arith.constant 9 : i32
      %parallel_loop3A_160 = arith.index_cast %parallel_loop3A_159 : i32 to index
      %parallel_loop3A_161 = arith.index_cast %parallel_loop3A_94 : i32 to index
      %parallel_loop3A_162 = tpu.vector_load %arg7[%parallel_loop3A_160, %parallel_loop3A_161] {strides = array<i32>} : memref<32x512xi32, #tpu.memory_space<vmem>>, vector<16xi32>,
      %parallel_loop3A_163 = arith.constant 2048 : i32
      %parallel_loop3A_164 = vector.broadcast %parallel_loop3A_163 : i32 to vector<16xi32>
      %parallel_loop3A_165 = arith.addi %parallel_loop3A_158, %parallel_loop3A_164 : vector<16xi32>
      %parallel_loop3A_166 = arith.constant 2304 : i32
      %parallel_loop3A_167 = vector.broadcast %parallel_loop3A_166 : i32 to vector<16xi32>
      %parallel_loop3A_168 = arith.addi %parallel_loop3A_162, %parallel_loop3A_167 : vector<16xi32>
      tpu.vector_store_idx %arg16[%parallel_loop3A_165], %parallel_loop3A_96 {add = true} : memref<8192xf32, #tpu.memory_space<vmem>>[vector<16xi32>], vector<16xf32>,
      tpu.vector_store_idx %arg16[%parallel_loop3A_168], %parallel_loop3A_96 {add = true} : memref<8192xf32, #tpu.memory_space<vmem>>[vector<16xi32>], vector<16xf32>,
      tpu.vector_store_idx %arg17[%parallel_loop3A_165], %parallel_loop3A_98 {add = true} : memref<8192xf32, #tpu.memory_space<vmem>>[vector<16xi32>], vector<16xf32>,
      tpu.vector_store_idx %arg17[%parallel_loop3A_168], %parallel_loop3A_98 {add = true} : memref<8192xf32, #tpu.memory_space<vmem>>[vector<16xi32>], vector<16xf32>,
      %parallel_loop3A_169 = arith.constant 10 : i32
      %parallel_loop3A_170 = arith.index_cast %parallel_loop3A_169 : i32 to index
      %parallel_loop3A_171 = arith.index_cast %parallel_loop3A_94 : i32 to index
      %parallel_loop3A_172 = tpu.vector_load %arg7[%parallel_loop3A_170, %parallel_loop3A_171] {strides = array<i32>} : memref<32x512xi32, #tpu.memory_space<vmem>>, vector<16xi32>,
      %parallel_loop3A_173 = arith.constant 11 : i32
      %parallel_loop3A_174 = arith.index_cast %parallel_loop3A_173 : i32 to index
      %parallel_loop3A_175 = arith.index_cast %parallel_loop3A_94 : i32 to index
      %parallel_loop3A_176 = tpu.vector_load %arg7[%parallel_loop3A_174, %parallel_loop3A_175] {strides = array<i32>} : memref<32x512xi32, #tpu.memory_space<vmem>>, vector<16xi32>,
      %parallel_loop3A_177 = arith.constant 2560 : i32
      %parallel_loop3A_178 = vector.broadcast %parallel_loop3A_177 : i32 to vector<16xi32>
      %parallel_loop3A_179 = arith.addi %parallel_loop3A_172, %parallel_loop3A_178 : vector<16xi32>
      %parallel_loop3A_180 = arith.constant 2816 : i32
      %parallel_loop3A_181 = vector.broadcast %parallel_loop3A_180 : i32 to vector<16xi32>
      %parallel_loop3A_182 = arith.addi %parallel_loop3A_176, %parallel_loop3A_181 : vector<16xi32>
      tpu.vector_store_idx %arg16[%parallel_loop3A_179], %parallel_loop3A_96 {add = true} : memref<8192xf32, #tpu.memory_space<vmem>>[vector<16xi32>], vector<16xf32>,
      tpu.vector_store_idx %arg16[%parallel_loop3A_182], %parallel_loop3A_96 {add = true} : memref<8192xf32, #tpu.memory_space<vmem>>[vector<16xi32>], vector<16xf32>,
      tpu.vector_store_idx %arg17[%parallel_loop3A_179], %parallel_loop3A_98 {add = true} : memref<8192xf32, #tpu.memory_space<vmem>>[vector<16xi32>], vector<16xf32>,
      tpu.vector_store_idx %arg17[%parallel_loop3A_182], %parallel_loop3A_98 {add = true} : memref<8192xf32, #tpu.memory_space<vmem>>[vector<16xi32>], vector<16xf32>,
      %parallel_loop3A_183 = arith.constant 12 : i32
      %parallel_loop3A_184 = arith.index_cast %parallel_loop3A_183 : i32 to index
      %parallel_loop3A_185 = arith.index_cast %parallel_loop3A_94 : i32 to index
      %parallel_loop3A_186 = tpu.vector_load %arg7[%parallel_loop3A_184, %parallel_loop3A_185] {strides = array<i32>} : memref<32x512xi32, #tpu.memory_space<vmem>>, vector<16xi32>,
      %parallel_loop3A_187 = arith.constant 13 : i32
      %parallel_loop3A_188 = arith.index_cast %parallel_loop3A_187 : i32 to index
      %parallel_loop3A_189 = arith.index_cast %parallel_loop3A_94 : i32 to index
      %parallel_loop3A_190 = tpu.vector_load %arg7[%parallel_loop3A_188, %parallel_loop3A_189] {strides = array<i32>} : memref<32x512xi32, #tpu.memory_space<vmem>>, vector<16xi32>,
      %parallel_loop3A_191 = arith.constant 3072 : i32
      %parallel_loop3A_192 = vector.broadcast %parallel_loop3A_191 : i32 to vector<16xi32>
      %parallel_loop3A_193 = arith.addi %parallel_loop3A_186, %parallel_loop3A_192 : vector<16xi32>
      %parallel_loop3A_194 = arith.constant 3328 : i32
      %parallel_loop3A_195 = vector.broadcast %parallel_loop3A_194 : i32 to vector<16xi32>
      %parallel_loop3A_196 = arith.addi %parallel_loop3A_190, %parallel_loop3A_195 : vector<16xi32>
      tpu.vector_store_idx %arg16[%parallel_loop3A_193], %parallel_loop3A_96 {add = true} : memref<8192xf32, #tpu.memory_space<vmem>>[vector<16xi32>], vector<16xf32>,
      tpu.vector_store_idx %arg16[%parallel_loop3A_196], %parallel_loop3A_96 {add = true} : memref<8192xf32, #tpu.memory_space<vmem>>[vector<16xi32>], vector<16xf32>,
      tpu.vector_store_idx %arg17[%parallel_loop3A_193], %parallel_loop3A_98 {add = true} : memref<8192xf32, #tpu.memory_space<vmem>>[vector<16xi32>], vector<16xf32>,
      tpu.vector_store_idx %arg17[%parallel_loop3A_196], %parallel_loop3A_98 {add = true} : memref<8192xf32, #tpu.memory_space<vmem>>[vector<16xi32>], vector<16xf32>,
      %parallel_loop3A_197 = arith.constant 14 : i32
      %parallel_loop3A_198 = arith.index_cast %parallel_loop3A_197 : i32 to index
      %parallel_loop3A_199 = arith.index_cast %parallel_loop3A_94 : i32 to index
      %parallel_loop3A_200 = tpu.vector_load %arg7[%parallel_loop3A_198, %parallel_loop3A_199] {strides = array<i32>} : memref<32x512xi32, #tpu.memory_space<vmem>>, vector<16xi32>,
      %parallel_loop3A_201 = arith.constant 15 : i32
      %parallel_loop3A_202 = arith.index_cast %parallel_loop3A_201 : i32 to index
      %parallel_loop3A_203 = arith.index_cast %parallel_loop3A_94 : i32 to index
      %parallel_loop3A_204 = tpu.vector_load %arg7[%parallel_loop3A_202, %parallel_loop3A_203] {strides = array<i32>} : memref<32x512xi32, #tpu.memory_space<vmem>>, vector<16xi32>,
      %parallel_loop3A_205 = arith.constant 3584 : i32
      %parallel_loop3A_206 = vector.broadcast %parallel_loop3A_205 : i32 to vector<16xi32>
      %parallel_loop3A_207 = arith.addi %parallel_loop3A_200, %parallel_loop3A_206 : vector<16xi32>
      %parallel_loop3A_208 = arith.constant 3840 : i32
      %parallel_loop3A_209 = vector.broadcast %parallel_loop3A_208 : i32 to vector<16xi32>
      %parallel_loop3A_210 = arith.addi %parallel_loop3A_204, %parallel_loop3A_209 : vector<16xi32>
      tpu.vector_store_idx %arg16[%parallel_loop3A_207], %parallel_loop3A_96 {add = true} : memref<8192xf32, #tpu.memory_space<vmem>>[vector<16xi32>], vector<16xf32>,
      tpu.vector_store_idx %arg16[%parallel_loop3A_210], %parallel_loop3A_96 {add = true} : memref<8192xf32, #tpu.memory_space<vmem>>[vector<16xi32>], vector<16xf32>,
      tpu.vector_store_idx %arg17[%parallel_loop3A_207], %parallel_loop3A_98 {add = true} : memref<8192xf32, #tpu.memory_space<vmem>>[vector<16xi32>], vector<16xf32>,
      tpu.vector_store_idx %arg17[%parallel_loop3A_210], %parallel_loop3A_98 {add = true} : memref<8192xf32, #tpu.memory_space<vmem>>[vector<16xi32>], vector<16xf32>,
      %parallel_loop3A_211 = arith.constant 16 : i32
      %parallel_loop3A_212 = arith.index_cast %parallel_loop3A_211 : i32 to index
      %parallel_loop3A_213 = arith.index_cast %parallel_loop3A_94 : i32 to index
      %parallel_loop3A_214 = tpu.vector_load %arg7[%parallel_loop3A_212, %parallel_loop3A_213] {strides = array<i32>} : memref<32x512xi32, #tpu.memory_space<vmem>>, vector<16xi32>,
      %parallel_loop3A_215 = arith.constant 17 : i32
      %parallel_loop3A_216 = arith.index_cast %parallel_loop3A_215 : i32 to index
      %parallel_loop3A_217 = arith.index_cast %parallel_loop3A_94 : i32 to index
      %parallel_loop3A_218 = tpu.vector_load %arg7[%parallel_loop3A_216, %parallel_loop3A_217] {strides = array<i32>} : memref<32x512xi32, #tpu.memory_space<vmem>>, vector<16xi32>,
      %parallel_loop3A_219 = arith.constant 4096 : i32
      %parallel_loop3A_220 = vector.broadcast %parallel_loop3A_219 : i32 to vector<16xi32>
      %parallel_loop3A_221 = arith.addi %parallel_loop3A_214, %parallel_loop3A_220 : vector<16xi32>
      %parallel_loop3A_222 = arith.constant 4352 : i32
      %parallel_loop3A_223 = vector.broadcast %parallel_loop3A_222 : i32 to vector<16xi32>
      %parallel_loop3A_224 = arith.addi %parallel_loop3A_218, %parallel_loop3A_223 : vector<16xi32>
      tpu.vector_store_idx %arg16[%parallel_loop3A_221], %parallel_loop3A_96 {add = true} : memref<8192xf32, #tpu.memory_space<vmem>>[vector<16xi32>], vector<16xf32>,
      tpu.vector_store_idx %arg16[%parallel_loop3A_224], %parallel_loop3A_96 {add = true} : memref<8192xf32, #tpu.memory_space<vmem>>[vector<16xi32>], vector<16xf32>,
      tpu.vector_store_idx %arg17[%parallel_loop3A_221], %parallel_loop3A_98 {add = true} : memref<8192xf32, #tpu.memory_space<vmem>>[vector<16xi32>], vector<16xf32>,
      tpu.vector_store_idx %arg17[%parallel_loop3A_224], %parallel_loop3A_98 {add = true} : memref<8192xf32, #tpu.memory_space<vmem>>[vector<16xi32>], vector<16xf32>,
      %parallel_loop3A_225 = arith.constant 18 : i32
      %parallel_loop3A_226 = arith.index_cast %parallel_loop3A_225 : i32 to index
      %parallel_loop3A_227 = arith.index_cast %parallel_loop3A_94 : i32 to index
      %parallel_loop3A_228 = tpu.vector_load %arg7[%parallel_loop3A_226, %parallel_loop3A_227] {strides = array<i32>} : memref<32x512xi32, #tpu.memory_space<vmem>>, vector<16xi32>,
      %parallel_loop3A_229 = arith.constant 19 : i32
      %parallel_loop3A_230 = arith.index_cast %parallel_loop3A_229 : i32 to index
      %parallel_loop3A_231 = arith.index_cast %parallel_loop3A_94 : i32 to index
      %parallel_loop3A_232 = tpu.vector_load %arg7[%parallel_loop3A_230, %parallel_loop3A_231] {strides = array<i32>} : memref<32x512xi32, #tpu.memory_space<vmem>>, vector<16xi32>,
      %parallel_loop3A_233 = arith.constant 4608 : i32
      %parallel_loop3A_234 = vector.broadcast %parallel_loop3A_233 : i32 to vector<16xi32>
      %parallel_loop3A_235 = arith.addi %parallel_loop3A_228, %parallel_loop3A_234 : vector<16xi32>
      %parallel_loop3A_236 = arith.constant 4864 : i32
      %parallel_loop3A_237 = vector.broadcast %parallel_loop3A_236 : i32 to vector<16xi32>
      %parallel_loop3A_238 = arith.addi %parallel_loop3A_232, %parallel_loop3A_237 : vector<16xi32>
      tpu.vector_store_idx %arg16[%parallel_loop3A_235], %parallel_loop3A_96 {add = true} : memref<8192xf32, #tpu.memory_space<vmem>>[vector<16xi32>], vector<16xf32>,
      tpu.vector_store_idx %arg16[%parallel_loop3A_238], %parallel_loop3A_96 {add = true} : memref<8192xf32, #tpu.memory_space<vmem>>[vector<16xi32>], vector<16xf32>,
      tpu.vector_store_idx %arg17[%parallel_loop3A_235], %parallel_loop3A_98 {add = true} : memref<8192xf32, #tpu.memory_space<vmem>>[vector<16xi32>], vector<16xf32>,
      tpu.vector_store_idx %arg17[%parallel_loop3A_238], %parallel_loop3A_98 {add = true} : memref<8192xf32, #tpu.memory_space<vmem>>[vector<16xi32>], vector<16xf32>,
      %parallel_loop3A_239 = arith.constant 20 : i32
      %parallel_loop3A_240 = arith.index_cast %parallel_loop3A_239 : i32 to index
      %parallel_loop3A_241 = arith.index_cast %parallel_loop3A_94 : i32 to index
      %parallel_loop3A_242 = tpu.vector_load %arg7[%parallel_loop3A_240, %parallel_loop3A_241] {strides = array<i32>} : memref<32x512xi32, #tpu.memory_space<vmem>>, vector<16xi32>,
      %parallel_loop3A_243 = arith.constant 21 : i32
      %parallel_loop3A_244 = arith.index_cast %parallel_loop3A_243 : i32 to index
      %parallel_loop3A_245 = arith.index_cast %parallel_loop3A_94 : i32 to index
      %parallel_loop3A_246 = tpu.vector_load %arg7[%parallel_loop3A_244, %parallel_loop3A_245] {strides = array<i32>} : memref<32x512xi32, #tpu.memory_space<vmem>>, vector<16xi32>,
      %parallel_loop3A_247 = arith.constant 5120 : i32
      %parallel_loop3A_248 = vector.broadcast %parallel_loop3A_247 : i32 to vector<16xi32>
      %parallel_loop3A_249 = arith.addi %parallel_loop3A_242, %parallel_loop3A_248 : vector<16xi32>
      %parallel_loop3A_250 = arith.constant 5376 : i32
      %parallel_loop3A_251 = vector.broadcast %parallel_loop3A_250 : i32 to vector<16xi32>
      %parallel_loop3A_252 = arith.addi %parallel_loop3A_246, %parallel_loop3A_251 : vector<16xi32>
      tpu.vector_store_idx %arg16[%parallel_loop3A_249], %parallel_loop3A_96 {add = true} : memref<8192xf32, #tpu.memory_space<vmem>>[vector<16xi32>], vector<16xf32>,
      tpu.vector_store_idx %arg16[%parallel_loop3A_252], %parallel_loop3A_96 {add = true} : memref<8192xf32, #tpu.memory_space<vmem>>[vector<16xi32>], vector<16xf32>,
      tpu.vector_store_idx %arg17[%parallel_loop3A_249], %parallel_loop3A_98 {add = true} : memref<8192xf32, #tpu.memory_space<vmem>>[vector<16xi32>], vector<16xf32>,
      tpu.vector_store_idx %arg17[%parallel_loop3A_252], %parallel_loop3A_98 {add = true} : memref<8192xf32, #tpu.memory_space<vmem>>[vector<16xi32>], vector<16xf32>,
      %parallel_loop3A_253 = arith.constant 22 : i32
      %parallel_loop3A_254 = arith.index_cast %parallel_loop3A_253 : i32 to index
      %parallel_loop3A_255 = arith.index_cast %parallel_loop3A_94 : i32 to index
      %parallel_loop3A_256 = tpu.vector_load %arg7[%parallel_loop3A_254, %parallel_loop3A_255] {strides = array<i32>} : memref<32x512xi32, #tpu.memory_space<vmem>>, vector<16xi32>,
      %parallel_loop3A_257 = arith.constant 23 : i32
      %parallel_loop3A_258 = arith.index_cast %parallel_loop3A_257 : i32 to index
      %parallel_loop3A_259 = arith.index_cast %parallel_loop3A_94 : i32 to index
      %parallel_loop3A_260 = tpu.vector_load %arg7[%parallel_loop3A_258, %parallel_loop3A_259] {strides = array<i32>} : memref<32x512xi32, #tpu.memory_space<vmem>>, vector<16xi32>,
      %parallel_loop3A_261 = arith.constant 5632 : i32
      %parallel_loop3A_262 = vector.broadcast %parallel_loop3A_261 : i32 to vector<16xi32>
      %parallel_loop3A_263 = arith.addi %parallel_loop3A_256, %parallel_loop3A_262 : vector<16xi32>
      %parallel_loop3A_264 = arith.constant 5888 : i32
      %parallel_loop3A_265 = vector.broadcast %parallel_loop3A_264 : i32 to vector<16xi32>
      %parallel_loop3A_266 = arith.addi %parallel_loop3A_260, %parallel_loop3A_265 : vector<16xi32>
      tpu.vector_store_idx %arg16[%parallel_loop3A_263], %parallel_loop3A_96 {add = true} : memref<8192xf32, #tpu.memory_space<vmem>>[vector<16xi32>], vector<16xf32>,
      tpu.vector_store_idx %arg16[%parallel_loop3A_266], %parallel_loop3A_96 {add = true} : memref<8192xf32, #tpu.memory_space<vmem>>[vector<16xi32>], vector<16xf32>,
      tpu.vector_store_idx %arg17[%parallel_loop3A_263], %parallel_loop3A_98 {add = true} : memref<8192xf32, #tpu.memory_space<vmem>>[vector<16xi32>], vector<16xf32>,
      tpu.vector_store_idx %arg17[%parallel_loop3A_266], %parallel_loop3A_98 {add = true} : memref<8192xf32, #tpu.memory_space<vmem>>[vector<16xi32>], vector<16xf32>,
      %parallel_loop3A_267 = arith.constant 24 : i32
      %parallel_loop3A_268 = arith.index_cast %parallel_loop3A_267 : i32 to index
      %parallel_loop3A_269 = arith.index_cast %parallel_loop3A_94 : i32 to index
      %parallel_loop3A_270 = tpu.vector_load %arg7[%parallel_loop3A_268, %parallel_loop3A_269] {strides = array<i32>} : memref<32x512xi32, #tpu.memory_space<vmem>>, vector<16xi32>,
      %parallel_loop3A_271 = arith.constant 25 : i32
      %parallel_loop3A_272 = arith.index_cast %parallel_loop3A_271 : i32 to index
      %parallel_loop3A_273 = arith.index_cast %parallel_loop3A_94 : i32 to index
      %parallel_loop3A_274 = tpu.vector_load %arg7[%parallel_loop3A_272, %parallel_loop3A_273] {strides = array<i32>} : memref<32x512xi32, #tpu.memory_space<vmem>>, vector<16xi32>,
      %parallel_loop3A_275 = arith.constant 6144 : i32
      %parallel_loop3A_276 = vector.broadcast %parallel_loop3A_275 : i32 to vector<16xi32>
      %parallel_loop3A_277 = arith.addi %parallel_loop3A_270, %parallel_loop3A_276 : vector<16xi32>
      %parallel_loop3A_278 = arith.constant 6400 : i32
      %parallel_loop3A_279 = vector.broadcast %parallel_loop3A_278 : i32 to vector<16xi32>
      %parallel_loop3A_280 = arith.addi %parallel_loop3A_274, %parallel_loop3A_279 : vector<16xi32>
      tpu.vector_store_idx %arg16[%parallel_loop3A_277], %parallel_loop3A_96 {add = true} : memref<8192xf32, #tpu.memory_space<vmem>>[vector<16xi32>], vector<16xf32>,
      tpu.vector_store_idx %arg16[%parallel_loop3A_280], %parallel_loop3A_96 {add = true} : memref<8192xf32, #tpu.memory_space<vmem>>[vector<16xi32>], vector<16xf32>,
      tpu.vector_store_idx %arg17[%parallel_loop3A_277], %parallel_loop3A_98 {add = true} : memref<8192xf32, #tpu.memory_space<vmem>>[vector<16xi32>], vector<16xf32>,
      tpu.vector_store_idx %arg17[%parallel_loop3A_280], %parallel_loop3A_98 {add = true} : memref<8192xf32, #tpu.memory_space<vmem>>[vector<16xi32>], vector<16xf32>,
      %parallel_loop3A_281 = arith.constant 26 : i32
      %parallel_loop3A_282 = arith.index_cast %parallel_loop3A_281 : i32 to index
      %parallel_loop3A_283 = arith.index_cast %parallel_loop3A_94 : i32 to index
      %parallel_loop3A_284 = tpu.vector_load %arg7[%parallel_loop3A_282, %parallel_loop3A_283] {strides = array<i32>} : memref<32x512xi32, #tpu.memory_space<vmem>>, vector<16xi32>,
      %parallel_loop3A_285 = arith.constant 27 : i32
      %parallel_loop3A_286 = arith.index_cast %parallel_loop3A_285 : i32 to index
      %parallel_loop3A_287 = arith.index_cast %parallel_loop3A_94 : i32 to index
      %parallel_loop3A_288 = tpu.vector_load %arg7[%parallel_loop3A_286, %parallel_loop3A_287] {strides = array<i32>} : memref<32x512xi32, #tpu.memory_space<vmem>>, vector<16xi32>,
      %parallel_loop3A_289 = arith.constant 6656 : i32
      %parallel_loop3A_290 = vector.broadcast %parallel_loop3A_289 : i32 to vector<16xi32>
      %parallel_loop3A_291 = arith.addi %parallel_loop3A_284, %parallel_loop3A_290 : vector<16xi32>
      %parallel_loop3A_292 = arith.constant 6912 : i32
      %parallel_loop3A_293 = vector.broadcast %parallel_loop3A_292 : i32 to vector<16xi32>
      %parallel_loop3A_294 = arith.addi %parallel_loop3A_288, %parallel_loop3A_293 : vector<16xi32>
      tpu.vector_store_idx %arg16[%parallel_loop3A_291], %parallel_loop3A_96 {add = true} : memref<8192xf32, #tpu.memory_space<vmem>>[vector<16xi32>], vector<16xf32>,
      tpu.vector_store_idx %arg16[%parallel_loop3A_294], %parallel_loop3A_96 {add = true} : memref<8192xf32, #tpu.memory_space<vmem>>[vector<16xi32>], vector<16xf32>,
      tpu.vector_store_idx %arg17[%parallel_loop3A_291], %parallel_loop3A_98 {add = true} : memref<8192xf32, #tpu.memory_space<vmem>>[vector<16xi32>], vector<16xf32>,
      tpu.vector_store_idx %arg17[%parallel_loop3A_294], %parallel_loop3A_98 {add = true} : memref<8192xf32, #tpu.memory_space<vmem>>[vector<16xi32>], vector<16xf32>,
      %parallel_loop3A_295 = arith.constant 28 : i32
      %parallel_loop3A_296 = arith.index_cast %parallel_loop3A_295 : i32 to index
      %parallel_loop3A_297 = arith.index_cast %parallel_loop3A_94 : i32 to index
      %parallel_loop3A_298 = tpu.vector_load %arg7[%parallel_loop3A_296, %parallel_loop3A_297] {strides = array<i32>} : memref<32x512xi32, #tpu.memory_space<vmem>>, vector<16xi32>,
      %parallel_loop3A_299 = arith.constant 29 : i32
      %parallel_loop3A_300 = arith.index_cast %parallel_loop3A_299 : i32 to index
      %parallel_loop3A_301 = arith.index_cast %parallel_loop3A_94 : i32 to index
      %parallel_loop3A_302 = tpu.vector_load %arg7[%parallel_loop3A_300, %parallel_loop3A_301] {strides = array<i32>} : memref<32x512xi32, #tpu.memory_space<vmem>>, vector<16xi32>,
      %parallel_loop3A_303 = arith.constant 7168 : i32
      %parallel_loop3A_304 = vector.broadcast %parallel_loop3A_303 : i32 to vector<16xi32>
      %parallel_loop3A_305 = arith.addi %parallel_loop3A_298, %parallel_loop3A_304 : vector<16xi32>
      %parallel_loop3A_306 = arith.constant 7424 : i32
      %parallel_loop3A_307 = vector.broadcast %parallel_loop3A_306 : i32 to vector<16xi32>
      %parallel_loop3A_308 = arith.addi %parallel_loop3A_302, %parallel_loop3A_307 : vector<16xi32>
      tpu.vector_store_idx %arg16[%parallel_loop3A_305], %parallel_loop3A_96 {add = true} : memref<8192xf32, #tpu.memory_space<vmem>>[vector<16xi32>], vector<16xf32>,
      tpu.vector_store_idx %arg16[%parallel_loop3A_308], %parallel_loop3A_96 {add = true} : memref<8192xf32, #tpu.memory_space<vmem>>[vector<16xi32>], vector<16xf32>,
      tpu.vector_store_idx %arg17[%parallel_loop3A_305], %parallel_loop3A_98 {add = true} : memref<8192xf32, #tpu.memory_space<vmem>>[vector<16xi32>], vector<16xf32>,
      tpu.vector_store_idx %arg17[%parallel_loop3A_308], %parallel_loop3A_98 {add = true} : memref<8192xf32, #tpu.memory_space<vmem>>[vector<16xi32>], vector<16xf32>,
      %parallel_loop3A_309 = arith.constant 30 : i32
      %parallel_loop3A_310 = arith.index_cast %parallel_loop3A_309 : i32 to index
      %parallel_loop3A_311 = arith.index_cast %parallel_loop3A_94 : i32 to index
      %parallel_loop3A_312 = tpu.vector_load %arg7[%parallel_loop3A_310, %parallel_loop3A_311] {strides = array<i32>} : memref<32x512xi32, #tpu.memory_space<vmem>>, vector<16xi32>,
      %parallel_loop3A_313 = arith.constant 31 : i32
      %parallel_loop3A_314 = arith.index_cast %parallel_loop3A_313 : i32 to index
      %parallel_loop3A_315 = arith.index_cast %parallel_loop3A_94 : i32 to index
      %parallel_loop3A_316 = tpu.vector_load %arg7[%parallel_loop3A_314, %parallel_loop3A_315] {strides = array<i32>} : memref<32x512xi32, #tpu.memory_space<vmem>>, vector<16xi32>,
      %parallel_loop3A_317 = arith.constant 7680 : i32
      %parallel_loop3A_318 = vector.broadcast %parallel_loop3A_317 : i32 to vector<16xi32>
      %parallel_loop3A_319 = arith.addi %parallel_loop3A_312, %parallel_loop3A_318 : vector<16xi32>
      %parallel_loop3A_320 = arith.constant 7936 : i32
      %parallel_loop3A_321 = vector.broadcast %parallel_loop3A_320 : i32 to vector<16xi32>
      %parallel_loop3A_322 = arith.addi %parallel_loop3A_316, %parallel_loop3A_321 : vector<16xi32>
      tpu.vector_store_idx %arg16[%parallel_loop3A_319], %parallel_loop3A_96 {add = true} : memref<8192xf32, #tpu.memory_space<vmem>>[vector<16xi32>], vector<16xf32>,
      tpu.vector_store_idx %arg16[%parallel_loop3A_322], %parallel_loop3A_96 {add = true} : memref<8192xf32, #tpu.memory_space<vmem>>[vector<16xi32>], vector<16xf32>,
      tpu.vector_store_idx %arg17[%parallel_loop3A_319], %parallel_loop3A_98 {add = true} : memref<8192xf32, #tpu.memory_space<vmem>>[vector<16xi32>], vector<16xf32>,
      tpu.vector_store_idx %arg17[%parallel_loop3A_322], %parallel_loop3A_98 {add = true} : memref<8192xf32, #tpu.memory_space<vmem>>[vector<16xi32>], vector<16xf32>,
    } {sc.loop_unroll_factor = 2 : i64, sc.parallel_access}
    %eq3A = arith.constant 0 : i32
    %eq3A_86 = arith.cmpi eq, %add3A, %eq3A : i32
    %convert_element_type3A = arith.extui %eq3A_86 : i1 to i32
    %cond3A = arith.constant 0 : i32
    %cond3A_87 = arith.cmpi ne, %convert_element_type3A, %cond3A : i32
    scf.if %cond3A_87 {
      %dma_start3A_92 = arith.constant 0 : i32
      %dma_start3A_93 = arith.constant 0 : i32
      %dma_start3A_94 = tpu.memref_slice %arg8[%dma_start3A_92, %dma_start3A_93] : memref<32x512xi32, #tpu.memory_space<vmem>> -> memref<32x256xi32, #tpu.memory_space<vmem>>
      %dma_start3A_95 = arith.constant 0 : i32
      %dma_start3A_96 = arith.constant 499712 : i32
      %dma_start3A_97 = tpu.memref_slice %arg2[%dma_start3A_95, %dma_start3A_96] : memref<32x500000xi32, #tpu.memory_space<hbm>> -> memref<32x256xi32, #tpu.memory_space<hbm>>
      %dma_start3A_98 = arith.constant 0 : i32
      %dma_start3A_99 = arith.constant 0 : i32
      %dma_start3A_100 = tpu.memref_slice %arg8[%dma_start3A_98, %dma_start3A_99] : memref<32x512xi32, #tpu.memory_space<vmem>> -> memref<32x256xi32, #tpu.memory_space<vmem>>
      %dma_start3A_101 = arith.constant 0 : i32
      %dma_start3A_102 = arith.constant 499712 : i32
      %dma_start3A_103 = tpu.memref_slice %arg2[%dma_start3A_101, %dma_start3A_102] : memref<32x500000xi32, #tpu.memory_space<hbm>> -> memref<32x256xi32, #tpu.memory_space<hbm>>
      tpu.enqueue_dma source(%dma_start3A_103 : memref<32x256xi32, #tpu.memory_space<hbm>>) target(%dma_start3A_100 : memref<32x256xi32, #tpu.memory_space<vmem>>) target_semaphore(%arg19 : memref<!tpu.dma_semaphore, #tpu.memory_space<semaphore_mem>>)
      %dma_start3A_104 = arith.constant 0 : i32
      %dma_start3A_105 = tpu.memref_slice %arg11[%dma_start3A_104] : memref<528xf32, #tpu.memory_space<vmem>> -> memref<256xf32, #tpu.memory_space<vmem>>
      %dma_start3A_106 = arith.constant 499712 : i32
      %dma_start3A_107 = tpu.memref_slice %arg3[%dma_start3A_106] : memref<500000xf32, #tpu.memory_space<hbm>> -> memref<256xf32, #tpu.memory_space<hbm>>
      %dma_start3A_108 = arith.constant 0 : i32
      %dma_start3A_109 = tpu.memref_slice %arg11[%dma_start3A_108] : memref<528xf32, #tpu.memory_space<vmem>> -> memref<256xf32, #tpu.memory_space<vmem>>
      %dma_start3A_110 = arith.constant 499712 : i32
      %dma_start3A_111 = tpu.memref_slice %arg3[%dma_start3A_110] : memref<500000xf32, #tpu.memory_space<hbm>> -> memref<256xf32, #tpu.memory_space<hbm>>
      tpu.enqueue_dma source(%dma_start3A_111 : memref<256xf32, #tpu.memory_space<hbm>>) target(%dma_start3A_109 : memref<256xf32, #tpu.memory_space<vmem>>) target_semaphore(%arg19 : memref<!tpu.dma_semaphore, #tpu.memory_space<semaphore_mem>>)
      %dma_start3A_112 = arith.constant 0 : i32
      %dma_start3A_113 = tpu.memref_slice %arg14[%dma_start3A_112] : memref<528xf32, #tpu.memory_space<vmem>> -> memref<256xf32, #tpu.memory_space<vmem>>
      %dma_start3A_114 = arith.constant 499712 : i32
      %dma_start3A_115 = tpu.memref_slice %arg4[%dma_start3A_114] : memref<500000xf32, #tpu.memory_space<hbm>> -> memref<256xf32, #tpu.memory_space<hbm>>
      %dma_start3A_116 = arith.constant 0 : i32
      %dma_start3A_117 = tpu.memref_slice %arg14[%dma_start3A_116] : memref<528xf32, #tpu.memory_space<vmem>> -> memref<256xf32, #tpu.memory_space<vmem>>
      %dma_start3A_118 = arith.constant 499712 : i32
      %dma_start3A_119 = tpu.memref_slice %arg4[%dma_start3A_118] : memref<500000xf32, #tpu.memory_space<hbm>> -> memref<256xf32, #tpu.memory_space<hbm>>
      tpu.enqueue_dma source(%dma_start3A_119 : memref<256xf32, #tpu.memory_space<hbm>>) target(%dma_start3A_117 : memref<256xf32, #tpu.memory_space<vmem>>) target_semaphore(%arg19 : memref<!tpu.dma_semaphore, #tpu.memory_space<semaphore_mem>>)
      %dma_wait3A_120 = arith.constant 0 : i32
      %dma_wait3A_121 = arith.constant 0 : i32
      %dma_wait3A_122 = tpu.memref_slice %arg8[%dma_wait3A_120, %dma_wait3A_121] : memref<32x512xi32, #tpu.memory_space<vmem>> -> memref<32x256xi32, #tpu.memory_space<vmem>>
      %dma_wait3A_123 = arith.constant 0 : i32
      %dma_wait3A_124 = arith.constant 0 : i32
      %dma_wait3A_125 = tpu.memref_slice %arg2[%dma_wait3A_123, %dma_wait3A_124] : memref<32x500000xi32, #tpu.memory_space<hbm>> -> memref<32x256xi32, #tpu.memory_space<hbm>>
      %dma_wait3A_126 = arith.constant 0 : i32
      %dma_wait3A_127 = arith.constant 0 : i32
      %dma_wait3A_128 = tpu.memref_slice %arg8[%dma_wait3A_126, %dma_wait3A_127] : memref<32x512xi32, #tpu.memory_space<vmem>> -> memref<32x256xi32, #tpu.memory_space<vmem>>
      %dma_wait3A_129 = arith.constant 0 : i32
      %dma_wait3A_130 = arith.constant 0 : i32
      %dma_wait3A_131 = tpu.memref_slice %arg2[%dma_wait3A_129, %dma_wait3A_130] : memref<32x500000xi32, #tpu.memory_space<hbm>> -> memref<32x256xi32, #tpu.memory_space<hbm>>
      tpu.wait_dma2 semaphore(%arg19 : memref<!tpu.dma_semaphore, #tpu.memory_space<semaphore_mem>>) src(%dma_wait3A_131 : memref<32x256xi32, #tpu.memory_space<hbm>>) dst(%dma_wait3A_128 : memref<32x256xi32, #tpu.memory_space<vmem>>)
      %dma_wait3A_132 = arith.constant 0 : i32
      %dma_wait3A_133 = tpu.memref_slice %arg11[%dma_wait3A_132] : memref<528xf32, #tpu.memory_space<vmem>> -> memref<256xf32, #tpu.memory_space<vmem>>
      %dma_wait3A_134 = arith.constant 0 : i32
      %dma_wait3A_135 = tpu.memref_slice %arg3[%dma_wait3A_134] : memref<500000xf32, #tpu.memory_space<hbm>> -> memref<256xf32, #tpu.memory_space<hbm>>
      %dma_wait3A_136 = arith.constant 0 : i32
      %dma_wait3A_137 = tpu.memref_slice %arg11[%dma_wait3A_136] : memref<528xf32, #tpu.memory_space<vmem>> -> memref<256xf32, #tpu.memory_space<vmem>>
      %dma_wait3A_138 = arith.constant 0 : i32
      %dma_wait3A_139 = tpu.memref_slice %arg3[%dma_wait3A_138] : memref<500000xf32, #tpu.memory_space<hbm>> -> memref<256xf32, #tpu.memory_space<hbm>>
      tpu.wait_dma2 semaphore(%arg19 : memref<!tpu.dma_semaphore, #tpu.memory_space<semaphore_mem>>) src(%dma_wait3A_139 : memref<256xf32, #tpu.memory_space<hbm>>) dst(%dma_wait3A_137 : memref<256xf32, #tpu.memory_space<vmem>>)
      %dma_wait3A_140 = arith.constant 0 : i32
      %dma_wait3A_141 = tpu.memref_slice %arg14[%dma_wait3A_140] : memref<528xf32, #tpu.memory_space<vmem>> -> memref<256xf32, #tpu.memory_space<vmem>>
      %dma_wait3A_142 = arith.constant 0 : i32
      %dma_wait3A_143 = tpu.memref_slice %arg4[%dma_wait3A_142] : memref<500000xf32, #tpu.memory_space<hbm>> -> memref<256xf32, #tpu.memory_space<hbm>>
      %dma_wait3A_144 = arith.constant 0 : i32
      %dma_wait3A_145 = tpu.memref_slice %arg14[%dma_wait3A_144] : memref<528xf32, #tpu.memory_space<vmem>> -> memref<256xf32, #tpu.memory_space<vmem>>
      %dma_wait3A_146 = arith.constant 0 : i32
      %dma_wait3A_147 = tpu.memref_slice %arg4[%dma_wait3A_146] : memref<500000xf32, #tpu.memory_space<hbm>> -> memref<256xf32, #tpu.memory_space<hbm>>
      tpu.wait_dma2 semaphore(%arg19 : memref<!tpu.dma_semaphore, #tpu.memory_space<semaphore_mem>>) src(%dma_wait3A_147 : memref<256xf32, #tpu.memory_space<hbm>>) dst(%dma_wait3A_145 : memref<256xf32, #tpu.memory_space<vmem>>)
      %parallel_loop3A_148 = arith.constant 0 : i32
      %parallel_loop3A_149 = arith.constant 16 : i32
      %parallel_loop3A_150 = arith.constant 1 : i32
      scf.for %parallel_loop3A_151 = %parallel_loop3A_148 to %parallel_loop3A_149 step %parallel_loop3A_150  : i32 {
        %parallel_loop3A_152 = arith.constant 16 : i32
        %parallel_loop3A_153 = arith.muli %parallel_loop3A_151, %parallel_loop3A_152 : i32
        %parallel_loop3A_154 = arith.index_cast %parallel_loop3A_153 : i32 to index
        %parallel_loop3A_155 = tpu.vector_load %arg11[%parallel_loop3A_154] {strides = array<i32>} : memref<528xf32, #tpu.memory_space<vmem>>, vector<16xf32>,
        %parallel_loop3A_156 = arith.index_cast %parallel_loop3A_153 : i32 to index
        %parallel_loop3A_157 = tpu.vector_load %arg14[%parallel_loop3A_156] {strides = array<i32>} : memref<528xf32, #tpu.memory_space<vmem>>, vector<16xf32>,
        %parallel_loop3A_158 = arith.constant 0 : i32
        %parallel_loop3A_159 = arith.index_cast %parallel_loop3A_158 : i32 to index
        %parallel_loop3A_160 = arith.index_cast %parallel_loop3A_153 : i32 to index
        %parallel_loop3A_161 = tpu.vector_load %arg8[%parallel_loop3A_159, %parallel_loop3A_160] {strides = array<i32>} : memref<32x512xi32, #tpu.memory_space<vmem>>, vector<16xi32>,
        %parallel_loop3A_162 = arith.constant 1 : i32
        %parallel_loop3A_163 = arith.index_cast %parallel_loop3A_162 : i32 to index
        %parallel_loop3A_164 = arith.index_cast %parallel_loop3A_153 : i32 to index
        %parallel_loop3A_165 = tpu.vector_load %arg8[%parallel_loop3A_163, %parallel_loop3A_164] {strides = array<i32>} : memref<32x512xi32, #tpu.memory_space<vmem>>, vector<16xi32>,
        %parallel_loop3A_166 = arith.constant 0 : i32
        %parallel_loop3A_167 = vector.broadcast %parallel_loop3A_166 : i32 to vector<16xi32>
        %parallel_loop3A_168 = arith.addi %parallel_loop3A_161, %parallel_loop3A_167 : vector<16xi32>
        %parallel_loop3A_169 = arith.constant 256 : i32
        %parallel_loop3A_170 = vector.broadcast %parallel_loop3A_169 : i32 to vector<16xi32>
        %parallel_loop3A_171 = arith.addi %parallel_loop3A_165, %parallel_loop3A_170 : vector<16xi32>
        tpu.vector_store_idx %arg16[%parallel_loop3A_168], %parallel_loop3A_155 {add = true} : memref<8192xf32, #tpu.memory_space<vmem>>[vector<16xi32>], vector<16xf32>,
        tpu.vector_store_idx %arg16[%parallel_loop3A_171], %parallel_loop3A_155 {add = true} : memref<8192xf32, #tpu.memory_space<vmem>>[vector<16xi32>], vector<16xf32>,
        tpu.vector_store_idx %arg17[%parallel_loop3A_168], %parallel_loop3A_157 {add = true} : memref<8192xf32, #tpu.memory_space<vmem>>[vector<16xi32>], vector<16xf32>,
        tpu.vector_store_idx %arg17[%parallel_loop3A_171], %parallel_loop3A_157 {add = true} : memref<8192xf32, #tpu.memory_space<vmem>>[vector<16xi32>], vector<16xf32>,
        %parallel_loop3A_172 = arith.constant 2 : i32
        %parallel_loop3A_173 = arith.index_cast %parallel_loop3A_172 : i32 to index
        %parallel_loop3A_174 = arith.index_cast %parallel_loop3A_153 : i32 to index
        %parallel_loop3A_175 = tpu.vector_load %arg8[%parallel_loop3A_173, %parallel_loop3A_174] {strides = array<i32>} : memref<32x512xi32, #tpu.memory_space<vmem>>, vector<16xi32>,
        %parallel_loop3A_176 = arith.constant 3 : i32
        %parallel_loop3A_177 = arith.index_cast %parallel_loop3A_176 : i32 to index
        %parallel_loop3A_178 = arith.index_cast %parallel_loop3A_153 : i32 to index
        %parallel_loop3A_179 = tpu.vector_load %arg8[%parallel_loop3A_177, %parallel_loop3A_178] {strides = array<i32>} : memref<32x512xi32, #tpu.memory_space<vmem>>, vector<16xi32>,
        %parallel_loop3A_180 = arith.constant 512 : i32
        %parallel_loop3A_181 = vector.broadcast %parallel_loop3A_180 : i32 to vector<16xi32>
        %parallel_loop3A_182 = arith.addi %parallel_loop3A_175, %parallel_loop3A_181 : vector<16xi32>
        %parallel_loop3A_183 = arith.constant 768 : i32
        %parallel_loop3A_184 = vector.broadcast %parallel_loop3A_183 : i32 to vector<16xi32>
        %parallel_loop3A_185 = arith.addi %parallel_loop3A_179, %parallel_loop3A_184 : vector<16xi32>
        tpu.vector_store_idx %arg16[%parallel_loop3A_182], %parallel_loop3A_155 {add = true} : memref<8192xf32, #tpu.memory_space<vmem>>[vector<16xi32>], vector<16xf32>,
        tpu.vector_store_idx %arg16[%parallel_loop3A_185], %parallel_loop3A_155 {add = true} : memref<8192xf32, #tpu.memory_space<vmem>>[vector<16xi32>], vector<16xf32>,
        tpu.vector_store_idx %arg17[%parallel_loop3A_182], %parallel_loop3A_157 {add = true} : memref<8192xf32, #tpu.memory_space<vmem>>[vector<16xi32>], vector<16xf32>,
        tpu.vector_store_idx %arg17[%parallel_loop3A_185], %parallel_loop3A_157 {add = true} : memref<8192xf32, #tpu.memory_space<vmem>>[vector<16xi32>], vector<16xf32>,
        %parallel_loop3A_186 = arith.constant 4 : i32
        %parallel_loop3A_187 = arith.index_cast %parallel_loop3A_186 : i32 to index
        %parallel_loop3A_188 = arith.index_cast %parallel_loop3A_153 : i32 to index
        %parallel_loop3A_189 = tpu.vector_load %arg8[%parallel_loop3A_187, %parallel_loop3A_188] {strides = array<i32>} : memref<32x512xi32, #tpu.memory_space<vmem>>, vector<16xi32>,
        %parallel_loop3A_190 = arith.constant 5 : i32
        %parallel_loop3A_191 = arith.index_cast %parallel_loop3A_190 : i32 to index
        %parallel_loop3A_192 = arith.index_cast %parallel_loop3A_153 : i32 to index
        %parallel_loop3A_193 = tpu.vector_load %arg8[%parallel_loop3A_191, %parallel_loop3A_192] {strides = array<i32>} : memref<32x512xi32, #tpu.memory_space<vmem>>, vector<16xi32>,
        %parallel_loop3A_194 = arith.constant 1024 : i32
        %parallel_loop3A_195 = vector.broadcast %parallel_loop3A_194 : i32 to vector<16xi32>
        %parallel_loop3A_196 = arith.addi %parallel_loop3A_189, %parallel_loop3A_195 : vector<16xi32>
        %parallel_loop3A_197 = arith.constant 1280 : i32
        %parallel_loop3A_198 = vector.broadcast %parallel_loop3A_197 : i32 to vector<16xi32>
        %parallel_loop3A_199 = arith.addi %parallel_loop3A_193, %parallel_loop3A_198 : vector<16xi32>
        tpu.vector_store_idx %arg16[%parallel_loop3A_196], %parallel_loop3A_155 {add = true} : memref<8192xf32, #tpu.memory_space<vmem>>[vector<16xi32>], vector<16xf32>,
        tpu.vector_store_idx %arg16[%parallel_loop3A_199], %parallel_loop3A_155 {add = true} : memref<8192xf32, #tpu.memory_space<vmem>>[vector<16xi32>], vector<16xf32>,
        tpu.vector_store_idx %arg17[%parallel_loop3A_196], %parallel_loop3A_157 {add = true} : memref<8192xf32, #tpu.memory_space<vmem>>[vector<16xi32>], vector<16xf32>,
        tpu.vector_store_idx %arg17[%parallel_loop3A_199], %parallel_loop3A_157 {add = true} : memref<8192xf32, #tpu.memory_space<vmem>>[vector<16xi32>], vector<16xf32>,
        %parallel_loop3A_200 = arith.constant 6 : i32
        %parallel_loop3A_201 = arith.index_cast %parallel_loop3A_200 : i32 to index
        %parallel_loop3A_202 = arith.index_cast %parallel_loop3A_153 : i32 to index
        %parallel_loop3A_203 = tpu.vector_load %arg8[%parallel_loop3A_201, %parallel_loop3A_202] {strides = array<i32>} : memref<32x512xi32, #tpu.memory_space<vmem>>, vector<16xi32>,
        %parallel_loop3A_204 = arith.constant 7 : i32
        %parallel_loop3A_205 = arith.index_cast %parallel_loop3A_204 : i32 to index
        %parallel_loop3A_206 = arith.index_cast %parallel_loop3A_153 : i32 to index
        %parallel_loop3A_207 = tpu.vector_load %arg8[%parallel_loop3A_205, %parallel_loop3A_206] {strides = array<i32>} : memref<32x512xi32, #tpu.memory_space<vmem>>, vector<16xi32>,
        %parallel_loop3A_208 = arith.constant 1536 : i32
        %parallel_loop3A_209 = vector.broadcast %parallel_loop3A_208 : i32 to vector<16xi32>
        %parallel_loop3A_210 = arith.addi %parallel_loop3A_203, %parallel_loop3A_209 : vector<16xi32>
        %parallel_loop3A_211 = arith.constant 1792 : i32
        %parallel_loop3A_212 = vector.broadcast %parallel_loop3A_211 : i32 to vector<16xi32>
        %parallel_loop3A_213 = arith.addi %parallel_loop3A_207, %parallel_loop3A_212 : vector<16xi32>
        tpu.vector_store_idx %arg16[%parallel_loop3A_210], %parallel_loop3A_155 {add = true} : memref<8192xf32, #tpu.memory_space<vmem>>[vector<16xi32>], vector<16xf32>,
        tpu.vector_store_idx %arg16[%parallel_loop3A_213], %parallel_loop3A_155 {add = true} : memref<8192xf32, #tpu.memory_space<vmem>>[vector<16xi32>], vector<16xf32>,
        tpu.vector_store_idx %arg17[%parallel_loop3A_210], %parallel_loop3A_157 {add = true} : memref<8192xf32, #tpu.memory_space<vmem>>[vector<16xi32>], vector<16xf32>,
        tpu.vector_store_idx %arg17[%parallel_loop3A_213], %parallel_loop3A_157 {add = true} : memref<8192xf32, #tpu.memory_space<vmem>>[vector<16xi32>], vector<16xf32>,
        %parallel_loop3A_214 = arith.constant 8 : i32
        %parallel_loop3A_215 = arith.index_cast %parallel_loop3A_214 : i32 to index
        %parallel_loop3A_216 = arith.index_cast %parallel_loop3A_153 : i32 to index
        %parallel_loop3A_217 = tpu.vector_load %arg8[%parallel_loop3A_215, %parallel_loop3A_216] {strides = array<i32>} : memref<32x512xi32, #tpu.memory_space<vmem>>, vector<16xi32>,
        %parallel_loop3A_218 = arith.constant 9 : i32
        %parallel_loop3A_219 = arith.index_cast %parallel_loop3A_218 : i32 to index
        %parallel_loop3A_220 = arith.index_cast %parallel_loop3A_153 : i32 to index
        %parallel_loop3A_221 = tpu.vector_load %arg8[%parallel_loop3A_219, %parallel_loop3A_220] {strides = array<i32>} : memref<32x512xi32, #tpu.memory_space<vmem>>, vector<16xi32>,
        %parallel_loop3A_222 = arith.constant 2048 : i32
        %parallel_loop3A_223 = vector.broadcast %parallel_loop3A_222 : i32 to vector<16xi32>
        %parallel_loop3A_224 = arith.addi %parallel_loop3A_217, %parallel_loop3A_223 : vector<16xi32>
        %parallel_loop3A_225 = arith.constant 2304 : i32
        %parallel_loop3A_226 = vector.broadcast %parallel_loop3A_225 : i32 to vector<16xi32>
        %parallel_loop3A_227 = arith.addi %parallel_loop3A_221, %parallel_loop3A_226 : vector<16xi32>
        tpu.vector_store_idx %arg16[%parallel_loop3A_224], %parallel_loop3A_155 {add = true} : memref<8192xf32, #tpu.memory_space<vmem>>[vector<16xi32>], vector<16xf32>,
        tpu.vector_store_idx %arg16[%parallel_loop3A_227], %parallel_loop3A_155 {add = true} : memref<8192xf32, #tpu.memory_space<vmem>>[vector<16xi32>], vector<16xf32>,
        tpu.vector_store_idx %arg17[%parallel_loop3A_224], %parallel_loop3A_157 {add = true} : memref<8192xf32, #tpu.memory_space<vmem>>[vector<16xi32>], vector<16xf32>,
        tpu.vector_store_idx %arg17[%parallel_loop3A_227], %parallel_loop3A_157 {add = true} : memref<8192xf32, #tpu.memory_space<vmem>>[vector<16xi32>], vector<16xf32>,
        %parallel_loop3A_228 = arith.constant 10 : i32
        %parallel_loop3A_229 = arith.index_cast %parallel_loop3A_228 : i32 to index
        %parallel_loop3A_230 = arith.index_cast %parallel_loop3A_153 : i32 to index
        %parallel_loop3A_231 = tpu.vector_load %arg8[%parallel_loop3A_229, %parallel_loop3A_230] {strides = array<i32>} : memref<32x512xi32, #tpu.memory_space<vmem>>, vector<16xi32>,
        %parallel_loop3A_232 = arith.constant 11 : i32
        %parallel_loop3A_233 = arith.index_cast %parallel_loop3A_232 : i32 to index
        %parallel_loop3A_234 = arith.index_cast %parallel_loop3A_153 : i32 to index
        %parallel_loop3A_235 = tpu.vector_load %arg8[%parallel_loop3A_233, %parallel_loop3A_234] {strides = array<i32>} : memref<32x512xi32, #tpu.memory_space<vmem>>, vector<16xi32>,
        %parallel_loop3A_236 = arith.constant 2560 : i32
        %parallel_loop3A_237 = vector.broadcast %parallel_loop3A_236 : i32 to vector<16xi32>
        %parallel_loop3A_238 = arith.addi %parallel_loop3A_231, %parallel_loop3A_237 : vector<16xi32>
        %parallel_loop3A_239 = arith.constant 2816 : i32
        %parallel_loop3A_240 = vector.broadcast %parallel_loop3A_239 : i32 to vector<16xi32>
        %parallel_loop3A_241 = arith.addi %parallel_loop3A_235, %parallel_loop3A_240 : vector<16xi32>
        tpu.vector_store_idx %arg16[%parallel_loop3A_238], %parallel_loop3A_155 {add = true} : memref<8192xf32, #tpu.memory_space<vmem>>[vector<16xi32>], vector<16xf32>,
        tpu.vector_store_idx %arg16[%parallel_loop3A_241], %parallel_loop3A_155 {add = true} : memref<8192xf32, #tpu.memory_space<vmem>>[vector<16xi32>], vector<16xf32>,
        tpu.vector_store_idx %arg17[%parallel_loop3A_238], %parallel_loop3A_157 {add = true} : memref<8192xf32, #tpu.memory_space<vmem>>[vector<16xi32>], vector<16xf32>,
        tpu.vector_store_idx %arg17[%parallel_loop3A_241], %parallel_loop3A_157 {add = true} : memref<8192xf32, #tpu.memory_space<vmem>>[vector<16xi32>], vector<16xf32>,
        %parallel_loop3A_242 = arith.constant 12 : i32
        %parallel_loop3A_243 = arith.index_cast %parallel_loop3A_242 : i32 to index
        %parallel_loop3A_244 = arith.index_cast %parallel_loop3A_153 : i32 to index
        %parallel_loop3A_245 = tpu.vector_load %arg8[%parallel_loop3A_243, %parallel_loop3A_244] {strides = array<i32>} : memref<32x512xi32, #tpu.memory_space<vmem>>, vector<16xi32>,
        %parallel_loop3A_246 = arith.constant 13 : i32
        %parallel_loop3A_247 = arith.index_cast %parallel_loop3A_246 : i32 to index
        %parallel_loop3A_248 = arith.index_cast %parallel_loop3A_153 : i32 to index
        %parallel_loop3A_249 = tpu.vector_load %arg8[%parallel_loop3A_247, %parallel_loop3A_248] {strides = array<i32>} : memref<32x512xi32, #tpu.memory_space<vmem>>, vector<16xi32>,
        %parallel_loop3A_250 = arith.constant 3072 : i32
        %parallel_loop3A_251 = vector.broadcast %parallel_loop3A_250 : i32 to vector<16xi32>
        %parallel_loop3A_252 = arith.addi %parallel_loop3A_245, %parallel_loop3A_251 : vector<16xi32>
        %parallel_loop3A_253 = arith.constant 3328 : i32
        %parallel_loop3A_254 = vector.broadcast %parallel_loop3A_253 : i32 to vector<16xi32>
        %parallel_loop3A_255 = arith.addi %parallel_loop3A_249, %parallel_loop3A_254 : vector<16xi32>
        tpu.vector_store_idx %arg16[%parallel_loop3A_252], %parallel_loop3A_155 {add = true} : memref<8192xf32, #tpu.memory_space<vmem>>[vector<16xi32>], vector<16xf32>,
        tpu.vector_store_idx %arg16[%parallel_loop3A_255], %parallel_loop3A_155 {add = true} : memref<8192xf32, #tpu.memory_space<vmem>>[vector<16xi32>], vector<16xf32>,
        tpu.vector_store_idx %arg17[%parallel_loop3A_252], %parallel_loop3A_157 {add = true} : memref<8192xf32, #tpu.memory_space<vmem>>[vector<16xi32>], vector<16xf32>,
        tpu.vector_store_idx %arg17[%parallel_loop3A_255], %parallel_loop3A_157 {add = true} : memref<8192xf32, #tpu.memory_space<vmem>>[vector<16xi32>], vector<16xf32>,
        %parallel_loop3A_256 = arith.constant 14 : i32
        %parallel_loop3A_257 = arith.index_cast %parallel_loop3A_256 : i32 to index
        %parallel_loop3A_258 = arith.index_cast %parallel_loop3A_153 : i32 to index
        %parallel_loop3A_259 = tpu.vector_load %arg8[%parallel_loop3A_257, %parallel_loop3A_258] {strides = array<i32>} : memref<32x512xi32, #tpu.memory_space<vmem>>, vector<16xi32>,
        %parallel_loop3A_260 = arith.constant 15 : i32
        %parallel_loop3A_261 = arith.index_cast %parallel_loop3A_260 : i32 to index
        %parallel_loop3A_262 = arith.index_cast %parallel_loop3A_153 : i32 to index
        %parallel_loop3A_263 = tpu.vector_load %arg8[%parallel_loop3A_261, %parallel_loop3A_262] {strides = array<i32>} : memref<32x512xi32, #tpu.memory_space<vmem>>, vector<16xi32>,
        %parallel_loop3A_264 = arith.constant 3584 : i32
        %parallel_loop3A_265 = vector.broadcast %parallel_loop3A_264 : i32 to vector<16xi32>
        %parallel_loop3A_266 = arith.addi %parallel_loop3A_259, %parallel_loop3A_265 : vector<16xi32>
        %parallel_loop3A_267 = arith.constant 3840 : i32
        %parallel_loop3A_268 = vector.broadcast %parallel_loop3A_267 : i32 to vector<16xi32>
        %parallel_loop3A_269 = arith.addi %parallel_loop3A_263, %parallel_loop3A_268 : vector<16xi32>
        tpu.vector_store_idx %arg16[%parallel_loop3A_266], %parallel_loop3A_155 {add = true} : memref<8192xf32, #tpu.memory_space<vmem>>[vector<16xi32>], vector<16xf32>,
        tpu.vector_store_idx %arg16[%parallel_loop3A_269], %parallel_loop3A_155 {add = true} : memref<8192xf32, #tpu.memory_space<vmem>>[vector<16xi32>], vector<16xf32>,
        tpu.vector_store_idx %arg17[%parallel_loop3A_266], %parallel_loop3A_157 {add = true} : memref<8192xf32, #tpu.memory_space<vmem>>[vector<16xi32>], vector<16xf32>,
        tpu.vector_store_idx %arg17[%parallel_loop3A_269], %parallel_loop3A_157 {add = true} : memref<8192xf32, #tpu.memory_space<vmem>>[vector<16xi32>], vector<16xf32>,
        %parallel_loop3A_270 = arith.constant 16 : i32
        %parallel_loop3A_271 = arith.index_cast %parallel_loop3A_270 : i32 to index
        %parallel_loop3A_272 = arith.index_cast %parallel_loop3A_153 : i32 to index
        %parallel_loop3A_273 = tpu.vector_load %arg8[%parallel_loop3A_271, %parallel_loop3A_272] {strides = array<i32>} : memref<32x512xi32, #tpu.memory_space<vmem>>, vector<16xi32>,
        %parallel_loop3A_274 = arith.constant 17 : i32
        %parallel_loop3A_275 = arith.index_cast %parallel_loop3A_274 : i32 to index
        %parallel_loop3A_276 = arith.index_cast %parallel_loop3A_153 : i32 to index
        %parallel_loop3A_277 = tpu.vector_load %arg8[%parallel_loop3A_275, %parallel_loop3A_276] {strides = array<i32>} : memref<32x512xi32, #tpu.memory_space<vmem>>, vector<16xi32>,
        %parallel_loop3A_278 = arith.constant 4096 : i32
        %parallel_loop3A_279 = vector.broadcast %parallel_loop3A_278 : i32 to vector<16xi32>
        %parallel_loop3A_280 = arith.addi %parallel_loop3A_273, %parallel_loop3A_279 : vector<16xi32>
        %parallel_loop3A_281 = arith.constant 4352 : i32
        %parallel_loop3A_282 = vector.broadcast %parallel_loop3A_281 : i32 to vector<16xi32>
        %parallel_loop3A_283 = arith.addi %parallel_loop3A_277, %parallel_loop3A_282 : vector<16xi32>
        tpu.vector_store_idx %arg16[%parallel_loop3A_280], %parallel_loop3A_155 {add = true} : memref<8192xf32, #tpu.memory_space<vmem>>[vector<16xi32>], vector<16xf32>,
        tpu.vector_store_idx %arg16[%parallel_loop3A_283], %parallel_loop3A_155 {add = true} : memref<8192xf32, #tpu.memory_space<vmem>>[vector<16xi32>], vector<16xf32>,
        tpu.vector_store_idx %arg17[%parallel_loop3A_280], %parallel_loop3A_157 {add = true} : memref<8192xf32, #tpu.memory_space<vmem>>[vector<16xi32>], vector<16xf32>,
        tpu.vector_store_idx %arg17[%parallel_loop3A_283], %parallel_loop3A_157 {add = true} : memref<8192xf32, #tpu.memory_space<vmem>>[vector<16xi32>], vector<16xf32>,
        %parallel_loop3A_284 = arith.constant 18 : i32
        %parallel_loop3A_285 = arith.index_cast %parallel_loop3A_284 : i32 to index
        %parallel_loop3A_286 = arith.index_cast %parallel_loop3A_153 : i32 to index
        %parallel_loop3A_287 = tpu.vector_load %arg8[%parallel_loop3A_285, %parallel_loop3A_286] {strides = array<i32>} : memref<32x512xi32, #tpu.memory_space<vmem>>, vector<16xi32>,
        %parallel_loop3A_288 = arith.constant 19 : i32
        %parallel_loop3A_289 = arith.index_cast %parallel_loop3A_288 : i32 to index
        %parallel_loop3A_290 = arith.index_cast %parallel_loop3A_153 : i32 to index
        %parallel_loop3A_291 = tpu.vector_load %arg8[%parallel_loop3A_289, %parallel_loop3A_290] {strides = array<i32>} : memref<32x512xi32, #tpu.memory_space<vmem>>, vector<16xi32>,
        %parallel_loop3A_292 = arith.constant 4608 : i32
        %parallel_loop3A_293 = vector.broadcast %parallel_loop3A_292 : i32 to vector<16xi32>
        %parallel_loop3A_294 = arith.addi %parallel_loop3A_287, %parallel_loop3A_293 : vector<16xi32>
        %parallel_loop3A_295 = arith.constant 4864 : i32
        %parallel_loop3A_296 = vector.broadcast %parallel_loop3A_295 : i32 to vector<16xi32>
        %parallel_loop3A_297 = arith.addi %parallel_loop3A_291, %parallel_loop3A_296 : vector<16xi32>
        tpu.vector_store_idx %arg16[%parallel_loop3A_294], %parallel_loop3A_155 {add = true} : memref<8192xf32, #tpu.memory_space<vmem>>[vector<16xi32>], vector<16xf32>,
        tpu.vector_store_idx %arg16[%parallel_loop3A_297], %parallel_loop3A_155 {add = true} : memref<8192xf32, #tpu.memory_space<vmem>>[vector<16xi32>], vector<16xf32>,
        tpu.vector_store_idx %arg17[%parallel_loop3A_294], %parallel_loop3A_157 {add = true} : memref<8192xf32, #tpu.memory_space<vmem>>[vector<16xi32>], vector<16xf32>,
        tpu.vector_store_idx %arg17[%parallel_loop3A_297], %parallel_loop3A_157 {add = true} : memref<8192xf32, #tpu.memory_space<vmem>>[vector<16xi32>], vector<16xf32>,
        %parallel_loop3A_298 = arith.constant 20 : i32
        %parallel_loop3A_299 = arith.index_cast %parallel_loop3A_298 : i32 to index
        %parallel_loop3A_300 = arith.index_cast %parallel_loop3A_153 : i32 to index
        %parallel_loop3A_301 = tpu.vector_load %arg8[%parallel_loop3A_299, %parallel_loop3A_300] {strides = array<i32>} : memref<32x512xi32, #tpu.memory_space<vmem>>, vector<16xi32>,
        %parallel_loop3A_302 = arith.constant 21 : i32
        %parallel_loop3A_303 = arith.index_cast %parallel_loop3A_302 : i32 to index
        %parallel_loop3A_304 = arith.index_cast %parallel_loop3A_153 : i32 to index
        %parallel_loop3A_305 = tpu.vector_load %arg8[%parallel_loop3A_303, %parallel_loop3A_304] {strides = array<i32>} : memref<32x512xi32, #tpu.memory_space<vmem>>, vector<16xi32>,
        %parallel_loop3A_306 = arith.constant 5120 : i32
        %parallel_loop3A_307 = vector.broadcast %parallel_loop3A_306 : i32 to vector<16xi32>
        %parallel_loop3A_308 = arith.addi %parallel_loop3A_301, %parallel_loop3A_307 : vector<16xi32>
        %parallel_loop3A_309 = arith.constant 5376 : i32
        %parallel_loop3A_310 = vector.broadcast %parallel_loop3A_309 : i32 to vector<16xi32>
        %parallel_loop3A_311 = arith.addi %parallel_loop3A_305, %parallel_loop3A_310 : vector<16xi32>
        tpu.vector_store_idx %arg16[%parallel_loop3A_308], %parallel_loop3A_155 {add = true} : memref<8192xf32, #tpu.memory_space<vmem>>[vector<16xi32>], vector<16xf32>,
        tpu.vector_store_idx %arg16[%parallel_loop3A_311], %parallel_loop3A_155 {add = true} : memref<8192xf32, #tpu.memory_space<vmem>>[vector<16xi32>], vector<16xf32>,
        tpu.vector_store_idx %arg17[%parallel_loop3A_308], %parallel_loop3A_157 {add = true} : memref<8192xf32, #tpu.memory_space<vmem>>[vector<16xi32>], vector<16xf32>,
        tpu.vector_store_idx %arg17[%parallel_loop3A_311], %parallel_loop3A_157 {add = true} : memref<8192xf32, #tpu.memory_space<vmem>>[vector<16xi32>], vector<16xf32>,
        %parallel_loop3A_312 = arith.constant 22 : i32
        %parallel_loop3A_313 = arith.index_cast %parallel_loop3A_312 : i32 to index
        %parallel_loop3A_314 = arith.index_cast %parallel_loop3A_153 : i32 to index
        %parallel_loop3A_315 = tpu.vector_load %arg8[%parallel_loop3A_313, %parallel_loop3A_314] {strides = array<i32>} : memref<32x512xi32, #tpu.memory_space<vmem>>, vector<16xi32>,
        %parallel_loop3A_316 = arith.constant 23 : i32
        %parallel_loop3A_317 = arith.index_cast %parallel_loop3A_316 : i32 to index
        %parallel_loop3A_318 = arith.index_cast %parallel_loop3A_153 : i32 to index
        %parallel_loop3A_319 = tpu.vector_load %arg8[%parallel_loop3A_317, %parallel_loop3A_318] {strides = array<i32>} : memref<32x512xi32, #tpu.memory_space<vmem>>, vector<16xi32>,
        %parallel_loop3A_320 = arith.constant 5632 : i32
        %parallel_loop3A_321 = vector.broadcast %parallel_loop3A_320 : i32 to vector<16xi32>
        %parallel_loop3A_322 = arith.addi %parallel_loop3A_315, %parallel_loop3A_321 : vector<16xi32>
        %parallel_loop3A_323 = arith.constant 5888 : i32
        %parallel_loop3A_324 = vector.broadcast %parallel_loop3A_323 : i32 to vector<16xi32>
        %parallel_loop3A_325 = arith.addi %parallel_loop3A_319, %parallel_loop3A_324 : vector<16xi32>
        tpu.vector_store_idx %arg16[%parallel_loop3A_322], %parallel_loop3A_155 {add = true} : memref<8192xf32, #tpu.memory_space<vmem>>[vector<16xi32>], vector<16xf32>,
        tpu.vector_store_idx %arg16[%parallel_loop3A_325], %parallel_loop3A_155 {add = true} : memref<8192xf32, #tpu.memory_space<vmem>>[vector<16xi32>], vector<16xf32>,
        tpu.vector_store_idx %arg17[%parallel_loop3A_322], %parallel_loop3A_157 {add = true} : memref<8192xf32, #tpu.memory_space<vmem>>[vector<16xi32>], vector<16xf32>,
        tpu.vector_store_idx %arg17[%parallel_loop3A_325], %parallel_loop3A_157 {add = true} : memref<8192xf32, #tpu.memory_space<vmem>>[vector<16xi32>], vector<16xf32>,
        %parallel_loop3A_326 = arith.constant 24 : i32
        %parallel_loop3A_327 = arith.index_cast %parallel_loop3A_326 : i32 to index
        %parallel_loop3A_328 = arith.index_cast %parallel_loop3A_153 : i32 to index
        %parallel_loop3A_329 = tpu.vector_load %arg8[%parallel_loop3A_327, %parallel_loop3A_328] {strides = array<i32>} : memref<32x512xi32, #tpu.memory_space<vmem>>, vector<16xi32>,
        %parallel_loop3A_330 = arith.constant 25 : i32
        %parallel_loop3A_331 = arith.index_cast %parallel_loop3A_330 : i32 to index
        %parallel_loop3A_332 = arith.index_cast %parallel_loop3A_153 : i32 to index
        %parallel_loop3A_333 = tpu.vector_load %arg8[%parallel_loop3A_331, %parallel_loop3A_332] {strides = array<i32>} : memref<32x512xi32, #tpu.memory_space<vmem>>, vector<16xi32>,
        %parallel_loop3A_334 = arith.constant 6144 : i32
        %parallel_loop3A_335 = vector.broadcast %parallel_loop3A_334 : i32 to vector<16xi32>
        %parallel_loop3A_336 = arith.addi %parallel_loop3A_329, %parallel_loop3A_335 : vector<16xi32>
        %parallel_loop3A_337 = arith.constant 6400 : i32
        %parallel_loop3A_338 = vector.broadcast %parallel_loop3A_337 : i32 to vector<16xi32>
        %parallel_loop3A_339 = arith.addi %parallel_loop3A_333, %parallel_loop3A_338 : vector<16xi32>
        tpu.vector_store_idx %arg16[%parallel_loop3A_336], %parallel_loop3A_155 {add = true} : memref<8192xf32, #tpu.memory_space<vmem>>[vector<16xi32>], vector<16xf32>,
        tpu.vector_store_idx %arg16[%parallel_loop3A_339], %parallel_loop3A_155 {add = true} : memref<8192xf32, #tpu.memory_space<vmem>>[vector<16xi32>], vector<16xf32>,
        tpu.vector_store_idx %arg17[%parallel_loop3A_336], %parallel_loop3A_157 {add = true} : memref<8192xf32, #tpu.memory_space<vmem>>[vector<16xi32>], vector<16xf32>,
        tpu.vector_store_idx %arg17[%parallel_loop3A_339], %parallel_loop3A_157 {add = true} : memref<8192xf32, #tpu.memory_space<vmem>>[vector<16xi32>], vector<16xf32>,
        %parallel_loop3A_340 = arith.constant 26 : i32
        %parallel_loop3A_341 = arith.index_cast %parallel_loop3A_340 : i32 to index
        %parallel_loop3A_342 = arith.index_cast %parallel_loop3A_153 : i32 to index
        %parallel_loop3A_343 = tpu.vector_load %arg8[%parallel_loop3A_341, %parallel_loop3A_342] {strides = array<i32>} : memref<32x512xi32, #tpu.memory_space<vmem>>, vector<16xi32>,
        %parallel_loop3A_344 = arith.constant 27 : i32
        %parallel_loop3A_345 = arith.index_cast %parallel_loop3A_344 : i32 to index
        %parallel_loop3A_346 = arith.index_cast %parallel_loop3A_153 : i32 to index
        %parallel_loop3A_347 = tpu.vector_load %arg8[%parallel_loop3A_345, %parallel_loop3A_346] {strides = array<i32>} : memref<32x512xi32, #tpu.memory_space<vmem>>, vector<16xi32>,
        %parallel_loop3A_348 = arith.constant 6656 : i32
        %parallel_loop3A_349 = vector.broadcast %parallel_loop3A_348 : i32 to vector<16xi32>
        %parallel_loop3A_350 = arith.addi %parallel_loop3A_343, %parallel_loop3A_349 : vector<16xi32>
        %parallel_loop3A_351 = arith.constant 6912 : i32
        %parallel_loop3A_352 = vector.broadcast %parallel_loop3A_351 : i32 to vector<16xi32>
        %parallel_loop3A_353 = arith.addi %parallel_loop3A_347, %parallel_loop3A_352 : vector<16xi32>
        tpu.vector_store_idx %arg16[%parallel_loop3A_350], %parallel_loop3A_155 {add = true} : memref<8192xf32, #tpu.memory_space<vmem>>[vector<16xi32>], vector<16xf32>,
        tpu.vector_store_idx %arg16[%parallel_loop3A_353], %parallel_loop3A_155 {add = true} : memref<8192xf32, #tpu.memory_space<vmem>>[vector<16xi32>], vector<16xf32>,
        tpu.vector_store_idx %arg17[%parallel_loop3A_350], %parallel_loop3A_157 {add = true} : memref<8192xf32, #tpu.memory_space<vmem>>[vector<16xi32>], vector<16xf32>,
        tpu.vector_store_idx %arg17[%parallel_loop3A_353], %parallel_loop3A_157 {add = true} : memref<8192xf32, #tpu.memory_space<vmem>>[vector<16xi32>], vector<16xf32>,
        %parallel_loop3A_354 = arith.constant 28 : i32
        %parallel_loop3A_355 = arith.index_cast %parallel_loop3A_354 : i32 to index
        %parallel_loop3A_356 = arith.index_cast %parallel_loop3A_153 : i32 to index
        %parallel_loop3A_357 = tpu.vector_load %arg8[%parallel_loop3A_355, %parallel_loop3A_356] {strides = array<i32>} : memref<32x512xi32, #tpu.memory_space<vmem>>, vector<16xi32>,
        %parallel_loop3A_358 = arith.constant 29 : i32
        %parallel_loop3A_359 = arith.index_cast %parallel_loop3A_358 : i32 to index
        %parallel_loop3A_360 = arith.index_cast %parallel_loop3A_153 : i32 to index
        %parallel_loop3A_361 = tpu.vector_load %arg8[%parallel_loop3A_359, %parallel_loop3A_360] {strides = array<i32>} : memref<32x512xi32, #tpu.memory_space<vmem>>, vector<16xi32>,
        %parallel_loop3A_362 = arith.constant 7168 : i32
        %parallel_loop3A_363 = vector.broadcast %parallel_loop3A_362 : i32 to vector<16xi32>
        %parallel_loop3A_364 = arith.addi %parallel_loop3A_357, %parallel_loop3A_363 : vector<16xi32>
        %parallel_loop3A_365 = arith.constant 7424 : i32
        %parallel_loop3A_366 = vector.broadcast %parallel_loop3A_365 : i32 to vector<16xi32>
        %parallel_loop3A_367 = arith.addi %parallel_loop3A_361, %parallel_loop3A_366 : vector<16xi32>
        tpu.vector_store_idx %arg16[%parallel_loop3A_364], %parallel_loop3A_155 {add = true} : memref<8192xf32, #tpu.memory_space<vmem>>[vector<16xi32>], vector<16xf32>,
        tpu.vector_store_idx %arg16[%parallel_loop3A_367], %parallel_loop3A_155 {add = true} : memref<8192xf32, #tpu.memory_space<vmem>>[vector<16xi32>], vector<16xf32>,
        tpu.vector_store_idx %arg17[%parallel_loop3A_364], %parallel_loop3A_157 {add = true} : memref<8192xf32, #tpu.memory_space<vmem>>[vector<16xi32>], vector<16xf32>,
        tpu.vector_store_idx %arg17[%parallel_loop3A_367], %parallel_loop3A_157 {add = true} : memref<8192xf32, #tpu.memory_space<vmem>>[vector<16xi32>], vector<16xf32>,
        %parallel_loop3A_368 = arith.constant 30 : i32
        %parallel_loop3A_369 = arith.index_cast %parallel_loop3A_368 : i32 to index
        %parallel_loop3A_370 = arith.index_cast %parallel_loop3A_153 : i32 to index
        %parallel_loop3A_371 = tpu.vector_load %arg8[%parallel_loop3A_369, %parallel_loop3A_370] {strides = array<i32>} : memref<32x512xi32, #tpu.memory_space<vmem>>, vector<16xi32>,
        %parallel_loop3A_372 = arith.constant 31 : i32
        %parallel_loop3A_373 = arith.index_cast %parallel_loop3A_372 : i32 to index
        %parallel_loop3A_374 = arith.index_cast %parallel_loop3A_153 : i32 to index
        %parallel_loop3A_375 = tpu.vector_load %arg8[%parallel_loop3A_373, %parallel_loop3A_374] {strides = array<i32>} : memref<32x512xi32, #tpu.memory_space<vmem>>, vector<16xi32>,
        %parallel_loop3A_376 = arith.constant 7680 : i32
        %parallel_loop3A_377 = vector.broadcast %parallel_loop3A_376 : i32 to vector<16xi32>
        %parallel_loop3A_378 = arith.addi %parallel_loop3A_371, %parallel_loop3A_377 : vector<16xi32>
        %parallel_loop3A_379 = arith.constant 7936 : i32
        %parallel_loop3A_380 = vector.broadcast %parallel_loop3A_379 : i32 to vector<16xi32>
        %parallel_loop3A_381 = arith.addi %parallel_loop3A_375, %parallel_loop3A_380 : vector<16xi32>
        tpu.vector_store_idx %arg16[%parallel_loop3A_378], %parallel_loop3A_155 {add = true} : memref<8192xf32, #tpu.memory_space<vmem>>[vector<16xi32>], vector<16xf32>,
        tpu.vector_store_idx %arg16[%parallel_loop3A_381], %parallel_loop3A_155 {add = true} : memref<8192xf32, #tpu.memory_space<vmem>>[vector<16xi32>], vector<16xf32>,
        tpu.vector_store_idx %arg17[%parallel_loop3A_378], %parallel_loop3A_157 {add = true} : memref<8192xf32, #tpu.memory_space<vmem>>[vector<16xi32>], vector<16xf32>,
        tpu.vector_store_idx %arg17[%parallel_loop3A_381], %parallel_loop3A_157 {add = true} : memref<8192xf32, #tpu.memory_space<vmem>>[vector<16xi32>], vector<16xf32>,
      } {sc.loop_unroll_factor = 2 : i64, sc.parallel_access}
    } else {
    }
    %mul3A_88 = arith.constant 8192 : i32
    %mul3A_89 = arith.muli %add3A, %mul3A_88 : i32
    "tpu.region"() ({
      %run_scoped3A = tpu.sem_alloc : memref<!tpu.dma_semaphore, #tpu.memory_space<semaphore_mem>>
      %dma_start3A_92 = tpu.memref_slice %arg5[%mul3A_89] : memref<262144xf32, #tpu.memory_space<hbm>> -> memref<8192xf32, #tpu.memory_space<hbm>>
      %dma_start3A_93 = tpu.memref_slice %arg5[%mul3A_89] : memref<262144xf32, #tpu.memory_space<hbm>> -> memref<8192xf32, #tpu.memory_space<hbm>>
      tpu.enqueue_dma source(%arg16 : memref<8192xf32, #tpu.memory_space<vmem>>) target(%dma_start3A_93 : memref<8192xf32, #tpu.memory_space<hbm>>) target_semaphore(%run_scoped3A : memref<!tpu.dma_semaphore, #tpu.memory_space<semaphore_mem>>)
      %dma_wait3A_94 = tpu.memref_slice %arg5[%mul3A_89] : memref<262144xf32, #tpu.memory_space<hbm>> -> memref<8192xf32, #tpu.memory_space<hbm>>
      %dma_wait3A_95 = tpu.memref_slice %arg5[%mul3A_89] : memref<262144xf32, #tpu.memory_space<hbm>> -> memref<8192xf32, #tpu.memory_space<hbm>>
      tpu.wait_dma2 semaphore(%run_scoped3A : memref<!tpu.dma_semaphore, #tpu.memory_space<semaphore_mem>>) src(%arg16 : memref<8192xf32, #tpu.memory_space<vmem>>) dst(%dma_wait3A_95 : memref<8192xf32, #tpu.memory_space<hbm>>)
      tpu.yield
    }) : () -> ()
    %mul3A_90 = arith.constant 8192 : i32
    %mul3A_91 = arith.muli %add3A, %mul3A_90 : i32
    "tpu.region"() ({
      %run_scoped3A = tpu.sem_alloc : memref<!tpu.dma_semaphore, #tpu.memory_space<semaphore_mem>>
      %dma_start3A_92 = tpu.memref_slice %arg6[%mul3A_91] : memref<262144xf32, #tpu.memory_space<hbm>> -> memref<8192xf32, #tpu.memory_space<hbm>>
      %dma_start3A_93 = tpu.memref_slice %arg6[%mul3A_91] : memref<262144xf32, #tpu.memory_space<hbm>> -> memref<8192xf32, #tpu.memory_space<hbm>>
      tpu.enqueue_dma source(%arg17 : memref<8192xf32, #tpu.memory_space<vmem>>) target(%dma_start3A_93 : memref<8192xf32, #tpu.memory_space<hbm>>) target_semaphore(%run_scoped3A : memref<!tpu.dma_semaphore, #tpu.memory_space<semaphore_mem>>)
      %dma_wait3A_94 = tpu.memref_slice %arg6[%mul3A_91] : memref<262144xf32, #tpu.memory_space<hbm>> -> memref<8192xf32, #tpu.memory_space<hbm>>
      %dma_wait3A_95 = tpu.memref_slice %arg6[%mul3A_91] : memref<262144xf32, #tpu.memory_space<hbm>> -> memref<8192xf32, #tpu.memory_space<hbm>>
      tpu.wait_dma2 semaphore(%run_scoped3A : memref<!tpu.dma_semaphore, #tpu.memory_space<semaphore_mem>>) src(%arg17 : memref<8192xf32, #tpu.memory_space<vmem>>) dst(%dma_wait3A_95 : memref<8192xf32, #tpu.memory_space<hbm>>)
      tpu.yield
    }) : () -> ()
    return
  }
}

module attributes {stable_mosaic.version = 14 : i64} {
  func.func @_tc_body(%arg0: memref<32x32x256xf32, #tpu.memory_space<vmem>>, %arg1: memref<32x32x256xf32, #tpu.memory_space<vmem>>, %arg2: memref<32x32xi32, #tpu.memory_space<vmem>>, %arg3: memref<32xf32, #tpu.memory_space<vmem>>, %arg4: memref<32xf32, #tpu.memory_space<vmem>>, %arg5: memref<32x256xf32, #tpu.memory_space<vmem>>, %arg6: memref<32x256xf32, #tpu.memory_space<vmem>>) attributes {dimension_semantics = [], scalar_prefetch = 0 : i64, scratch_operands = 0 : i64, tpu.core_type = #tpu.core_type<tc>} {
    %get3A = arith.constant 0 : index
    %get3A_0 = arith.constant 0 : index
    %get3A_1 = vector.load %arg2[%get3A, %get3A_0] : memref<32x32xi32, #tpu.memory_space<vmem>>, vector<32x32xi32>
    %broadcast_in_dim3A = vector.shape_cast %get3A_1 : vector<32x32xi32> to vector<32x32x1xi32>
    %broadcast_in_dim3A_2 = vector.shape_cast %broadcast_in_dim3A : vector<32x32x1xi32> to vector<32x32x1xi32>
    %broadcast_in_dim3A_3 = vector.broadcast %broadcast_in_dim3A_2 : vector<32x32x1xi32> to vector<32x32x256xi32>
    %iota3A = tpu.iota {dimensions = array<i32: 2>} : vector<32x32x256xi32>
    %eq3A = arith.cmpi eq, %broadcast_in_dim3A_3, %iota3A : vector<32x32x256xi32>
    %convert_element_type3A = arith.extui %eq3A : vector<32x32x256xi1> to vector<32x32x256xi32>
    %convert_element_type3A_4 = arith.sitofp %convert_element_type3A : vector<32x32x256xi32> to vector<32x32x256xf32>
    %get3A_5 = arith.constant 0 : index
    %get3A_6 = vector.load %arg3[%get3A_5] : memref<32xf32, #tpu.memory_space<vmem>>, vector<32xf32>
    %broadcast_in_dim3A_7 = vector.shape_cast %get3A_6 : vector<32xf32> to vector<32x1x1xf32>
    %mul3A = vector.broadcast %broadcast_in_dim3A_7 : vector<32x1x1xf32> to vector<32x32x256xf32>
    %mul3A_8 = arith.mulf %convert_element_type3A_4, %mul3A : vector<32x32x256xf32>
    %reduce_sum3A = arith.constant dense<0.000000e+00> : vector<32x256xf32>
    %reduce_sum3A_9 = vector.multi_reduction <add>, %mul3A_8, %reduce_sum3A [0] : vector<32x32x256xf32> to vector<32x256xf32>
    %get3A_10 = arith.constant 0 : index
    %get3A_11 = vector.load %arg4[%get3A_10] : memref<32xf32, #tpu.memory_space<vmem>>, vector<32xf32>
    %broadcast_in_dim3A_12 = vector.shape_cast %get3A_11 : vector<32xf32> to vector<32x1x1xf32>
    %mul3A_13 = vector.broadcast %broadcast_in_dim3A_12 : vector<32x1x1xf32> to vector<32x32x256xf32>
    %mul3A_14 = arith.mulf %convert_element_type3A_4, %mul3A_13 : vector<32x32x256xf32>
    %reduce_sum3A_15 = arith.constant dense<0.000000e+00> : vector<32x256xf32>
    %reduce_sum3A_16 = vector.multi_reduction <add>, %mul3A_14, %reduce_sum3A_15 [0] : vector<32x32x256xf32> to vector<32x256xf32>
    %get3A_17 = arith.constant 0 : index
    %get3A_18 = arith.constant 0 : index
    %get3A_19 = arith.constant 0 : index
    %get3A_20 = vector.load %arg0[%get3A_17, %get3A_18, %get3A_19] : memref<32x32x256xf32, #tpu.memory_space<vmem>>, vector<32x32x256xf32>
    %reduce_sum3A_21 = arith.constant dense<0.000000e+00> : vector<32x256xf32>
    %reduce_sum3A_22 = vector.multi_reduction <add>, %get3A_20, %reduce_sum3A_21 [0] : vector<32x32x256xf32> to vector<32x256xf32>
    %add3A = arith.addf %reduce_sum3A_22, %reduce_sum3A_9 : vector<32x256xf32>
    %get3A_23 = arith.constant 0 : index
    %get3A_24 = arith.constant 0 : index
    %get3A_25 = arith.constant 0 : index
    %get3A_26 = vector.load %arg1[%get3A_23, %get3A_24, %get3A_25] : memref<32x32x256xf32, #tpu.memory_space<vmem>>, vector<32x32x256xf32>
    %reduce_sum3A_27 = arith.constant dense<0.000000e+00> : vector<32x256xf32>
    %reduce_sum3A_28 = vector.multi_reduction <add>, %get3A_26, %reduce_sum3A_27 [0] : vector<32x32x256xf32> to vector<32x256xf32>
    %add3A_29 = arith.addf %reduce_sum3A_28, %reduce_sum3A_16 : vector<32x256xf32>
    %iota3A_30 = tpu.iota {dimensions = array<i32: 0>} : vector<256x256xi32>
    %iota3A_31 = tpu.iota {dimensions = array<i32: 1>} : vector<256x256xi32>
    %le3A = arith.cmpi sle, %iota3A_30, %iota3A_31 : vector<256x256xi32>
    %convert_element_type3A_32 = arith.extui %le3A : vector<256x256xi1> to vector<256x256xi32>
    %convert_element_type3A_33 = arith.sitofp %convert_element_type3A_32 : vector<256x256xi32> to vector<256x256xf32>
    %dot_general3A = arith.constant dense<0.000000e+00> : vector<32x256xf32>
    %dot_general3A_34 = tpu.matmul %add3A, %convert_element_type3A_33, %dot_general3A {dimension_numbers = #tpu.dot_dimension_numbers<[1], [0], [0], [1], [0, 0, 1, 1], [], []>, transpose_lhs_hint = false} : vector<32x256xf32>, vector<256x256xf32>, vector<32x256xf32> -> vector<32x256xf32>
    %swap3A = arith.constant 0 : index
    %swap3A_35 = arith.constant 0 : index
    %swap3A_36 = vector.load %arg5[%swap3A, %swap3A_35] : memref<32x256xf32, #tpu.memory_space<vmem>>, vector<32x256xf32>
    tpu.vector_store %arg5[%swap3A, %swap3A_35], %dot_general3A_34 {strides = array<i32>} : memref<32x256xf32, #tpu.memory_space<vmem>>, vector<32x256xf32>,
    %dot_general3A_37 = arith.constant dense<0.000000e+00> : vector<32x256xf32>
    %dot_general3A_38 = tpu.matmul %add3A_29, %convert_element_type3A_33, %dot_general3A_37 {dimension_numbers = #tpu.dot_dimension_numbers<[1], [0], [0], [1], [0, 0, 1, 1], [], []>, transpose_lhs_hint = false} : vector<32x256xf32>, vector<256x256xf32>, vector<32x256xf32> -> vector<32x256xf32>
    %swap3A_39 = arith.constant 0 : index
    %swap3A_40 = arith.constant 0 : index
    %swap3A_41 = vector.load %arg6[%swap3A_39, %swap3A_40] : memref<32x256xf32, #tpu.memory_space<vmem>>, vector<32x256xf32>
    tpu.vector_store %arg6[%swap3A_39, %swap3A_40], %dot_general3A_38 {strides = array<i32>} : memref<32x256xf32, #tpu.memory_space<vmem>>, vector<32x256xf32>,
    return
  }
}

</mosaic_0001>

<sc_bundles>
// kernel: kernel.4.cloned.1.call-start
scs
__scs_entry_jumppad:
0x0: {  	(pc) =	sbr.rel $0x88, $3  }
0x1: {  	(tag) =	ssettag $0x0;
	lr =	simm.s32 $0x1  }
0x2: {  	[smem:$0x3F9E] =	sst lr;
	_ =	strace $0xD0000000  }
0x3: {  	_ = 	snop  }
0x4: {  	_ = 	snop  }
0x5: {  	_ = 	snop  }
0x6: {  	_ = 	snop  }
0x7: {  	_ = 	snop  }
__scs_overlays_trampoline_lowered:
0x8: {  	[smem:$0x3FAD] =	sst s0  }
0x9: {  	[smem:$0x3FAE] =	sst s1  }
0xa: {  	[smem:$0x3FAF] =	sst s2  }
0xb: {  	[smem:$0x3FB0] =	sst s3  }
0xc: {  	[smem:$0x3FB1] =	sst s4  }
0xd: {  	[smem:$0x3FB2] =	sst s5  }
0xe: {  	[smem:$0x3FB3] =	sst s6  }
0xf: {  	[smem:$0x3FB4] =	sst s7  }
0x10: {  	[smem:$0x3FB5] =	sst s8  }
0x11: {  	[smem:$0x3FB6] =	sst s9;
	s0 =	simm.s32 @!p0 $0x0  }
0x12: {  	s1 =	sld [smem:$0x3F9C];
	s0 =	simm.s32 @p0 $0x1  }
0x13: {  	[smem:$0x3FB7] =	sst s0;
	s0 =	simm.s32 @!p1 $0x0  }
0x14: {  	s2 =	sld [smem:$0x3F9B];
	s0 =	simm.s32 @p1 $0x1  }
0x15: {  	[smem:$0x3FB8] =	sst s0;
	s0 =	simm.s32 @!p2 $0x0  }
0x16: {  	s3 =	sld [smem:$0x3FDB];
	s0 =	simm.s32 @p2 $0x1  }
0x17: {  	s4 =	simm.s32 $0x1BF5;
	[smem:$0x3FBA] =	sst s0  }
0x18: {  	s0 =	sld [smem:$0x3F9D];
	_ =	swait.ge [sflag:s4], $0x0  }
0x19: {  	s7 =	sld [smem:$0x3F9E]  }
0x1a: {  	s8 =	sadd.s32 $0xFFFFE003, lr  }
0x1b: {  	s9 =	sadd.s32 $0xFFFFFEF7, lr;
	s5 =	simm.s32 $0xFFFFFFFF;
	p2 =	slt.u32 s8, $0xFFFFF086  }
0x1c: {  	p1 =	slt.u32 s9, $0xF7A;
	s5 =	simm.s32 @!p2 $0x0  }
0x1d: {  	s5 =	simm.s32 @p1 $0x1;
	p0 =	seq.s32 s7, s2  }
0x1e: {  	s7 =	smul.u32 @!p0 $0xF7A, s2;
	p2 =	seq.s32 @!p0 s5, $0x0  }
0x1f: {  	s9 =	smul.u32 $0xF7A, s1;
	s8 =	simm.s32 @!p0 $0x1BF5;
	p2 =	por !p2, p0  }
0x20: {  	[sflag:s8] =	ssyncset.s32 @!p0 $0xFFFFF086;
	s6 =	sadd.s32 @!p0 s3, s7;
	s7 =	simm.s32 @!p0 $0x108  }
0x21: {  	s3 =	sadd.s32 s3, s9;
	s6 =	sadd.s32 @!p0 $0x88, s6;
	s7 =	simm.s32 @p2 $0x1082  }
0x22: {  	[simem:s7], [sflag:s8] =	dma.local @!p0 [hbm:s6], $0xF7A  }
0x23: {  	s9 =	sor.u32 $0xD0000000, s2;
	s6 =	simm.s32 $0x108;
	_ =	swait.ge @!p0 [sflag:s8], $0x0  }
0x24: {  	s3 =	sadd.s32 $0x88, s3;
	s6 =	simm.s32 @!p1 $0x1082;
	[sflag:s4] =	ssyncset.s32 $0xFFFFF086  }
0x25: {  	[simem:s6], [sflag:s4] =	dma.local [hbm:s3], $0xF7A  }
0x26: {  	[smem:$0x3F9E] =	sst s1;
	(tag) =	ssettag s2;
	_ =	strace s9  }
0x27: {  	s1 =	sld [smem:$0x3FAE]  }
0x28: {  	s2 =	sld [smem:$0x3FAF]  }
0x29: {  	s4 =	sld [smem:$0x3FB1]  }
0x2a: {  	p0 =	seq.s32 s5, $0x0;
	s5 =	sld [smem:$0x3FB2]  }
0x2b: {  	s6 =	sld [smem:$0x3FB3]  }
0x2c: {  	s7 =	sld [smem:$0x3FB4]  }
0x2d: {  	s3 =	simm.s32 $0x108;
	s8 =	sld [smem:$0x3FB5]  }
0x2e: {  	s3 =	simm.s32 @!p0 $0x1082;
	s9 =	sld [smem:$0x3FB6]  }
0x2f: {  	lr =	sadd.s32 s0, s3;
	s0 =	sld [smem:$0x3FAD]  }
0x30: {  	s3 =	sld [smem:$0x3FB0]  }
0x31: {  	[smem:$0x3FB9] =	sst s10  }
0x32: {  	s10 =	sld [smem:$0x3FB7];
	_ =	sdelay $0x3  }
0x33: {  	p0 =	seq.s32 s10, $0x1;
	s10 =	sld [smem:$0x3FB9];
	_ =	sdelay $0x3  }
0x34: {  	[smem:$0x3FB9] =	sst s10  }
0x35: {  	s10 =	sld [smem:$0x3FB8];
	_ =	sdelay $0x3  }
0x36: {  	p1 =	seq.s32 s10, $0x1;
	s10 =	sld [smem:$0x3FB9];
	_ =	sdelay $0x3  }
0x37: {  	[smem:$0x3FB9] =	sst s10  }
0x38: {  	s10 =	sld [smem:$0x3FBA]  }
0x39: {  	_ = 	snop;
	(pc) =	sbr.ind lr, $3  }
0x3a: {  	_ = 	snop  }
0x3b: {  	_ = 	snop  }
0x3c: {  	p2 =	seq.s32 s10, $0x1;
	s10 =	sld [smem:$0x3FB9]  }
0x3d: {  	_ =	shalt  }
0x3e: {  	_ =	shalt  }
0x3f: {  	_ =	shalt  }
0x40: {  	_ =	shalt  }
0x41: {  	_ =	shalt  }
0x42: {  	_ =	shalt  }
0x43: {  	_ =	shalt  }
0x44: {  	_ =	shalt  }
0x45: {  	_ =	shalt  }
0x46: {  	_ =	shalt  }
0x47: {  	_ =	shalt  }
0x48: {  	_ =	shalt  }
0x49: {  	_ =	shalt  }
0x4a: {  	_ =	shalt  }
0x4b: {  	_ =	shalt  }
0x4c: {  	_ =	shalt  }
0x4d: {  	_ =	shalt  }
0x4e: {  	_ =	shalt  }
0x4f: {  	_ =	shalt  }
0x50: {  	_ =	shalt  }
0x51: {  	_ =	shalt  }
0x52: {  	_ =	shalt  }
0x53: {  	_ =	shalt  }
0x54: {  	_ =	shalt  }
0x55: {  	_ =	shalt  }
0x56: {  	_ =	shalt  }
0x57: {  	_ =	shalt  }
0x58: {  	_ =	shalt  }
0x59: {  	_ =	shalt  }
0x5a: {  	_ =	shalt  }
0x5b: {  	_ =	shalt  }
0x5c: {  	_ =	shalt  }
0x5d: {  	_ =	shalt  }
0x5e: {  	_ =	shalt  }
0x5f: {  	_ =	shalt  }
0x60: {  	_ =	shalt  }
0x61: {  	_ =	shalt  }
0x62: {  	_ =	shalt  }
0x63: {  	_ =	shalt  }
0x64: {  	_ =	shalt  }
0x65: {  	_ =	shalt  }
0x66: {  	_ =	shalt  }
0x67: {  	_ =	shalt  }
0x68: {  	_ =	shalt  }
0x69: {  	_ =	shalt  }
0x6a: {  	_ =	shalt  }
0x6b: {  	_ =	shalt  }
0x6c: {  	_ =	shalt  }
0x6d: {  	_ =	shalt  }
0x6e: {  	_ =	shalt  }
0x6f: {  	_ =	shalt  }
0x70: {  	_ =	shalt  }
0x71: {  	_ =	shalt  }
0x72: {  	_ =	shalt  }
0x73: {  	_ =	shalt  }
0x74: {  	_ =	shalt  }
0x75: {  	_ =	shalt  }
0x76: {  	_ =	shalt  }
0x77: {  	_ =	shalt  }
0x78: {  	_ =	shalt  }
0x79: {  	_ =	shalt  }
0x7a: {  	_ =	shalt  }
0x7b: {  	_ =	shalt  }
0x7c: {  	_ =	shalt  }
0x7d: {  	_ =	shalt  }
0x7e: {  	_ =	shalt  }
0x7f: {  	_ =	shalt  }
0x80: {  	_ =	shalt  }
0x81: {  	_ =	shalt  }
0x82: {  	_ =	shalt  }
0x83: {  	_ =	shalt  }
0x84: {  	_ =	shalt  }
0x85: {  	_ =	shalt  }
0x86: {  	_ =	shalt  }
0x87: {  	_ =	shalt  }
.Lfunc_end0:
.L_simem_size_0:
called_computation_lowered:
.L_overlay_start_0:
0x88: {  	s2 =	sld [smem:$0x3FD9]  }
0x89: {  	s3 =	sld [smem:$0x3FFE];
	_ =	sdelay $0x1  }
0x8a: {  	s1 =	srdreg.scid  }
0x8b: {  	s0 =	sand.u32 $0x1, s1  }
0x8c: {  	s17 =	sshll.u32 s0, $0xA;
	s2 =	sadd.s32 s3, s2  }
0x8d: {  	s2 =	sadd.s32 s2, s17  }
0x8e: {  	[smem:$0x3FC5] =	sst s2  }
0x8f: {  	_ = 	snop  }
0x90: {  	s2 =	sld [smem:$0x3FC9]  }
0x91: {  	s18 =	sld [smem:$0x3FC8]  }
0x92: {  	s4 =	sld [smem:$0x3FC7];
	(tm) =	ssettm $0x1  }
0x93: {  	s5 =	sld [smem:$0x3FFB];
	_ =	sdelay $0x3  }
0x94: {  	_ =	strace s5  }
0x95: {  	s5 =	sld [smem:$0x3FFC];
	_ =	sdelay $0x3  }
0x96: {  	_ =	strace s5  }
0x97: {  	s5 =	sld [smem:$0x3FFD];
	_ =	sdelay $0x3  }
0x98: {  	_ =	strace s5  }
0x99: {  	_ =	strace $0x8FFFFFFF  }
0x9a: {  	s19 =	sld [smem:$0x3FDB];
	_ =	sdelay $0x1  }
0x9b: {  	s6 =	simm.s32 $_scs_section_size  }
0x9c: {  	s7 =	simm.s32 $_size__tile_overlayer_lowered;
	s8 =	simm.s32 $_tile_overlayer_lowered  }
0x9d: {  	s22 =	simm.s32 $0x1BFF;
	s21 =	sshll.u32 s8, $0x1;
	s5 =	sadd.s32 s6, s19  }
0x9e: {  	s9 =	simm.s32 $0x0;
	s20 =	sshll.u32 s7, $0x1;
	s7 =	sadd.s32 s21, s5  }
0x9f: {  	[timem:s9], [sflag:s22] =	dma.local [hbm:s7], s20  }
0xa0: {  	_ =	swait.ge [sflag:s22], s20  }
0xa1: {  	s6 =	ssub.s32 $0x0, s20;
	[sflag:s22] =	ssyncset.done $0x0  }
0xa2: {  	[sflag:s22] =	ssyncadd.s32 s6;
	_ =	sdelay $0x1  }
0xa3: {  	s23 =	simm.s32 $0x1B8B  }
0xa4: {  	_ =	swait.ge [sflag:s23], $0x1  }
0xa5: {  	[sflag:s23] =	ssyncset.done $0x0  }
0xa6: {  	s25 =	simm.s32 $0x1B8E;
	s24 =	sld [smem:$0x3FFE];
	[sflag:s23] =	ssyncadd.s32 $0xFFFFFFFF  }
0xa7: {  	s26 =	simm.s32 $execute0_lowered;
	[smem:$0x3FD2] =	sst s25  }
0xa8: {  	s7 =	sshll.u32 s26, $0x1;
	_ =	strace $0x80000046;
	[dreg:$0x1] =	wrdreg $0xFFFFFFFF  }
0xa9: {  	s28 =	simm.s32 $_size_execute0_lowered;
	s5 =	sadd.s32 s5, s7;
	[dreg:$0x0] =	wrdreg $0x0  }
0xaa: {  	s7 =	sshll.u32 s28, $0x1;
	[dreg:$0x2] =	wrdreg s5  }
0xab: {  	[dreg:$0x3] =	wrdreg s7  }
0xac: {  	[dreg:$0x4] =	wrdreg $0xC0  }
0xad: {  	_ =	task [dreg:s9], $0x5FFFF  }
0xae: {  	[dreg:$0x1] =	wrdreg $0xFFFFFFFF  }
0xaf: {  	[dreg:$0x0] =	wrdreg $0x60  }
0xb0: {  	[dreg:$0x2] =	wrdreg s2  }
0xb1: {  	[dreg:$0x3] =	wrdreg s18  }
0xb2: {  	[dreg:$0x4] =	wrdreg s4  }
0xb3: {  	[dreg:$0x5] =	wrdreg s24  }
0xb4: {  	[dreg:$0x6] =	wrdreg $0x9  }
0xb5: {  	_ =	task.clear_ibuf [dreg:s9], $0x7FFFF;
	_ =	strace $0x90000046  }
0xb6: {  	s29 =	simm.s32 $0x9;
	_ =	strace $0x80000048  }
0xb7: {  	_ =	swait.ge [sflag:s29], $0x1  }
0xb8: {  	[sflag:s29] =	ssyncadd.s32 $0xFFFFFFFF  }
0xb9: {  	_ =	strace $0x90000048  }
0xba: {  	_ =	sfence  }
0xbb: {  	s30 =	sld [smem:$0x0];
	_ =	sdelay $0x2  }
0xbc: {  	s31 =	sshll.u32 s1, $0xD;
	s1 =	sshrl.u32 s1, $0x2  }
0xbd: {  	s3 =	sand.u32 $0x4000, s31;
	s1 =	sadd.s32 s1, s30  }
0xbe: {  	s0 =	sor.u32 s3, s0;
	s1 =	sshll.u32 s1, $0x11  }
0xbf: {  	s0 =	sor.u32 s1, s0  }
0xc0: {  	s0 =	sadd.s32 $0x8F2B, s0  }
0xc1: {  	[sflag:s0] =	ssyncadd.remote.s32 $0x1  }
0xc2: {  	_ =	sfence.sel $0xFFFF  }
0xc3: {  	[dreg:$0x0] =	wrdreg $0xFFFFFFFF;
	(pc) =	sbr.abs _section_cstart, $3  }
0xc4: {  	[dreg:$0x1] =	wrdreg $0xFFFFFFFF  }
0xc5: {  	_ =	task.clear_ibuf [dreg:s9], $0x2FFFF;
	_ =	strace $0x9FFFFFFF  }
0xc6: {  	(tm) =	ssettm $0x7FFFFFFF  }
0xc7: {  	_ =	shalt  }
tec
execute0_lowered:
.L_overlay_start_1:
0x0: {  	(tag) =	ssettag $0x1  }
0x1: {  	s24 =	rddreg [dreg:$0x0]  }
0x2: {  	s26 =	rddreg [dreg:$0x1]  }
0x3: {  	s28 =	rddreg [dreg:$0x2]  }
0x4: {  	s0 =	rddreg [dreg:$0x3]  }
0x5: {  	s1 =	srdreg.scid;
	s2 =	stileid.u32  }
0x6: {  	s5 =	simm.s32 $0x0;
	s1 =	sand.u32 $0x1, s1;
	s2 =	sshll.u32 s2, $0x1  }
0x7: {  	[smem:$0x7FF] =	sst s5;
	s23 =	sadd.s32 $0x7A000, s24;
	s25 =	sadd.s32 $0xF400, s26  }
0x8: {  	s2 =	sor.u32 s1, s2;
	_ =	strace $0x80000047;
	[smem:$0x7F8] =	sst s23  }
0x9: {  	s29 =	sadd.s32 $0xF400, s28;
	[smem:$0x7F9] =	sst s25;
	s6 =	smul.u32 $0x3D00, s2  }
0xa: {  	s1 =	ssub.s32 $0x2, s1;
	[smem:$0x7FA] =	sst s29  }
0xb: {  	s3 =	sshll.u32 s2, $0xA;
	s14 =	sadd.s32 s24, s6;
	[smem:$0x7F3] =	sst s6  }
0xc: {  	s0 =	sadd.s32 s3, s0;
	s20 =	sadd.s32 $0x400, s6;
	[smem:$0x7ED] =	sst s14  }
0xd: {  	s4 =	sshrl.u32 s1, $0x1;
	s30 =	sadd.s32 $0xC00, s0;
	[smem:$0x7F4] =	sst s20  }
0xe: {  	s1 =	ssub.s32 s1, s4;
	s0 =	sadd.s32 $0x8C00, s0;
	[smem:$0x7FB] =	sst s30  }
0xf: {  	s15 =	sshrl.u32 s6, $0x3;
	s31 =	smax.u32 s1, $0x1;
	[smem:$0x7FC] =	sst s0  }
0x10: {  	s7 =	sadd.s32 s26, s15;
	[smem:$0x7FD] =	sst s31  }
0x11: {  	s16 =	sadd.s32 $0x200, s6;
	s3 =	sadd.s32 s28, s15;
	[smem:$0x7EE] =	sst s7  }
0x12: {  	s17 =	sshrl.u32 s16, $0x3;
	s4 =	sadd.s32 s24, s16;
	[smem:$0x7EF] =	sst s3  }
0x13: {  	s19 =	sadd.s32 $0x3C00, s6;
	[smem:$0x7F0] =	sst s4;
	s18 =	sadd.s32 s26, s17  }
.Ltmp0:
0x14: {  	s3 =	sadd.s32 s28, s17;
	[smem:$0x7F1] =	sst s18;
	(pc) =	sbr.rel .LBB2_1-.Ltmp0, $4  }
0x15: {  	s21 =	sshrl.u32 s19, $0x3;
	s4 =	sadd.s32 s24, s19;
	[smem:$0x7F2] =	sst s3  }
0x16: {  	s25 =	simm.s32 $0xEF00;
	s22 =	sadd.s32 s26, s21;
	[smem:$0x7F5] =	sst s4  }
0x17: {  	p0 =	sne.s32 s2, $0x0;
	[smem:$0x7F6] =	sst s22;
	s3 =	sadd.s32 s28, s21  }
0x18: {  	v0 =	vimm.f32 $0.0e+00;
	s2 =	simm.s32 $0x0;
	s19 =	simm.s32 $0xCF00;
	[smem:$0x7F7] =	sst s3  }
.LBB2_17:
0x19: {  	s0 =	sld [smem:$0x7FB];
	_ =	sdelay $0x1  }
0x1a: {  	s5 =	simm.s32 $0x0;
	s1 =	simm.s32 $0x4  }
0x1b: {  	[hbm4b:s0+s5] =	stream.linear.scatter [tilespmem:s19], [sflag:$0x4], $0x2000, $0x38;
	[tilespmem:$0x10F00] =	vst v63  }
0x1c: {  	_ =	swait.ge [sflag:s1], $0x2000  }
0x1d: {  	s30 =	sld [smem:$0x7FC]  }
0x1e: {  	[sflag:s1] =	ssyncset.done $0x0  }
0x1f: {  	[sflag:s1] =	ssyncadd.s32 $0xFFFFE000  }
0x20: {  	[hbm4b:s30+s5] =	stream.linear.scatter [tilespmem:s25], [sflag:$0x4], $0x2000, $0x38;
	[tilespmem:$0x10F00] =	vst v63  }
0x21: {  	_ =	swait.ge [sflag:s1], $0x2000  }
0x22: {  	s31 =	sld [smem:$0x7FD];
	_ =	sdelay $0x1  }
0x23: {  	s2 =	sadd.s32 $0x1, s2  }
0x24: {  	p1 =	sne.s32 s2, s31  }
.Ltmp1:
0x25: {  	_ = 	snop;
	(pc) =	sbr.rel @!p1 .LBB2_18-.Ltmp1, $3  }
0x26: {  	_ =	sdelay $0x1  }
0x27: {  	[sflag:s1] =	ssyncset.done $0x0  }
0x28: {  	[sflag:s1] =	ssyncadd.s32 $0xFFFFE000  }
.LBB2_1:
0x29: {  	s0 =	sld [smem:$0x7ED];
	_ =	sdelay $0x1  }
0x2a: {  	s1 =	simm.s32 $0x1000;
	s16 =	simm.s32 $0x3D0C00;
	s17 =	sld [smem:$0x7EE]  }
0x2b: {  	[tilespmem:s5], [sflag:$0x1] =	stream.strided.gather [hbm4b:s0+s1], $0x4000, s16, s1, $0x38;
	[tilespmem:$0x10F00] =	vst v63  }
0x2c: {  	s3 =	simm.s32 $0xC000;
	s18 =	sld [smem:$0x7EF]  }
0x2d: {  	[tilespmem:s3], [sflag:$0x1] =	stream.linear.gather [hbm4b:s17+s5], $0x200, $0x38;
	[tilespmem:$0x10F00] =	vst v63  }
0x2e: {  	s20 =	simm.s32 $0xC780;
	s21 =	sld [smem:$0x7F0]  }
0x2f: {  	[tilespmem:s20], [sflag:$0x1] =	stream.linear.gather [hbm4b:s18+s5], $0x200, $0x38;
	[tilespmem:$0x10F00] =	vst v63  }
0x30: {  	s22 =	simm.s32 $0x4000;
	s23 =	sld [smem:$0x7F1]  }
0x31: {  	[tilespmem:s22], [sflag:$0x2] =	stream.strided.gather [hbm4b:s21+s1], $0x4000, s16, s1, $0x38;
	[tilespmem:$0x10F00] =	vst v63  }
0x32: {  	s29 =	simm.s32 $0xC280;
	s30 =	sld [smem:$0x7F2]  }
0x33: {  	[tilespmem:s29], [sflag:$0x2] =	stream.linear.gather [hbm4b:s23+s5], $0x200, $0x38;
	[tilespmem:$0x10F00] =	vst v63  }
0x34: {  	[smem:$0x7EC] =	sst s2;
	s31 =	simm.s32 $0xCA00;
	s0 =	simm.s32 $0xCF40  }
0x35: {  	[tilespmem:s31], [sflag:$0x2] =	stream.linear.gather [hbm4b:s30+s5], $0x200, $0x38;
	[tilespmem:$0x10F00] =	vst v63  }
0x36: {  	[tilespmem:s0+$0x30] =	vst v0  }
0x37: {  	[tilespmem:s0+$0xFFFFFFF0] =	vst v0  }
0x38: {  	[tilespmem:s0+$0xFFFFFFC0] =	vst v0  }
0x39: {  	[tilespmem:s0+$0xFFFFFFE0] =	vst v0  }
0x3a: {  	[tilespmem:s0+$0x10] =	vst v0  }
0x3b: {  	[tilespmem:s0+$0x20] =	vst v0  }
0x3c: {  	[tilespmem:s0+$0x0] =	vst v0  }
0x3d: {  	s1 =	simm.s32 $0xEF40;
	[tilespmem:s0+$0xFFFFFFD0] =	vst v0  }
0x3e: {  	[tilespmem:s1+$0xFFFFFFC0] =	vst v0  }
0x3f: {  	[tilespmem:s1+$0x30] =	vst v0  }
0x40: {  	[tilespmem:s1+$0x20] =	vst v0  }
0x41: {  	[tilespmem:s1+$0x10] =	vst v0  }
0x42: {  	[tilespmem:s1+$0xFFFFFFE0] =	vst v0  }
0x43: {  	[tilespmem:s1+$0x0] =	vst v0  }
0x44: {  	s2 =	simm.s32 $0x0;
	[tilespmem:s1+$0xFFFFFFF0] =	vst v0  }
.LBB2_2:
0x45: {  	s2 =	sadd.s32 $0x8, s2;
	[tilespmem:s1+$0xFFFFFFD0] =	vst v0;
	s0 =	sadd.s32 $0x80, s0;
	s1 =	sadd.s32 $0x80, s1  }
0x46: {  	[tilespmem:s0+$0x30] =	vst v0;
	p1 =	slt.u32 s2, $0x1F8  }
0x47: {  	[tilespmem:s0+$0xFFFFFFF0] =	vst v0  }
0x48: {  	[tilespmem:s0+$0xFFFFFFC0] =	vst v0  }
0x49: {  	[tilespmem:s1+$0xFFFFFFC0] =	vst v0  }
0x4a: {  	[tilespmem:s1+$0x30] =	vst v0  }
0x4b: {  	[tilespmem:s0+$0xFFFFFFE0] =	vst v0  }
0x4c: {  	[tilespmem:s0+$0x10] =	vst v0  }
0x4d: {  	[tilespmem:s0+$0x20] =	vst v0  }
0x4e: {  	[tilespmem:s1+$0x20] =	vst v0  }
0x4f: {  	[tilespmem:s1+$0x10] =	vst v0  }
.Ltmp2:
0x50: {  	[tilespmem:s1+$0xFFFFFFE0] =	vst v0;
	(pc) =	sbr.rel @p1 .LBB2_2-.Ltmp2, $4  }
0x51: {  	[tilespmem:s0+$0x0] =	vst v0  }
0x52: {  	[tilespmem:s1+$0x0] =	vst v0  }
0x53: {  	[tilespmem:s1+$0xFFFFFFF0] =	vst v0  }
0x54: {  	s7 =	simm.s32 $0x0;
	[tilespmem:s0+$0xFFFFFFD0] =	vst v0  }
0x55: {  	[tilespmem:s1+$0xFFFFFFD0] =	vst v0;
	s29 =	simm.s32 $0x0  }
.LBB2_4:
0x56: {  	s2 =	simm.s32 $0x1  }
0x57: {  	_ =	swait.ge [sflag:s2], $0x4000  }
0x58: {  	[sflag:s2] =	ssyncset.done $0x0  }
0x59: {  	[sflag:s2] =	ssyncadd.s32 $0xFFFFC000  }
0x5a: {  	_ =	swait.ge [sflag:s2], $0x200  }
0x5b: {  	[sflag:s2] =	ssyncset.done $0x0  }
0x5c: {  	[smem:$0x7EB] =	sst s29;
	[sflag:s2] =	ssyncadd.s32 $0xFFFFFE00  }
0x5d: {  	_ =	swait.ge [sflag:s2], $0x200  }
0x5e: {  	s1 =	sld [smem:$0x7F4]  }
0x5f: {  	s0 =	smul.u32 $0x600, s29  }
0x60: {  	s23 =	simm.s32 $0x1000;
	s3 =	simm.s32 $0x3D0C00  }
0x61: {  	s4 =	simm.s32 $0x8000;
	[sflag:s2] =	ssyncset.done $0x0;
	s0 =	sadd.s32 s0, s1  }
0x62: {  	[sflag:s2] =	ssyncadd.s32 $0xFFFFFE00;
	s1 =	sadd.s32 s24, s0;
	s0 =	sshrl.u32 s0, $0x3  }
0x63: {  	[tilespmem:s4], [sflag:$0x3] =	stream.strided.gather [hbm4b:s1+s23], $0x4000, s3, s23, $0x38;
	[tilespmem:$0x10F00] =	vst v63  }
0x64: {  	s24 =	sadd.s32 s26, s0;
	s26 =	simm.s32 $0xC500  }
0x65: {  	[tilespmem:s26], [sflag:$0x3] =	stream.linear.gather [hbm4b:s24+s7], $0x200, $0x38;
	[tilespmem:$0x10F00] =	vst v63  }
0x66: {  	s0 =	sadd.s32 s28, s0;
	s28 =	simm.s32 $0xCC80;
	s1 =	sand.u32 $0x60, s7  }
0x67: {  	[tilespmem:s28], [sflag:$0x3] =	stream.linear.gather [hbm4b:s0+s7], $0x200, $0x38;
	[tilespmem:$0x10F00] =	vst v63  }
0x68: {  	s2 =	sand.u32 $0xC00, s7;
	s0 =	sor.u32 $0x10, s1  }
0x69: {  	s29 =	sor.u32 s0, s2  }
0x6a: {  	v2 =	vld [tilespmem:s29+$0x80]  }
0x6b: {  	v3 =	vld [tilespmem:s29+$0x0]  }
0x6c: {  	s5 =	sand.u32 $0x180, s7;
	s30 =	sor.u32 s1, s2  }
0x6d: {  	s5 =	sor.u32 s5, s0;
	v4 =	vld [tilespmem:s30+$0x0]  }
0x6e: {  	v1 =	vld [tilespmem:s5+$0xC000]  }
0x6f: {  	v5 =	vld [tilespmem:s30+$0x80];
	v6 =	vadd.s32 $0x100, v2  }
0x70: {  	s6 =	simm.s32 $0xC000;
	v2 =	vld [tilespmem:s5+$0xC780]  }
0x71: {  	s31 =	simm.s32 $0xC780;
	v8 =	vld [tilespmem:s6+$0x0]  }
0x72: {  	v7 =	vld [tilespmem:s31+$0x0]  }
0x73: {  	[tilespmem:v3+s19+$0x0] =	vst.idx.add.f32.msk $0xffff, v1  }
0x74: {  	[tilespmem:v6+s19+$0x0] =	vst.idx.add.f32.msk $0xffff, v1  }
0x75: {  	[tilespmem:v3+s25+$0x0] =	vst.idx.add.f32.msk $0xffff, v2  }
0x76: {  	v3 =	vadd.s32 $0x100, v5;
	[tilespmem:v6+s25+$0x0] =	vst.idx.add.f32.msk $0xffff, v2  }
0x77: {  	v5 =	vld [tilespmem:s29+$0x100]  }
0x78: {  	v6 =	vld [tilespmem:s29+$0x180];
	_ =	sdelay $0x1  }
0x79: {  	[tilespmem:v4+s19+$0x0] =	vst.idx.add.f32.msk $0xffff, v8  }
0x7a: {  	[tilespmem:v3+s19+$0x0] =	vst.idx.add.f32.msk $0xffff, v8  }
0x7b: {  	[tilespmem:v4+s25+$0x0] =	vst.idx.add.f32.msk $0xffff, v7;
	v5 =	vadd.s32 $0x200, v5  }
0x7c: {  	v4 =	vadd.s32 $0x300, v6;
	[tilespmem:v3+s25+$0x0] =	vst.idx.add.f32.msk $0xffff, v7  }
0x7d: {  	v3 =	vld [tilespmem:s30+$0x100]  }
0x7e: {  	v6 =	vld [tilespmem:s30+$0x180];
	_ =	sdelay $0x1  }
0x7f: {  	[tilespmem:v5+s19+$0x0] =	vst.idx.add.f32.msk $0xffff, v1  }
0x80: {  	[tilespmem:v4+s19+$0x0] =	vst.idx.add.f32.msk $0xffff, v1  }
0x81: {  	v3 =	vadd.s32 $0x200, v3;
	[tilespmem:v5+s25+$0x0] =	vst.idx.add.f32.msk $0xffff, v2  }
0x82: {  	[tilespmem:v4+s25+$0x0] =	vst.idx.add.f32.msk $0xffff, v2;
	v4 =	vadd.s32 $0x300, v6  }
0x83: {  	v5 =	vld [tilespmem:s29+$0x200]  }
0x84: {  	v6 =	vld [tilespmem:s29+$0x280];
	_ =	sdelay $0x1  }
0x85: {  	[tilespmem:v3+s19+$0x0] =	vst.idx.add.f32.msk $0xffff, v8  }
0x86: {  	[tilespmem:v4+s19+$0x0] =	vst.idx.add.f32.msk $0xffff, v8  }
0x87: {  	v5 =	vadd.s32 $0x400, v5;
	[tilespmem:v3+s25+$0x0] =	vst.idx.add.f32.msk $0xffff, v7  }
0x88: {  	v3 =	vadd.s32 $0x500, v6;
	[tilespmem:v4+s25+$0x0] =	vst.idx.add.f32.msk $0xffff, v7  }
0x89: {  	v4 =	vld [tilespmem:s30+$0x200]  }
0x8a: {  	v6 =	vld [tilespmem:s30+$0x280]  }
0x8b: {  	s6 =	sand.u32 $0x3, s7  }
0x8c: {  	s3 =	sshll.u32 s6, $0x5;
	[tilespmem:v5+s19+$0x0] =	vst.idx.add.f32.msk $0xffff, v1  }
0x8d: {  	s3 =	sadd.s32 $0x0, s3;
	[tilespmem:v3+s19+$0x0] =	vst.idx.add.f32.msk $0xffff, v1  }
0x8e: {  	s8 =	sadd.s32 $0x10, s3;
	[tilespmem:v5+s25+$0x0] =	vst.idx.add.f32.msk $0xffff, v2;
	v4 =	vadd.s32 $0x400, v4  }
0x8f: {  	s9 =	sor.u32 $0x300, s8;
	[tilespmem:v3+s25+$0x0] =	vst.idx.add.f32.msk $0xffff, v2;
	v3 =	vadd.s32 $0x500, v6  }
0x90: {  	s4 =	sor.u32 $0x380, s8;
	v5 =	vld [tilespmem:s9+$0x0]  }
0x91: {  	v6 =	vld [tilespmem:s4+$0x0];
	_ =	sdelay $0x1  }
0x92: {  	[tilespmem:v4+s19+$0x0] =	vst.idx.add.f32.msk $0xffff, v8  }
0x93: {  	[tilespmem:v3+s19+$0x0] =	vst.idx.add.f32.msk $0xffff, v8  }
0x94: {  	v5 =	vadd.s32 $0x600, v5;
	[tilespmem:v4+s25+$0x0] =	vst.idx.add.f32.msk $0xffff, v7  }
0x95: {  	s10 =	sor.u32 s7, s7;
	s3 =	sor.u32 $0x300, s3;
	v4 =	vadd.s32 $0x700, v6;
	[tilespmem:v3+s25+$0x0] =	vst.idx.add.f32.msk $0xffff, v7  }
0x96: {  	s11 =	sor.u32 $0x380, s10;
	v3 =	vld [tilespmem:s3+$0x0]  }
0x97: {  	v6 =	vld [tilespmem:s11+$0x0];
	_ =	sdelay $0x1  }
0x98: {  	[tilespmem:v5+s19+$0x0] =	vst.idx.add.f32.msk $0xffff, v1  }
0x99: {  	[tilespmem:v4+s19+$0x0] =	vst.idx.add.f32.msk $0xffff, v1  }
0x9a: {  	s12 =	sor.u32 $0x1000, s2;
	[tilespmem:v5+s25+$0x0] =	vst.idx.add.f32.msk $0xffff, v2;
	v3 =	vadd.s32 $0x600, v3  }
0x9b: {  	s13 =	sor.u32 $0x1080, s2;
	s14 =	sor.u32 s0, s12;
	[tilespmem:v4+s25+$0x0] =	vst.idx.add.f32.msk $0xffff, v2;
	v4 =	vadd.s32 $0x700, v6  }
0x9c: {  	s15 =	sor.u32 s0, s13;
	v5 =	vld [tilespmem:s14+$0x0]  }
0x9d: {  	v6 =	vld [tilespmem:s15+$0x0];
	_ =	sdelay $0x1  }
0x9e: {  	[tilespmem:v3+s19+$0x0] =	vst.idx.add.f32.msk $0xffff, v8  }
0x9f: {  	[tilespmem:v4+s19+$0x0] =	vst.idx.add.f32.msk $0xffff, v8  }
0xa0: {  	v5 =	vadd.s32 $0x800, v5;
	[tilespmem:v3+s25+$0x0] =	vst.idx.add.f32.msk $0xffff, v7  }
0xa1: {  	s3 =	sor.u32 s1, s12;
	v3 =	vadd.s32 $0x900, v6;
	[tilespmem:v4+s25+$0x0] =	vst.idx.add.f32.msk $0xffff, v7  }
0xa2: {  	s4 =	sor.u32 s1, s13;
	v4 =	vld [tilespmem:s3+$0x0]  }
0xa3: {  	v6 =	vld [tilespmem:s4+$0x0];
	_ =	sdelay $0x1  }
0xa4: {  	[tilespmem:v5+s19+$0x0] =	vst.idx.add.f32.msk $0xffff, v1  }
0xa5: {  	[tilespmem:v3+s19+$0x0] =	vst.idx.add.f32.msk $0xffff, v1  }
0xa6: {  	s16 =	sor.u32 $0x1100, s2;
	[tilespmem:v5+s25+$0x0] =	vst.idx.add.f32.msk $0xffff, v2;
	v4 =	vadd.s32 $0x800, v4  }
0xa7: {  	s17 =	sor.u32 $0x1180, s2;
	s18 =	sor.u32 s0, s16;
	[tilespmem:v3+s25+$0x0] =	vst.idx.add.f32.msk $0xffff, v2;
	v3 =	vadd.s32 $0x900, v6  }
0xa8: {  	s20 =	sor.u32 s0, s17;
	v5 =	vld [tilespmem:s18+$0x0]  }
0xa9: {  	v6 =	vld [tilespmem:s20+$0x0];
	_ =	sdelay $0x1  }
0xaa: {  	[tilespmem:v4+s19+$0x0] =	vst.idx.add.f32.msk $0xffff, v8  }
0xab: {  	[tilespmem:v3+s19+$0x0] =	vst.idx.add.f32.msk $0xffff, v8  }
0xac: {  	v5 =	vadd.s32 $0xA00, v5;
	[tilespmem:v4+s25+$0x0] =	vst.idx.add.f32.msk $0xffff, v7  }
0xad: {  	s3 =	sor.u32 s1, s16;
	v4 =	vadd.s32 $0xB00, v6;
	[tilespmem:v3+s25+$0x0] =	vst.idx.add.f32.msk $0xffff, v7  }
0xae: {  	s4 =	sor.u32 s1, s17;
	v3 =	vld [tilespmem:s3+$0x0]  }
0xaf: {  	v6 =	vld [tilespmem:s4+$0x0];
	_ =	sdelay $0x1  }
0xb0: {  	[tilespmem:v5+s19+$0x0] =	vst.idx.add.f32.msk $0xffff, v1  }
0xb1: {  	[tilespmem:v4+s19+$0x0] =	vst.idx.add.f32.msk $0xffff, v1  }
0xb2: {  	s21 =	sor.u32 $0x1200, s2;
	[tilespmem:v5+s25+$0x0] =	vst.idx.add.f32.msk $0xffff, v2;
	v3 =	vadd.s32 $0xA00, v3  }
0xb3: {  	s23 =	sor.u32 $0x1280, s2;
	s22 =	sor.u32 s0, s21;
	[tilespmem:v4+s25+$0x0] =	vst.idx.add.f32.msk $0xffff, v2;
	v4 =	vadd.s32 $0xB00, v6  }
0xb4: {  	s24 =	sor.u32 s0, s23;
	v5 =	vld [tilespmem:s22+$0x0]  }
0xb5: {  	v6 =	vld [tilespmem:s24+$0x0];
	_ =	sdelay $0x1  }
0xb6: {  	[tilespmem:v3+s19+$0x0] =	vst.idx.add.f32.msk $0xffff, v8  }
0xb7: {  	[tilespmem:v4+s19+$0x0] =	vst.idx.add.f32.msk $0xffff, v8  }
0xb8: {  	v5 =	vadd.s32 $0xC00, v5;
	[tilespmem:v3+s25+$0x0] =	vst.idx.add.f32.msk $0xffff, v7  }
0xb9: {  	s3 =	sor.u32 s1, s21;
	v3 =	vadd.s32 $0xD00, v6;
	[tilespmem:v4+s25+$0x0] =	vst.idx.add.f32.msk $0xffff, v7  }
0xba: {  	s26 =	sor.u32 s1, s23;
	v4 =	vld [tilespmem:s3+$0x0]  }
0xbb: {  	v6 =	vld [tilespmem:s26+$0x0];
	_ =	sdelay $0x1  }
0xbc: {  	[tilespmem:v5+s19+$0x0] =	vst.idx.add.f32.msk $0xffff, v1  }
0xbd: {  	[tilespmem:v3+s19+$0x0] =	vst.idx.add.f32.msk $0xffff, v1  }
0xbe: {  	s28 =	sor.u32 $0x1300, s2;
	[tilespmem:v5+s25+$0x0] =	vst.idx.add.f32.msk $0xffff, v2;
	v4 =	vadd.s32 $0xC00, v4  }
0xbf: {  	s29 =	sor.u32 $0x1380, s2;
	s30 =	sor.u32 s0, s28;
	[tilespmem:v3+s25+$0x0] =	vst.idx.add.f32.msk $0xffff, v2;
	v3 =	vadd.s32 $0xD00, v6  }
0xc0: {  	s31 =	sor.u32 s0, s29;
	v5 =	vld [tilespmem:s30+$0x0]  }
0xc1: {  	v6 =	vld [tilespmem:s31+$0x0];
	_ =	sdelay $0x1  }
0xc2: {  	[tilespmem:v4+s19+$0x0] =	vst.idx.add.f32.msk $0xffff, v8  }
0xc3: {  	[tilespmem:v3+s19+$0x0] =	vst.idx.add.f32.msk $0xffff, v8  }
0xc4: {  	v5 =	vadd.s32 $0xE00, v5;
	[tilespmem:v4+s25+$0x0] =	vst.idx.add.f32.msk $0xffff, v7  }
0xc5: {  	s3 =	sor.u32 s1, s28;
	v4 =	vadd.s32 $0xF00, v6;
	[tilespmem:v3+s25+$0x0] =	vst.idx.add.f32.msk $0xffff, v7  }
0xc6: {  	s4 =	sor.u32 s1, s29;
	v3 =	vld [tilespmem:s3+$0x0]  }
0xc7: {  	v6 =	vld [tilespmem:s4+$0x0];
	_ =	sdelay $0x1  }
0xc8: {  	[tilespmem:v5+s19+$0x0] =	vst.idx.add.f32.msk $0xffff, v1  }
0xc9: {  	[tilespmem:v4+s19+$0x0] =	vst.idx.add.f32.msk $0xffff, v1  }
0xca: {  	s4 =	sor.u32 $0x2000, s2;
	[tilespmem:v5+s25+$0x0] =	vst.idx.add.f32.msk $0xffff, v2;
	v3 =	vadd.s32 $0xE00, v3  }
0xcb: {  	s7 =	sor.u32 $0x2080, s2;
	s8 =	sor.u32 s0, s4;
	[tilespmem:v4+s25+$0x0] =	vst.idx.add.f32.msk $0xffff, v2;
	v4 =	vadd.s32 $0xF00, v6  }
0xcc: {  	s9 =	sor.u32 s0, s7;
	v5 =	vld [tilespmem:s8+$0x0]  }
0xcd: {  	v6 =	vld [tilespmem:s9+$0x0];
	_ =	sdelay $0x1  }
0xce: {  	[tilespmem:v3+s19+$0x0] =	vst.idx.add.f32.msk $0xffff, v8  }
0xcf: {  	[tilespmem:v4+s19+$0x0] =	vst.idx.add.f32.msk $0xffff, v8  }
0xd0: {  	v5 =	vadd.s32 $0x1000, v5;
	[tilespmem:v3+s25+$0x0] =	vst.idx.add.f32.msk $0xffff, v7  }
0xd1: {  	s3 =	sor.u32 s1, s4;
	v3 =	vadd.s32 $0x1100, v6;
	[tilespmem:v4+s25+$0x0] =	vst.idx.add.f32.msk $0xffff, v7  }
0xd2: {  	s4 =	sor.u32 s1, s7;
	v4 =	vld [tilespmem:s3+$0x0]  }
0xd3: {  	v6 =	vld [tilespmem:s4+$0x0];
	_ =	sdelay $0x1  }
0xd4: {  	[tilespmem:v5+s19+$0x0] =	vst.idx.add.f32.msk $0xffff, v1  }
0xd5: {  	[tilespmem:v3+s19+$0x0] =	vst.idx.add.f32.msk $0xffff, v1  }
0xd6: {  	s10 =	sor.u32 $0x2100, s2;
	[tilespmem:v5+s25+$0x0] =	vst.idx.add.f32.msk $0xffff, v2;
	v4 =	vadd.s32 $0x1000, v4  }
0xd7: {  	s11 =	sor.u32 $0x2180, s2;
	s12 =	sor.u32 s0, s10;
	[tilespmem:v3+s25+$0x0] =	vst.idx.add.f32.msk $0xffff, v2;
	v3 =	vadd.s32 $0x1100, v6  }
0xd8: {  	s13 =	sor.u32 s0, s11;
	v5 =	vld [tilespmem:s12+$0x0]  }
0xd9: {  	v6 =	vld [tilespmem:s13+$0x0];
	_ =	sdelay $0x1  }
0xda: {  	[tilespmem:v4+s19+$0x0] =	vst.idx.add.f32.msk $0xffff, v8  }
0xdb: {  	[tilespmem:v3+s19+$0x0] =	vst.idx.add.f32.msk $0xffff, v8  }
0xdc: {  	v5 =	vadd.s32 $0x1200, v5;
	[tilespmem:v4+s25+$0x0] =	vst.idx.add.f32.msk $0xffff, v7  }
0xdd: {  	s3 =	sor.u32 s1, s10;
	v4 =	vadd.s32 $0x1300, v6;
	[tilespmem:v3+s25+$0x0] =	vst.idx.add.f32.msk $0xffff, v7  }
0xde: {  	s4 =	sor.u32 s1, s11;
	v3 =	vld [tilespmem:s3+$0x0]  }
0xdf: {  	v6 =	vld [tilespmem:s4+$0x0];
	_ =	sdelay $0x1  }
0xe0: {  	[tilespmem:v5+s19+$0x0] =	vst.idx.add.f32.msk $0xffff, v1  }
0xe1: {  	[tilespmem:v4+s19+$0x0] =	vst.idx.add.f32.msk $0xffff, v1  }
0xe2: {  	s14 =	sor.u32 $0x2200, s2;
	[tilespmem:v5+s25+$0x0] =	vst.idx.add.f32.msk $0xffff, v2;
	v3 =	vadd.s32 $0x1200, v3  }
0xe3: {  	s15 =	sor.u32 $0x2280, s2;
	s16 =	sor.u32 s0, s14;
	[tilespmem:v4+s25+$0x0] =	vst.idx.add.f32.msk $0xffff, v2;
	v4 =	vadd.s32 $0x1300, v6  }
0xe4: {  	s17 =	sor.u32 s0, s15;
	v5 =	vld [tilespmem:s16+$0x0]  }
0xe5: {  	v6 =	vld [tilespmem:s17+$0x0];
	_ =	sdelay $0x1  }
0xe6: {  	[tilespmem:v3+s19+$0x0] =	vst.idx.add.f32.msk $0xffff, v8  }
0xe7: {  	[tilespmem:v4+s19+$0x0] =	vst.idx.add.f32.msk $0xffff, v8  }
0xe8: {  	v5 =	vadd.s32 $0x1400, v5;
	[tilespmem:v3+s25+$0x0] =	vst.idx.add.f32.msk $0xffff, v7  }
0xe9: {  	s3 =	sor.u32 s1, s14;
	v3 =	vadd.s32 $0x1500, v6;
	[tilespmem:v4+s25+$0x0] =	vst.idx.add.f32.msk $0xffff, v7  }
0xea: {  	s4 =	sor.u32 s1, s15;
	v4 =	vld [tilespmem:s3+$0x0]  }
0xeb: {  	v6 =	vld [tilespmem:s4+$0x0];
	_ =	sdelay $0x1  }
0xec: {  	[tilespmem:v5+s19+$0x0] =	vst.idx.add.f32.msk $0xffff, v1  }
0xed: {  	[tilespmem:v3+s19+$0x0] =	vst.idx.add.f32.msk $0xffff, v1  }
0xee: {  	[tilespmem:v5+s25+$0x0] =	vst.idx.add.f32.msk $0xffff, v2;
	v4 =	vadd.s32 $0x1400, v4  }
0xef: {  	s18 =	sor.u32 $0x2300, s2;
	[tilespmem:v3+s25+$0x0] =	vst.idx.add.f32.msk $0xffff, v2;
	v3 =	vadd.s32 $0x1500, v6  }
0xf0: {  	s20 =	sor.u32 $0x2380, s2;
	s21 =	sor.u32 s0, s18  }
0xf1: {  	s22 =	sor.u32 s0, s20;
	v5 =	vld [tilespmem:s21+$0x0]  }
0xf2: {  	v6 =	vld [tilespmem:s22+$0x0]  }
0xf3: {  	[tilespmem:v4+s19+$0x0] =	vst.idx.add.f32.msk $0xffff, v8  }
0xf4: {  	[tilespmem:v3+s19+$0x0] =	vst.idx.add.f32.msk $0xffff, v8  }
0xf5: {  	[tilespmem:v4+s25+$0x0] =	vst.idx.add.f32.msk $0xffff, v7  }
0xf6: {  	s3 =	sor.u32 s1, s18;
	v5 =	vadd.s32 $0x1600, v5;
	[tilespmem:v3+s25+$0x0] =	vst.idx.add.f32.msk $0xffff, v7  }
0xf7: {  	s29 =	simm.s32 $0x20;
	s9 =	simm.s32 $0x100;
	s4 =	sor.u32 s1, s20;
	v4 =	vadd.s32 $0x1700, v6;
	v3 =	vld [tilespmem:s3+$0x0]  }
0xf8: {  	s6 =	sand.u32 $0x60, s29;
	s17 =	sand.u32 $0xC00, s9;
	v6 =	vld [tilespmem:s4+$0x0]  }
0xf9: {  	s12 =	sor.u32 s6, s17  }
0xfa: {  	v12 =	vld [tilespmem:s12+$0x0]  }
0xfb: {  	[tilespmem:v5+s19+$0x0] =	vst.idx.add.f32.msk $0xffff, v1  }
0xfc: {  	[tilespmem:v4+s19+$0x0] =	vst.idx.add.f32.msk $0xffff, v1;
	v3 =	vadd.s32 $0x1600, v3  }
0xfd: {  	s23 =	sor.u32 $0x3000, s2;
	[tilespmem:v5+s25+$0x0] =	vst.idx.add.f32.msk $0xffff, v2;
	v6 =	vadd.s32 $0x1700, v6  }
0xfe: {  	s24 =	sor.u32 $0x3080, s2;
	s26 =	sor.u32 s0, s23;
	[tilespmem:v4+s25+$0x0] =	vst.idx.add.f32.msk $0xffff, v2  }
0xff: {  	s28 =	sor.u32 s0, s24;
	v4 =	vld [tilespmem:s26+$0x0]  }
0x100: {  	v5 =	vld [tilespmem:s28+$0x0]  }
0x101: {  	[tilespmem:v3+s19+$0x0] =	vst.idx.add.f32.msk $0xffff, v8  }
0x102: {  	[tilespmem:v6+s19+$0x0] =	vst.idx.add.f32.msk $0xffff, v8  }
0x103: {  	s26 =	simm.s32 $0xC020;
	[tilespmem:v3+s25+$0x0] =	vst.idx.add.f32.msk $0xffff, v7  }
0x104: {  	v4 =	vadd.s32 $0x1800, v4;
	v3 =	vld [tilespmem:s26+$0x0]  }
0x105: {  	s8 =	sor.u32 s1, s24;
	v5 =	vadd.s32 $0x1900, v5;
	[tilespmem:v6+s25+$0x0] =	vst.idx.add.f32.msk $0xffff, v7  }
0x106: {  	s3 =	sor.u32 s1, s23;
	v13 =	vld [tilespmem:s8+$0x0];
	s8 =	sor.u32 $0x10, s6  }
0x107: {  	v11 =	vld [tilespmem:s3+$0x0];
	s13 =	sor.u32 s8, s17  }
0x108: {  	v14 =	vld [tilespmem:s13+$0x80]  }
0x109: {  	[tilespmem:v4+s19+$0x0] =	vst.idx.add.f32.msk $0xffff, v1  }
0x10a: {  	[tilespmem:v5+s19+$0x0] =	vst.idx.add.f32.msk $0xffff, v1  }
0x10b: {  	[tilespmem:v4+s25+$0x0] =	vst.idx.add.f32.msk $0xffff, v2  }
0x10c: {  	s15 =	sand.u32 $0x180, s29;
	v4 =	vld [tilespmem:s12+$0x80]  }
0x10d: {  	s30 =	sor.u32 $0x3180, s2;
	s14 =	sor.u32 s15, s8;
	[tilespmem:v5+s25+$0x0] =	vst.idx.add.f32.msk $0xffff, v2  }
0x10e: {  	s31 =	sor.u32 $0x3100, s2;
	s10 =	sor.u32 s0, s30;
	v5 =	vld [tilespmem:s14+$0xC000]  }
0x10f: {  	s11 =	sor.u32 s0, s31;
	s18 =	simm.s32 $0xC7A0;
	v9 =	vld [tilespmem:s10+$0x0]  }
0x110: {  	v11 =	vadd.s32 $0x1800, v11;
	v10 =	vld [tilespmem:s11+$0x0];
	[dreg:$0xa] =	wrdreg s18  }
0x111: {  	v13 =	vadd.s32 $0x1900, v13;
	v16 =	vld [tilespmem:s13+$0x0]  }
0x112: {  	s16 =	simm.s32 $0xC7A0;
	v6 =	vld [tilespmem:s14+$0xC780];
	v15 =	vadd.s32 $0x100, v4  }
0x113: {  	v4 =	vld [tilespmem:s16+$0x0]  }
0x114: {  	[tilespmem:v12+s19+$0x0] =	vst.idx.add.f32.msk $0xffff, v3  }
0x115: {  	[tilespmem:v11+s19+$0x0] =	vst.idx.add.f32.msk $0xffff, v8  }
0x116: {  	[tilespmem:v13+s19+$0x0] =	vst.idx.add.f32.msk $0xffff, v8  }
0x117: {  	[tilespmem:v15+s19+$0x0] =	vst.idx.add.f32.msk $0xffff, v3  }
0x118: {  	v60 =	vadd.s32 $0x100, v14;
	[tilespmem:v12+s25+$0x0] =	vst.idx.add.f32.msk $0xffff, v4  }
0x119: {  	[tilespmem:v15+s25+$0x0] =	vst.idx.add.f32.msk $0xffff, v4  }
0x11a: {  	v61 =	vld [tilespmem:s12+$0x100]  }
0x11b: {  	v15 =	vld [tilespmem:s12+$0x180]  }
0x11c: {  	[tilespmem:v16+s19+$0x0] =	vst.idx.add.f32.msk $0xffff, v5  }
0x11d: {  	[tilespmem:v60+s19+$0x0] =	vst.idx.add.f32.msk $0xffff, v5  }
0x11e: {  	[tilespmem:v16+s25+$0x0] =	vst.idx.add.f32.msk $0xffff, v6  }
0x11f: {  	[tilespmem:v60+s25+$0x0] =	vst.idx.add.f32.msk $0xffff, v6;
	v14 =	vadd.s32 $0x200, v61  }
0x120: {  	v63 =	vld [tilespmem:s13+$0x100];
	v62 =	vadd.s32 $0x300, v15  }
0x121: {  	v16 =	vld [tilespmem:s13+$0x180]  }
0x122: {  	[tilespmem:v11+s25+$0x0] =	vst.idx.add.f32.msk $0xffff, v7  }
0x123: {  	[tilespmem:v13+s25+$0x0] =	vst.idx.add.f32.msk $0xffff, v7  }
0x124: {  	[tilespmem:v14+s19+$0x0] =	vst.idx.add.f32.msk $0xffff, v3  }
0x125: {  	v15 =	vadd.s32 $0x200, v63;
	[tilespmem:v62+s19+$0x0] =	vst.idx.add.f32.msk $0xffff, v3  }
0x126: {  	v20 =	vadd.s32 $0x300, v16;
	[tilespmem:v14+s25+$0x0] =	vst.idx.add.f32.msk $0xffff, v4  }
0x127: {  	[tilespmem:v62+s25+$0x0] =	vst.idx.add.f32.msk $0xffff, v4  }
0x128: {  	v12 =	vld [tilespmem:s12+$0x200]  }
0x129: {  	v21 =	vld [tilespmem:s12+$0x280]  }
0x12a: {  	[tilespmem:v15+s19+$0x0] =	vst.idx.add.f32.msk $0xffff, v5  }
0x12b: {  	[tilespmem:v20+s19+$0x0] =	vst.idx.add.f32.msk $0xffff, v5  }
0x12c: {  	[tilespmem:v15+s25+$0x0] =	vst.idx.add.f32.msk $0xffff, v6  }
0x12d: {  	[tilespmem:v20+s25+$0x0] =	vst.idx.add.f32.msk $0xffff, v6;
	v12 =	vadd.s32 $0x400, v12  }
0x12e: {  	v15 =	vld [tilespmem:s13+$0x200];
	v22 =	vadd.s32 $0x500, v21  }
0x12f: {  	s4 =	sor.u32 s1, s31;
	v23 =	vld [tilespmem:s13+$0x280]  }
0x130: {  	s3 =	sor.u32 s1, s30;
	v29 =	vld [tilespmem:s4+$0x0]  }
0x131: {  	s7 =	simm.s32 $0x1;
	v30 =	vld [tilespmem:s3+$0x0]  }
0x132: {  	s20 =	sand.u32 $0x3, s7;
	[tilespmem:v12+s19+$0x0] =	vst.idx.add.f32.msk $0xffff, v3  }
0x133: {  	s13 =	sshll.u32 s20, $0x5;
	v11 =	vadd.s32 $0x400, v15;
	[tilespmem:v22+s19+$0x0] =	vst.idx.add.f32.msk $0xffff, v3  }
0x134: {  	s13 =	sadd.s32 $0x100, s13;
	v24 =	vadd.s32 $0x500, v23;
	[tilespmem:v12+s25+$0x0] =	vst.idx.add.f32.msk $0xffff, v4  }
0x135: {  	s5 =	sor.u32 s9, s29;
	s21 =	sor.u32 $0x300, s13;
	[tilespmem:v22+s25+$0x0] =	vst.idx.add.f32.msk $0xffff, v4  }
0x136: {  	s5 =	sor.u32 $0x380, s5;
	v25 =	vld [tilespmem:s21+$0x0]  }
0x137: {  	v14 =	vld [tilespmem:s5+$0x0]  }
0x138: {  	[tilespmem:v11+s19+$0x0] =	vst.idx.add.f32.msk $0xffff, v5  }
0x139: {  	v15 =	vadd.s32 $0x1A00, v29;
	[tilespmem:v24+s19+$0x0] =	vst.idx.add.f32.msk $0xffff, v5  }
0x13a: {  	v32 =	vadd.s32 $0x1B00, v30;
	s22 =	sadd.s32 $0x10, s13;
	[tilespmem:v11+s25+$0x0] =	vst.idx.add.f32.msk $0xffff, v6  }
0x13b: {  	s13 =	sor.u32 $0x300, s22;
	[tilespmem:v24+s25+$0x0] =	vst.idx.add.f32.msk $0xffff, v6;
	v11 =	vadd.s32 $0x600, v25  }
0x13c: {  	s5 =	sor.u32 $0x380, s22;
	v27 =	vld [tilespmem:s13+$0x0];
	v26 =	vadd.s32 $0x700, v14  }
0x13d: {  	v28 =	vld [tilespmem:s5+$0x0]  }
0x13e: {  	[tilespmem:v15+s19+$0x0] =	vst.idx.add.f32.msk $0xffff, v8  }
0x13f: {  	[tilespmem:v32+s19+$0x0] =	vst.idx.add.f32.msk $0xffff, v8  }
0x140: {  	[tilespmem:v11+s19+$0x0] =	vst.idx.add.f32.msk $0xffff, v3  }
0x141: {  	v13 =	vadd.s32 $0x600, v27;
	[tilespmem:v26+s19+$0x0] =	vst.idx.add.f32.msk $0xffff, v3  }
0x142: {  	s23 =	sor.u32 $0x1000, s17;
	[tilespmem:v11+s25+$0x0] =	vst.idx.add.f32.msk $0xffff, v4;
	v11 =	vadd.s32 $0x700, v28  }
0x143: {  	s24 =	sor.u32 $0x1080, s17;
	s28 =	sor.u32 s6, s23;
	[tilespmem:v26+s25+$0x0] =	vst.idx.add.f32.msk $0xffff, v4  }
0x144: {  	s29 =	sor.u32 s6, s24;
	v12 =	vld [tilespmem:s28+$0x0]  }
0x145: {  	v31 =	vld [tilespmem:s29+$0x0]  }
0x146: {  	[tilespmem:v13+s19+$0x0] =	vst.idx.add.f32.msk $0xffff, v5  }
0x147: {  	[tilespmem:v11+s19+$0x0] =	vst.idx.add.f32.msk $0xffff, v5  }
0x148: {  	[tilespmem:v13+s25+$0x0] =	vst.idx.add.f32.msk $0xffff, v6  }
0x149: {  	s3 =	sor.u32 s8, s23;
	v12 =	vadd.s32 $0x800, v12;
	[tilespmem:v11+s25+$0x0] =	vst.idx.add.f32.msk $0xffff, v6  }
0x14a: {  	s4 =	sor.u32 s8, s24;
	v11 =	vadd.s32 $0x900, v31;
	v33 =	vld [tilespmem:s3+$0x0]  }
0x14b: {  	v34 =	vld [tilespmem:s4+$0x0]  }
0x14c: {  	[tilespmem:v15+s25+$0x0] =	vst.idx.add.f32.msk $0xffff, v7  }
0x14d: {  	[tilespmem:v32+s25+$0x0] =	vst.idx.add.f32.msk $0xffff, v7  }
0x14e: {  	[tilespmem:v12+s19+$0x0] =	vst.idx.add.f32.msk $0xffff, v3  }
0x14f: {  	[tilespmem:v11+s19+$0x0] =	vst.idx.add.f32.msk $0xffff, v3;
	v14 =	vadd.s32 $0x800, v33  }
0x150: {  	s30 =	sor.u32 $0x1100, s17;
	v35 =	vadd.s32 $0x900, v34;
	[tilespmem:v12+s25+$0x0] =	vst.idx.add.f32.msk $0xffff, v4  }
0x151: {  	s31 =	sor.u32 $0x1180, s17;
	s10 =	sor.u32 s6, s30;
	[tilespmem:v11+s25+$0x0] =	vst.idx.add.f32.msk $0xffff, v4  }
0x152: {  	s11 =	sor.u32 s6, s31;
	v11 =	vld [tilespmem:s10+$0x0]  }
0x153: {  	v36 =	vld [tilespmem:s11+$0x0]  }
0x154: {  	[tilespmem:v14+s19+$0x0] =	vst.idx.add.f32.msk $0xffff, v5  }
0x155: {  	[tilespmem:v35+s19+$0x0] =	vst.idx.add.f32.msk $0xffff, v5  }
0x156: {  	[tilespmem:v14+s25+$0x0] =	vst.idx.add.f32.msk $0xffff, v6  }
0x157: {  	s3 =	sor.u32 s8, s30;
	v11 =	vadd.s32 $0xA00, v11;
	[tilespmem:v35+s25+$0x0] =	vst.idx.add.f32.msk $0xffff, v6  }
0x158: {  	s4 =	sor.u32 s8, s31;
	v37 =	vadd.s32 $0xB00, v36;
	v14 =	vld [tilespmem:s3+$0x0];
	s3 =	sor.u32 $0x3200, s2  }
0x159: {  	v38 =	vld [tilespmem:s4+$0x0];
	s4 =	sor.u32 $0x3280, s2;
	s21 =	sor.u32 s1, s3  }
0x15a: {  	s22 =	sor.u32 s1, s4;
	v15 =	vld [tilespmem:s21+$0x0]  }
0x15b: {  	v42 =	vld [tilespmem:s22+$0x0]  }
0x15c: {  	[tilespmem:v11+s19+$0x0] =	vst.idx.add.f32.msk $0xffff, v3  }
0x15d: {  	[tilespmem:v37+s19+$0x0] =	vst.idx.add.f32.msk $0xffff, v3;
	v39 =	vadd.s32 $0xA00, v14  }
0x15e: {  	s12 =	sor.u32 $0x1200, s17;
	[tilespmem:v11+s25+$0x0] =	vst.idx.add.f32.msk $0xffff, v4;
	v11 =	vadd.s32 $0xB00, v38  }
0x15f: {  	s14 =	sor.u32 $0x1280, s17;
	s15 =	sor.u32 s6, s12;
	[tilespmem:v37+s25+$0x0] =	vst.idx.add.f32.msk $0xffff, v4  }
0x160: {  	s16 =	sor.u32 s6, s14;
	v15 =	vadd.s32 $0x1C00, v15;
	v12 =	vld [tilespmem:s15+$0x0]  }
0x161: {  	v40 =	vld [tilespmem:s16+$0x0]  }
0x162: {  	v45 =	vadd.s32 $0x1D00, v42;
	[tilespmem:v39+s19+$0x0] =	vst.idx.add.f32.msk $0xffff, v5  }
0x163: {  	[tilespmem:v11+s19+$0x0] =	vst.idx.add.f32.msk $0xffff, v5  }
0x164: {  	[tilespmem:v39+s25+$0x0] =	vst.idx.add.f32.msk $0xffff, v6  }
0x165: {  	[tilespmem:v15+s19+$0x0] =	vst.idx.add.f32.msk $0xffff, v8  }
0x166: {  	[tilespmem:v11+s25+$0x0] =	vst.idx.add.f32.msk $0xffff, v6  }
0x167: {  	s18 =	sor.u32 s8, s12;
	v12 =	vadd.s32 $0xC00, v12;
	[tilespmem:v45+s19+$0x0] =	vst.idx.add.f32.msk $0xffff, v8  }
0x168: {  	s20 =	sor.u32 s8, s14;
	v11 =	vadd.s32 $0xD00, v40;
	v13 =	vld [tilespmem:s18+$0x0]  }
0x169: {  	v41 =	vld [tilespmem:s20+$0x0]  }
0x16a: {  	[tilespmem:v15+s25+$0x0] =	vst.idx.add.f32.msk $0xffff, v7  }
0x16b: {  	[tilespmem:v45+s25+$0x0] =	vst.idx.add.f32.msk $0xffff, v7  }
0x16c: {  	[tilespmem:v12+s19+$0x0] =	vst.idx.add.f32.msk $0xffff, v3  }
0x16d: {  	[tilespmem:v11+s19+$0x0] =	vst.idx.add.f32.msk $0xffff, v3;
	v13 =	vadd.s32 $0xC00, v13  }
0x16e: {  	s23 =	sor.u32 $0x1300, s17;
	v43 =	vadd.s32 $0xD00, v41;
	[tilespmem:v12+s25+$0x0] =	vst.idx.add.f32.msk $0xffff, v4  }
0x16f: {  	s24 =	sor.u32 $0x1380, s17;
	s28 =	sor.u32 s6, s23;
	[tilespmem:v11+s25+$0x0] =	vst.idx.add.f32.msk $0xffff, v4  }
0x170: {  	s15 =	sor.u32 s6, s24;
	v11 =	vld [tilespmem:s28+$0x0]  }
0x171: {  	v44 =	vld [tilespmem:s15+$0x0]  }
0x172: {  	[tilespmem:v13+s19+$0x0] =	vst.idx.add.f32.msk $0xffff, v5  }
0x173: {  	[tilespmem:v43+s19+$0x0] =	vst.idx.add.f32.msk $0xffff, v5  }
0x174: {  	[tilespmem:v13+s25+$0x0] =	vst.idx.add.f32.msk $0xffff, v6  }
0x175: {  	s5 =	sor.u32 s8, s23;
	v11 =	vadd.s32 $0xE00, v11;
	[tilespmem:v43+s25+$0x0] =	vst.idx.add.f32.msk $0xffff, v6  }
0x176: {  	s13 =	sor.u32 s8, s24;
	s20 =	sor.u32 $0x3300, s2;
	v46 =	vadd.s32 $0xF00, v44;
	v47 =	vld [tilespmem:s5+$0x0]  }
0x177: {  	s2 =	sor.u32 $0x3380, s2;
	s21 =	sor.u32 s1, s20;
	v48 =	vld [tilespmem:s13+$0x0]  }
0x178: {  	s1 =	sor.u32 s1, s2;
	v15 =	vld [tilespmem:s21+$0x0]  }
0x179: {  	v56 =	vld [tilespmem:s1+$0x0]  }
0x17a: {  	[tilespmem:v11+s19+$0x0] =	vst.idx.add.f32.msk $0xffff, v3  }
0x17b: {  	[tilespmem:v46+s19+$0x0] =	vst.idx.add.f32.msk $0xffff, v3;
	v14 =	vadd.s32 $0xE00, v47  }
0x17c: {  	s29 =	sor.u32 $0x2000, s17;
	[tilespmem:v11+s25+$0x0] =	vst.idx.add.f32.msk $0xffff, v4;
	v11 =	vadd.s32 $0xF00, v48  }
0x17d: {  	s30 =	sor.u32 $0x2080, s17;
	s31 =	sor.u32 s6, s29;
	[tilespmem:v46+s25+$0x0] =	vst.idx.add.f32.msk $0xffff, v4  }
0x17e: {  	s10 =	sor.u32 s6, s30;
	v12 =	vld [tilespmem:s31+$0x0]  }
0x17f: {  	v49 =	vld [tilespmem:s10+$0x0]  }
0x180: {  	[tilespmem:v14+s19+$0x0] =	vst.idx.add.f32.msk $0xffff, v5  }
0x181: {  	v15 =	vadd.s32 $0x1E00, v15;
	[tilespmem:v11+s19+$0x0] =	vst.idx.add.f32.msk $0xffff, v5  }
0x182: {  	v58 =	vadd.s32 $0x1F00, v56;
	[tilespmem:v14+s25+$0x0] =	vst.idx.add.f32.msk $0xffff, v6  }
0x183: {  	s5 =	sor.u32 s8, s29;
	v12 =	vadd.s32 $0x1000, v12;
	[tilespmem:v11+s25+$0x0] =	vst.idx.add.f32.msk $0xffff, v6  }
0x184: {  	s13 =	sor.u32 s8, s30;
	v11 =	vadd.s32 $0x1100, v49;
	v14 =	vld [tilespmem:s5+$0x0]  }
0x185: {  	v50 =	vld [tilespmem:s13+$0x0]  }
0x186: {  	[tilespmem:v15+s19+$0x0] =	vst.idx.add.f32.msk $0xffff, v8  }
0x187: {  	[tilespmem:v58+s19+$0x0] =	vst.idx.add.f32.msk $0xffff, v8  }
0x188: {  	[tilespmem:v12+s19+$0x0] =	vst.idx.add.f32.msk $0xffff, v3  }
0x189: {  	[tilespmem:v11+s19+$0x0] =	vst.idx.add.f32.msk $0xffff, v3;
	v51 =	vadd.s32 $0x1000, v14  }
0x18a: {  	s11 =	sor.u32 $0x2100, s17;
	v52 =	vadd.s32 $0x1100, v50;
	[tilespmem:v12+s25+$0x0] =	vst.idx.add.f32.msk $0xffff, v4  }
0x18b: {  	s12 =	sor.u32 $0x2180, s17;
	s15 =	sor.u32 s6, s11;
	[tilespmem:v11+s25+$0x0] =	vst.idx.add.f32.msk $0xffff, v4  }
0x18c: {  	s16 =	sor.u32 s6, s12;
	v11 =	vld [tilespmem:s15+$0x0]  }
0x18d: {  	v53 =	vld [tilespmem:s16+$0x0]  }
0x18e: {  	[tilespmem:v51+s19+$0x0] =	vst.idx.add.f32.msk $0xffff, v5  }
0x18f: {  	[tilespmem:v52+s19+$0x0] =	vst.idx.add.f32.msk $0xffff, v5  }
0x190: {  	[tilespmem:v51+s25+$0x0] =	vst.idx.add.f32.msk $0xffff, v6  }
0x191: {  	s18 =	sor.u32 s8, s11;
	v11 =	vadd.s32 $0x1200, v11;
	[tilespmem:v52+s25+$0x0] =	vst.idx.add.f32.msk $0xffff, v6  }
0x192: {  	s13 =	sor.u32 s8, s12;
	v54 =	vadd.s32 $0x1300, v53;
	v13 =	vld [tilespmem:s18+$0x0]  }
0x193: {  	v55 =	vld [tilespmem:s13+$0x0]  }
0x194: {  	[tilespmem:v15+s25+$0x0] =	vst.idx.add.f32.msk $0xffff, v7  }
0x195: {  	[tilespmem:v58+s25+$0x0] =	vst.idx.add.f32.msk $0xffff, v7  }
0x196: {  	[tilespmem:v11+s19+$0x0] =	vst.idx.add.f32.msk $0xffff, v3  }
0x197: {  	[tilespmem:v54+s19+$0x0] =	vst.idx.add.f32.msk $0xffff, v3;
	v13 =	vadd.s32 $0x1200, v13  }
0x198: {  	s22 =	sor.u32 $0x2200, s17;
	[tilespmem:v11+s25+$0x0] =	vst.idx.add.f32.msk $0xffff, v4;
	v11 =	vadd.s32 $0x1300, v55  }
0x199: {  	s23 =	sor.u32 $0x2280, s17;
	s24 =	sor.u32 s6, s22;
	[tilespmem:v54+s25+$0x0] =	vst.idx.add.f32.msk $0xffff, v4  }
0x19a: {  	s28 =	sor.u32 s6, s23;
	v12 =	vld [tilespmem:s24+$0x0]  }
0x19b: {  	v57 =	vld [tilespmem:s28+$0x0]  }
0x19c: {  	[tilespmem:v13+s19+$0x0] =	vst.idx.add.f32.msk $0xffff, v5  }
0x19d: {  	[tilespmem:v11+s19+$0x0] =	vst.idx.add.f32.msk $0xffff, v5  }
0x19e: {  	[tilespmem:v13+s25+$0x0] =	vst.idx.add.f32.msk $0xffff, v6  }
0x19f: {  	s1 =	sor.u32 s8, s22;
	[tilespmem:v11+s25+$0x0] =	vst.idx.add.f32.msk $0xffff, v6  }
0x1a0: {  	s13 =	sor.u32 s8, s23;
	v59 =	vld [tilespmem:s1+$0x0]  }
0x1a1: {  	v7 =	vadd.s32 $0x1A00, v10;
	v60 =	vld [tilespmem:s13+$0x0]  }
0x1a2: {  	v12 =	vadd.s32 $0x1400, v12  }
0x1a3: {  	v11 =	vadd.s32 $0x1500, v57;
	_ =	sdelay $0x1  }
0x1a4: {  	v8 =	vadd.s32 $0x1400, v59  }
0x1a5: {  	[tilespmem:v7+s19+$0x0] =	vst.idx.add.f32.msk $0xffff, v1;
	v61 =	vadd.s32 $0x1500, v60  }
0x1a6: {  	[tilespmem:v12+s19+$0x0] =	vst.idx.add.f32.msk $0xffff, v3  }
0x1a7: {  	[tilespmem:v11+s19+$0x0] =	vst.idx.add.f32.msk $0xffff, v3  }
0x1a8: {  	[tilespmem:v12+s25+$0x0] =	vst.idx.add.f32.msk $0xffff, v4  }
0x1a9: {  	[tilespmem:v8+s19+$0x0] =	vst.idx.add.f32.msk $0xffff, v5  }
0x1aa: {  	[tilespmem:v61+s19+$0x0] =	vst.idx.add.f32.msk $0xffff, v5  }
0x1ab: {  	s29 =	sor.u32 $0x2300, s17;
	[tilespmem:v8+s25+$0x0] =	vst.idx.add.f32.msk $0xffff, v6;
	v8 =	vadd.s32 $0x1B00, v9  }
0x1ac: {  	s30 =	sor.u32 $0x2380, s17;
	s31 =	sor.u32 s8, s29;
	[tilespmem:v61+s25+$0x0] =	vst.idx.add.f32.msk $0xffff, v6  }
0x1ad: {  	s10 =	sor.u32 s8, s30;
	v9 =	vld [tilespmem:s31+$0x0]  }
0x1ae: {  	v10 =	vld [tilespmem:s10+$0x0]  }
0x1af: {  	[tilespmem:v11+s25+$0x0] =	vst.idx.add.f32.msk $0xffff, v4  }
0x1b0: {  	[tilespmem:v8+s19+$0x0] =	vst.idx.add.f32.msk $0xffff, v1  }
0x1b1: {  	[tilespmem:v7+s25+$0x0] =	vst.idx.add.f32.msk $0xffff, v2  }
0x1b2: {  	s3 =	sor.u32 s0, s3;
	v7 =	vadd.s32 $0x1600, v9;
	[tilespmem:v8+s25+$0x0] =	vst.idx.add.f32.msk $0xffff, v2  }
0x1b3: {  	s4 =	sor.u32 s0, s4;
	v8 =	vadd.s32 $0x1700, v10;
	v9 =	vld [tilespmem:s3+$0x0]  }
0x1b4: {  	s1 =	sor.u32 s6, s29;
	v10 =	vld [tilespmem:s4+$0x0]  }
0x1b5: {  	s11 =	sor.u32 s6, s30;
	v11 =	vld [tilespmem:s1+$0x0]  }
0x1b6: {  	v12 =	vld [tilespmem:s11+$0x0]  }
0x1b7: {  	[tilespmem:v7+s19+$0x0] =	vst.idx.add.f32.msk $0xffff, v5  }
0x1b8: {  	[tilespmem:v8+s19+$0x0] =	vst.idx.add.f32.msk $0xffff, v5;
	v62 =	vadd.s32 $0x1C00, v9  }
0x1b9: {  	s12 =	sor.u32 $0x3000, s17;
	[tilespmem:v7+s25+$0x0] =	vst.idx.add.f32.msk $0xffff, v6;
	v7 =	vadd.s32 $0x1D00, v10  }
0x1ba: {  	s14 =	sor.u32 $0x3080, s17;
	s15 =	sor.u32 s8, s12;
	[tilespmem:v8+s25+$0x0] =	vst.idx.add.f32.msk $0xffff, v6  }
0x1bb: {  	s16 =	sor.u32 s8, s14;
	v8 =	vld [tilespmem:s15+$0x0]  }
0x1bc: {  	v14 =	vld [tilespmem:s16+$0x0]  }
0x1bd: {  	[tilespmem:v62+s19+$0x0] =	vst.idx.add.f32.msk $0xffff, v1  }
0x1be: {  	[tilespmem:v7+s19+$0x0] =	vst.idx.add.f32.msk $0xffff, v1  }
0x1bf: {  	s22 =	sor.u32 $0x3180, s17;
	v10 =	vadd.s32 $0x1600, v11;
	[tilespmem:v62+s25+$0x0] =	vst.idx.add.f32.msk $0xffff, v2  }
0x1c0: {  	s5 =	sor.u32 s0, s20;
	s20 =	sor.u32 $0x3100, s17;
	s18 =	sor.u32 s6, s14;
	v9 =	vadd.s32 $0x1700, v12;
	[tilespmem:v7+s25+$0x0] =	vst.idx.add.f32.msk $0xffff, v2  }
0x1c1: {  	s0 =	sor.u32 s0, s2;
	s23 =	sor.u32 s8, s20;
	v8 =	vadd.s32 $0x1800, v8;
	v7 =	vld [tilespmem:s5+$0x0];
	[dreg:$0x9] =	wrdreg s18  }
0x1c2: {  	s24 =	sor.u32 s8, s22;
	v11 =	vadd.s32 $0x1900, v14;
	v63 =	vld [tilespmem:s0+$0x0];
	[dreg:$0x5] =	wrdreg s23  }
0x1c3: {  	[dreg:$0x8] =	wrdreg s24  }
0x1c4: {  	s21 =	sor.u32 s6, s22;
	s28 =	sor.u32 $0x3200, s17;
	[tilespmem:v10+s19+$0x0] =	vst.idx.add.f32.msk $0xffff, v3  }
0x1c5: {  	s30 =	sor.u32 $0x3300, s17;
	s2 =	sor.u32 s6, s20;
	s14 =	sor.u32 s6, s28;
	[tilespmem:v9+s19+$0x0] =	vst.idx.add.f32.msk $0xffff, v3  }
0x1c6: {  	s29 =	sor.u32 $0x3280, s17;
	s13 =	sor.u32 s8, s28;
	s11 =	sor.u32 s6, s30;
	[tilespmem:v8+s19+$0x0] =	vst.idx.add.f32.msk $0xffff, v5  }
0x1c7: {  	s1 =	sor.u32 s8, s29;
	s31 =	sor.u32 $0x3380, s17;
	s4 =	sor.u32 s6, s12;
	[tilespmem:v11+s19+$0x0] =	vst.idx.add.f32.msk $0xffff, v5  }
0x1c8: {  	s3 =	sor.u32 s8, s31;
	s16 =	sor.u32 s6, s29;
	s6 =	sor.u32 s6, s31;
	[tilespmem:v8+s25+$0x0] =	vst.idx.add.f32.msk $0xffff, v6  }
0x1c9: {  	s0 =	sor.u32 s8, s30;
	s23 =	simm.s32 $0x2;
	s24 =	simm.s32 $0x40;
	v8 =	vadd.s32 $0x1E00, v7;
	v7 =	vadd.s32 $0x1F00, v63;
	[tilespmem:v11+s25+$0x0] =	vst.idx.add.f32.msk $0xffff, v6  }
.LBB2_5:
0x1ca: {  	_ = 	snop  }
0x1cb: {  	[smem:$0x7D5] =	sst s14  }
0x1cc: {  	[smem:$0x7E7] =	sst s13  }
0x1cd: {  	[dreg:$0x1d] =	wrdreg s6;
	[tilespmem:v10+s25+$0x0] =	vst.idx.add.f32.msk $0xffff, v4  }
0x1ce: {  	[dreg:$0x17] =	wrdreg s11;
	[tilespmem:v8+s19+$0x0] =	vst.idx.add.f32.msk $0xffff, v1  }
0x1cf: {  	[dreg:$0xf] =	wrdreg s1;
	[tilespmem:v9+s25+$0x0] =	vst.idx.add.f32.msk $0xffff, v4  }
0x1d0: {  	[dreg:$0xb] =	wrdreg s0;
	[tilespmem:v7+s19+$0x0] =	vst.idx.add.f32.msk $0xffff, v1  }
0x1d1: {  	[dreg:$0x6] =	wrdreg s3;
	s3 =	sand.u32 $0x60, s24;
	[tilespmem:v8+s25+$0x0] =	vst.idx.add.f32.msk $0xffff, v2  }
0x1d2: {  	s9 =	sadd.s32 $0x100, s9;
	s12 =	rddreg [dreg:$0xa];
	s26 =	sadd.s32 $0x20, s26;
	v11 =	vld [tilespmem:s4+$0x0]  }
0x1d3: {  	s10 =	smov.u32 s21;
	s17 =	sand.u32 $0x180, s24;
	s12 =	sadd.s32 $0x20, s12;
	v9 =	vld [tilespmem:s26+$0x0]  }
0x1d4: {  	s1 =	rddreg [dreg:$0x8];
	s22 =	sand.u32 $0xC00, s9;
	s28 =	sor.u32 $0x10, s3;
	v10 =	vld [tilespmem:s12+$0x0]  }
0x1d5: {  	s29 =	sor.u32 $0x1000, s22;
	s8 =	sor.u32 $0x1100, s22;
	s21 =	sor.u32 s3, s22;
	[tilespmem:v7+s25+$0x0] =	vst.idx.add.f32.msk $0xffff, v2  }
0x1d6: {  	v1 =	vmov v5;
	s5 =	sor.u32 s28, s22;
	[dreg:$0xa] =	wrdreg s12;
	s30 =	sor.u32 s28, s29;
	v5 =	vld [tilespmem:s21+$0x80]  }
0x1d7: {  	s15 =	sor.u32 $0x1180, s22;
	s31 =	sor.u32 s28, s8;
	v12 =	vld [tilespmem:s21+$0x0];
	[smem:$0x7D0] =	sst s30  }
0x1d8: {  	s18 =	sor.u32 $0x1200, s22;
	s6 =	sor.u32 s28, s15;
	[smem:$0x7D1] =	sst s31;
	v7 =	vld [tilespmem:s1+$0x0]  }
0x1d9: {  	s13 =	sor.u32 $0x1080, s22;
	s11 =	sor.u32 s28, s18;
	[smem:$0x7D2] =	sst s6;
	v14 =	vld [tilespmem:s5+$0x80]  }
0x1da: {  	s14 =	sor.u32 $0x1280, s22;
	s20 =	sor.u32 s17, s28;
	[smem:$0x7D3] =	sst s11;
	v16 =	vld [tilespmem:s5+$0x0]  }
0x1db: {  	s0 =	sor.u32 $0x1300, s22;
	v2 =	vmov v6;
	s4 =	sor.u32 s28, s14;
	s11 =	rddreg [dreg:$0x9];
	v6 =	vld [tilespmem:s20+$0xC780];
	v15 =	vadd.s32 $0x100, v5  }
0x1dc: {  	s17 =	sor.u32 s28, s13;
	s30 =	sor.u32 s3, s13;
	s13 =	rddreg [dreg:$0x5];
	v13 =	vld [tilespmem:s11+$0x0]  }
0x1dd: {  	s6 =	sor.u32 s3, s29;
	s29 =	sor.u32 s3, s15;
	[smem:$0x7D4] =	sst s4;
	v8 =	vld [tilespmem:s13+$0x0]  }
0x1de: {  	s31 =	sor.u32 s3, s8;
	s15 =	sor.u32 s3, s14;
	s14 =	sor.u32 s3, s0;
	v5 =	vld [tilespmem:s20+$0xC000]  }
0x1df: {  	s4 =	sor.u32 $0x1380, s22;
	s0 =	sor.u32 s28, s0;
	[smem:$0x7D6] =	sst s14;
	[tilespmem:v12+s19+$0x0] =	vst.idx.add.f32.msk $0xffff, v9  }
0x1e0: {  	s8 =	sor.u32 s3, s18;
	s18 =	sor.u32 s3, s4;
	[smem:$0x7D8] =	sst s0;
	[tilespmem:v15+s19+$0x0] =	vst.idx.add.f32.msk $0xffff, v9  }
0x1e1: {  	s11 =	sor.u32 $0x2000, s22;
	s4 =	sor.u32 s28, s4;
	[smem:$0x7D7] =	sst s18;
	v61 =	vadd.s32 $0x100, v14;
	[tilespmem:v12+s25+$0x0] =	vst.idx.add.f32.msk $0xffff, v10  }
0x1e2: {  	s1 =	sor.u32 $0x2080, s22;
	[smem:$0x7D9] =	sst s4;
	s14 =	sor.u32 s3, s11;
	[tilespmem:v15+s25+$0x0] =	vst.idx.add.f32.msk $0xffff, v10  }
0x1e3: {  	s18 =	sor.u32 s3, s1;
	[smem:$0x7DA] =	sst s14;
	v62 =	vld [tilespmem:s21+$0x100]  }
0x1e4: {  	s13 =	sor.u32 $0x2180, s22;
	s0 =	sor.u32 s28, s11;
	[smem:$0x7DB] =	sst s18;
	v15 =	vld [tilespmem:s21+$0x180]  }
0x1e5: {  	s4 =	sor.u32 $0x2100, s22;
	s1 =	sor.u32 s28, s1;
	[smem:$0x7DC] =	sst s0;
	[tilespmem:v16+s19+$0x0] =	vst.idx.add.f32.msk $0xffff, v5  }
0x1e6: {  	s11 =	smov.u32 s2;
	s2 =	sor.u32 s28, s13;
	[smem:$0x7DD] =	sst s1;
	v11 =	vadd.s32 $0x1800, v11;
	[tilespmem:v61+s19+$0x0] =	vst.idx.add.f32.msk $0xffff, v5  }
0x1e7: {  	s14 =	sor.u32 s3, s4;
	[smem:$0x7E1] =	sst s2;
	v13 =	vadd.s32 $0x1900, v13;
	[tilespmem:v16+s25+$0x0] =	vst.idx.add.f32.msk $0xffff, v6  }
0x1e8: {  	s18 =	sor.u32 s3, s13;
	[smem:$0x7DE] =	sst s14;
	[tilespmem:v61+s25+$0x0] =	vst.idx.add.f32.msk $0xffff, v6;
	v14 =	vadd.s32 $0x200, v62  }
0x1e9: {  	s0 =	sor.u32 s28, s4;
	s1 =	sor.u32 $0x2200, s22;
	[smem:$0x7DF] =	sst s18;
	v20 =	vld [tilespmem:s5+$0x100];
	v63 =	vadd.s32 $0x300, v15  }
0x1ea: {  	s4 =	sor.u32 $0x2280, s22;
	[smem:$0x7E0] =	sst s0;
	s12 =	sor.u32 s3, s1;
	v16 =	vld [tilespmem:s5+$0x180]  }
0x1eb: {  	s13 =	sor.u32 s3, s4;
	[smem:$0x7E3] =	sst s12;
	[tilespmem:v11+s19+$0x0] =	vst.idx.add.f32.msk $0xffff, v3  }
0x1ec: {  	s0 =	sor.u32 s28, s1;
	[smem:$0x7E4] =	sst s13;
	[tilespmem:v13+s19+$0x0] =	vst.idx.add.f32.msk $0xffff, v3  }
0x1ed: {  	s14 =	sor.u32 $0x2300, s22;
	s1 =	sor.u32 s28, s4;
	[smem:$0x7E5] =	sst s0;
	[tilespmem:v14+s19+$0x0] =	vst.idx.add.f32.msk $0xffff, v9  }
0x1ee: {  	s7 =	sadd.s32 $0x1, s7;
	[smem:$0x7E6] =	sst s1;
	s4 =	sor.u32 s3, s14;
	v15 =	vadd.s32 $0x200, v20;
	[tilespmem:v63+s19+$0x0] =	vst.idx.add.f32.msk $0xffff, v9  }
0x1ef: {  	s18 =	sor.u32 $0x2380, s22;
	s0 =	sor.u32 s28, s14;
	[dreg:$0x13] =	wrdreg s4;
	v21 =	vadd.s32 $0x300, v16;
	[tilespmem:v14+s25+$0x0] =	vst.idx.add.f32.msk $0xffff, v10  }
0x1f0: {  	s12 =	sor.u32 s28, s18;
	s13 =	sor.u32 s3, s18;
	[dreg:$0x1f] =	wrdreg s0;
	[tilespmem:v63+s25+$0x0] =	vst.idx.add.f32.msk $0xffff, v10  }
0x1f1: {  	s14 =	sor.u32 $0x3000, s22;
	s18 =	sor.u32 $0x3080, s22;
	[dreg:$0x1b] =	wrdreg s12;
	v12 =	vld [tilespmem:s21+$0x200]  }
0x1f2: {  	[dreg:$0x15] =	wrdreg s13;
	s4 =	sor.u32 s3, s14;
	s0 =	sor.u32 s28, s14;
	v22 =	vld [tilespmem:s21+$0x280]  }
0x1f3: {  	s20 =	sor.u32 s28, s18;
	s2 =	sor.u32 s3, s18;
	[dreg:$0x11] =	wrdreg s0;
	[tilespmem:v15+s19+$0x0] =	vst.idx.add.f32.msk $0xffff, v5  }
0x1f4: {  	s12 =	sor.u32 $0x3100, s22;
	s13 =	sor.u32 $0x3180, s22;
	[smem:$0x7EA] =	sst s20;
	[tilespmem:v21+s19+$0x0] =	vst.idx.add.f32.msk $0xffff, v5  }
0x1f5: {  	[dreg:$0x9] =	wrdreg s2;
	s18 =	sor.u32 s3, s13;
	s14 =	sor.u32 s28, s12;
	[tilespmem:v15+s25+$0x0] =	vst.idx.add.f32.msk $0xffff, v6  }
0x1f6: {  	s1 =	sor.u32 s28, s13;
	s13 =	sor.u32 s3, s12;
	[dreg:$0x5] =	wrdreg s14;
	[tilespmem:v21+s25+$0x0] =	vst.idx.add.f32.msk $0xffff, v6;
	v12 =	vadd.s32 $0x400, v12  }
0x1f7: {  	s2 =	smov.u32 s26;
	s26 =	sor.u32 $0x3200, s22;
	[dreg:$0x8] =	wrdreg s1;
	v15 =	vld [tilespmem:s5+$0x200];
	v23 =	vadd.s32 $0x500, v22  }
0x1f8: {  	s1 =	smov.u32 s16;
	s16 =	sor.u32 $0x3280, s22;
	s14 =	sor.u32 $0x3300, s22;
	v24 =	vld [tilespmem:s5+$0x280]  }
0x1f9: {  	s0 =	sor.u32 s3, s26;
	s22 =	sor.u32 $0x3380, s22;
	s12 =	sor.u32 s3, s14;
	[tilespmem:v11+s25+$0x0] =	vst.idx.add.f32.msk $0xffff, v4  }
0x1fa: {  	s26 =	sor.u32 s28, s26;
	s20 =	sor.u32 s3, s16;
	[smem:$0x7E2] =	sst s12;
	[tilespmem:v13+s25+$0x0] =	vst.idx.add.f32.msk $0xffff, v4  }
0x1fb: {  	s12 =	sor.u32 s3, s22;
	s3 =	sor.u32 s28, s14;
	s14 =	sand.u32 $0x3, s7;
	[tilespmem:v12+s19+$0x0] =	vst.idx.add.f32.msk $0xffff, v9  }
0x1fc: {  	s16 =	sor.u32 s28, s16;
	[dreg:$0x19] =	wrdreg s3;
	s3 =	sshll.u32 s14, $0x5;
	v11 =	vadd.s32 $0x400, v15;
	[tilespmem:v23+s19+$0x0] =	vst.idx.add.f32.msk $0xffff, v9  }
0x1fd: {  	[smem:$0x7E9] =	sst s16;
	s22 =	sor.u32 s28, s22;
	s3 =	sadd.s32 s3, s9;
	v25 =	vadd.s32 $0x500, v24;
	[tilespmem:v12+s25+$0x0] =	vst.idx.add.f32.msk $0xffff, v10  }
0x1fe: {  	s28 =	sor.u32 s9, s24;
	s16 =	sadd.s32 $0x10, s3;
	s3 =	sor.u32 $0x300, s3;
	[tilespmem:v23+s25+$0x0] =	vst.idx.add.f32.msk $0xffff, v10  }
0x1ff: {  	[smem:$0x7E8] =	sst s26;
	s26 =	smov.u32 s2;
	s2 =	sor.u32 $0x380, s28;
	v13 =	vld [tilespmem:s3+$0x0]  }
0x200: {  	v14 =	vld [tilespmem:s2+$0x0]  }
0x201: {  	[tilespmem:v11+s19+$0x0] =	vst.idx.add.f32.msk $0xffff, v5  }
0x202: {  	[tilespmem:v25+s19+$0x0] =	vst.idx.add.f32.msk $0xffff, v5  }
0x203: {  	[tilespmem:v11+s25+$0x0] =	vst.idx.add.f32.msk $0xffff, v6  }
0x204: {  	s21 =	sor.u32 $0x300, s16;
	[tilespmem:v25+s25+$0x0] =	vst.idx.add.f32.msk $0xffff, v6;
	v11 =	vadd.s32 $0x600, v13  }
0x205: {  	s14 =	sor.u32 $0x380, s16;
	v27 =	vld [tilespmem:s21+$0x0];
	v26 =	vadd.s32 $0x700, v14  }
0x206: {  	v28 =	vld [tilespmem:s14+$0x0]  }
0x207: {  	v29 =	vld [tilespmem:s11+$0x0]  }
0x208: {  	v30 =	vld [tilespmem:s10+$0x0]  }
0x209: {  	[tilespmem:v11+s19+$0x0] =	vst.idx.add.f32.msk $0xffff, v9  }
0x20a: {  	v13 =	vadd.s32 $0x600, v27;
	[tilespmem:v26+s19+$0x0] =	vst.idx.add.f32.msk $0xffff, v9  }
0x20b: {  	[tilespmem:v11+s25+$0x0] =	vst.idx.add.f32.msk $0xffff, v10;
	v11 =	vadd.s32 $0x700, v28  }
0x20c: {  	[tilespmem:v26+s25+$0x0] =	vst.idx.add.f32.msk $0xffff, v10  }
0x20d: {  	v12 =	vld [tilespmem:s6+$0x0]  }
0x20e: {  	v31 =	vld [tilespmem:s30+$0x0]  }
0x20f: {  	[tilespmem:v13+s19+$0x0] =	vst.idx.add.f32.msk $0xffff, v5  }
0x210: {  	s14 =	sld [smem:$0x7D0];
	v15 =	vadd.s32 $0x1A00, v29;
	[tilespmem:v11+s19+$0x0] =	vst.idx.add.f32.msk $0xffff, v5  }
0x211: {  	v32 =	vadd.s32 $0x1B00, v30;
	[tilespmem:v13+s25+$0x0] =	vst.idx.add.f32.msk $0xffff, v6  }
0x212: {  	v12 =	vadd.s32 $0x800, v12;
	[tilespmem:v11+s25+$0x0] =	vst.idx.add.f32.msk $0xffff, v6  }
0x213: {  	v11 =	vadd.s32 $0x900, v31;
	v33 =	vld [tilespmem:s14+$0x0]  }
0x214: {  	v34 =	vld [tilespmem:s17+$0x0]  }
0x215: {  	[tilespmem:v15+s19+$0x0] =	vst.idx.add.f32.msk $0xffff, v3  }
0x216: {  	[tilespmem:v32+s19+$0x0] =	vst.idx.add.f32.msk $0xffff, v3  }
0x217: {  	[tilespmem:v12+s19+$0x0] =	vst.idx.add.f32.msk $0xffff, v9  }
0x218: {  	[tilespmem:v11+s19+$0x0] =	vst.idx.add.f32.msk $0xffff, v9;
	v14 =	vadd.s32 $0x800, v33  }
0x219: {  	v35 =	vadd.s32 $0x900, v34;
	[tilespmem:v12+s25+$0x0] =	vst.idx.add.f32.msk $0xffff, v10  }
0x21a: {  	[tilespmem:v11+s25+$0x0] =	vst.idx.add.f32.msk $0xffff, v10  }
0x21b: {  	v11 =	vld [tilespmem:s31+$0x0]  }
0x21c: {  	v36 =	vld [tilespmem:s29+$0x0]  }
0x21d: {  	[tilespmem:v14+s19+$0x0] =	vst.idx.add.f32.msk $0xffff, v5  }
0x21e: {  	s16 =	sld [smem:$0x7D1];
	[tilespmem:v35+s19+$0x0] =	vst.idx.add.f32.msk $0xffff, v5  }
0x21f: {  	s17 =	sld [smem:$0x7D2];
	[tilespmem:v14+s25+$0x0] =	vst.idx.add.f32.msk $0xffff, v6  }
0x220: {  	v11 =	vadd.s32 $0xA00, v11;
	[tilespmem:v35+s25+$0x0] =	vst.idx.add.f32.msk $0xffff, v6  }
0x221: {  	v37 =	vadd.s32 $0xB00, v36;
	v14 =	vld [tilespmem:s16+$0x0]  }
0x222: {  	v38 =	vld [tilespmem:s17+$0x0]  }
0x223: {  	[tilespmem:v15+s25+$0x0] =	vst.idx.add.f32.msk $0xffff, v4  }
0x224: {  	[tilespmem:v32+s25+$0x0] =	vst.idx.add.f32.msk $0xffff, v4  }
0x225: {  	[tilespmem:v11+s19+$0x0] =	vst.idx.add.f32.msk $0xffff, v9  }
0x226: {  	[tilespmem:v37+s19+$0x0] =	vst.idx.add.f32.msk $0xffff, v9;
	v39 =	vadd.s32 $0xA00, v14  }
0x227: {  	[tilespmem:v11+s25+$0x0] =	vst.idx.add.f32.msk $0xffff, v10;
	v11 =	vadd.s32 $0xB00, v38  }
0x228: {  	[tilespmem:v37+s25+$0x0] =	vst.idx.add.f32.msk $0xffff, v10  }
0x229: {  	v12 =	vld [tilespmem:s8+$0x0]  }
0x22a: {  	v40 =	vld [tilespmem:s15+$0x0]  }
0x22b: {  	[tilespmem:v39+s19+$0x0] =	vst.idx.add.f32.msk $0xffff, v5  }
0x22c: {  	s21 =	smov.u32 s18;
	s18 =	sld [smem:$0x7D3];
	[tilespmem:v11+s19+$0x0] =	vst.idx.add.f32.msk $0xffff, v5  }
0x22d: {  	s28 =	sld [smem:$0x7D4];
	[tilespmem:v39+s25+$0x0] =	vst.idx.add.f32.msk $0xffff, v6  }
0x22e: {  	s29 =	sld [smem:$0x7D5];
	v12 =	vadd.s32 $0xC00, v12;
	[tilespmem:v11+s25+$0x0] =	vst.idx.add.f32.msk $0xffff, v6  }
0x22f: {  	v11 =	vadd.s32 $0xD00, v40;
	v13 =	vld [tilespmem:s18+$0x0]  }
0x230: {  	v41 =	vld [tilespmem:s28+$0x0]  }
0x231: {  	v15 =	vld [tilespmem:s29+$0x0]  }
0x232: {  	v42 =	vld [tilespmem:s1+$0x0]  }
0x233: {  	[tilespmem:v12+s19+$0x0] =	vst.idx.add.f32.msk $0xffff, v9  }
0x234: {  	s30 =	sld [smem:$0x7D6];
	[tilespmem:v11+s19+$0x0] =	vst.idx.add.f32.msk $0xffff, v9;
	v13 =	vadd.s32 $0xC00, v13  }
0x235: {  	s31 =	sld [smem:$0x7D7];
	v43 =	vadd.s32 $0xD00, v41;
	[tilespmem:v12+s25+$0x0] =	vst.idx.add.f32.msk $0xffff, v10  }
0x236: {  	[tilespmem:v11+s25+$0x0] =	vst.idx.add.f32.msk $0xffff, v10  }
0x237: {  	v11 =	vld [tilespmem:s30+$0x0]  }
0x238: {  	v44 =	vld [tilespmem:s31+$0x0]  }
0x239: {  	[tilespmem:v13+s19+$0x0] =	vst.idx.add.f32.msk $0xffff, v5  }
0x23a: {  	s1 =	sld [smem:$0x7D8];
	v15 =	vadd.s32 $0x1C00, v15;
	[tilespmem:v43+s19+$0x0] =	vst.idx.add.f32.msk $0xffff, v5  }
0x23b: {  	s3 =	sld [smem:$0x7D9];
	v45 =	vadd.s32 $0x1D00, v42;
	[tilespmem:v13+s25+$0x0] =	vst.idx.add.f32.msk $0xffff, v6  }
0x23c: {  	v11 =	vadd.s32 $0xE00, v11;
	[tilespmem:v43+s25+$0x0] =	vst.idx.add.f32.msk $0xffff, v6  }
0x23d: {  	v46 =	vadd.s32 $0xF00, v44;
	v47 =	vld [tilespmem:s1+$0x0]  }
0x23e: {  	v48 =	vld [tilespmem:s3+$0x0]  }
0x23f: {  	[tilespmem:v15+s19+$0x0] =	vst.idx.add.f32.msk $0xffff, v3  }
0x240: {  	[tilespmem:v45+s19+$0x0] =	vst.idx.add.f32.msk $0xffff, v3  }
0x241: {  	[tilespmem:v11+s19+$0x0] =	vst.idx.add.f32.msk $0xffff, v9  }
0x242: {  	s5 =	sld [smem:$0x7DA];
	[tilespmem:v46+s19+$0x0] =	vst.idx.add.f32.msk $0xffff, v9;
	v14 =	vadd.s32 $0xE00, v47  }
0x243: {  	s6 =	sld [smem:$0x7DB];
	[tilespmem:v11+s25+$0x0] =	vst.idx.add.f32.msk $0xffff, v10;
	v11 =	vadd.s32 $0xF00, v48  }
0x244: {  	[tilespmem:v46+s25+$0x0] =	vst.idx.add.f32.msk $0xffff, v10  }
0x245: {  	v12 =	vld [tilespmem:s5+$0x0]  }
0x246: {  	v49 =	vld [tilespmem:s6+$0x0]  }
0x247: {  	[tilespmem:v14+s19+$0x0] =	vst.idx.add.f32.msk $0xffff, v5  }
0x248: {  	s8 =	sld [smem:$0x7DC];
	[tilespmem:v11+s19+$0x0] =	vst.idx.add.f32.msk $0xffff, v5  }
0x249: {  	s10 =	sld [smem:$0x7DD];
	[tilespmem:v14+s25+$0x0] =	vst.idx.add.f32.msk $0xffff, v6  }
0x24a: {  	v12 =	vadd.s32 $0x1000, v12;
	[tilespmem:v11+s25+$0x0] =	vst.idx.add.f32.msk $0xffff, v6  }
0x24b: {  	v11 =	vadd.s32 $0x1100, v49;
	v14 =	vld [tilespmem:s8+$0x0]  }
0x24c: {  	v50 =	vld [tilespmem:s10+$0x0]  }
0x24d: {  	[tilespmem:v15+s25+$0x0] =	vst.idx.add.f32.msk $0xffff, v4  }
0x24e: {  	[tilespmem:v45+s25+$0x0] =	vst.idx.add.f32.msk $0xffff, v4  }
0x24f: {  	[tilespmem:v12+s19+$0x0] =	vst.idx.add.f32.msk $0xffff, v9  }
0x250: {  	s11 =	sld [smem:$0x7DE];
	[tilespmem:v11+s19+$0x0] =	vst.idx.add.f32.msk $0xffff, v9;
	v51 =	vadd.s32 $0x1000, v14  }
0x251: {  	s2 =	smov.u32 s13;
	s13 =	sld [smem:$0x7DF];
	v52 =	vadd.s32 $0x1100, v50;
	[tilespmem:v12+s25+$0x0] =	vst.idx.add.f32.msk $0xffff, v10  }
0x252: {  	[tilespmem:v11+s25+$0x0] =	vst.idx.add.f32.msk $0xffff, v10  }
0x253: {  	v11 =	vld [tilespmem:s11+$0x0]  }
0x254: {  	v53 =	vld [tilespmem:s13+$0x0]  }
0x255: {  	[tilespmem:v51+s19+$0x0] =	vst.idx.add.f32.msk $0xffff, v5  }
0x256: {  	s15 =	sld [smem:$0x7E0];
	[tilespmem:v52+s19+$0x0] =	vst.idx.add.f32.msk $0xffff, v5  }
0x257: {  	s17 =	sld [smem:$0x7E1];
	[tilespmem:v51+s25+$0x0] =	vst.idx.add.f32.msk $0xffff, v6  }
0x258: {  	v11 =	vadd.s32 $0x1200, v11;
	[tilespmem:v52+s25+$0x0] =	vst.idx.add.f32.msk $0xffff, v6  }
0x259: {  	v54 =	vadd.s32 $0x1300, v53;
	v13 =	vld [tilespmem:s15+$0x0]  }
0x25a: {  	s18 =	rddreg [dreg:$0x17];
	v55 =	vld [tilespmem:s17+$0x0]  }
0x25b: {  	s28 =	rddreg [dreg:$0x1d];
	v15 =	vld [tilespmem:s18+$0x0]  }
0x25c: {  	v56 =	vld [tilespmem:s28+$0x0]  }
0x25d: {  	[tilespmem:v11+s19+$0x0] =	vst.idx.add.f32.msk $0xffff, v9  }
0x25e: {  	s29 =	sld [smem:$0x7E3];
	[tilespmem:v54+s19+$0x0] =	vst.idx.add.f32.msk $0xffff, v9;
	v13 =	vadd.s32 $0x1200, v13  }
0x25f: {  	s30 =	sld [smem:$0x7E4];
	[tilespmem:v11+s25+$0x0] =	vst.idx.add.f32.msk $0xffff, v10;
	v11 =	vadd.s32 $0x1300, v55  }
0x260: {  	[tilespmem:v54+s25+$0x0] =	vst.idx.add.f32.msk $0xffff, v10  }
0x261: {  	v12 =	vld [tilespmem:s29+$0x0]  }
0x262: {  	v57 =	vld [tilespmem:s30+$0x0]  }
0x263: {  	[tilespmem:v13+s19+$0x0] =	vst.idx.add.f32.msk $0xffff, v5  }
0x264: {  	s31 =	sld [smem:$0x7E5];
	v15 =	vadd.s32 $0x1E00, v15;
	[tilespmem:v11+s19+$0x0] =	vst.idx.add.f32.msk $0xffff, v5  }
0x265: {  	s1 =	sld [smem:$0x7E6];
	v58 =	vadd.s32 $0x1F00, v56;
	[tilespmem:v13+s25+$0x0] =	vst.idx.add.f32.msk $0xffff, v6  }
0x266: {  	v12 =	vadd.s32 $0x1400, v12;
	[tilespmem:v11+s25+$0x0] =	vst.idx.add.f32.msk $0xffff, v6  }
0x267: {  	v11 =	vadd.s32 $0x1500, v57;
	v59 =	vld [tilespmem:s31+$0x0]  }
0x268: {  	v60 =	vld [tilespmem:s1+$0x0]  }
0x269: {  	[tilespmem:v15+s19+$0x0] =	vst.idx.add.f32.msk $0xffff, v3  }
0x26a: {  	[tilespmem:v58+s19+$0x0] =	vst.idx.add.f32.msk $0xffff, v3;
	v3 =	vmov v9  }
0x26b: {  	[tilespmem:v12+s19+$0x0] =	vst.idx.add.f32.msk $0xffff, v3  }
0x26c: {  	[tilespmem:v11+s19+$0x0] =	vst.idx.add.f32.msk $0xffff, v3;
	v9 =	vadd.s32 $0x1400, v59  }
0x26d: {  	v61 =	vadd.s32 $0x1500, v60;
	[tilespmem:v15+s25+$0x0] =	vst.idx.add.f32.msk $0xffff, v4  }
0x26e: {  	[tilespmem:v58+s25+$0x0] =	vst.idx.add.f32.msk $0xffff, v4;
	v4 =	vmov v10  }
0x26f: {  	[tilespmem:v12+s25+$0x0] =	vst.idx.add.f32.msk $0xffff, v4  }
0x270: {  	[tilespmem:v11+s25+$0x0] =	vst.idx.add.f32.msk $0xffff, v4  }
0x271: {  	[tilespmem:v9+s19+$0x0] =	vst.idx.add.f32.msk $0xffff, v5  }
0x272: {  	v8 =	vadd.s32 $0x1A00, v8;
	[tilespmem:v61+s19+$0x0] =	vst.idx.add.f32.msk $0xffff, v5  }
0x273: {  	v7 =	vadd.s32 $0x1B00, v7;
	[tilespmem:v9+s25+$0x0] =	vst.idx.add.f32.msk $0xffff, v6  }
0x274: {  	s3 =	rddreg [dreg:$0x1f];
	[tilespmem:v61+s25+$0x0] =	vst.idx.add.f32.msk $0xffff, v6  }
0x275: {  	s5 =	rddreg [dreg:$0x1b];
	v9 =	vld [tilespmem:s3+$0x0]  }
0x276: {  	v10 =	vld [tilespmem:s5+$0x0]  }
0x277: {  	[tilespmem:v8+s19+$0x0] =	vst.idx.add.f32.msk $0xffff, v1  }
0x278: {  	s8 =	sld [smem:$0x7E7];
	[tilespmem:v7+s19+$0x0] =	vst.idx.add.f32.msk $0xffff, v1  }
0x279: {  	[tilespmem:v8+s25+$0x0] =	vst.idx.add.f32.msk $0xffff, v2  }
0x27a: {  	[tilespmem:v7+s25+$0x0] =	vst.idx.add.f32.msk $0xffff, v2;
	v8 =	vadd.s32 $0x1600, v9  }
0x27b: {  	s6 =	smov.u32 s12;
	s12 =	rddreg [dreg:$0xf];
	v7 =	vadd.s32 $0x1700, v10;
	v9 =	vld [tilespmem:s8+$0x0]  }
0x27c: {  	s17 =	rddreg [dreg:$0x13];
	v10 =	vld [tilespmem:s12+$0x0]  }
0x27d: {  	s18 =	rddreg [dreg:$0x15];
	v11 =	vld [tilespmem:s17+$0x0]  }
0x27e: {  	v12 =	vld [tilespmem:s18+$0x0]  }
0x27f: {  	s16 =	smov.u32 s20;
	s20 =	sld [smem:$0x7E2];
	[tilespmem:v8+s19+$0x0] =	vst.idx.add.f32.msk $0xffff, v5  }
0x280: {  	v62 =	vadd.s32 $0x1C00, v9;
	[tilespmem:v7+s19+$0x0] =	vst.idx.add.f32.msk $0xffff, v5  }
0x281: {  	s28 =	sld [smem:$0x7EA];
	[tilespmem:v8+s25+$0x0] =	vst.idx.add.f32.msk $0xffff, v6;
	v8 =	vadd.s32 $0x1D00, v10  }
0x282: {  	s11 =	smov.u32 s20;
	s20 =	rddreg [dreg:$0x11];
	v10 =	vadd.s32 $0x1600, v11;
	[tilespmem:v7+s25+$0x0] =	vst.idx.add.f32.msk $0xffff, v6  }
0x283: {  	v7 =	vld [tilespmem:s20+$0x0]  }
0x284: {  	v14 =	vld [tilespmem:s28+$0x0]  }
0x285: {  	[tilespmem:v62+s19+$0x0] =	vst.idx.add.f32.msk $0xffff, v1  }
0x286: {  	[tilespmem:v8+s19+$0x0] =	vst.idx.add.f32.msk $0xffff, v1  }
0x287: {  	v9 =	vadd.s32 $0x1700, v12;
	[tilespmem:v10+s19+$0x0] =	vst.idx.add.f32.msk $0xffff, v3  }
0x288: {  	[tilespmem:v62+s25+$0x0] =	vst.idx.add.f32.msk $0xffff, v2;
	v7 =	vadd.s32 $0x1800, v7  }
0x289: {  	s29 =	rddreg [dreg:$0xb];
	[tilespmem:v8+s25+$0x0] =	vst.idx.add.f32.msk $0xffff, v2;
	v11 =	vadd.s32 $0x1900, v14  }
0x28a: {  	s23 =	sadd.s32 $0x2, s23;
	s31 =	rddreg [dreg:$0x6];
	v8 =	vld [tilespmem:s29+$0x0]  }
0x28b: {  	p1 =	slt.u32 s23, $0x1E;
	v63 =	vld [tilespmem:s31+$0x0]  }
.Ltmp3:
0x28c: {  	s10 =	sld [smem:$0x7E8];
	[tilespmem:v9+s19+$0x0] =	vst.idx.add.f32.msk $0xffff, v3;
	(pc) =	sbr.rel @p1 .LBB2_5-.Ltmp3, $4  }
0x28d: {  	s15 =	sld [smem:$0x7E9];
	[tilespmem:v7+s19+$0x0] =	vst.idx.add.f32.msk $0xffff, v5  }
0x28e: {  	s24 =	sadd.s32 $0x20, s24;
	[tilespmem:v11+s19+$0x0] =	vst.idx.add.f32.msk $0xffff, v5  }
0x28f: {  	s14 =	smov.u32 s0;
	s13 =	smov.u32 s10;
	s30 =	rddreg [dreg:$0x19];
	[tilespmem:v7+s25+$0x0] =	vst.idx.add.f32.msk $0xffff, v6  }
0x290: {  	s0 =	smov.u32 s30;
	s1 =	smov.u32 s15;
	s3 =	smov.u32 s22;
	v8 =	vadd.s32 $0x1E00, v8;
	v7 =	vadd.s32 $0x1F00, v63;
	[tilespmem:v11+s25+$0x0] =	vst.idx.add.f32.msk $0xffff, v6  }
0x291: {  	_ =	sdelay $0x3  }
0x292: {  	[tilespmem:v10+s25+$0x0] =	vst.idx.add.f32.msk $0xffff, v4  }
0x293: {  	[tilespmem:v9+s25+$0x0] =	vst.idx.add.f32.msk $0xffff, v4  }
0x294: {  	v9 =	vld [tilespmem:s4+$0x0];
	s30 =	rddreg [dreg:$0x9]  }
0x295: {  	v10 =	vld [tilespmem:s30+$0x0];
	_ =	sdelay $0x3  }
0x296: {  	v9 =	vadd.s32 $0x1800, v9  }
0x297: {  	v10 =	vadd.s32 $0x1900, v10;
	_ =	sdelay $0x3  }
0x298: {  	[tilespmem:v9+s19+$0x0] =	vst.idx.add.f32.msk $0xffff, v3  }
0x299: {  	[tilespmem:v10+s19+$0x0] =	vst.idx.add.f32.msk $0xffff, v3  }
0x29a: {  	[tilespmem:v9+s25+$0x0] =	vst.idx.add.f32.msk $0xffff, v4  }
0x29b: {  	[tilespmem:v10+s25+$0x0] =	vst.idx.add.f32.msk $0xffff, v4  }
0x29c: {  	v9 =	vld [tilespmem:s2+$0x0]  }
0x29d: {  	v10 =	vld [tilespmem:s21+$0x0];
	_ =	sdelay $0x3  }
0x29e: {  	s31 =	rddreg [dreg:$0x5];
	v9 =	vadd.s32 $0x1A00, v9  }
0x29f: {  	s4 =	rddreg [dreg:$0x8];
	v11 =	vld [tilespmem:s31+$0x0];
	v10 =	vadd.s32 $0x1B00, v10  }
0x2a0: {  	v12 =	vld [tilespmem:s4+$0x0];
	_ =	sdelay $0x2  }
0x2a1: {  	[tilespmem:v9+s19+$0x0] =	vst.idx.add.f32.msk $0xffff, v3  }
0x2a2: {  	v11 =	vadd.s32 $0x1A00, v11;
	[tilespmem:v10+s19+$0x0] =	vst.idx.add.f32.msk $0xffff, v3  }
0x2a3: {  	[tilespmem:v9+s25+$0x0] =	vst.idx.add.f32.msk $0xffff, v4;
	v9 =	vadd.s32 $0x1B00, v12  }
0x2a4: {  	[tilespmem:v10+s25+$0x0] =	vst.idx.add.f32.msk $0xffff, v4  }
0x2a5: {  	v10 =	vld [tilespmem:s14+$0x0]  }
0x2a6: {  	v61 =	vld [tilespmem:s16+$0x0]  }
0x2a7: {  	[tilespmem:v11+s19+$0x0] =	vst.idx.add.f32.msk $0xffff, v5  }
0x2a8: {  	[tilespmem:v9+s19+$0x0] =	vst.idx.add.f32.msk $0xffff, v5  }
0x2a9: {  	[tilespmem:v11+s25+$0x0] =	vst.idx.add.f32.msk $0xffff, v6  }
0x2aa: {  	v10 =	vadd.s32 $0x1C00, v10;
	[tilespmem:v9+s25+$0x0] =	vst.idx.add.f32.msk $0xffff, v6  }
0x2ab: {  	v9 =	vadd.s32 $0x1D00, v61;
	v11 =	vld [tilespmem:s13+$0x0]  }
0x2ac: {  	v62 =	vld [tilespmem:s1+$0x0];
	_ =	sdelay $0x2  }
0x2ad: {  	[tilespmem:v10+s19+$0x0] =	vst.idx.add.f32.msk $0xffff, v3  }
0x2ae: {  	[tilespmem:v9+s19+$0x0] =	vst.idx.add.f32.msk $0xffff, v3;
	v11 =	vadd.s32 $0x1C00, v11  }
0x2af: {  	[tilespmem:v10+s25+$0x0] =	vst.idx.add.f32.msk $0xffff, v4;
	v10 =	vadd.s32 $0x1D00, v62  }
0x2b0: {  	[tilespmem:v9+s25+$0x0] =	vst.idx.add.f32.msk $0xffff, v4  }
0x2b1: {  	v9 =	vld [tilespmem:s11+$0x0]  }
0x2b2: {  	v63 =	vld [tilespmem:s6+$0x0]  }
0x2b3: {  	[tilespmem:v11+s19+$0x0] =	vst.idx.add.f32.msk $0xffff, v5  }
0x2b4: {  	[tilespmem:v10+s19+$0x0] =	vst.idx.add.f32.msk $0xffff, v5  }
0x2b5: {  	[tilespmem:v11+s25+$0x0] =	vst.idx.add.f32.msk $0xffff, v6  }
0x2b6: {  	[tilespmem:v10+s25+$0x0] =	vst.idx.add.f32.msk $0xffff, v6  }
0x2b7: {  	v10 =	vld [tilespmem:s0+$0x0]  }
0x2b8: {  	v9 =	vadd.s32 $0x1E00, v9;
	v11 =	vld [tilespmem:s3+$0x0]  }
0x2b9: {  	[tilespmem:v8+s19+$0x0] =	vst.idx.add.f32.msk $0xffff, v1;
	v12 =	vadd.s32 $0x1F00, v63  }
0x2ba: {  	[tilespmem:v7+s19+$0x0] =	vst.idx.add.f32.msk $0xffff, v1  }
0x2bb: {  	[tilespmem:v8+s25+$0x0] =	vst.idx.add.f32.msk $0xffff, v2  }
0x2bc: {  	[tilespmem:v7+s25+$0x0] =	vst.idx.add.f32.msk $0xffff, v2;
	v1 =	vadd.s32 $0x1E00, v10  }
0x2bd: {  	[tilespmem:v9+s19+$0x0] =	vst.idx.add.f32.msk $0xffff, v3;
	v2 =	vadd.s32 $0x1F00, v11  }
0x2be: {  	[tilespmem:v12+s19+$0x0] =	vst.idx.add.f32.msk $0xffff, v3  }
0x2bf: {  	[tilespmem:v9+s25+$0x0] =	vst.idx.add.f32.msk $0xffff, v4  }
0x2c0: {  	[tilespmem:v12+s25+$0x0] =	vst.idx.add.f32.msk $0xffff, v4  }
0x2c1: {  	[tilespmem:v1+s19+$0x0] =	vst.idx.add.f32.msk $0xffff, v5  }
0x2c2: {  	[tilespmem:v2+s19+$0x0] =	vst.idx.add.f32.msk $0xffff, v5  }
0x2c3: {  	[tilespmem:v1+s25+$0x0] =	vst.idx.add.f32.msk $0xffff, v6  }
0x2c4: {  	s5 =	simm.s32 $0x2;
	[tilespmem:v2+s25+$0x0] =	vst.idx.add.f32.msk $0xffff, v6  }
0x2c5: {  	_ =	swait.ge [sflag:s5], $0x4000  }
0x2c6: {  	[sflag:s5] =	ssyncset.done $0x0  }
0x2c7: {  	[sflag:s5] =	ssyncadd.s32 $0xFFFFC000  }
0x2c8: {  	s29 =	sld [smem:$0x7EB];
	_ =	swait.ge [sflag:s5], $0x200  }
0x2c9: {  	[sflag:s5] =	ssyncset.done $0x0  }
0x2ca: {  	[sflag:s5] =	ssyncadd.s32 $0xFFFFFE00  }
0x2cb: {  	s9 =	smul.u32 $0x3, s29;
	p1 =	seq.s32 s29, $0x9;
	_ =	swait.ge [sflag:s5], $0x200  }
0x2cc: {  	s3 =	simm.s32 @!p1 $0x1000;
	s2 =	sld [smem:$0x7F3]  }
0x2cd: {  	s4 =	simm.s32 @!p1 $0x3D0C00;
	s0 =	sadd.s32 $0x3, s9;
	[sflag:s5] =	ssyncset.done $0x0  }
0x2ce: {  	s1 =	sshll.u32 @!p1 s0, $0x9;
	p2 =	sne.s32 s0, $0x1E;
	[sflag:s5] =	ssyncadd.s32 $0xFFFFFE00  }
0x2cf: {  	s5 =	simm.s32 @!p1 $0x0;
	s24 =	rddreg [dreg:$0x0];
	s1 =	sadd.s32 @!p1 s2, s1  }
0x2d0: {  	s26 =	rddreg [dreg:$0x1];
	s2 =	sadd.s32 @!p1 s24, s1;
	s1 =	sshrl.u32 @!p1 s1, $0x3  }
0x2d1: {  	[tilespmem:s5], [sflag:$0x1] =	stream.strided.gather @!p1 [hbm4b:s2+s3], $0x4000, s4, s3, $0x38;
	[tilespmem:$0x10F00] =	vst v63  }
0x2d2: {  	s28 =	rddreg [dreg:$0x2];
	s2 =	sadd.s32 @!p1 s26, s1;
	s3 =	simm.s32 @!p1 $0xC000  }
0x2d3: {  	[tilespmem:s3], [sflag:$0x1] =	stream.linear.gather @!p1 [hbm4b:s2+s5], $0x200, $0x38;
	[tilespmem:$0x10F00] =	vst v63  }
0x2d4: {  	s1 =	sadd.s32 @!p1 s28, s1;
	s2 =	simm.s32 @!p1 $0xC780;
	s3 =	sld [smem:$0x7F5]  }
0x2d5: {  	[tilespmem:s2], [sflag:$0x1] =	stream.linear.gather @!p1 [hbm4b:s1+s5], $0x200, $0x38;
	[tilespmem:$0x10F00] =	vst v63  }
0x2d6: {  	s0 =	simm.s32 @!p2 $0x0  }
0x2d7: {  	[tilespmem:s0], [sflag:$0x1] =	stream.linear.gather @!p2 [hbm4b:s3+s0], $0x800, $0x38;
	[tilespmem:$0x10F00] =	vst v63  }
0x2d8: {  	s2 =	simm.s32 @!p2 $0x1000;
	s1 =	sadd.s32 @!p2 $0x7A180, s3  }
0x2d9: {  	[tilespmem:s2], [sflag:$0x1] =	stream.linear.gather @!p2 [hbm4b:s1+s0], $0x800, $0x38;
	[tilespmem:$0x10F00] =	vst v63  }
0x2da: {  	s1 =	sadd.s32 @!p2 $0xF4300, s3;
	s2 =	simm.s32 @!p2 $0x2000  }
0x2db: {  	[tilespmem:s2], [sflag:$0x1] =	stream.linear.gather @!p2 [hbm4b:s1+s0], $0x800, $0x38;
	[tilespmem:$0x10F00] =	vst v63  }
0x2dc: {  	s1 =	sadd.s32 @!p2 $0x16E480, s3;
	s2 =	simm.s32 @!p2 $0x3000  }
0x2dd: {  	[tilespmem:s2], [sflag:$0x1] =	stream.linear.gather @!p2 [hbm4b:s1+s0], $0x800, $0x38;
	[tilespmem:$0x10F00] =	vst v63  }
0x2de: {  	s2 =	sld [smem:$0x7F6];
	_ =	sdelay $0x1  }
0x2df: {  	s20 =	simm.s32 $0x0;
	s1 =	simm.s32 @!p2 $0xC000  }
0x2e0: {  	[tilespmem:s1], [sflag:$0x1] =	stream.linear.gather @!p2 [hbm4b:s2+s0], $0x100, $0x38;
	[tilespmem:$0x10F00] =	vst v63  }
0x2e1: {  	s10 =	sand.u32 $0x60, s20;
	s12 =	sand.u32 $0xC00, s20;
	s2 =	sld [smem:$0x7F7]  }
0x2e2: {  	s11 =	sor.u32 $0x10, s10;
	s6 =	sor.u32 $0x4000, s12  }
0x2e3: {  	s7 =	sor.u32 s11, s6;
	s1 =	simm.s32 @!p2 $0xC780  }
0x2e4: {  	[tilespmem:s1], [sflag:$0x1] =	stream.linear.gather @!p2 [hbm4b:s2+s0], $0x100, $0x38;
	[tilespmem:$0x10F00] =	vst v63  }
0x2e5: {  	v4 =	vld [tilespmem:s7+$0x80]  }
0x2e6: {  	v5 =	vld [tilespmem:s7+$0x0]  }
0x2e7: {  	s8 =	simm.s32 $0xC280;
	s13 =	sand.u32 $0x180, s20  }
0x2e8: {  	s14 =	sor.u32 s13, s11;
	v1 =	vld [tilespmem:s8+$0x0]  }
0x2e9: {  	v2 =	vld [tilespmem:s14+$0xC280]  }
0x2ea: {  	s0 =	sor.u32 s10, s6;
	v3 =	vld [tilespmem:s14+$0xCA00];
	v6 =	vadd.s32 $0x100, v4  }
0x2eb: {  	v7 =	vld [tilespmem:s0+$0x80]  }
0x2ec: {  	s21 =	simm.s32 $0xCA00;
	v8 =	vld [tilespmem:s0+$0x0]  }
0x2ed: {  	v4 =	vld [tilespmem:s21+$0x0]  }
0x2ee: {  	[tilespmem:v5+s19+$0x0] =	vst.idx.add.f32.msk $0xffff, v2  }
0x2ef: {  	[tilespmem:v6+s19+$0x0] =	vst.idx.add.f32.msk $0xffff, v2  }
0x2f0: {  	[tilespmem:v5+s25+$0x0] =	vst.idx.add.f32.msk $0xffff, v3;
	v5 =	vadd.s32 $0x100, v7  }
0x2f1: {  	[tilespmem:v6+s25+$0x0] =	vst.idx.add.f32.msk $0xffff, v3  }
0x2f2: {  	v6 =	vld [tilespmem:s7+$0x100]  }
0x2f3: {  	v7 =	vld [tilespmem:s7+$0x180]  }
0x2f4: {  	[tilespmem:v8+s19+$0x0] =	vst.idx.add.f32.msk $0xffff, v1  }
0x2f5: {  	[tilespmem:v5+s19+$0x0] =	vst.idx.add.f32.msk $0xffff, v1  }
0x2f6: {  	[tilespmem:v8+s25+$0x0] =	vst.idx.add.f32.msk $0xffff, v4  }
0x2f7: {  	v6 =	vadd.s32 $0x200, v6;
	[tilespmem:v5+s25+$0x0] =	vst.idx.add.f32.msk $0xffff, v4  }
0x2f8: {  	v5 =	vadd.s32 $0x300, v7;
	v7 =	vld [tilespmem:s0+$0x100]  }
0x2f9: {  	v8 =	vld [tilespmem:s0+$0x180];
	_ =	sdelay $0x2  }
0x2fa: {  	[tilespmem:v6+s19+$0x0] =	vst.idx.add.f32.msk $0xffff, v2  }
0x2fb: {  	[tilespmem:v5+s19+$0x0] =	vst.idx.add.f32.msk $0xffff, v2;
	v7 =	vadd.s32 $0x200, v7  }
0x2fc: {  	v8 =	vadd.s32 $0x300, v8;
	[tilespmem:v6+s25+$0x0] =	vst.idx.add.f32.msk $0xffff, v3  }
0x2fd: {  	[tilespmem:v5+s25+$0x0] =	vst.idx.add.f32.msk $0xffff, v3  }
0x2fe: {  	v5 =	vld [tilespmem:s7+$0x200]  }
0x2ff: {  	v6 =	vld [tilespmem:s7+$0x280]  }
0x300: {  	[tilespmem:v7+s19+$0x0] =	vst.idx.add.f32.msk $0xffff, v1  }
0x301: {  	[tilespmem:v8+s19+$0x0] =	vst.idx.add.f32.msk $0xffff, v1  }
0x302: {  	[tilespmem:v7+s25+$0x0] =	vst.idx.add.f32.msk $0xffff, v4  }
0x303: {  	[tilespmem:v8+s25+$0x0] =	vst.idx.add.f32.msk $0xffff, v4;
	v5 =	vadd.s32 $0x400, v5  }
0x304: {  	v6 =	vadd.s32 $0x500, v6;
	v7 =	vld [tilespmem:s0+$0x200]  }
0x305: {  	v8 =	vld [tilespmem:s0+$0x280];
	_ =	sdelay $0x1  }
0x306: {  	s15 =	sand.u32 $0x3, s20  }
0x307: {  	s0 =	sshll.u32 s15, $0x5;
	[tilespmem:v5+s19+$0x0] =	vst.idx.add.f32.msk $0xffff, v2  }
0x308: {  	s0 =	sadd.s32 $0x0, s0;
	v7 =	vadd.s32 $0x400, v7;
	[tilespmem:v6+s19+$0x0] =	vst.idx.add.f32.msk $0xffff, v2  }
0x309: {  	s16 =	sadd.s32 $0x10, s0;
	v8 =	vadd.s32 $0x500, v8;
	[tilespmem:v5+s25+$0x0] =	vst.idx.add.f32.msk $0xffff, v3  }
0x30a: {  	s17 =	sor.u32 $0x300, s16;
	[tilespmem:v6+s25+$0x0] =	vst.idx.add.f32.msk $0xffff, v3  }
0x30b: {  	s1 =	sor.u32 $0x380, s16;
	v5 =	vld [tilespmem:s17+$0x4000]  }
0x30c: {  	v6 =	vld [tilespmem:s1+$0x4000]  }
0x30d: {  	[tilespmem:v7+s19+$0x0] =	vst.idx.add.f32.msk $0xffff, v1  }
0x30e: {  	[tilespmem:v8+s19+$0x0] =	vst.idx.add.f32.msk $0xffff, v1  }
0x30f: {  	[tilespmem:v7+s25+$0x0] =	vst.idx.add.f32.msk $0xffff, v4  }
0x310: {  	s18 =	sor.u32 s20, s20;
	s0 =	sor.u32 $0x300, s0;
	[tilespmem:v8+s25+$0x0] =	vst.idx.add.f32.msk $0xffff, v4;
	v5 =	vadd.s32 $0x600, v5  }
0x311: {  	s1 =	sor.u32 $0x380, s18;
	v6 =	vadd.s32 $0x700, v6;
	v7 =	vld [tilespmem:s0+$0x4000]  }
0x312: {  	v8 =	vld [tilespmem:s1+$0x4000];
	_ =	sdelay $0x2  }
0x313: {  	[tilespmem:v5+s19+$0x0] =	vst.idx.add.f32.msk $0xffff, v2  }
0x314: {  	v7 =	vadd.s32 $0x600, v7;
	[tilespmem:v6+s19+$0x0] =	vst.idx.add.f32.msk $0xffff, v2  }
0x315: {  	s22 =	sor.u32 $0x5000, s12;
	v8 =	vadd.s32 $0x700, v8;
	[tilespmem:v5+s25+$0x0] =	vst.idx.add.f32.msk $0xffff, v3  }
0x316: {  	s23 =	sor.u32 $0x5080, s12;
	s30 =	sor.u32 s11, s22;
	[tilespmem:v6+s25+$0x0] =	vst.idx.add.f32.msk $0xffff, v3  }
0x317: {  	s31 =	sor.u32 s11, s23;
	v5 =	vld [tilespmem:s30+$0x0]  }
0x318: {  	v6 =	vld [tilespmem:s31+$0x0]  }
0x319: {  	[tilespmem:v7+s19+$0x0] =	vst.idx.add.f32.msk $0xffff, v1  }
0x31a: {  	[tilespmem:v8+s19+$0x0] =	vst.idx.add.f32.msk $0xffff, v1  }
0x31b: {  	[tilespmem:v7+s25+$0x0] =	vst.idx.add.f32.msk $0xffff, v4  }
0x31c: {  	s0 =	sor.u32 s10, s22;
	[tilespmem:v8+s25+$0x0] =	vst.idx.add.f32.msk $0xffff, v4;
	v5 =	vadd.s32 $0x800, v5  }
0x31d: {  	s1 =	sor.u32 s10, s23;
	v6 =	vadd.s32 $0x900, v6;
	v7 =	vld [tilespmem:s0+$0x0]  }
0x31e: {  	v8 =	vld [tilespmem:s1+$0x0];
	_ =	sdelay $0x2  }
0x31f: {  	[tilespmem:v5+s19+$0x0] =	vst.idx.add.f32.msk $0xffff, v2  }
0x320: {  	v7 =	vadd.s32 $0x800, v7;
	[tilespmem:v6+s19+$0x0] =	vst.idx.add.f32.msk $0xffff, v2  }
0x321: {  	s3 =	sor.u32 $0x5100, s12;
	v8 =	vadd.s32 $0x900, v8;
	[tilespmem:v5+s25+$0x0] =	vst.idx.add.f32.msk $0xffff, v3  }
0x322: {  	s4 =	sor.u32 $0x5180, s12;
	s5 =	sor.u32 s11, s3;
	[tilespmem:v6+s25+$0x0] =	vst.idx.add.f32.msk $0xffff, v3  }
0x323: {  	s6 =	sor.u32 s11, s4;
	v5 =	vld [tilespmem:s5+$0x0]  }
0x324: {  	v6 =	vld [tilespmem:s6+$0x0]  }
0x325: {  	[tilespmem:v7+s19+$0x0] =	vst.idx.add.f32.msk $0xffff, v1  }
0x326: {  	[tilespmem:v8+s19+$0x0] =	vst.idx.add.f32.msk $0xffff, v1  }
0x327: {  	[tilespmem:v7+s25+$0x0] =	vst.idx.add.f32.msk $0xffff, v4  }
0x328: {  	s0 =	sor.u32 s10, s3;
	[tilespmem:v8+s25+$0x0] =	vst.idx.add.f32.msk $0xffff, v4;
	v5 =	vadd.s32 $0xA00, v5  }
0x329: {  	s1 =	sor.u32 s10, s4;
	v6 =	vadd.s32 $0xB00, v6;
	v7 =	vld [tilespmem:s0+$0x0]  }
0x32a: {  	v8 =	vld [tilespmem:s1+$0x0];
	_ =	sdelay $0x2  }
0x32b: {  	[tilespmem:v5+s19+$0x0] =	vst.idx.add.f32.msk $0xffff, v2  }
0x32c: {  	v7 =	vadd.s32 $0xA00, v7;
	[tilespmem:v6+s19+$0x0] =	vst.idx.add.f32.msk $0xffff, v2  }
0x32d: {  	s7 =	sor.u32 $0x5200, s12;
	v8 =	vadd.s32 $0xB00, v8;
	[tilespmem:v5+s25+$0x0] =	vst.idx.add.f32.msk $0xffff, v3  }
0x32e: {  	s8 =	sor.u32 $0x5280, s12;
	s13 =	sor.u32 s11, s7;
	[tilespmem:v6+s25+$0x0] =	vst.idx.add.f32.msk $0xffff, v3  }
0x32f: {  	s14 =	sor.u32 s11, s8;
	v5 =	vld [tilespmem:s13+$0x0]  }
0x330: {  	v6 =	vld [tilespmem:s14+$0x0]  }
0x331: {  	[tilespmem:v7+s19+$0x0] =	vst.idx.add.f32.msk $0xffff, v1  }
0x332: {  	[tilespmem:v8+s19+$0x0] =	vst.idx.add.f32.msk $0xffff, v1  }
0x333: {  	[tilespmem:v7+s25+$0x0] =	vst.idx.add.f32.msk $0xffff, v4  }
0x334: {  	s0 =	sor.u32 s10, s7;
	[tilespmem:v8+s25+$0x0] =	vst.idx.add.f32.msk $0xffff, v4;
	v5 =	vadd.s32 $0xC00, v5  }
0x335: {  	s1 =	sor.u32 s10, s8;
	v6 =	vadd.s32 $0xD00, v6;
	v7 =	vld [tilespmem:s0+$0x0]  }
0x336: {  	v8 =	vld [tilespmem:s1+$0x0];
	_ =	sdelay $0x2  }
0x337: {  	[tilespmem:v5+s19+$0x0] =	vst.idx.add.f32.msk $0xffff, v2  }
0x338: {  	v7 =	vadd.s32 $0xC00, v7;
	[tilespmem:v6+s19+$0x0] =	vst.idx.add.f32.msk $0xffff, v2  }
0x339: {  	s15 =	sor.u32 $0x5300, s12;
	v8 =	vadd.s32 $0xD00, v8;
	[tilespmem:v5+s25+$0x0] =	vst.idx.add.f32.msk $0xffff, v3  }
0x33a: {  	s16 =	sor.u32 $0x5380, s12;
	s17 =	sor.u32 s11, s15;
	[tilespmem:v6+s25+$0x0] =	vst.idx.add.f32.msk $0xffff, v3  }
0x33b: {  	s18 =	sor.u32 s11, s16;
	v5 =	vld [tilespmem:s17+$0x0]  }
0x33c: {  	v6 =	vld [tilespmem:s18+$0x0]  }
0x33d: {  	[tilespmem:v7+s19+$0x0] =	vst.idx.add.f32.msk $0xffff, v1  }
0x33e: {  	[tilespmem:v8+s19+$0x0] =	vst.idx.add.f32.msk $0xffff, v1  }
0x33f: {  	[tilespmem:v7+s25+$0x0] =	vst.idx.add.f32.msk $0xffff, v4  }
0x340: {  	s0 =	sor.u32 s10, s15;
	[tilespmem:v8+s25+$0x0] =	vst.idx.add.f32.msk $0xffff, v4;
	v5 =	vadd.s32 $0xE00, v5  }
0x341: {  	s1 =	sor.u32 s10, s16;
	v6 =	vadd.s32 $0xF00, v6;
	v7 =	vld [tilespmem:s0+$0x0]  }
0x342: {  	v8 =	vld [tilespmem:s1+$0x0];
	_ =	sdelay $0x2  }
0x343: {  	[tilespmem:v5+s19+$0x0] =	vst.idx.add.f32.msk $0xffff, v2  }
0x344: {  	v7 =	vadd.s32 $0xE00, v7;
	[tilespmem:v6+s19+$0x0] =	vst.idx.add.f32.msk $0xffff, v2  }
0x345: {  	s22 =	sor.u32 $0x6000, s12;
	v8 =	vadd.s32 $0xF00, v8;
	[tilespmem:v5+s25+$0x0] =	vst.idx.add.f32.msk $0xffff, v3  }
0x346: {  	s23 =	sor.u32 $0x6080, s12;
	s30 =	sor.u32 s11, s22;
	[tilespmem:v6+s25+$0x0] =	vst.idx.add.f32.msk $0xffff, v3  }
0x347: {  	s31 =	sor.u32 s11, s23;
	v5 =	vld [tilespmem:s30+$0x0]  }
0x348: {  	v6 =	vld [tilespmem:s31+$0x0]  }
0x349: {  	[tilespmem:v7+s19+$0x0] =	vst.idx.add.f32.msk $0xffff, v1  }
0x34a: {  	[tilespmem:v8+s19+$0x0] =	vst.idx.add.f32.msk $0xffff, v1  }
0x34b: {  	[tilespmem:v7+s25+$0x0] =	vst.idx.add.f32.msk $0xffff, v4  }
0x34c: {  	s0 =	sor.u32 s10, s22;
	[tilespmem:v8+s25+$0x0] =	vst.idx.add.f32.msk $0xffff, v4;
	v5 =	vadd.s32 $0x1000, v5  }
0x34d: {  	s1 =	sor.u32 s10, s23;
	v6 =	vadd.s32 $0x1100, v6;
	v7 =	vld [tilespmem:s0+$0x0]  }
0x34e: {  	v8 =	vld [tilespmem:s1+$0x0];
	_ =	sdelay $0x2  }
0x34f: {  	[tilespmem:v5+s19+$0x0] =	vst.idx.add.f32.msk $0xffff, v2  }
0x350: {  	v7 =	vadd.s32 $0x1000, v7;
	[tilespmem:v6+s19+$0x0] =	vst.idx.add.f32.msk $0xffff, v2  }
0x351: {  	s1 =	sor.u32 $0x6100, s12;
	v8 =	vadd.s32 $0x1100, v8;
	[tilespmem:v5+s25+$0x0] =	vst.idx.add.f32.msk $0xffff, v3  }
0x352: {  	s3 =	sor.u32 $0x6180, s12;
	s4 =	sor.u32 s11, s1;
	[tilespmem:v6+s25+$0x0] =	vst.idx.add.f32.msk $0xffff, v3  }
0x353: {  	s5 =	sor.u32 s11, s3;
	v5 =	vld [tilespmem:s4+$0x0]  }
0x354: {  	v6 =	vld [tilespmem:s5+$0x0]  }
0x355: {  	[tilespmem:v7+s19+$0x0] =	vst.idx.add.f32.msk $0xffff, v1  }
0x356: {  	[tilespmem:v8+s19+$0x0] =	vst.idx.add.f32.msk $0xffff, v1  }
0x357: {  	[tilespmem:v7+s25+$0x0] =	vst.idx.add.f32.msk $0xffff, v4  }
0x358: {  	s0 =	sor.u32 s10, s1;
	[tilespmem:v8+s25+$0x0] =	vst.idx.add.f32.msk $0xffff, v4;
	v5 =	vadd.s32 $0x1200, v5  }
0x359: {  	s1 =	sor.u32 s10, s3;
	v6 =	vadd.s32 $0x1300, v6;
	v7 =	vld [tilespmem:s0+$0x0]  }
0x35a: {  	v8 =	vld [tilespmem:s1+$0x0];
	_ =	sdelay $0x2  }
0x35b: {  	[tilespmem:v5+s19+$0x0] =	vst.idx.add.f32.msk $0xffff, v2  }
0x35c: {  	v7 =	vadd.s32 $0x1200, v7;
	[tilespmem:v6+s19+$0x0] =	vst.idx.add.f32.msk $0xffff, v2  }
0x35d: {  	s6 =	sor.u32 $0x6200, s12;
	v8 =	vadd.s32 $0x1300, v8;
	[tilespmem:v5+s25+$0x0] =	vst.idx.add.f32.msk $0xffff, v3  }
0x35e: {  	s7 =	sor.u32 $0x6280, s12;
	s8 =	sor.u32 s11, s6;
	[tilespmem:v6+s25+$0x0] =	vst.idx.add.f32.msk $0xffff, v3  }
0x35f: {  	s13 =	sor.u32 s11, s7;
	v5 =	vld [tilespmem:s8+$0x0]  }
0x360: {  	v6 =	vld [tilespmem:s13+$0x0]  }
0x361: {  	[tilespmem:v7+s19+$0x0] =	vst.idx.add.f32.msk $0xffff, v1  }
0x362: {  	[tilespmem:v8+s19+$0x0] =	vst.idx.add.f32.msk $0xffff, v1  }
0x363: {  	[tilespmem:v7+s25+$0x0] =	vst.idx.add.f32.msk $0xffff, v4  }
0x364: {  	s0 =	sor.u32 s10, s6;
	[tilespmem:v8+s25+$0x0] =	vst.idx.add.f32.msk $0xffff, v4;
	v5 =	vadd.s32 $0x1400, v5  }
0x365: {  	s1 =	sor.u32 s10, s7;
	v6 =	vadd.s32 $0x1500, v6;
	v7 =	vld [tilespmem:s0+$0x0]  }
0x366: {  	v8 =	vld [tilespmem:s1+$0x0];
	_ =	sdelay $0x2  }
0x367: {  	[tilespmem:v5+s19+$0x0] =	vst.idx.add.f32.msk $0xffff, v2  }
0x368: {  	v7 =	vadd.s32 $0x1400, v7;
	[tilespmem:v6+s19+$0x0] =	vst.idx.add.f32.msk $0xffff, v2  }
0x369: {  	s14 =	sor.u32 $0x6300, s12;
	v8 =	vadd.s32 $0x1500, v8;
	[tilespmem:v5+s25+$0x0] =	vst.idx.add.f32.msk $0xffff, v3  }
0x36a: {  	s15 =	sor.u32 $0x6380, s12;
	s16 =	sor.u32 s11, s14;
	[tilespmem:v6+s25+$0x0] =	vst.idx.add.f32.msk $0xffff, v3  }
0x36b: {  	s17 =	sor.u32 s11, s15;
	v5 =	vld [tilespmem:s16+$0x0]  }
0x36c: {  	v6 =	vld [tilespmem:s17+$0x0]  }
0x36d: {  	[tilespmem:v7+s19+$0x0] =	vst.idx.add.f32.msk $0xffff, v1  }
0x36e: {  	[tilespmem:v8+s19+$0x0] =	vst.idx.add.f32.msk $0xffff, v1  }
0x36f: {  	[tilespmem:v7+s25+$0x0] =	vst.idx.add.f32.msk $0xffff, v4  }
0x370: {  	s0 =	sor.u32 s10, s14;
	[tilespmem:v8+s25+$0x0] =	vst.idx.add.f32.msk $0xffff, v4;
	v5 =	vadd.s32 $0x1600, v5  }
0x371: {  	s1 =	sor.u32 s10, s15;
	v6 =	vadd.s32 $0x1700, v6;
	v7 =	vld [tilespmem:s0+$0x0]  }
0x372: {  	v8 =	vld [tilespmem:s1+$0x0];
	_ =	sdelay $0x2  }
0x373: {  	[tilespmem:v5+s19+$0x0] =	vst.idx.add.f32.msk $0xffff, v2  }
0x374: {  	v7 =	vadd.s32 $0x1600, v7;
	[tilespmem:v6+s19+$0x0] =	vst.idx.add.f32.msk $0xffff, v2  }
0x375: {  	s18 =	sor.u32 $0x7000, s12;
	v8 =	vadd.s32 $0x1700, v8;
	[tilespmem:v5+s25+$0x0] =	vst.idx.add.f32.msk $0xffff, v3  }
0x376: {  	s22 =	sor.u32 $0x7080, s12;
	s23 =	sor.u32 s11, s18;
	[tilespmem:v6+s25+$0x0] =	vst.idx.add.f32.msk $0xffff, v3  }
0x377: {  	s30 =	sor.u32 s11, s22;
	v5 =	vld [tilespmem:s23+$0x0]  }
0x378: {  	v6 =	vld [tilespmem:s30+$0x0]  }
0x379: {  	[tilespmem:v7+s19+$0x0] =	vst.idx.add.f32.msk $0xffff, v1  }
0x37a: {  	[tilespmem:v8+s19+$0x0] =	vst.idx.add.f32.msk $0xffff, v1  }
0x37b: {  	[tilespmem:v7+s25+$0x0] =	vst.idx.add.f32.msk $0xffff, v4  }
0x37c: {  	s31 =	sor.u32 s10, s18;
	[tilespmem:v8+s25+$0x0] =	vst.idx.add.f32.msk $0xffff, v4;
	v8 =	vadd.s32 $0x1800, v5  }
0x37d: {  	s3 =	simm.s32 $0xC2A0;
	s1 =	sor.u32 s10, s22;
	v7 =	vadd.s32 $0x1900, v6;
	v9 =	vld [tilespmem:s31+$0x0]  }
0x37e: {  	s5 =	simm.s32 $0x0;
	s17 =	simm.s32 $0x0;
	s0 =	simm.s32 $0x0;
	v10 =	vld [tilespmem:s1+$0x0]  }
.LBB2_7:
0x37f: {  	v6 =	vld [tilespmem:s3+$0x0];
	s21 =	sadd.s32 $0x20, s21  }
0x380: {  	v5 =	vld [tilespmem:s21+$0x0]  }
0x381: {  	[tilespmem:v8+s19+$0x0] =	vst.idx.add.f32.msk $0xffff, v2  }
0x382: {  	v9 =	vadd.s32 $0x1800, v9;
	[tilespmem:v7+s19+$0x0] =	vst.idx.add.f32.msk $0xffff, v2  }
0x383: {  	s1 =	sor.u32 $0x7100, s12;
	v10 =	vadd.s32 $0x1900, v10;
	[tilespmem:v8+s25+$0x0] =	vst.idx.add.f32.msk $0xffff, v3  }
0x384: {  	s2 =	sor.u32 $0x7180, s12;
	s8 =	sor.u32 s10, s1;
	s1 =	sor.u32 s11, s1;
	[tilespmem:v7+s25+$0x0] =	vst.idx.add.f32.msk $0xffff, v3  }
0x385: {  	s13 =	sor.u32 s10, s2;
	v7 =	vld [tilespmem:s1+$0x0];
	s1 =	sor.u32 s11, s2  }
0x386: {  	v8 =	vld [tilespmem:s1+$0x0]  }
0x387: {  	s20 =	sadd.s32 $0x20, s20;
	[tilespmem:v9+s19+$0x0] =	vst.idx.add.f32.msk $0xffff, v1  }
0x388: {  	s16 =	sand.u32 $0x60, s20;
	[tilespmem:v10+s19+$0x0] =	vst.idx.add.f32.msk $0xffff, v1  }
0x389: {  	s5 =	sadd.s32 $0x100, s5;
	s18 =	sor.u32 $0x10, s16;
	s1 =	sand.u32 $0x180, s20;
	[tilespmem:v9+s25+$0x0] =	vst.idx.add.f32.msk $0xffff, v4  }
0x38a: {  	s22 =	sand.u32 $0xC00, s5;
	s2 =	sor.u32 s5, s20;
	s1 =	sor.u32 s1, s18;
	[tilespmem:v10+s25+$0x0] =	vst.idx.add.f32.msk $0xffff, v4;
	v7 =	vadd.s32 $0x1A00, v7  }
0x38b: {  	s4 =	sor.u32 $0x4000, s22;
	s7 =	sor.u32 $0x380, s2;
	v9 =	vld [tilespmem:s1+$0xC280];
	v8 =	vadd.s32 $0x1B00, v8  }
0x38c: {  	s14 =	sor.u32 s16, s4;
	s15 =	sor.u32 s18, s4;
	v10 =	vld [tilespmem:s1+$0xCA00]  }
0x38d: {  	v11 =	vld [tilespmem:s15+$0x0]  }
0x38e: {  	v12 =	vld [tilespmem:s15+$0x80]  }
0x38f: {  	[tilespmem:v7+s19+$0x0] =	vst.idx.add.f32.msk $0xffff, v2  }
0x390: {  	[tilespmem:v8+s19+$0x0] =	vst.idx.add.f32.msk $0xffff, v2  }
0x391: {  	s1 =	sor.u32 $0x7200, s12;
	[tilespmem:v7+s25+$0x0] =	vst.idx.add.f32.msk $0xffff, v3  }
0x392: {  	s2 =	sor.u32 $0x7280, s12;
	s4 =	sor.u32 s10, s1;
	s1 =	sor.u32 s11, s1;
	[tilespmem:v8+s25+$0x0] =	vst.idx.add.f32.msk $0xffff, v3  }
0x393: {  	s6 =	sor.u32 s10, s2;
	v7 =	vadd.s32 $0x100, v12;
	v8 =	vld [tilespmem:s1+$0x0];
	s1 =	sor.u32 s11, s2  }
0x394: {  	v12 =	vld [tilespmem:s1+$0x0]  }
0x395: {  	v13 =	vld [tilespmem:s14+$0x80]  }
0x396: {  	v14 =	vld [tilespmem:s14+$0x0]  }
0x397: {  	[tilespmem:v11+s19+$0x0] =	vst.idx.add.f32.msk $0xffff, v9  }
0x398: {  	[tilespmem:v7+s19+$0x0] =	vst.idx.add.f32.msk $0xffff, v9;
	v8 =	vadd.s32 $0x1C00, v8  }
0x399: {  	[tilespmem:v11+s25+$0x0] =	vst.idx.add.f32.msk $0xffff, v10;
	v11 =	vadd.s32 $0x1D00, v12  }
0x39a: {  	v12 =	vadd.s32 $0x100, v13;
	[tilespmem:v7+s25+$0x0] =	vst.idx.add.f32.msk $0xffff, v10  }
0x39b: {  	v7 =	vld [tilespmem:s15+$0x100]  }
0x39c: {  	v13 =	vld [tilespmem:s15+$0x180]  }
0x39d: {  	[tilespmem:v8+s19+$0x0] =	vst.idx.add.f32.msk $0xffff, v2  }
0x39e: {  	[tilespmem:v11+s19+$0x0] =	vst.idx.add.f32.msk $0xffff, v2  }
0x39f: {  	s2 =	sor.u32 $0x7300, s12;
	[tilespmem:v8+s25+$0x0] =	vst.idx.add.f32.msk $0xffff, v3  }
0x3a0: {  	s12 =	sor.u32 $0x7380, s12;
	s1 =	sor.u32 s10, s2;
	s23 =	sor.u32 s11, s2;
	[tilespmem:v11+s25+$0x0] =	vst.idx.add.f32.msk $0xffff, v3  }
0x3a1: {  	s2 =	sor.u32 s10, s12;
	s11 =	sor.u32 s11, s12;
	s10 =	smov.u32 s16;
	v8 =	vld [tilespmem:s23+$0x0]  }
0x3a2: {  	s12 =	smov.u32 s22;
	v11 =	vld [tilespmem:s11+$0x0];
	s11 =	smov.u32 s18  }
0x3a3: {  	[tilespmem:v14+s19+$0x0] =	vst.idx.add.f32.msk $0xffff, v6  }
0x3a4: {  	v7 =	vadd.s32 $0x200, v7;
	[tilespmem:v12+s19+$0x0] =	vst.idx.add.f32.msk $0xffff, v6  }
0x3a5: {  	v13 =	vadd.s32 $0x300, v13;
	[tilespmem:v14+s25+$0x0] =	vst.idx.add.f32.msk $0xffff, v5  }
0x3a6: {  	[tilespmem:v12+s25+$0x0] =	vst.idx.add.f32.msk $0xffff, v5;
	v8 =	vadd.s32 $0x1E00, v8  }
0x3a7: {  	v12 =	vld [tilespmem:s14+$0x100];
	v11 =	vadd.s32 $0x1F00, v11  }
0x3a8: {  	v14 =	vld [tilespmem:s14+$0x180]  }
0x3a9: {  	[tilespmem:v7+s19+$0x0] =	vst.idx.add.f32.msk $0xffff, v9  }
0x3aa: {  	[tilespmem:v13+s19+$0x0] =	vst.idx.add.f32.msk $0xffff, v9  }
0x3ab: {  	[tilespmem:v8+s19+$0x0] =	vst.idx.add.f32.msk $0xffff, v2  }
0x3ac: {  	v12 =	vadd.s32 $0x200, v12;
	[tilespmem:v11+s19+$0x0] =	vst.idx.add.f32.msk $0xffff, v2;
	v2 =	vmov v9  }
0x3ad: {  	v9 =	vadd.s32 $0x300, v14;
	[tilespmem:v8+s25+$0x0] =	vst.idx.add.f32.msk $0xffff, v3  }
0x3ae: {  	[tilespmem:v11+s25+$0x0] =	vst.idx.add.f32.msk $0xffff, v3;
	v3 =	vmov v10  }
0x3af: {  	[tilespmem:v7+s25+$0x0] =	vst.idx.add.f32.msk $0xffff, v3  }
0x3b0: {  	[tilespmem:v13+s25+$0x0] =	vst.idx.add.f32.msk $0xffff, v3  }
0x3b1: {  	v7 =	vld [tilespmem:s15+$0x200]  }
0x3b2: {  	v8 =	vld [tilespmem:s15+$0x280]  }
0x3b3: {  	[tilespmem:v12+s19+$0x0] =	vst.idx.add.f32.msk $0xffff, v6  }
0x3b4: {  	[tilespmem:v9+s19+$0x0] =	vst.idx.add.f32.msk $0xffff, v6  }
0x3b5: {  	[tilespmem:v12+s25+$0x0] =	vst.idx.add.f32.msk $0xffff, v5  }
0x3b6: {  	[tilespmem:v9+s25+$0x0] =	vst.idx.add.f32.msk $0xffff, v5;
	v7 =	vadd.s32 $0x400, v7  }
0x3b7: {  	v9 =	vld [tilespmem:s14+$0x200];
	v8 =	vadd.s32 $0x500, v8  }
0x3b8: {  	v10 =	vld [tilespmem:s14+$0x280]  }
0x3b9: {  	s17 =	sadd.s32 $0x1, s17;
	v11 =	vld [tilespmem:s8+$0x0]  }
0x3ba: {  	s8 =	sand.u32 $0x3, s17;
	v12 =	vld [tilespmem:s13+$0x0]  }
0x3bb: {  	s8 =	sshll.u32 s8, $0x5;
	[tilespmem:v7+s19+$0x0] =	vst.idx.add.f32.msk $0xffff, v2  }
0x3bc: {  	s8 =	sadd.s32 s8, s5;
	v9 =	vadd.s32 $0x400, v9;
	[tilespmem:v8+s19+$0x0] =	vst.idx.add.f32.msk $0xffff, v2  }
0x3bd: {  	s13 =	sor.u32 $0x300, s8;
	s8 =	sadd.s32 $0x10, s8;
	v10 =	vadd.s32 $0x500, v10;
	[tilespmem:v7+s25+$0x0] =	vst.idx.add.f32.msk $0xffff, v3  }
0x3be: {  	s14 =	sor.u32 $0x300, s8;
	[tilespmem:v8+s25+$0x0] =	vst.idx.add.f32.msk $0xffff, v3;
	v7 =	vadd.s32 $0x1A00, v11  }
0x3bf: {  	s8 =	sor.u32 $0x380, s8;
	v8 =	vld [tilespmem:s14+$0x4000];
	v11 =	vadd.s32 $0x1B00, v12  }
0x3c0: {  	v12 =	vld [tilespmem:s8+$0x4000]  }
0x3c1: {  	[tilespmem:v9+s19+$0x0] =	vst.idx.add.f32.msk $0xffff, v6  }
0x3c2: {  	s0 =	sadd.s32 $0x2, s0;
	[tilespmem:v10+s19+$0x0] =	vst.idx.add.f32.msk $0xffff, v6  }
0x3c3: {  	p2 =	slt.u32 s0, $0x1E;
	[tilespmem:v9+s25+$0x0] =	vst.idx.add.f32.msk $0xffff, v5  }
0x3c4: {  	[tilespmem:v10+s25+$0x0] =	vst.idx.add.f32.msk $0xffff, v5;
	v8 =	vadd.s32 $0x600, v8  }
0x3c5: {  	v9 =	vld [tilespmem:s13+$0x4000];
	v10 =	vadd.s32 $0x700, v12  }
0x3c6: {  	v12 =	vld [tilespmem:s7+$0x4000]  }
0x3c7: {  	[tilespmem:v7+s19+$0x0] =	vst.idx.add.f32.msk $0xffff, v1  }
0x3c8: {  	[tilespmem:v11+s19+$0x0] =	vst.idx.add.f32.msk $0xffff, v1  }
0x3c9: {  	[tilespmem:v8+s19+$0x0] =	vst.idx.add.f32.msk $0xffff, v2  }
0x3ca: {  	v9 =	vadd.s32 $0x600, v9;
	[tilespmem:v10+s19+$0x0] =	vst.idx.add.f32.msk $0xffff, v2  }
0x3cb: {  	s7 =	sor.u32 $0x5000, s12;
	v12 =	vadd.s32 $0x700, v12;
	[tilespmem:v8+s25+$0x0] =	vst.idx.add.f32.msk $0xffff, v3  }
0x3cc: {  	s13 =	sor.u32 $0x5080, s12;
	s8 =	sor.u32 s10, s7;
	s7 =	sor.u32 s11, s7;
	[tilespmem:v10+s25+$0x0] =	vst.idx.add.f32.msk $0xffff, v3  }
0x3cd: {  	s14 =	sor.u32 s10, s13;
	v8 =	vld [tilespmem:s7+$0x0];
	s7 =	sor.u32 s11, s13  }
0x3ce: {  	v10 =	vld [tilespmem:s7+$0x0]  }
0x3cf: {  	[tilespmem:v9+s19+$0x0] =	vst.idx.add.f32.msk $0xffff, v6  }
0x3d0: {  	[tilespmem:v12+s19+$0x0] =	vst.idx.add.f32.msk $0xffff, v6  }
0x3d1: {  	[tilespmem:v9+s25+$0x0] =	vst.idx.add.f32.msk $0xffff, v5  }
0x3d2: {  	[tilespmem:v12+s25+$0x0] =	vst.idx.add.f32.msk $0xffff, v5;
	v8 =	vadd.s32 $0x800, v8  }
0x3d3: {  	v9 =	vld [tilespmem:s8+$0x0];
	v10 =	vadd.s32 $0x900, v10  }
0x3d4: {  	v12 =	vld [tilespmem:s14+$0x0]  }
0x3d5: {  	[tilespmem:v7+s25+$0x0] =	vst.idx.add.f32.msk $0xffff, v4  }
0x3d6: {  	[tilespmem:v11+s25+$0x0] =	vst.idx.add.f32.msk $0xffff, v4  }
0x3d7: {  	[tilespmem:v8+s19+$0x0] =	vst.idx.add.f32.msk $0xffff, v2  }
0x3d8: {  	v7 =	vadd.s32 $0x800, v9;
	[tilespmem:v10+s19+$0x0] =	vst.idx.add.f32.msk $0xffff, v2  }
0x3d9: {  	s7 =	sor.u32 $0x5100, s12;
	v9 =	vadd.s32 $0x900, v12;
	[tilespmem:v8+s25+$0x0] =	vst.idx.add.f32.msk $0xffff, v3  }
0x3da: {  	s13 =	sor.u32 $0x5180, s12;
	s8 =	sor.u32 s10, s7;
	s7 =	sor.u32 s11, s7;
	[tilespmem:v10+s25+$0x0] =	vst.idx.add.f32.msk $0xffff, v3  }
0x3db: {  	s14 =	sor.u32 s10, s13;
	v8 =	vld [tilespmem:s7+$0x0];
	s7 =	sor.u32 s11, s13  }
0x3dc: {  	v10 =	vld [tilespmem:s7+$0x0]  }
0x3dd: {  	[tilespmem:v7+s19+$0x0] =	vst.idx.add.f32.msk $0xffff, v6  }
0x3de: {  	[tilespmem:v9+s19+$0x0] =	vst.idx.add.f32.msk $0xffff, v6  }
0x3df: {  	[tilespmem:v7+s25+$0x0] =	vst.idx.add.f32.msk $0xffff, v5  }
0x3e0: {  	[tilespmem:v9+s25+$0x0] =	vst.idx.add.f32.msk $0xffff, v5;
	v7 =	vadd.s32 $0xA00, v8  }
0x3e1: {  	v8 =	vld [tilespmem:s8+$0x0];
	v9 =	vadd.s32 $0xB00, v10  }
0x3e2: {  	v10 =	vld [tilespmem:s14+$0x0]  }
0x3e3: {  	v11 =	vld [tilespmem:s4+$0x0]  }
0x3e4: {  	v12 =	vld [tilespmem:s6+$0x0]  }
0x3e5: {  	[tilespmem:v7+s19+$0x0] =	vst.idx.add.f32.msk $0xffff, v2  }
0x3e6: {  	v8 =	vadd.s32 $0xA00, v8;
	[tilespmem:v9+s19+$0x0] =	vst.idx.add.f32.msk $0xffff, v2  }
0x3e7: {  	s4 =	sor.u32 $0x5200, s12;
	v10 =	vadd.s32 $0xB00, v10;
	[tilespmem:v7+s25+$0x0] =	vst.idx.add.f32.msk $0xffff, v3  }
0x3e8: {  	s7 =	sor.u32 $0x5280, s12;
	s6 =	sor.u32 s10, s4;
	s4 =	sor.u32 s11, s4;
	[tilespmem:v9+s25+$0x0] =	vst.idx.add.f32.msk $0xffff, v3;
	v7 =	vadd.s32 $0x1C00, v11  }
0x3e9: {  	s8 =	sor.u32 s10, s7;
	v9 =	vld [tilespmem:s4+$0x0];
	s4 =	sor.u32 s11, s7;
	v11 =	vadd.s32 $0x1D00, v12  }
0x3ea: {  	v12 =	vld [tilespmem:s4+$0x0]  }
0x3eb: {  	[tilespmem:v8+s19+$0x0] =	vst.idx.add.f32.msk $0xffff, v6  }
0x3ec: {  	[tilespmem:v10+s19+$0x0] =	vst.idx.add.f32.msk $0xffff, v6  }
0x3ed: {  	[tilespmem:v8+s25+$0x0] =	vst.idx.add.f32.msk $0xffff, v5  }
0x3ee: {  	[tilespmem:v10+s25+$0x0] =	vst.idx.add.f32.msk $0xffff, v5;
	v8 =	vadd.s32 $0xC00, v9  }
0x3ef: {  	v9 =	vld [tilespmem:s6+$0x0];
	v10 =	vadd.s32 $0xD00, v12  }
0x3f0: {  	v12 =	vld [tilespmem:s8+$0x0]  }
0x3f1: {  	[tilespmem:v7+s19+$0x0] =	vst.idx.add.f32.msk $0xffff, v1  }
0x3f2: {  	[tilespmem:v11+s19+$0x0] =	vst.idx.add.f32.msk $0xffff, v1  }
0x3f3: {  	[tilespmem:v8+s19+$0x0] =	vst.idx.add.f32.msk $0xffff, v2  }
0x3f4: {  	v9 =	vadd.s32 $0xC00, v9;
	[tilespmem:v10+s19+$0x0] =	vst.idx.add.f32.msk $0xffff, v2  }
0x3f5: {  	s4 =	sor.u32 $0x5300, s12;
	v12 =	vadd.s32 $0xD00, v12;
	[tilespmem:v8+s25+$0x0] =	vst.idx.add.f32.msk $0xffff, v3  }
0x3f6: {  	s7 =	sor.u32 $0x5380, s12;
	s6 =	sor.u32 s10, s4;
	s4 =	sor.u32 s11, s4;
	[tilespmem:v10+s25+$0x0] =	vst.idx.add.f32.msk $0xffff, v3  }
0x3f7: {  	s8 =	sor.u32 s10, s7;
	v8 =	vld [tilespmem:s4+$0x0];
	s4 =	sor.u32 s11, s7  }
0x3f8: {  	v10 =	vld [tilespmem:s4+$0x0]  }
0x3f9: {  	[tilespmem:v9+s19+$0x0] =	vst.idx.add.f32.msk $0xffff, v6  }
0x3fa: {  	[tilespmem:v12+s19+$0x0] =	vst.idx.add.f32.msk $0xffff, v6  }
0x3fb: {  	[tilespmem:v9+s25+$0x0] =	vst.idx.add.f32.msk $0xffff, v5  }
0x3fc: {  	[tilespmem:v12+s25+$0x0] =	vst.idx.add.f32.msk $0xffff, v5;
	v8 =	vadd.s32 $0xE00, v8  }
0x3fd: {  	v9 =	vld [tilespmem:s6+$0x0];
	v10 =	vadd.s32 $0xF00, v10  }
0x3fe: {  	v12 =	vld [tilespmem:s8+$0x0]  }
0x3ff: {  	[tilespmem:v7+s25+$0x0] =	vst.idx.add.f32.msk $0xffff, v4  }
0x400: {  	[tilespmem:v11+s25+$0x0] =	vst.idx.add.f32.msk $0xffff, v4  }
0x401: {  	[tilespmem:v8+s19+$0x0] =	vst.idx.add.f32.msk $0xffff, v2  }
0x402: {  	v7 =	vadd.s32 $0xE00, v9;
	[tilespmem:v10+s19+$0x0] =	vst.idx.add.f32.msk $0xffff, v2  }
0x403: {  	s4 =	sor.u32 $0x6000, s12;
	v9 =	vadd.s32 $0xF00, v12;
	[tilespmem:v8+s25+$0x0] =	vst.idx.add.f32.msk $0xffff, v3  }
0x404: {  	s7 =	sor.u32 $0x6080, s12;
	s6 =	sor.u32 s10, s4;
	s4 =	sor.u32 s11, s4;
	[tilespmem:v10+s25+$0x0] =	vst.idx.add.f32.msk $0xffff, v3  }
0x405: {  	s8 =	sor.u32 s10, s7;
	v8 =	vld [tilespmem:s4+$0x0];
	s4 =	sor.u32 s11, s7  }
0x406: {  	v10 =	vld [tilespmem:s4+$0x0]  }
0x407: {  	[tilespmem:v7+s19+$0x0] =	vst.idx.add.f32.msk $0xffff, v6  }
0x408: {  	[tilespmem:v9+s19+$0x0] =	vst.idx.add.f32.msk $0xffff, v6  }
0x409: {  	[tilespmem:v7+s25+$0x0] =	vst.idx.add.f32.msk $0xffff, v5  }
0x40a: {  	[tilespmem:v9+s25+$0x0] =	vst.idx.add.f32.msk $0xffff, v5;
	v7 =	vadd.s32 $0x1000, v8  }
0x40b: {  	v8 =	vld [tilespmem:s6+$0x0];
	v9 =	vadd.s32 $0x1100, v10  }
0x40c: {  	v10 =	vld [tilespmem:s8+$0x0]  }
0x40d: {  	v11 =	vld [tilespmem:s1+$0x0]  }
0x40e: {  	v12 =	vld [tilespmem:s2+$0x0]  }
0x40f: {  	[tilespmem:v7+s19+$0x0] =	vst.idx.add.f32.msk $0xffff, v2  }
0x410: {  	v8 =	vadd.s32 $0x1000, v8;
	[tilespmem:v9+s19+$0x0] =	vst.idx.add.f32.msk $0xffff, v2  }
0x411: {  	s1 =	sor.u32 $0x6100, s12;
	v10 =	vadd.s32 $0x1100, v10;
	[tilespmem:v7+s25+$0x0] =	vst.idx.add.f32.msk $0xffff, v3  }
0x412: {  	s4 =	sor.u32 $0x6180, s12;
	s2 =	sor.u32 s10, s1;
	s1 =	sor.u32 s11, s1;
	[tilespmem:v9+s25+$0x0] =	vst.idx.add.f32.msk $0xffff, v3;
	v7 =	vadd.s32 $0x1E00, v11  }
0x413: {  	s6 =	sor.u32 s10, s4;
	v9 =	vld [tilespmem:s1+$0x0];
	s1 =	sor.u32 s11, s4;
	v11 =	vadd.s32 $0x1F00, v12  }
0x414: {  	v12 =	vld [tilespmem:s1+$0x0]  }
0x415: {  	[tilespmem:v8+s19+$0x0] =	vst.idx.add.f32.msk $0xffff, v6  }
0x416: {  	[tilespmem:v10+s19+$0x0] =	vst.idx.add.f32.msk $0xffff, v6  }
0x417: {  	[tilespmem:v8+s25+$0x0] =	vst.idx.add.f32.msk $0xffff, v5  }
0x418: {  	[tilespmem:v10+s25+$0x0] =	vst.idx.add.f32.msk $0xffff, v5;
	v8 =	vadd.s32 $0x1200, v9  }
0x419: {  	v9 =	vld [tilespmem:s2+$0x0];
	v10 =	vadd.s32 $0x1300, v12  }
0x41a: {  	v12 =	vld [tilespmem:s6+$0x0]  }
0x41b: {  	[tilespmem:v7+s19+$0x0] =	vst.idx.add.f32.msk $0xffff, v1  }
0x41c: {  	[tilespmem:v11+s19+$0x0] =	vst.idx.add.f32.msk $0xffff, v1;
	v1 =	vmov v6  }
0x41d: {  	[tilespmem:v8+s19+$0x0] =	vst.idx.add.f32.msk $0xffff, v2  }
0x41e: {  	v6 =	vadd.s32 $0x1200, v9;
	[tilespmem:v10+s19+$0x0] =	vst.idx.add.f32.msk $0xffff, v2  }
0x41f: {  	s1 =	sor.u32 $0x6200, s12;
	v9 =	vadd.s32 $0x1300, v12;
	[tilespmem:v8+s25+$0x0] =	vst.idx.add.f32.msk $0xffff, v3  }
0x420: {  	s4 =	sor.u32 $0x6280, s12;
	s2 =	sor.u32 s10, s1;
	s1 =	sor.u32 s11, s1;
	[tilespmem:v10+s25+$0x0] =	vst.idx.add.f32.msk $0xffff, v3  }
0x421: {  	s6 =	sor.u32 s10, s4;
	v8 =	vld [tilespmem:s1+$0x0];
	s1 =	sor.u32 s11, s4  }
0x422: {  	v10 =	vld [tilespmem:s1+$0x0]  }
0x423: {  	[tilespmem:v6+s19+$0x0] =	vst.idx.add.f32.msk $0xffff, v1  }
0x424: {  	[tilespmem:v9+s19+$0x0] =	vst.idx.add.f32.msk $0xffff, v1  }
0x425: {  	[tilespmem:v6+s25+$0x0] =	vst.idx.add.f32.msk $0xffff, v5  }
0x426: {  	[tilespmem:v9+s25+$0x0] =	vst.idx.add.f32.msk $0xffff, v5;
	v6 =	vadd.s32 $0x1400, v8  }
0x427: {  	v8 =	vld [tilespmem:s2+$0x0];
	v9 =	vadd.s32 $0x1500, v10  }
0x428: {  	v10 =	vld [tilespmem:s6+$0x0]  }
0x429: {  	[tilespmem:v7+s25+$0x0] =	vst.idx.add.f32.msk $0xffff, v4  }
0x42a: {  	[tilespmem:v11+s25+$0x0] =	vst.idx.add.f32.msk $0xffff, v4;
	v4 =	vmov v5  }
0x42b: {  	[tilespmem:v6+s19+$0x0] =	vst.idx.add.f32.msk $0xffff, v2  }
0x42c: {  	v5 =	vadd.s32 $0x1400, v8;
	[tilespmem:v9+s19+$0x0] =	vst.idx.add.f32.msk $0xffff, v2  }
0x42d: {  	s1 =	sor.u32 $0x6300, s12;
	v7 =	vadd.s32 $0x1500, v10;
	[tilespmem:v6+s25+$0x0] =	vst.idx.add.f32.msk $0xffff, v3  }
0x42e: {  	s4 =	sor.u32 $0x6380, s12;
	s2 =	sor.u32 s10, s1;
	s1 =	sor.u32 s11, s1;
	[tilespmem:v9+s25+$0x0] =	vst.idx.add.f32.msk $0xffff, v3  }
0x42f: {  	s6 =	sor.u32 s10, s4;
	v6 =	vld [tilespmem:s1+$0x0];
	s1 =	sor.u32 s11, s4  }
0x430: {  	v8 =	vld [tilespmem:s1+$0x0]  }
0x431: {  	[tilespmem:v5+s19+$0x0] =	vst.idx.add.f32.msk $0xffff, v1  }
0x432: {  	[tilespmem:v7+s19+$0x0] =	vst.idx.add.f32.msk $0xffff, v1  }
0x433: {  	[tilespmem:v5+s25+$0x0] =	vst.idx.add.f32.msk $0xffff, v4  }
0x434: {  	[tilespmem:v7+s25+$0x0] =	vst.idx.add.f32.msk $0xffff, v4;
	v5 =	vadd.s32 $0x1600, v6  }
0x435: {  	v6 =	vld [tilespmem:s2+$0x0];
	v7 =	vadd.s32 $0x1700, v8  }
0x436: {  	v8 =	vld [tilespmem:s6+$0x0];
	_ =	sdelay $0x2  }
0x437: {  	[tilespmem:v5+s19+$0x0] =	vst.idx.add.f32.msk $0xffff, v2  }
0x438: {  	v6 =	vadd.s32 $0x1600, v6;
	[tilespmem:v7+s19+$0x0] =	vst.idx.add.f32.msk $0xffff, v2  }
0x439: {  	s1 =	sor.u32 $0x7000, s12;
	v8 =	vadd.s32 $0x1700, v8;
	[tilespmem:v5+s25+$0x0] =	vst.idx.add.f32.msk $0xffff, v3  }
0x43a: {  	s4 =	sor.u32 $0x7080, s12;
	s2 =	sor.u32 s10, s1;
	s1 =	sor.u32 s11, s1;
	[tilespmem:v7+s25+$0x0] =	vst.idx.add.f32.msk $0xffff, v3  }
0x43b: {  	s6 =	sor.u32 s10, s4;
	v5 =	vld [tilespmem:s1+$0x0];
	s1 =	sor.u32 s11, s4  }
0x43c: {  	v7 =	vld [tilespmem:s1+$0x0]  }
0x43d: {  	[tilespmem:v6+s19+$0x0] =	vst.idx.add.f32.msk $0xffff, v1  }
.Ltmp4:
0x43e: {  	[tilespmem:v8+s19+$0x0] =	vst.idx.add.f32.msk $0xffff, v1;
	(pc) =	sbr.rel @p2 .LBB2_7-.Ltmp4, $4  }
0x43f: {  	[tilespmem:v6+s25+$0x0] =	vst.idx.add.f32.msk $0xffff, v4  }
0x440: {  	[tilespmem:v8+s25+$0x0] =	vst.idx.add.f32.msk $0xffff, v4;
	v8 =	vadd.s32 $0x1800, v5  }
0x441: {  	v9 =	vld [tilespmem:s2+$0x0];
	v7 =	vadd.s32 $0x1900, v7  }
0x442: {  	s3 =	sadd.s32 $0x20, s3;
	v10 =	vld [tilespmem:s6+$0x0]  }
0x443: {  	_ =	sdelay $0x3  }
0x444: {  	[tilespmem:v8+s19+$0x0] =	vst.idx.add.f32.msk $0xffff, v2  }
0x445: {  	[tilespmem:v7+s19+$0x0] =	vst.idx.add.f32.msk $0xffff, v2;
	v5 =	vadd.s32 $0x1800, v9  }
0x446: {  	s0 =	sor.u32 $0x7100, s12;
	[tilespmem:v8+s25+$0x0] =	vst.idx.add.f32.msk $0xffff, v3;
	v6 =	vadd.s32 $0x1900, v10  }
0x447: {  	s1 =	sor.u32 $0x7180, s12;
	s2 =	sor.u32 s11, s0;
	[tilespmem:v7+s25+$0x0] =	vst.idx.add.f32.msk $0xffff, v3  }
0x448: {  	s22 =	sor.u32 s11, s1;
	v7 =	vld [tilespmem:s2+$0x0]  }
0x449: {  	v8 =	vld [tilespmem:s22+$0x0]  }
0x44a: {  	[tilespmem:v5+s19+$0x0] =	vst.idx.add.f32.msk $0xffff, v1  }
0x44b: {  	[tilespmem:v6+s19+$0x0] =	vst.idx.add.f32.msk $0xffff, v1  }
0x44c: {  	[tilespmem:v5+s25+$0x0] =	vst.idx.add.f32.msk $0xffff, v4  }
0x44d: {  	s0 =	sor.u32 s10, s0;
	v5 =	vadd.s32 $0x1A00, v7;
	[tilespmem:v6+s25+$0x0] =	vst.idx.add.f32.msk $0xffff, v4  }
0x44e: {  	s1 =	sor.u32 s10, s1;
	v6 =	vadd.s32 $0x1B00, v8;
	v7 =	vld [tilespmem:s0+$0x0]  }
0x44f: {  	v8 =	vld [tilespmem:s1+$0x0];
	_ =	sdelay $0x2  }
0x450: {  	[tilespmem:v5+s19+$0x0] =	vst.idx.add.f32.msk $0xffff, v2  }
0x451: {  	[tilespmem:v6+s19+$0x0] =	vst.idx.add.f32.msk $0xffff, v2;
	v7 =	vadd.s32 $0x1A00, v7  }
0x452: {  	s23 =	sor.u32 $0x7200, s12;
	[tilespmem:v5+s25+$0x0] =	vst.idx.add.f32.msk $0xffff, v3;
	v5 =	vadd.s32 $0x1B00, v8  }
0x453: {  	s30 =	sor.u32 $0x7280, s12;
	s31 =	sor.u32 s11, s23;
	[tilespmem:v6+s25+$0x0] =	vst.idx.add.f32.msk $0xffff, v3  }
0x454: {  	s3 =	sor.u32 s11, s30;
	v6 =	vld [tilespmem:s31+$0x0]  }
0x455: {  	v8 =	vld [tilespmem:s3+$0x0]  }
0x456: {  	[tilespmem:v7+s19+$0x0] =	vst.idx.add.f32.msk $0xffff, v1  }
0x457: {  	[tilespmem:v5+s19+$0x0] =	vst.idx.add.f32.msk $0xffff, v1  }
0x458: {  	[tilespmem:v7+s25+$0x0] =	vst.idx.add.f32.msk $0xffff, v4  }
0x459: {  	s0 =	sor.u32 s10, s23;
	v6 =	vadd.s32 $0x1C00, v6;
	[tilespmem:v5+s25+$0x0] =	vst.idx.add.f32.msk $0xffff, v4  }
0x45a: {  	s1 =	sor.u32 s10, s30;
	v5 =	vadd.s32 $0x1D00, v8;
	v7 =	vld [tilespmem:s0+$0x0]  }
0x45b: {  	v8 =	vld [tilespmem:s1+$0x0];
	_ =	sdelay $0x2  }
0x45c: {  	[tilespmem:v6+s19+$0x0] =	vst.idx.add.f32.msk $0xffff, v2  }
0x45d: {  	[tilespmem:v5+s19+$0x0] =	vst.idx.add.f32.msk $0xffff, v2;
	v7 =	vadd.s32 $0x1C00, v7  }
0x45e: {  	s4 =	sor.u32 $0x7300, s12;
	[tilespmem:v6+s25+$0x0] =	vst.idx.add.f32.msk $0xffff, v3;
	v6 =	vadd.s32 $0x1D00, v8  }
0x45f: {  	s5 =	sor.u32 $0x7380, s12;
	s6 =	sor.u32 s11, s4;
	[tilespmem:v5+s25+$0x0] =	vst.idx.add.f32.msk $0xffff, v3  }
0x460: {  	s7 =	sor.u32 s11, s5;
	v5 =	vld [tilespmem:s6+$0x0]  }
0x461: {  	v8 =	vld [tilespmem:s7+$0x0]  }
0x462: {  	[tilespmem:v7+s19+$0x0] =	vst.idx.add.f32.msk $0xffff, v1  }
0x463: {  	[tilespmem:v6+s19+$0x0] =	vst.idx.add.f32.msk $0xffff, v1  }
0x464: {  	[tilespmem:v7+s25+$0x0] =	vst.idx.add.f32.msk $0xffff, v4  }
0x465: {  	s0 =	sor.u32 s10, s4;
	[tilespmem:v6+s25+$0x0] =	vst.idx.add.f32.msk $0xffff, v4  }
0x466: {  	s1 =	sor.u32 s10, s5;
	v6 =	vld [tilespmem:s0+$0x0]  }
0x467: {  	v5 =	vadd.s32 $0x1E00, v5;
	v7 =	vld [tilespmem:s1+$0x0]  }
0x468: {  	v8 =	vadd.s32 $0x1F00, v8;
	_ =	sdelay $0x2  }
0x469: {  	v6 =	vadd.s32 $0x1E00, v6  }
0x46a: {  	[tilespmem:v5+s19+$0x0] =	vst.idx.add.f32.msk $0xffff, v2;
	v7 =	vadd.s32 $0x1F00, v7  }
0x46b: {  	[tilespmem:v8+s19+$0x0] =	vst.idx.add.f32.msk $0xffff, v2  }
0x46c: {  	[tilespmem:v5+s25+$0x0] =	vst.idx.add.f32.msk $0xffff, v3  }
0x46d: {  	[tilespmem:v8+s25+$0x0] =	vst.idx.add.f32.msk $0xffff, v3  }
0x46e: {  	[tilespmem:v6+s19+$0x0] =	vst.idx.add.f32.msk $0xffff, v1  }
0x46f: {  	[tilespmem:v7+s19+$0x0] =	vst.idx.add.f32.msk $0xffff, v1  }
0x470: {  	[tilespmem:v6+s25+$0x0] =	vst.idx.add.f32.msk $0xffff, v4  }
0x471: {  	s3 =	simm.s32 $0x3;
	[tilespmem:v7+s25+$0x0] =	vst.idx.add.f32.msk $0xffff, v4  }
0x472: {  	_ =	swait.ge [sflag:s3], $0x4000  }
0x473: {  	[sflag:s3] =	ssyncset.done $0x0  }
0x474: {  	[sflag:s3] =	ssyncadd.s32 $0xFFFFC000  }
0x475: {  	_ =	swait.ge [sflag:s3], $0x200  }
0x476: {  	[sflag:s3] =	ssyncset.done $0x0  }
0x477: {  	[sflag:s3] =	ssyncadd.s32 $0xFFFFFE00  }
0x478: {  	_ =	swait.ge [sflag:s3], $0x200  }
0x479: {  	s2 =	sld [smem:$0x7F3]  }
0x47a: {  	s0 =	sadd.s32 $0x4, s9  }
0x47b: {  	s4 =	simm.s32 @!p1 $0x3D0C00;
	s1 =	sshll.u32 @!p1 s0, $0x9;
	[sflag:s3] =	ssyncset.done $0x0  }
0x47c: {  	s5 =	simm.s32 @!p1 $0x4000;
	[sflag:s3] =	ssyncadd.s32 $0xFFFFFE00;
	s1 =	sadd.s32 @!p1 s2, s1  }
0x47d: {  	s3 =	simm.s32 @!p1 $0x1000;
	s2 =	sadd.s32 @!p1 s24, s1;
	s1 =	sshrl.u32 @!p1 s1, $0x3  }
0x47e: {  	[tilespmem:s5], [sflag:$0x2] =	stream.strided.gather @!p1 [hbm4b:s2+s3], $0x4000, s4, s3, $0x38;
	[tilespmem:$0x10F00] =	vst v63  }
0x47f: {  	s2 =	sadd.s32 @!p1 s26, s1;
	s3 =	simm.s32 @!p1 $0x0;
	s4 =	simm.s32 @!p1 $0xC280  }
0x480: {  	[tilespmem:s4], [sflag:$0x2] =	stream.linear.gather @!p1 [hbm4b:s2+s3], $0x200, $0x38;
	[tilespmem:$0x10F00] =	vst v63  }
0x481: {  	s1 =	sadd.s32 @!p1 s28, s1;
	s2 =	simm.s32 @!p1 $0xCA00  }
0x482: {  	[tilespmem:s2], [sflag:$0x2] =	stream.linear.gather @!p1 [hbm4b:s1+s3], $0x200, $0x38;
	[tilespmem:$0x10F00] =	vst v63  }
0x483: {  	s3 =	sld [smem:$0x7F5]  }
0x484: {  	p1 =	sne.s32 s0, $0x1E  }
0x485: {  	s0 =	simm.s32 @!p1 $0x0;
	s1 =	simm.s32 @!p1 $0x4000  }
0x486: {  	[tilespmem:s1], [sflag:$0x2] =	stream.linear.gather @!p1 [hbm4b:s3+s0], $0x800, $0x38;
	[tilespmem:$0x10F00] =	vst v63  }
0x487: {  	s2 =	simm.s32 @!p1 $0x5000;
	s1 =	sadd.s32 @!p1 $0x7A180, s3  }
0x488: {  	[tilespmem:s2], [sflag:$0x2] =	stream.linear.gather @!p1 [hbm4b:s1+s0], $0x800, $0x38;
	[tilespmem:$0x10F00] =	vst v63  }
0x489: {  	s1 =	sadd.s32 @!p1 $0xF4300, s3;
	s2 =	simm.s32 @!p1 $0x6000  }
0x48a: {  	[tilespmem:s2], [sflag:$0x2] =	stream.linear.gather @!p1 [hbm4b:s1+s0], $0x800, $0x38;
	[tilespmem:$0x10F00] =	vst v63  }
0x48b: {  	s1 =	sadd.s32 @!p1 $0x16E480, s3;
	s2 =	simm.s32 @!p1 $0x7000  }
0x48c: {  	[tilespmem:s2], [sflag:$0x2] =	stream.linear.gather @!p1 [hbm4b:s1+s0], $0x800, $0x38;
	[tilespmem:$0x10F00] =	vst v63  }
0x48d: {  	s2 =	sld [smem:$0x7F6];
	_ =	sdelay $0x1  }
0x48e: {  	s12 =	simm.s32 $0x0;
	s1 =	simm.s32 @!p1 $0xC280  }
0x48f: {  	[tilespmem:s1], [sflag:$0x2] =	stream.linear.gather @!p1 [hbm4b:s2+s0], $0x100, $0x38;
	[tilespmem:$0x10F00] =	vst v63  }
0x490: {  	s11 =	sand.u32 $0xC00, s12;
	s9 =	sand.u32 $0x60, s12;
	s2 =	sld [smem:$0x7F7]  }
0x491: {  	s8 =	sor.u32 $0x8000, s11;
	s10 =	sor.u32 $0x10, s9  }
0x492: {  	s13 =	sor.u32 s10, s8;
	s1 =	simm.s32 @!p1 $0xCA00  }
0x493: {  	[tilespmem:s1], [sflag:$0x2] =	stream.linear.gather @!p1 [hbm4b:s2+s0], $0x100, $0x38;
	[tilespmem:$0x10F00] =	vst v63  }
0x494: {  	v2 =	vld [tilespmem:s13+$0x80]  }
0x495: {  	v5 =	vld [tilespmem:s13+$0x0]  }
0x496: {  	s14 =	simm.s32 $0xC500;
	s15 =	sand.u32 $0x180, s12  }
0x497: {  	s16 =	sor.u32 s15, s10;
	v1 =	vld [tilespmem:s14+$0x0]  }
0x498: {  	v3 =	vld [tilespmem:s16+$0xC500]  }
0x499: {  	s0 =	sor.u32 s9, s8;
	v4 =	vld [tilespmem:s16+$0xCC80];
	v6 =	vadd.s32 $0x100, v2  }
0x49a: {  	v7 =	vld [tilespmem:s0+$0x80]  }
0x49b: {  	s20 =	simm.s32 $0xCC80;
	v8 =	vld [tilespmem:s0+$0x0]  }
0x49c: {  	v2 =	vld [tilespmem:s20+$0x0]  }
0x49d: {  	[tilespmem:v5+s19+$0x0] =	vst.idx.add.f32.msk $0xffff, v3  }
0x49e: {  	[tilespmem:v6+s19+$0x0] =	vst.idx.add.f32.msk $0xffff, v3  }
0x49f: {  	[tilespmem:v5+s25+$0x0] =	vst.idx.add.f32.msk $0xffff, v4;
	v5 =	vadd.s32 $0x100, v7  }
0x4a0: {  	[tilespmem:v6+s25+$0x0] =	vst.idx.add.f32.msk $0xffff, v4  }
0x4a1: {  	v6 =	vld [tilespmem:s13+$0x100]  }
0x4a2: {  	v7 =	vld [tilespmem:s13+$0x180]  }
0x4a3: {  	[tilespmem:v8+s19+$0x0] =	vst.idx.add.f32.msk $0xffff, v1  }
0x4a4: {  	[tilespmem:v5+s19+$0x0] =	vst.idx.add.f32.msk $0xffff, v1  }
0x4a5: {  	[tilespmem:v8+s25+$0x0] =	vst.idx.add.f32.msk $0xffff, v2  }
0x4a6: {  	v6 =	vadd.s32 $0x200, v6;
	[tilespmem:v5+s25+$0x0] =	vst.idx.add.f32.msk $0xffff, v2  }
0x4a7: {  	v5 =	vadd.s32 $0x300, v7;
	v7 =	vld [tilespmem:s0+$0x100]  }
0x4a8: {  	v8 =	vld [tilespmem:s0+$0x180];
	_ =	sdelay $0x2  }
0x4a9: {  	[tilespmem:v6+s19+$0x0] =	vst.idx.add.f32.msk $0xffff, v3  }
0x4aa: {  	[tilespmem:v5+s19+$0x0] =	vst.idx.add.f32.msk $0xffff, v3;
	v7 =	vadd.s32 $0x200, v7  }
0x4ab: {  	v8 =	vadd.s32 $0x300, v8;
	[tilespmem:v6+s25+$0x0] =	vst.idx.add.f32.msk $0xffff, v4  }
0x4ac: {  	[tilespmem:v5+s25+$0x0] =	vst.idx.add.f32.msk $0xffff, v4  }
0x4ad: {  	v5 =	vld [tilespmem:s13+$0x200]  }
0x4ae: {  	v6 =	vld [tilespmem:s13+$0x280]  }
0x4af: {  	[tilespmem:v7+s19+$0x0] =	vst.idx.add.f32.msk $0xffff, v1  }
0x4b0: {  	[tilespmem:v8+s19+$0x0] =	vst.idx.add.f32.msk $0xffff, v1  }
0x4b1: {  	[tilespmem:v7+s25+$0x0] =	vst.idx.add.f32.msk $0xffff, v2  }
0x4b2: {  	[tilespmem:v8+s25+$0x0] =	vst.idx.add.f32.msk $0xffff, v2;
	v5 =	vadd.s32 $0x400, v5  }
0x4b3: {  	v6 =	vadd.s32 $0x500, v6;
	v7 =	vld [tilespmem:s0+$0x200]  }
0x4b4: {  	v8 =	vld [tilespmem:s0+$0x280];
	_ =	sdelay $0x1  }
0x4b5: {  	s17 =	sand.u32 $0x3, s12  }
0x4b6: {  	s0 =	sshll.u32 s17, $0x5;
	[tilespmem:v5+s19+$0x0] =	vst.idx.add.f32.msk $0xffff, v3  }
0x4b7: {  	s0 =	sadd.s32 $0x0, s0;
	v7 =	vadd.s32 $0x400, v7;
	[tilespmem:v6+s19+$0x0] =	vst.idx.add.f32.msk $0xffff, v3  }
0x4b8: {  	s18 =	sadd.s32 $0x10, s0;
	v8 =	vadd.s32 $0x500, v8;
	[tilespmem:v5+s25+$0x0] =	vst.idx.add.f32.msk $0xffff, v4  }
0x4b9: {  	s21 =	sor.u32 $0x300, s18;
	[tilespmem:v6+s25+$0x0] =	vst.idx.add.f32.msk $0xffff, v4  }
0x4ba: {  	s1 =	sor.u32 $0x380, s18;
	v5 =	vld [tilespmem:s21+$0x8000]  }
0x4bb: {  	v6 =	vld [tilespmem:s1+$0x8000]  }
0x4bc: {  	[tilespmem:v7+s19+$0x0] =	vst.idx.add.f32.msk $0xffff, v1  }
0x4bd: {  	[tilespmem:v8+s19+$0x0] =	vst.idx.add.f32.msk $0xffff, v1  }
0x4be: {  	[tilespmem:v7+s25+$0x0] =	vst.idx.add.f32.msk $0xffff, v2  }
0x4bf: {  	s22 =	sor.u32 s12, s12;
	s0 =	sor.u32 $0x300, s0;
	[tilespmem:v8+s25+$0x0] =	vst.idx.add.f32.msk $0xffff, v2;
	v5 =	vadd.s32 $0x600, v5  }
0x4c0: {  	s1 =	sor.u32 $0x380, s22;
	v6 =	vadd.s32 $0x700, v6;
	v7 =	vld [tilespmem:s0+$0x8000]  }
0x4c1: {  	v8 =	vld [tilespmem:s1+$0x8000];
	_ =	sdelay $0x2  }
0x4c2: {  	[tilespmem:v5+s19+$0x0] =	vst.idx.add.f32.msk $0xffff, v3  }
0x4c3: {  	v7 =	vadd.s32 $0x600, v7;
	[tilespmem:v6+s19+$0x0] =	vst.idx.add.f32.msk $0xffff, v3  }
0x4c4: {  	s23 =	sor.u32 $0x9000, s11;
	v8 =	vadd.s32 $0x700, v8;
	[tilespmem:v5+s25+$0x0] =	vst.idx.add.f32.msk $0xffff, v4  }
0x4c5: {  	s30 =	sor.u32 $0x9080, s11;
	s31 =	sor.u32 s10, s23;
	[tilespmem:v6+s25+$0x0] =	vst.idx.add.f32.msk $0xffff, v4  }
0x4c6: {  	s3 =	sor.u32 s10, s30;
	v5 =	vld [tilespmem:s31+$0x0]  }
0x4c7: {  	v6 =	vld [tilespmem:s3+$0x0]  }
0x4c8: {  	[tilespmem:v7+s19+$0x0] =	vst.idx.add.f32.msk $0xffff, v1  }
0x4c9: {  	[tilespmem:v8+s19+$0x0] =	vst.idx.add.f32.msk $0xffff, v1  }
0x4ca: {  	[tilespmem:v7+s25+$0x0] =	vst.idx.add.f32.msk $0xffff, v2  }
0x4cb: {  	s0 =	sor.u32 s9, s23;
	[tilespmem:v8+s25+$0x0] =	vst.idx.add.f32.msk $0xffff, v2;
	v5 =	vadd.s32 $0x800, v5  }
0x4cc: {  	s1 =	sor.u32 s9, s30;
	v6 =	vadd.s32 $0x900, v6;
	v7 =	vld [tilespmem:s0+$0x0]  }
0x4cd: {  	v8 =	vld [tilespmem:s1+$0x0];
	_ =	sdelay $0x2  }
0x4ce: {  	[tilespmem:v5+s19+$0x0] =	vst.idx.add.f32.msk $0xffff, v3  }
0x4cf: {  	v7 =	vadd.s32 $0x800, v7;
	[tilespmem:v6+s19+$0x0] =	vst.idx.add.f32.msk $0xffff, v3  }
0x4d0: {  	s4 =	sor.u32 $0x9100, s11;
	v8 =	vadd.s32 $0x900, v8;
	[tilespmem:v5+s25+$0x0] =	vst.idx.add.f32.msk $0xffff, v4  }
0x4d1: {  	s5 =	sor.u32 $0x9180, s11;
	s6 =	sor.u32 s10, s4;
	[tilespmem:v6+s25+$0x0] =	vst.idx.add.f32.msk $0xffff, v4  }
0x4d2: {  	s7 =	sor.u32 s10, s5;
	v5 =	vld [tilespmem:s6+$0x0]  }
0x4d3: {  	v6 =	vld [tilespmem:s7+$0x0]  }
0x4d4: {  	[tilespmem:v7+s19+$0x0] =	vst.idx.add.f32.msk $0xffff, v1  }
0x4d5: {  	[tilespmem:v8+s19+$0x0] =	vst.idx.add.f32.msk $0xffff, v1  }
0x4d6: {  	[tilespmem:v7+s25+$0x0] =	vst.idx.add.f32.msk $0xffff, v2  }
0x4d7: {  	s0 =	sor.u32 s9, s4;
	[tilespmem:v8+s25+$0x0] =	vst.idx.add.f32.msk $0xffff, v2;
	v5 =	vadd.s32 $0xA00, v5  }
0x4d8: {  	s1 =	sor.u32 s9, s5;
	v6 =	vadd.s32 $0xB00, v6;
	v7 =	vld [tilespmem:s0+$0x0]  }
0x4d9: {  	v8 =	vld [tilespmem:s1+$0x0];
	_ =	sdelay $0x2  }
0x4da: {  	[tilespmem:v5+s19+$0x0] =	vst.idx.add.f32.msk $0xffff, v3  }
0x4db: {  	v7 =	vadd.s32 $0xA00, v7;
	[tilespmem:v6+s19+$0x0] =	vst.idx.add.f32.msk $0xffff, v3  }
0x4dc: {  	s8 =	sor.u32 $0x9200, s11;
	v8 =	vadd.s32 $0xB00, v8;
	[tilespmem:v5+s25+$0x0] =	vst.idx.add.f32.msk $0xffff, v4  }
0x4dd: {  	s14 =	sor.u32 s10, s8;
	s13 =	sor.u32 $0x9280, s11;
	[tilespmem:v6+s25+$0x0] =	vst.idx.add.f32.msk $0xffff, v4  }
0x4de: {  	s15 =	sor.u32 s10, s13;
	v5 =	vld [tilespmem:s14+$0x0]  }
0x4df: {  	v6 =	vld [tilespmem:s15+$0x0]  }
0x4e0: {  	[tilespmem:v7+s19+$0x0] =	vst.idx.add.f32.msk $0xffff, v1  }
0x4e1: {  	[tilespmem:v8+s19+$0x0] =	vst.idx.add.f32.msk $0xffff, v1  }
0x4e2: {  	[tilespmem:v7+s25+$0x0] =	vst.idx.add.f32.msk $0xffff, v2  }
0x4e3: {  	s0 =	sor.u32 s9, s8;
	[tilespmem:v8+s25+$0x0] =	vst.idx.add.f32.msk $0xffff, v2;
	v5 =	vadd.s32 $0xC00, v5  }
0x4e4: {  	s1 =	sor.u32 s9, s13;
	v6 =	vadd.s32 $0xD00, v6;
	v7 =	vld [tilespmem:s0+$0x0]  }
0x4e5: {  	v8 =	vld [tilespmem:s1+$0x0];
	_ =	sdelay $0x2  }
0x4e6: {  	[tilespmem:v5+s19+$0x0] =	vst.idx.add.f32.msk $0xffff, v3  }
0x4e7: {  	v7 =	vadd.s32 $0xC00, v7;
	[tilespmem:v6+s19+$0x0] =	vst.idx.add.f32.msk $0xffff, v3  }
0x4e8: {  	s16 =	sor.u32 $0x9300, s11;
	v8 =	vadd.s32 $0xD00, v8;
	[tilespmem:v5+s25+$0x0] =	vst.idx.add.f32.msk $0xffff, v4  }
0x4e9: {  	s17 =	sor.u32 $0x9380, s11;
	s18 =	sor.u32 s10, s16;
	[tilespmem:v6+s25+$0x0] =	vst.idx.add.f32.msk $0xffff, v4  }
0x4ea: {  	s21 =	sor.u32 s10, s17;
	v5 =	vld [tilespmem:s18+$0x0]  }
0x4eb: {  	v6 =	vld [tilespmem:s21+$0x0]  }
0x4ec: {  	[tilespmem:v7+s19+$0x0] =	vst.idx.add.f32.msk $0xffff, v1  }
0x4ed: {  	[tilespmem:v8+s19+$0x0] =	vst.idx.add.f32.msk $0xffff, v1  }
0x4ee: {  	[tilespmem:v7+s25+$0x0] =	vst.idx.add.f32.msk $0xffff, v2  }
0x4ef: {  	s0 =	sor.u32 s9, s16;
	[tilespmem:v8+s25+$0x0] =	vst.idx.add.f32.msk $0xffff, v2;
	v5 =	vadd.s32 $0xE00, v5  }
0x4f0: {  	s1 =	sor.u32 s9, s17;
	v6 =	vadd.s32 $0xF00, v6;
	v7 =	vld [tilespmem:s0+$0x0]  }
0x4f1: {  	v8 =	vld [tilespmem:s1+$0x0];
	_ =	sdelay $0x2  }
0x4f2: {  	[tilespmem:v5+s19+$0x0] =	vst.idx.add.f32.msk $0xffff, v3  }
0x4f3: {  	v7 =	vadd.s32 $0xE00, v7;
	[tilespmem:v6+s19+$0x0] =	vst.idx.add.f32.msk $0xffff, v3  }
0x4f4: {  	s22 =	sor.u32 $0xA000, s11;
	v8 =	vadd.s32 $0xF00, v8;
	[tilespmem:v5+s25+$0x0] =	vst.idx.add.f32.msk $0xffff, v4  }
0x4f5: {  	s23 =	sor.u32 $0xA080, s11;
	s30 =	sor.u32 s10, s22;
	[tilespmem:v6+s25+$0x0] =	vst.idx.add.f32.msk $0xffff, v4  }
0x4f6: {  	s31 =	sor.u32 s10, s23;
	v5 =	vld [tilespmem:s30+$0x0]  }
0x4f7: {  	v6 =	vld [tilespmem:s31+$0x0]  }
0x4f8: {  	[tilespmem:v7+s19+$0x0] =	vst.idx.add.f32.msk $0xffff, v1  }
0x4f9: {  	[tilespmem:v8+s19+$0x0] =	vst.idx.add.f32.msk $0xffff, v1  }
0x4fa: {  	[tilespmem:v7+s25+$0x0] =	vst.idx.add.f32.msk $0xffff, v2  }
0x4fb: {  	s0 =	sor.u32 s9, s22;
	[tilespmem:v8+s25+$0x0] =	vst.idx.add.f32.msk $0xffff, v2;
	v5 =	vadd.s32 $0x1000, v5  }
0x4fc: {  	s1 =	sor.u32 s9, s23;
	v6 =	vadd.s32 $0x1100, v6;
	v7 =	vld [tilespmem:s0+$0x0]  }
0x4fd: {  	v8 =	vld [tilespmem:s1+$0x0];
	_ =	sdelay $0x2  }
0x4fe: {  	[tilespmem:v5+s19+$0x0] =	vst.idx.add.f32.msk $0xffff, v3  }
0x4ff: {  	v7 =	vadd.s32 $0x1000, v7;
	[tilespmem:v6+s19+$0x0] =	vst.idx.add.f32.msk $0xffff, v3  }
0x500: {  	s3 =	sor.u32 $0xA100, s11;
	v8 =	vadd.s32 $0x1100, v8;
	[tilespmem:v5+s25+$0x0] =	vst.idx.add.f32.msk $0xffff, v4  }
0x501: {  	s4 =	sor.u32 $0xA180, s11;
	s5 =	sor.u32 s10, s3;
	[tilespmem:v6+s25+$0x0] =	vst.idx.add.f32.msk $0xffff, v4  }
0x502: {  	s6 =	sor.u32 s10, s4;
	v5 =	vld [tilespmem:s5+$0x0]  }
0x503: {  	v6 =	vld [tilespmem:s6+$0x0]  }
0x504: {  	[tilespmem:v7+s19+$0x0] =	vst.idx.add.f32.msk $0xffff, v1  }
0x505: {  	[tilespmem:v8+s19+$0x0] =	vst.idx.add.f32.msk $0xffff, v1  }
0x506: {  	[tilespmem:v7+s25+$0x0] =	vst.idx.add.f32.msk $0xffff, v2  }
0x507: {  	s0 =	sor.u32 s9, s3;
	[tilespmem:v8+s25+$0x0] =	vst.idx.add.f32.msk $0xffff, v2;
	v5 =	vadd.s32 $0x1200, v5  }
0x508: {  	s1 =	sor.u32 s9, s4;
	v6 =	vadd.s32 $0x1300, v6;
	v7 =	vld [tilespmem:s0+$0x0]  }
0x509: {  	v8 =	vld [tilespmem:s1+$0x0];
	_ =	sdelay $0x2  }
0x50a: {  	[tilespmem:v5+s19+$0x0] =	vst.idx.add.f32.msk $0xffff, v3  }
0x50b: {  	v7 =	vadd.s32 $0x1200, v7;
	[tilespmem:v6+s19+$0x0] =	vst.idx.add.f32.msk $0xffff, v3  }
0x50c: {  	s7 =	sor.u32 $0xA200, s11;
	v8 =	vadd.s32 $0x1300, v8;
	[tilespmem:v5+s25+$0x0] =	vst.idx.add.f32.msk $0xffff, v4  }
0x50d: {  	s8 =	sor.u32 $0xA280, s11;
	s13 =	sor.u32 s10, s7;
	[tilespmem:v6+s25+$0x0] =	vst.idx.add.f32.msk $0xffff, v4  }
0x50e: {  	s14 =	sor.u32 s10, s8;
	v5 =	vld [tilespmem:s13+$0x0]  }
0x50f: {  	v6 =	vld [tilespmem:s14+$0x0]  }
0x510: {  	[tilespmem:v7+s19+$0x0] =	vst.idx.add.f32.msk $0xffff, v1  }
0x511: {  	[tilespmem:v8+s19+$0x0] =	vst.idx.add.f32.msk $0xffff, v1  }
0x512: {  	[tilespmem:v7+s25+$0x0] =	vst.idx.add.f32.msk $0xffff, v2  }
0x513: {  	s0 =	sor.u32 s9, s7;
	[tilespmem:v8+s25+$0x0] =	vst.idx.add.f32.msk $0xffff, v2;
	v5 =	vadd.s32 $0x1400, v5  }
0x514: {  	s1 =	sor.u32 s9, s8;
	v6 =	vadd.s32 $0x1500, v6;
	v7 =	vld [tilespmem:s0+$0x0]  }
0x515: {  	v8 =	vld [tilespmem:s1+$0x0];
	_ =	sdelay $0x2  }
0x516: {  	[tilespmem:v5+s19+$0x0] =	vst.idx.add.f32.msk $0xffff, v3  }
0x517: {  	v7 =	vadd.s32 $0x1400, v7;
	[tilespmem:v6+s19+$0x0] =	vst.idx.add.f32.msk $0xffff, v3  }
0x518: {  	s15 =	sor.u32 $0xA300, s11;
	v8 =	vadd.s32 $0x1500, v8;
	[tilespmem:v5+s25+$0x0] =	vst.idx.add.f32.msk $0xffff, v4  }
0x519: {  	s16 =	sor.u32 $0xA380, s11;
	s17 =	sor.u32 s10, s15;
	[tilespmem:v6+s25+$0x0] =	vst.idx.add.f32.msk $0xffff, v4  }
0x51a: {  	s18 =	sor.u32 s10, s16;
	v5 =	vld [tilespmem:s17+$0x0]  }
0x51b: {  	v6 =	vld [tilespmem:s18+$0x0]  }
0x51c: {  	[tilespmem:v7+s19+$0x0] =	vst.idx.add.f32.msk $0xffff, v1  }
0x51d: {  	[tilespmem:v8+s19+$0x0] =	vst.idx.add.f32.msk $0xffff, v1  }
0x51e: {  	[tilespmem:v7+s25+$0x0] =	vst.idx.add.f32.msk $0xffff, v2  }
0x51f: {  	s0 =	sor.u32 s9, s15;
	[tilespmem:v8+s25+$0x0] =	vst.idx.add.f32.msk $0xffff, v2;
	v5 =	vadd.s32 $0x1600, v5  }
0x520: {  	s1 =	sor.u32 s9, s16;
	v6 =	vadd.s32 $0x1700, v6;
	v7 =	vld [tilespmem:s0+$0x0]  }
0x521: {  	v8 =	vld [tilespmem:s1+$0x0];
	_ =	sdelay $0x2  }
0x522: {  	[tilespmem:v5+s19+$0x0] =	vst.idx.add.f32.msk $0xffff, v3  }
0x523: {  	v7 =	vadd.s32 $0x1600, v7;
	[tilespmem:v6+s19+$0x0] =	vst.idx.add.f32.msk $0xffff, v3  }
0x524: {  	s21 =	sor.u32 $0xB000, s11;
	v8 =	vadd.s32 $0x1700, v8;
	[tilespmem:v5+s25+$0x0] =	vst.idx.add.f32.msk $0xffff, v4  }
0x525: {  	s22 =	sor.u32 $0xB080, s11;
	s23 =	sor.u32 s10, s21;
	[tilespmem:v6+s25+$0x0] =	vst.idx.add.f32.msk $0xffff, v4  }
0x526: {  	s30 =	sor.u32 s10, s22;
	v5 =	vld [tilespmem:s23+$0x0]  }
0x527: {  	v6 =	vld [tilespmem:s30+$0x0]  }
0x528: {  	[tilespmem:v7+s19+$0x0] =	vst.idx.add.f32.msk $0xffff, v1  }
0x529: {  	[tilespmem:v8+s19+$0x0] =	vst.idx.add.f32.msk $0xffff, v1  }
0x52a: {  	[tilespmem:v7+s25+$0x0] =	vst.idx.add.f32.msk $0xffff, v2  }
0x52b: {  	s31 =	sor.u32 s9, s21;
	[tilespmem:v8+s25+$0x0] =	vst.idx.add.f32.msk $0xffff, v2;
	v8 =	vadd.s32 $0x1800, v5  }
0x52c: {  	s3 =	simm.s32 $0xC520;
	s1 =	sor.u32 s9, s22;
	v7 =	vadd.s32 $0x1900, v6;
	v9 =	vld [tilespmem:s31+$0x0]  }
0x52d: {  	s5 =	simm.s32 $0x0;
	s17 =	simm.s32 $0x0;
	s0 =	simm.s32 $0x0;
	v10 =	vld [tilespmem:s1+$0x0]  }
.LBB2_9:
0x52e: {  	v6 =	vld [tilespmem:s3+$0x0];
	s20 =	sadd.s32 $0x20, s20  }
0x52f: {  	v5 =	vld [tilespmem:s20+$0x0]  }
0x530: {  	[tilespmem:v8+s19+$0x0] =	vst.idx.add.f32.msk $0xffff, v3  }
0x531: {  	v9 =	vadd.s32 $0x1800, v9;
	[tilespmem:v7+s19+$0x0] =	vst.idx.add.f32.msk $0xffff, v3  }
0x532: {  	s1 =	sor.u32 $0xB100, s11;
	v10 =	vadd.s32 $0x1900, v10;
	[tilespmem:v8+s25+$0x0] =	vst.idx.add.f32.msk $0xffff, v4  }
0x533: {  	s2 =	sor.u32 $0xB180, s11;
	s8 =	sor.u32 s9, s1;
	s1 =	sor.u32 s10, s1;
	[tilespmem:v7+s25+$0x0] =	vst.idx.add.f32.msk $0xffff, v4  }
0x534: {  	s13 =	sor.u32 s9, s2;
	v7 =	vld [tilespmem:s1+$0x0];
	s1 =	sor.u32 s10, s2  }
0x535: {  	v8 =	vld [tilespmem:s1+$0x0]  }
0x536: {  	s12 =	sadd.s32 $0x20, s12;
	[tilespmem:v9+s19+$0x0] =	vst.idx.add.f32.msk $0xffff, v1  }
0x537: {  	s16 =	sand.u32 $0x60, s12;
	[tilespmem:v10+s19+$0x0] =	vst.idx.add.f32.msk $0xffff, v1  }
0x538: {  	s5 =	sadd.s32 $0x100, s5;
	s18 =	sor.u32 $0x10, s16;
	s1 =	sand.u32 $0x180, s12;
	[tilespmem:v9+s25+$0x0] =	vst.idx.add.f32.msk $0xffff, v2  }
0x539: {  	s21 =	sand.u32 $0xC00, s5;
	s2 =	sor.u32 s5, s12;
	s1 =	sor.u32 s1, s18;
	[tilespmem:v10+s25+$0x0] =	vst.idx.add.f32.msk $0xffff, v2;
	v7 =	vadd.s32 $0x1A00, v7  }
0x53a: {  	s4 =	sor.u32 $0x8000, s21;
	s7 =	sor.u32 $0x380, s2;
	v9 =	vld [tilespmem:s1+$0xC500];
	v8 =	vadd.s32 $0x1B00, v8  }
0x53b: {  	s14 =	sor.u32 s16, s4;
	s15 =	sor.u32 s18, s4;
	v10 =	vld [tilespmem:s1+$0xCC80]  }
0x53c: {  	v11 =	vld [tilespmem:s15+$0x0]  }
0x53d: {  	v12 =	vld [tilespmem:s15+$0x80]  }
0x53e: {  	[tilespmem:v7+s19+$0x0] =	vst.idx.add.f32.msk $0xffff, v3  }
0x53f: {  	[tilespmem:v8+s19+$0x0] =	vst.idx.add.f32.msk $0xffff, v3  }
0x540: {  	s1 =	sor.u32 $0xB200, s11;
	[tilespmem:v7+s25+$0x0] =	vst.idx.add.f32.msk $0xffff, v4  }
0x541: {  	s2 =	sor.u32 $0xB280, s11;
	s4 =	sor.u32 s9, s1;
	s1 =	sor.u32 s10, s1;
	[tilespmem:v8+s25+$0x0] =	vst.idx.add.f32.msk $0xffff, v4  }
0x542: {  	s6 =	sor.u32 s9, s2;
	v7 =	vadd.s32 $0x100, v12;
	v8 =	vld [tilespmem:s1+$0x0];
	s1 =	sor.u32 s10, s2  }
0x543: {  	v12 =	vld [tilespmem:s1+$0x0]  }
0x544: {  	v13 =	vld [tilespmem:s14+$0x80]  }
0x545: {  	v14 =	vld [tilespmem:s14+$0x0]  }
0x546: {  	[tilespmem:v11+s19+$0x0] =	vst.idx.add.f32.msk $0xffff, v9  }
0x547: {  	[tilespmem:v7+s19+$0x0] =	vst.idx.add.f32.msk $0xffff, v9;
	v8 =	vadd.s32 $0x1C00, v8  }
0x548: {  	[tilespmem:v11+s25+$0x0] =	vst.idx.add.f32.msk $0xffff, v10;
	v11 =	vadd.s32 $0x1D00, v12  }
0x549: {  	v12 =	vadd.s32 $0x100, v13;
	[tilespmem:v7+s25+$0x0] =	vst.idx.add.f32.msk $0xffff, v10  }
0x54a: {  	v7 =	vld [tilespmem:s15+$0x100]  }
0x54b: {  	v13 =	vld [tilespmem:s15+$0x180]  }
0x54c: {  	[tilespmem:v8+s19+$0x0] =	vst.idx.add.f32.msk $0xffff, v3  }
0x54d: {  	[tilespmem:v11+s19+$0x0] =	vst.idx.add.f32.msk $0xffff, v3  }
0x54e: {  	s2 =	sor.u32 $0xB300, s11;
	[tilespmem:v8+s25+$0x0] =	vst.idx.add.f32.msk $0xffff, v4  }
0x54f: {  	s11 =	sor.u32 $0xB380, s11;
	s1 =	sor.u32 s9, s2;
	s22 =	sor.u32 s10, s2;
	[tilespmem:v11+s25+$0x0] =	vst.idx.add.f32.msk $0xffff, v4  }
0x550: {  	s2 =	sor.u32 s9, s11;
	s10 =	sor.u32 s10, s11;
	s9 =	smov.u32 s16;
	v8 =	vld [tilespmem:s22+$0x0]  }
0x551: {  	s11 =	smov.u32 s21;
	v11 =	vld [tilespmem:s10+$0x0];
	s10 =	smov.u32 s18  }
0x552: {  	[tilespmem:v14+s19+$0x0] =	vst.idx.add.f32.msk $0xffff, v6  }
0x553: {  	v7 =	vadd.s32 $0x200, v7;
	[tilespmem:v12+s19+$0x0] =	vst.idx.add.f32.msk $0xffff, v6  }
0x554: {  	v13 =	vadd.s32 $0x300, v13;
	[tilespmem:v14+s25+$0x0] =	vst.idx.add.f32.msk $0xffff, v5  }
0x555: {  	[tilespmem:v12+s25+$0x0] =	vst.idx.add.f32.msk $0xffff, v5;
	v8 =	vadd.s32 $0x1E00, v8  }
0x556: {  	v12 =	vld [tilespmem:s14+$0x100];
	v11 =	vadd.s32 $0x1F00, v11  }
0x557: {  	v14 =	vld [tilespmem:s14+$0x180]  }
0x558: {  	[tilespmem:v7+s19+$0x0] =	vst.idx.add.f32.msk $0xffff, v9  }
0x559: {  	[tilespmem:v13+s19+$0x0] =	vst.idx.add.f32.msk $0xffff, v9  }
0x55a: {  	[tilespmem:v8+s19+$0x0] =	vst.idx.add.f32.msk $0xffff, v3  }
0x55b: {  	v12 =	vadd.s32 $0x200, v12;
	[tilespmem:v11+s19+$0x0] =	vst.idx.add.f32.msk $0xffff, v3;
	v3 =	vmov v9  }
0x55c: {  	v9 =	vadd.s32 $0x300, v14;
	[tilespmem:v8+s25+$0x0] =	vst.idx.add.f32.msk $0xffff, v4  }
0x55d: {  	[tilespmem:v11+s25+$0x0] =	vst.idx.add.f32.msk $0xffff, v4;
	v4 =	vmov v10  }
0x55e: {  	[tilespmem:v7+s25+$0x0] =	vst.idx.add.f32.msk $0xffff, v4  }
0x55f: {  	[tilespmem:v13+s25+$0x0] =	vst.idx.add.f32.msk $0xffff, v4  }
0x560: {  	v7 =	vld [tilespmem:s15+$0x200]  }
0x561: {  	v8 =	vld [tilespmem:s15+$0x280]  }
0x562: {  	[tilespmem:v12+s19+$0x0] =	vst.idx.add.f32.msk $0xffff, v6  }
0x563: {  	[tilespmem:v9+s19+$0x0] =	vst.idx.add.f32.msk $0xffff, v6  }
0x564: {  	[tilespmem:v12+s25+$0x0] =	vst.idx.add.f32.msk $0xffff, v5  }
0x565: {  	[tilespmem:v9+s25+$0x0] =	vst.idx.add.f32.msk $0xffff, v5;
	v7 =	vadd.s32 $0x400, v7  }
0x566: {  	v9 =	vld [tilespmem:s14+$0x200];
	v8 =	vadd.s32 $0x500, v8  }
0x567: {  	v10 =	vld [tilespmem:s14+$0x280]  }
0x568: {  	s17 =	sadd.s32 $0x1, s17;
	v11 =	vld [tilespmem:s8+$0x0]  }
0x569: {  	s8 =	sand.u32 $0x3, s17;
	v12 =	vld [tilespmem:s13+$0x0]  }
0x56a: {  	s8 =	sshll.u32 s8, $0x5;
	[tilespmem:v7+s19+$0x0] =	vst.idx.add.f32.msk $0xffff, v3  }
0x56b: {  	s8 =	sadd.s32 s8, s5;
	v9 =	vadd.s32 $0x400, v9;
	[tilespmem:v8+s19+$0x0] =	vst.idx.add.f32.msk $0xffff, v3  }
0x56c: {  	s13 =	sor.u32 $0x300, s8;
	s8 =	sadd.s32 $0x10, s8;
	v10 =	vadd.s32 $0x500, v10;
	[tilespmem:v7+s25+$0x0] =	vst.idx.add.f32.msk $0xffff, v4  }
0x56d: {  	s14 =	sor.u32 $0x300, s8;
	[tilespmem:v8+s25+$0x0] =	vst.idx.add.f32.msk $0xffff, v4;
	v7 =	vadd.s32 $0x1A00, v11  }
0x56e: {  	s8 =	sor.u32 $0x380, s8;
	v8 =	vld [tilespmem:s14+$0x8000];
	v11 =	vadd.s32 $0x1B00, v12  }
0x56f: {  	v12 =	vld [tilespmem:s8+$0x8000]  }
0x570: {  	[tilespmem:v9+s19+$0x0] =	vst.idx.add.f32.msk $0xffff, v6  }
0x571: {  	s0 =	sadd.s32 $0x2, s0;
	[tilespmem:v10+s19+$0x0] =	vst.idx.add.f32.msk $0xffff, v6  }
0x572: {  	p1 =	slt.u32 s0, $0x1E;
	[tilespmem:v9+s25+$0x0] =	vst.idx.add.f32.msk $0xffff, v5  }
0x573: {  	[tilespmem:v10+s25+$0x0] =	vst.idx.add.f32.msk $0xffff, v5;
	v8 =	vadd.s32 $0x600, v8  }
0x574: {  	v9 =	vld [tilespmem:s13+$0x8000];
	v10 =	vadd.s32 $0x700, v12  }
0x575: {  	v12 =	vld [tilespmem:s7+$0x8000]  }
0x576: {  	[tilespmem:v7+s19+$0x0] =	vst.idx.add.f32.msk $0xffff, v1  }
0x577: {  	[tilespmem:v11+s19+$0x0] =	vst.idx.add.f32.msk $0xffff, v1  }
0x578: {  	[tilespmem:v8+s19+$0x0] =	vst.idx.add.f32.msk $0xffff, v3  }
0x579: {  	v9 =	vadd.s32 $0x600, v9;
	[tilespmem:v10+s19+$0x0] =	vst.idx.add.f32.msk $0xffff, v3  }
0x57a: {  	s7 =	sor.u32 $0x9000, s11;
	v12 =	vadd.s32 $0x700, v12;
	[tilespmem:v8+s25+$0x0] =	vst.idx.add.f32.msk $0xffff, v4  }
0x57b: {  	s13 =	sor.u32 $0x9080, s11;
	s8 =	sor.u32 s9, s7;
	s7 =	sor.u32 s10, s7;
	[tilespmem:v10+s25+$0x0] =	vst.idx.add.f32.msk $0xffff, v4  }
0x57c: {  	s14 =	sor.u32 s9, s13;
	v8 =	vld [tilespmem:s7+$0x0];
	s7 =	sor.u32 s10, s13  }
0x57d: {  	v10 =	vld [tilespmem:s7+$0x0]  }
0x57e: {  	[tilespmem:v9+s19+$0x0] =	vst.idx.add.f32.msk $0xffff, v6  }
0x57f: {  	[tilespmem:v12+s19+$0x0] =	vst.idx.add.f32.msk $0xffff, v6  }
0x580: {  	[tilespmem:v9+s25+$0x0] =	vst.idx.add.f32.msk $0xffff, v5  }
0x581: {  	[tilespmem:v12+s25+$0x0] =	vst.idx.add.f32.msk $0xffff, v5;
	v8 =	vadd.s32 $0x800, v8  }
0x582: {  	v9 =	vld [tilespmem:s8+$0x0];
	v10 =	vadd.s32 $0x900, v10  }
0x583: {  	v12 =	vld [tilespmem:s14+$0x0]  }
0x584: {  	[tilespmem:v7+s25+$0x0] =	vst.idx.add.f32.msk $0xffff, v2  }
0x585: {  	[tilespmem:v11+s25+$0x0] =	vst.idx.add.f32.msk $0xffff, v2  }
0x586: {  	[tilespmem:v8+s19+$0x0] =	vst.idx.add.f32.msk $0xffff, v3  }
0x587: {  	v7 =	vadd.s32 $0x800, v9;
	[tilespmem:v10+s19+$0x0] =	vst.idx.add.f32.msk $0xffff, v3  }
0x588: {  	s7 =	sor.u32 $0x9100, s11;
	v9 =	vadd.s32 $0x900, v12;
	[tilespmem:v8+s25+$0x0] =	vst.idx.add.f32.msk $0xffff, v4  }
0x589: {  	s13 =	sor.u32 $0x9180, s11;
	s8 =	sor.u32 s9, s7;
	s7 =	sor.u32 s10, s7;
	[tilespmem:v10+s25+$0x0] =	vst.idx.add.f32.msk $0xffff, v4  }
0x58a: {  	s14 =	sor.u32 s9, s13;
	v8 =	vld [tilespmem:s7+$0x0];
	s7 =	sor.u32 s10, s13  }
0x58b: {  	v10 =	vld [tilespmem:s7+$0x0]  }
0x58c: {  	[tilespmem:v7+s19+$0x0] =	vst.idx.add.f32.msk $0xffff, v6  }
0x58d: {  	[tilespmem:v9+s19+$0x0] =	vst.idx.add.f32.msk $0xffff, v6  }
0x58e: {  	[tilespmem:v7+s25+$0x0] =	vst.idx.add.f32.msk $0xffff, v5  }
0x58f: {  	[tilespmem:v9+s25+$0x0] =	vst.idx.add.f32.msk $0xffff, v5;
	v7 =	vadd.s32 $0xA00, v8  }
0x590: {  	v8 =	vld [tilespmem:s8+$0x0];
	v9 =	vadd.s32 $0xB00, v10  }
0x591: {  	v10 =	vld [tilespmem:s14+$0x0]  }
0x592: {  	v11 =	vld [tilespmem:s4+$0x0]  }
0x593: {  	v12 =	vld [tilespmem:s6+$0x0]  }
0x594: {  	[tilespmem:v7+s19+$0x0] =	vst.idx.add.f32.msk $0xffff, v3  }
0x595: {  	v8 =	vadd.s32 $0xA00, v8;
	[tilespmem:v9+s19+$0x0] =	vst.idx.add.f32.msk $0xffff, v3  }
0x596: {  	s4 =	sor.u32 $0x9200, s11;
	v10 =	vadd.s32 $0xB00, v10;
	[tilespmem:v7+s25+$0x0] =	vst.idx.add.f32.msk $0xffff, v4  }
0x597: {  	s7 =	sor.u32 $0x9280, s11;
	s6 =	sor.u32 s9, s4;
	s4 =	sor.u32 s10, s4;
	[tilespmem:v9+s25+$0x0] =	vst.idx.add.f32.msk $0xffff, v4;
	v7 =	vadd.s32 $0x1C00, v11  }
0x598: {  	s8 =	sor.u32 s9, s7;
	v9 =	vld [tilespmem:s4+$0x0];
	s4 =	sor.u32 s10, s7;
	v11 =	vadd.s32 $0x1D00, v12  }
0x599: {  	v12 =	vld [tilespmem:s4+$0x0]  }
0x59a: {  	[tilespmem:v8+s19+$0x0] =	vst.idx.add.f32.msk $0xffff, v6  }
0x59b: {  	[tilespmem:v10+s19+$0x0] =	vst.idx.add.f32.msk $0xffff, v6  }
0x59c: {  	[tilespmem:v8+s25+$0x0] =	vst.idx.add.f32.msk $0xffff, v5  }
0x59d: {  	[tilespmem:v10+s25+$0x0] =	vst.idx.add.f32.msk $0xffff, v5;
	v8 =	vadd.s32 $0xC00, v9  }
0x59e: {  	v9 =	vld [tilespmem:s6+$0x0];
	v10 =	vadd.s32 $0xD00, v12  }
0x59f: {  	v12 =	vld [tilespmem:s8+$0x0]  }
0x5a0: {  	[tilespmem:v7+s19+$0x0] =	vst.idx.add.f32.msk $0xffff, v1  }
0x5a1: {  	[tilespmem:v11+s19+$0x0] =	vst.idx.add.f32.msk $0xffff, v1  }
0x5a2: {  	[tilespmem:v8+s19+$0x0] =	vst.idx.add.f32.msk $0xffff, v3  }
0x5a3: {  	v9 =	vadd.s32 $0xC00, v9;
	[tilespmem:v10+s19+$0x0] =	vst.idx.add.f32.msk $0xffff, v3  }
0x5a4: {  	s4 =	sor.u32 $0x9300, s11;
	v12 =	vadd.s32 $0xD00, v12;
	[tilespmem:v8+s25+$0x0] =	vst.idx.add.f32.msk $0xffff, v4  }
0x5a5: {  	s7 =	sor.u32 $0x9380, s11;
	s6 =	sor.u32 s9, s4;
	s4 =	sor.u32 s10, s4;
	[tilespmem:v10+s25+$0x0] =	vst.idx.add.f32.msk $0xffff, v4  }
0x5a6: {  	s8 =	sor.u32 s9, s7;
	v8 =	vld [tilespmem:s4+$0x0];
	s4 =	sor.u32 s10, s7  }
0x5a7: {  	v10 =	vld [tilespmem:s4+$0x0]  }
0x5a8: {  	[tilespmem:v9+s19+$0x0] =	vst.idx.add.f32.msk $0xffff, v6  }
0x5a9: {  	[tilespmem:v12+s19+$0x0] =	vst.idx.add.f32.msk $0xffff, v6  }
0x5aa: {  	[tilespmem:v9+s25+$0x0] =	vst.idx.add.f32.msk $0xffff, v5  }
0x5ab: {  	[tilespmem:v12+s25+$0x0] =	vst.idx.add.f32.msk $0xffff, v5;
	v8 =	vadd.s32 $0xE00, v8  }
0x5ac: {  	v9 =	vld [tilespmem:s6+$0x0];
	v10 =	vadd.s32 $0xF00, v10  }
0x5ad: {  	v12 =	vld [tilespmem:s8+$0x0]  }
0x5ae: {  	[tilespmem:v7+s25+$0x0] =	vst.idx.add.f32.msk $0xffff, v2  }
0x5af: {  	[tilespmem:v11+s25+$0x0] =	vst.idx.add.f32.msk $0xffff, v2  }
0x5b0: {  	[tilespmem:v8+s19+$0x0] =	vst.idx.add.f32.msk $0xffff, v3  }
0x5b1: {  	v7 =	vadd.s32 $0xE00, v9;
	[tilespmem:v10+s19+$0x0] =	vst.idx.add.f32.msk $0xffff, v3  }
0x5b2: {  	s4 =	sor.u32 $0xA000, s11;
	v9 =	vadd.s32 $0xF00, v12;
	[tilespmem:v8+s25+$0x0] =	vst.idx.add.f32.msk $0xffff, v4  }
0x5b3: {  	s7 =	sor.u32 $0xA080, s11;
	s6 =	sor.u32 s9, s4;
	s4 =	sor.u32 s10, s4;
	[tilespmem:v10+s25+$0x0] =	vst.idx.add.f32.msk $0xffff, v4  }
0x5b4: {  	s8 =	sor.u32 s9, s7;
	v8 =	vld [tilespmem:s4+$0x0];
	s4 =	sor.u32 s10, s7  }
0x5b5: {  	v10 =	vld [tilespmem:s4+$0x0]  }
0x5b6: {  	[tilespmem:v7+s19+$0x0] =	vst.idx.add.f32.msk $0xffff, v6  }
0x5b7: {  	[tilespmem:v9+s19+$0x0] =	vst.idx.add.f32.msk $0xffff, v6  }
0x5b8: {  	[tilespmem:v7+s25+$0x0] =	vst.idx.add.f32.msk $0xffff, v5  }
0x5b9: {  	[tilespmem:v9+s25+$0x0] =	vst.idx.add.f32.msk $0xffff, v5;
	v7 =	vadd.s32 $0x1000, v8  }
0x5ba: {  	v8 =	vld [tilespmem:s6+$0x0];
	v9 =	vadd.s32 $0x1100, v10  }
0x5bb: {  	v10 =	vld [tilespmem:s8+$0x0]  }
0x5bc: {  	v11 =	vld [tilespmem:s1+$0x0]  }
0x5bd: {  	v12 =	vld [tilespmem:s2+$0x0]  }
0x5be: {  	[tilespmem:v7+s19+$0x0] =	vst.idx.add.f32.msk $0xffff, v3  }
0x5bf: {  	v8 =	vadd.s32 $0x1000, v8;
	[tilespmem:v9+s19+$0x0] =	vst.idx.add.f32.msk $0xffff, v3  }
0x5c0: {  	s1 =	sor.u32 $0xA100, s11;
	v10 =	vadd.s32 $0x1100, v10;
	[tilespmem:v7+s25+$0x0] =	vst.idx.add.f32.msk $0xffff, v4  }
0x5c1: {  	s4 =	sor.u32 $0xA180, s11;
	s2 =	sor.u32 s9, s1;
	s1 =	sor.u32 s10, s1;
	[tilespmem:v9+s25+$0x0] =	vst.idx.add.f32.msk $0xffff, v4;
	v7 =	vadd.s32 $0x1E00, v11  }
0x5c2: {  	s6 =	sor.u32 s9, s4;
	v9 =	vld [tilespmem:s1+$0x0];
	s1 =	sor.u32 s10, s4;
	v11 =	vadd.s32 $0x1F00, v12  }
0x5c3: {  	v12 =	vld [tilespmem:s1+$0x0]  }
0x5c4: {  	[tilespmem:v8+s19+$0x0] =	vst.idx.add.f32.msk $0xffff, v6  }
0x5c5: {  	[tilespmem:v10+s19+$0x0] =	vst.idx.add.f32.msk $0xffff, v6  }
0x5c6: {  	[tilespmem:v8+s25+$0x0] =	vst.idx.add.f32.msk $0xffff, v5  }
0x5c7: {  	[tilespmem:v10+s25+$0x0] =	vst.idx.add.f32.msk $0xffff, v5;
	v8 =	vadd.s32 $0x1200, v9  }
0x5c8: {  	v9 =	vld [tilespmem:s2+$0x0];
	v10 =	vadd.s32 $0x1300, v12  }
0x5c9: {  	v12 =	vld [tilespmem:s6+$0x0]  }
0x5ca: {  	[tilespmem:v7+s19+$0x0] =	vst.idx.add.f32.msk $0xffff, v1  }
0x5cb: {  	[tilespmem:v11+s19+$0x0] =	vst.idx.add.f32.msk $0xffff, v1;
	v1 =	vmov v6  }
0x5cc: {  	[tilespmem:v8+s19+$0x0] =	vst.idx.add.f32.msk $0xffff, v3  }
0x5cd: {  	v6 =	vadd.s32 $0x1200, v9;
	[tilespmem:v10+s19+$0x0] =	vst.idx.add.f32.msk $0xffff, v3  }
0x5ce: {  	s1 =	sor.u32 $0xA200, s11;
	v9 =	vadd.s32 $0x1300, v12;
	[tilespmem:v8+s25+$0x0] =	vst.idx.add.f32.msk $0xffff, v4  }
0x5cf: {  	s4 =	sor.u32 $0xA280, s11;
	s2 =	sor.u32 s9, s1;
	s1 =	sor.u32 s10, s1;
	[tilespmem:v10+s25+$0x0] =	vst.idx.add.f32.msk $0xffff, v4  }
0x5d0: {  	s6 =	sor.u32 s9, s4;
	v8 =	vld [tilespmem:s1+$0x0];
	s1 =	sor.u32 s10, s4  }
0x5d1: {  	v10 =	vld [tilespmem:s1+$0x0]  }
0x5d2: {  	[tilespmem:v6+s19+$0x0] =	vst.idx.add.f32.msk $0xffff, v1  }
0x5d3: {  	[tilespmem:v9+s19+$0x0] =	vst.idx.add.f32.msk $0xffff, v1  }
0x5d4: {  	[tilespmem:v6+s25+$0x0] =	vst.idx.add.f32.msk $0xffff, v5  }
0x5d5: {  	[tilespmem:v9+s25+$0x0] =	vst.idx.add.f32.msk $0xffff, v5;
	v6 =	vadd.s32 $0x1400, v8  }
0x5d6: {  	v8 =	vld [tilespmem:s2+$0x0];
	v9 =	vadd.s32 $0x1500, v10  }
0x5d7: {  	v10 =	vld [tilespmem:s6+$0x0]  }
0x5d8: {  	[tilespmem:v7+s25+$0x0] =	vst.idx.add.f32.msk $0xffff, v2  }
0x5d9: {  	[tilespmem:v11+s25+$0x0] =	vst.idx.add.f32.msk $0xffff, v2;
	v2 =	vmov v5  }
0x5da: {  	[tilespmem:v6+s19+$0x0] =	vst.idx.add.f32.msk $0xffff, v3  }
0x5db: {  	v5 =	vadd.s32 $0x1400, v8;
	[tilespmem:v9+s19+$0x0] =	vst.idx.add.f32.msk $0xffff, v3  }
0x5dc: {  	s1 =	sor.u32 $0xA300, s11;
	v7 =	vadd.s32 $0x1500, v10;
	[tilespmem:v6+s25+$0x0] =	vst.idx.add.f32.msk $0xffff, v4  }
0x5dd: {  	s4 =	sor.u32 $0xA380, s11;
	s2 =	sor.u32 s9, s1;
	s1 =	sor.u32 s10, s1;
	[tilespmem:v9+s25+$0x0] =	vst.idx.add.f32.msk $0xffff, v4  }
0x5de: {  	s6 =	sor.u32 s9, s4;
	v6 =	vld [tilespmem:s1+$0x0];
	s1 =	sor.u32 s10, s4  }
0x5df: {  	v8 =	vld [tilespmem:s1+$0x0]  }
0x5e0: {  	[tilespmem:v5+s19+$0x0] =	vst.idx.add.f32.msk $0xffff, v1  }
0x5e1: {  	[tilespmem:v7+s19+$0x0] =	vst.idx.add.f32.msk $0xffff, v1  }
0x5e2: {  	[tilespmem:v5+s25+$0x0] =	vst.idx.add.f32.msk $0xffff, v2  }
0x5e3: {  	[tilespmem:v7+s25+$0x0] =	vst.idx.add.f32.msk $0xffff, v2;
	v5 =	vadd.s32 $0x1600, v6  }
0x5e4: {  	v6 =	vld [tilespmem:s2+$0x0];
	v7 =	vadd.s32 $0x1700, v8  }
0x5e5: {  	v8 =	vld [tilespmem:s6+$0x0];
	_ =	sdelay $0x2  }
0x5e6: {  	[tilespmem:v5+s19+$0x0] =	vst.idx.add.f32.msk $0xffff, v3  }
0x5e7: {  	v6 =	vadd.s32 $0x1600, v6;
	[tilespmem:v7+s19+$0x0] =	vst.idx.add.f32.msk $0xffff, v3  }
0x5e8: {  	s1 =	sor.u32 $0xB000, s11;
	v8 =	vadd.s32 $0x1700, v8;
	[tilespmem:v5+s25+$0x0] =	vst.idx.add.f32.msk $0xffff, v4  }
0x5e9: {  	s4 =	sor.u32 $0xB080, s11;
	s2 =	sor.u32 s9, s1;
	s1 =	sor.u32 s10, s1;
	[tilespmem:v7+s25+$0x0] =	vst.idx.add.f32.msk $0xffff, v4  }
0x5ea: {  	s6 =	sor.u32 s9, s4;
	v5 =	vld [tilespmem:s1+$0x0];
	s1 =	sor.u32 s10, s4  }
0x5eb: {  	v7 =	vld [tilespmem:s1+$0x0]  }
0x5ec: {  	[tilespmem:v6+s19+$0x0] =	vst.idx.add.f32.msk $0xffff, v1  }
.Ltmp5:
0x5ed: {  	[tilespmem:v8+s19+$0x0] =	vst.idx.add.f32.msk $0xffff, v1;
	(pc) =	sbr.rel @p1 .LBB2_9-.Ltmp5, $4  }
0x5ee: {  	[tilespmem:v6+s25+$0x0] =	vst.idx.add.f32.msk $0xffff, v2  }
0x5ef: {  	[tilespmem:v8+s25+$0x0] =	vst.idx.add.f32.msk $0xffff, v2;
	v8 =	vadd.s32 $0x1800, v5  }
0x5f0: {  	v9 =	vld [tilespmem:s2+$0x0];
	v7 =	vadd.s32 $0x1900, v7  }
0x5f1: {  	s3 =	sadd.s32 $0x20, s3;
	v10 =	vld [tilespmem:s6+$0x0]  }
0x5f2: {  	_ =	sdelay $0x3  }
0x5f3: {  	[tilespmem:v8+s19+$0x0] =	vst.idx.add.f32.msk $0xffff, v3  }
0x5f4: {  	[tilespmem:v7+s19+$0x0] =	vst.idx.add.f32.msk $0xffff, v3;
	v5 =	vadd.s32 $0x1800, v9  }
0x5f5: {  	s0 =	sor.u32 $0xB100, s11;
	[tilespmem:v8+s25+$0x0] =	vst.idx.add.f32.msk $0xffff, v4;
	v6 =	vadd.s32 $0x1900, v10  }
0x5f6: {  	s1 =	sor.u32 $0xB180, s11;
	s2 =	sor.u32 s10, s0;
	[tilespmem:v7+s25+$0x0] =	vst.idx.add.f32.msk $0xffff, v4  }
0x5f7: {  	s16 =	sor.u32 s10, s1;
	v7 =	vld [tilespmem:s2+$0x0]  }
0x5f8: {  	v8 =	vld [tilespmem:s16+$0x0]  }
0x5f9: {  	[tilespmem:v5+s19+$0x0] =	vst.idx.add.f32.msk $0xffff, v1  }
0x5fa: {  	[tilespmem:v6+s19+$0x0] =	vst.idx.add.f32.msk $0xffff, v1  }
0x5fb: {  	[tilespmem:v5+s25+$0x0] =	vst.idx.add.f32.msk $0xffff, v2  }
0x5fc: {  	s0 =	sor.u32 s9, s0;
	v54 =	vadd.s32 $0x1A00, v7;
	[tilespmem:v6+s25+$0x0] =	vst.idx.add.f32.msk $0xffff, v2  }
0x5fd: {  	s1 =	sor.u32 s9, s1;
	v55 =	vadd.s32 $0x1B00, v8;
	v56 =	vld [tilespmem:s0+$0x0]  }
0x5fe: {  	v57 =	vld [tilespmem:s1+$0x0];
	_ =	sdelay $0x2  }
0x5ff: {  	[tilespmem:v54+s19+$0x0] =	vst.idx.add.f32.msk $0xffff, v3  }
0x600: {  	[tilespmem:v55+s19+$0x0] =	vst.idx.add.f32.msk $0xffff, v3;
	v7 =	vadd.s32 $0x1A00, v56  }
0x601: {  	s17 =	sor.u32 $0xB200, s11;
	[tilespmem:v54+s25+$0x0] =	vst.idx.add.f32.msk $0xffff, v4;
	v58 =	vadd.s32 $0x1B00, v57  }
0x602: {  	s18 =	sor.u32 $0xB280, s11;
	s20 =	sor.u32 s10, s17;
	[tilespmem:v55+s25+$0x0] =	vst.idx.add.f32.msk $0xffff, v4  }
0x603: {  	s21 =	sor.u32 s10, s18;
	v6 =	vld [tilespmem:s20+$0x0]  }
0x604: {  	v59 =	vld [tilespmem:s21+$0x0]  }
0x605: {  	[tilespmem:v7+s19+$0x0] =	vst.idx.add.f32.msk $0xffff, v1  }
0x606: {  	[tilespmem:v58+s19+$0x0] =	vst.idx.add.f32.msk $0xffff, v1  }
0x607: {  	[tilespmem:v7+s25+$0x0] =	vst.idx.add.f32.msk $0xffff, v2  }
0x608: {  	s0 =	sor.u32 s9, s17;
	v6 =	vadd.s32 $0x1C00, v6;
	[tilespmem:v58+s25+$0x0] =	vst.idx.add.f32.msk $0xffff, v2  }
0x609: {  	s1 =	sor.u32 s9, s18;
	v60 =	vadd.s32 $0x1D00, v59;
	v7 =	vld [tilespmem:s0+$0x0]  }
0x60a: {  	v61 =	vld [tilespmem:s1+$0x0];
	_ =	sdelay $0x2  }
0x60b: {  	[tilespmem:v6+s19+$0x0] =	vst.idx.add.f32.msk $0xffff, v3  }
0x60c: {  	[tilespmem:v60+s19+$0x0] =	vst.idx.add.f32.msk $0xffff, v3;
	v7 =	vadd.s32 $0x1C00, v7  }
0x60d: {  	s22 =	sor.u32 $0xB300, s11;
	[tilespmem:v6+s25+$0x0] =	vst.idx.add.f32.msk $0xffff, v4;
	v62 =	vadd.s32 $0x1D00, v61  }
0x60e: {  	s23 =	sor.u32 $0xB380, s11;
	s30 =	sor.u32 s10, s22;
	[tilespmem:v60+s25+$0x0] =	vst.idx.add.f32.msk $0xffff, v4  }
0x60f: {  	s31 =	sor.u32 s10, s23;
	v5 =	vld [tilespmem:s30+$0x0]  }
0x610: {  	v63 =	vld [tilespmem:s31+$0x0]  }
0x611: {  	[tilespmem:v7+s19+$0x0] =	vst.idx.add.f32.msk $0xffff, v1  }
0x612: {  	[tilespmem:v62+s19+$0x0] =	vst.idx.add.f32.msk $0xffff, v1  }
0x613: {  	[tilespmem:v7+s25+$0x0] =	vst.idx.add.f32.msk $0xffff, v2  }
0x614: {  	s0 =	sor.u32 s9, s22;
	[tilespmem:v62+s25+$0x0] =	vst.idx.add.f32.msk $0xffff, v2  }
0x615: {  	s1 =	sor.u32 s9, s23;
	v6 =	vld [tilespmem:s0+$0x0]  }
0x616: {  	v5 =	vadd.s32 $0x1E00, v5;
	v7 =	vld [tilespmem:s1+$0x0]  }
0x617: {  	v8 =	vadd.s32 $0x1F00, v63;
	_ =	sdelay $0x2  }
0x618: {  	v6 =	vadd.s32 $0x1E00, v6  }
0x619: {  	[tilespmem:v5+s19+$0x0] =	vst.idx.add.f32.msk $0xffff, v3;
	v7 =	vadd.s32 $0x1F00, v7  }
0x61a: {  	s29 =	sadd.s32 $0x1, s29;
	[tilespmem:v8+s19+$0x0] =	vst.idx.add.f32.msk $0xffff, v3  }
0x61b: {  	p1 =	sne.s32 s29, $0xA;
	[tilespmem:v5+s25+$0x0] =	vst.idx.add.f32.msk $0xffff, v4  }
.Ltmp6:
0x61c: {  	[tilespmem:v8+s25+$0x0] =	vst.idx.add.f32.msk $0xffff, v4;
	(pc) =	sbr.rel @p1 .LBB2_4-.Ltmp6, $4  }
0x61d: {  	[tilespmem:v6+s19+$0x0] =	vst.idx.add.f32.msk $0xffff, v1  }
0x61e: {  	[tilespmem:v7+s19+$0x0] =	vst.idx.add.f32.msk $0xffff, v1  }
0x61f: {  	[tilespmem:v6+s25+$0x0] =	vst.idx.add.f32.msk $0xffff, v2  }
0x620: {  	s7 =	simm.s32 $0x0;
	[tilespmem:v7+s25+$0x0] =	vst.idx.add.f32.msk $0xffff, v2  }
0x621: {  	s4 =	simm.s32 $0x1  }
0x622: {  	_ =	swait.ge [sflag:s4], $0x2000  }
0x623: {  	[sflag:s4] =	ssyncset.done $0x0  }
0x624: {  	[sflag:s4] =	ssyncadd.s32 $0xFFFFE000  }
0x625: {  	_ =	swait.ge [sflag:s4], $0x100  }
0x626: {  	[sflag:s4] =	ssyncset.done $0x0  }
0x627: {  	s3 =	simm.s32 $0x0;
	[sflag:s4] =	ssyncadd.s32 $0xFFFFFF00  }
0x628: {  	s1 =	sand.u32 $0x60, s3;
	_ =	swait.ge [sflag:s4], $0x100  }
0x629: {  	s2 =	sand.u32 $0x400, s3;
	s0 =	sor.u32 $0x10, s1;
	[sflag:s4] =	ssyncset.done $0x0  }
0x62a: {  	s17 =	sor.u32 s0, s2;
	[sflag:s4] =	ssyncadd.s32 $0xFFFFFF00  }
0x62b: {  	v2 =	vld [tilespmem:s17+$0x80]  }
0x62c: {  	v3 =	vld [tilespmem:s17+$0x0]  }
0x62d: {  	s6 =	sand.u32 $0x80, s3;
	s5 =	sor.u32 s1, s2  }
0x62e: {  	s6 =	sor.u32 s6, s0;
	v4 =	vld [tilespmem:s5+$0x0]  }
0x62f: {  	v1 =	vld [tilespmem:s6+$0xC000]  }
0x630: {  	v5 =	vld [tilespmem:s5+$0x80];
	v6 =	vadd.s32 $0x100, v2  }
0x631: {  	s7 =	simm.s32 $0xC000;
	v2 =	vld [tilespmem:s6+$0xC780]  }
0x632: {  	s18 =	simm.s32 $0xC780;
	v8 =	vld [tilespmem:s7+$0x0]  }
0x633: {  	v7 =	vld [tilespmem:s18+$0x0]  }
0x634: {  	[tilespmem:v3+s19+$0x0] =	vst.idx.add.f32.msk $0xffff, v1  }
0x635: {  	[tilespmem:v6+s19+$0x0] =	vst.idx.add.f32.msk $0xffff, v1  }
0x636: {  	[tilespmem:v3+s25+$0x0] =	vst.idx.add.f32.msk $0xffff, v2  }
0x637: {  	v3 =	vadd.s32 $0x100, v5;
	[tilespmem:v6+s25+$0x0] =	vst.idx.add.f32.msk $0xffff, v2  }
0x638: {  	v5 =	vld [tilespmem:s17+$0x100]  }
0x639: {  	v6 =	vld [tilespmem:s17+$0x180];
	_ =	sdelay $0x1  }
0x63a: {  	[tilespmem:v4+s19+$0x0] =	vst.idx.add.f32.msk $0xffff, v8  }
0x63b: {  	[tilespmem:v3+s19+$0x0] =	vst.idx.add.f32.msk $0xffff, v8  }
0x63c: {  	[tilespmem:v4+s25+$0x0] =	vst.idx.add.f32.msk $0xffff, v7;
	v5 =	vadd.s32 $0x200, v5  }
0x63d: {  	v4 =	vadd.s32 $0x300, v6;
	[tilespmem:v3+s25+$0x0] =	vst.idx.add.f32.msk $0xffff, v7  }
0x63e: {  	v3 =	vld [tilespmem:s5+$0x100]  }
0x63f: {  	v6 =	vld [tilespmem:s5+$0x180];
	_ =	sdelay $0x1  }
0x640: {  	[tilespmem:v5+s19+$0x0] =	vst.idx.add.f32.msk $0xffff, v1  }
0x641: {  	[tilespmem:v4+s19+$0x0] =	vst.idx.add.f32.msk $0xffff, v1  }
0x642: {  	v3 =	vadd.s32 $0x200, v3;
	[tilespmem:v5+s25+$0x0] =	vst.idx.add.f32.msk $0xffff, v2  }
0x643: {  	[tilespmem:v4+s25+$0x0] =	vst.idx.add.f32.msk $0xffff, v2;
	v4 =	vadd.s32 $0x300, v6  }
0x644: {  	v5 =	vld [tilespmem:s17+$0x200]  }
0x645: {  	v6 =	vld [tilespmem:s17+$0x280];
	_ =	sdelay $0x1  }
0x646: {  	[tilespmem:v3+s19+$0x0] =	vst.idx.add.f32.msk $0xffff, v8  }
0x647: {  	[tilespmem:v4+s19+$0x0] =	vst.idx.add.f32.msk $0xffff, v8  }
0x648: {  	v5 =	vadd.s32 $0x400, v5;
	[tilespmem:v3+s25+$0x0] =	vst.idx.add.f32.msk $0xffff, v7  }
0x649: {  	v3 =	vadd.s32 $0x500, v6;
	[tilespmem:v4+s25+$0x0] =	vst.idx.add.f32.msk $0xffff, v7  }
0x64a: {  	v4 =	vld [tilespmem:s5+$0x200]  }
0x64b: {  	v6 =	vld [tilespmem:s5+$0x280]  }
0x64c: {  	s20 =	sand.u32 $0x3, s3  }
0x64d: {  	s4 =	sshll.u32 s20, $0x5;
	[tilespmem:v5+s19+$0x0] =	vst.idx.add.f32.msk $0xffff, v1  }
0x64e: {  	s4 =	sadd.s32 $0x0, s4;
	[tilespmem:v3+s19+$0x0] =	vst.idx.add.f32.msk $0xffff, v1  }
0x64f: {  	s21 =	sadd.s32 $0x10, s4;
	[tilespmem:v5+s25+$0x0] =	vst.idx.add.f32.msk $0xffff, v2;
	v4 =	vadd.s32 $0x400, v4  }
0x650: {  	s22 =	sor.u32 $0x300, s21;
	[tilespmem:v3+s25+$0x0] =	vst.idx.add.f32.msk $0xffff, v2;
	v3 =	vadd.s32 $0x500, v6  }
0x651: {  	s5 =	sor.u32 $0x380, s21;
	v5 =	vld [tilespmem:s22+$0x0]  }
0x652: {  	v6 =	vld [tilespmem:s5+$0x0];
	_ =	sdelay $0x1  }
0x653: {  	[tilespmem:v4+s19+$0x0] =	vst.idx.add.f32.msk $0xffff, v8  }
0x654: {  	[tilespmem:v3+s19+$0x0] =	vst.idx.add.f32.msk $0xffff, v8  }
0x655: {  	v5 =	vadd.s32 $0x600, v5;
	[tilespmem:v4+s25+$0x0] =	vst.idx.add.f32.msk $0xffff, v7  }
0x656: {  	s3 =	sor.u32 s3, s3;
	s4 =	sor.u32 $0x300, s4;
	v4 =	vadd.s32 $0x700, v6;
	[tilespmem:v3+s25+$0x0] =	vst.idx.add.f32.msk $0xffff, v7  }
0x657: {  	s3 =	sor.u32 $0x380, s3;
	v3 =	vld [tilespmem:s4+$0x0]  }
0x658: {  	v6 =	vld [tilespmem:s3+$0x0];
	_ =	sdelay $0x1  }
0x659: {  	[tilespmem:v5+s19+$0x0] =	vst.idx.add.f32.msk $0xffff, v1  }
0x65a: {  	[tilespmem:v4+s19+$0x0] =	vst.idx.add.f32.msk $0xffff, v1  }
0x65b: {  	s23 =	sor.u32 $0x1000, s2;
	[tilespmem:v5+s25+$0x0] =	vst.idx.add.f32.msk $0xffff, v2;
	v3 =	vadd.s32 $0x600, v3  }
0x65c: {  	s24 =	sor.u32 $0x1080, s2;
	s26 =	sor.u32 s0, s23;
	[tilespmem:v4+s25+$0x0] =	vst.idx.add.f32.msk $0xffff, v2;
	v4 =	vadd.s32 $0x700, v6  }
0x65d: {  	s31 =	sor.u32 s0, s24;
	v5 =	vld [tilespmem:s26+$0x0]  }
0x65e: {  	v6 =	vld [tilespmem:s31+$0x0];
	_ =	sdelay $0x1  }
0x65f: {  	[tilespmem:v3+s19+$0x0] =	vst.idx.add.f32.msk $0xffff, v8  }
0x660: {  	[tilespmem:v4+s19+$0x0] =	vst.idx.add.f32.msk $0xffff, v8  }
0x661: {  	v5 =	vadd.s32 $0x800, v5;
	[tilespmem:v3+s25+$0x0] =	vst.idx.add.f32.msk $0xffff, v7  }
0x662: {  	s3 =	sor.u32 s1, s23;
	v3 =	vadd.s32 $0x900, v6;
	[tilespmem:v4+s25+$0x0] =	vst.idx.add.f32.msk $0xffff, v7  }
0x663: {  	s4 =	sor.u32 s1, s24;
	v4 =	vld [tilespmem:s3+$0x0]  }
0x664: {  	v6 =	vld [tilespmem:s4+$0x0];
	_ =	sdelay $0x1  }
0x665: {  	[tilespmem:v5+s19+$0x0] =	vst.idx.add.f32.msk $0xffff, v1  }
0x666: {  	[tilespmem:v3+s19+$0x0] =	vst.idx.add.f32.msk $0xffff, v1  }
0x667: {  	s7 =	sor.u32 $0x1100, s2;
	[tilespmem:v5+s25+$0x0] =	vst.idx.add.f32.msk $0xffff, v2;
	v4 =	vadd.s32 $0x800, v4  }
0x668: {  	s8 =	sor.u32 $0x1180, s2;
	s9 =	sor.u32 s0, s7;
	[tilespmem:v3+s25+$0x0] =	vst.idx.add.f32.msk $0xffff, v2;
	v3 =	vadd.s32 $0x900, v6  }
0x669: {  	s10 =	sor.u32 s0, s8;
	v5 =	vld [tilespmem:s9+$0x0]  }
0x66a: {  	v6 =	vld [tilespmem:s10+$0x0];
	_ =	sdelay $0x1  }
0x66b: {  	[tilespmem:v4+s19+$0x0] =	vst.idx.add.f32.msk $0xffff, v8  }
0x66c: {  	[tilespmem:v3+s19+$0x0] =	vst.idx.add.f32.msk $0xffff, v8  }
0x66d: {  	v5 =	vadd.s32 $0xA00, v5;
	[tilespmem:v4+s25+$0x0] =	vst.idx.add.f32.msk $0xffff, v7  }
0x66e: {  	s3 =	sor.u32 s1, s7;
	v4 =	vadd.s32 $0xB00, v6;
	[tilespmem:v3+s25+$0x0] =	vst.idx.add.f32.msk $0xffff, v7  }
0x66f: {  	s4 =	sor.u32 s1, s8;
	v3 =	vld [tilespmem:s3+$0x0]  }
0x670: {  	v6 =	vld [tilespmem:s4+$0x0];
	_ =	sdelay $0x1  }
0x671: {  	[tilespmem:v5+s19+$0x0] =	vst.idx.add.f32.msk $0xffff, v1  }
0x672: {  	[tilespmem:v4+s19+$0x0] =	vst.idx.add.f32.msk $0xffff, v1  }
0x673: {  	s11 =	sor.u32 $0x1200, s2;
	[tilespmem:v5+s25+$0x0] =	vst.idx.add.f32.msk $0xffff, v2;
	v3 =	vadd.s32 $0xA00, v3  }
0x674: {  	s13 =	sor.u32 $0x1280, s2;
	s12 =	sor.u32 s0, s11;
	[tilespmem:v4+s25+$0x0] =	vst.idx.add.f32.msk $0xffff, v2;
	v4 =	vadd.s32 $0xB00, v6  }
0x675: {  	s14 =	sor.u32 s0, s13;
	v5 =	vld [tilespmem:s12+$0x0]  }
0x676: {  	v6 =	vld [tilespmem:s14+$0x0];
	_ =	sdelay $0x1  }
0x677: {  	[tilespmem:v3+s19+$0x0] =	vst.idx.add.f32.msk $0xffff, v8  }
0x678: {  	[tilespmem:v4+s19+$0x0] =	vst.idx.add.f32.msk $0xffff, v8  }
0x679: {  	v5 =	vadd.s32 $0xC00, v5;
	[tilespmem:v3+s25+$0x0] =	vst.idx.add.f32.msk $0xffff, v7  }
0x67a: {  	s3 =	sor.u32 s1, s11;
	v3 =	vadd.s32 $0xD00, v6;
	[tilespmem:v4+s25+$0x0] =	vst.idx.add.f32.msk $0xffff, v7  }
0x67b: {  	s15 =	sor.u32 s1, s13;
	v4 =	vld [tilespmem:s3+$0x0]  }
0x67c: {  	v6 =	vld [tilespmem:s15+$0x0];
	_ =	sdelay $0x1  }
0x67d: {  	[tilespmem:v5+s19+$0x0] =	vst.idx.add.f32.msk $0xffff, v1  }
0x67e: {  	[tilespmem:v3+s19+$0x0] =	vst.idx.add.f32.msk $0xffff, v1  }
0x67f: {  	s16 =	sor.u32 $0x1300, s2;
	[tilespmem:v5+s25+$0x0] =	vst.idx.add.f32.msk $0xffff, v2;
	v4 =	vadd.s32 $0xC00, v4  }
0x680: {  	s18 =	sor.u32 s0, s16;
	s17 =	sor.u32 $0x1380, s2;
	[tilespmem:v3+s25+$0x0] =	vst.idx.add.f32.msk $0xffff, v2;
	v3 =	vadd.s32 $0xD00, v6  }
0x681: {  	s20 =	sor.u32 s0, s17;
	v5 =	vld [tilespmem:s18+$0x0]  }
0x682: {  	v6 =	vld [tilespmem:s20+$0x0];
	_ =	sdelay $0x1  }
0x683: {  	[tilespmem:v4+s19+$0x0] =	vst.idx.add.f32.msk $0xffff, v8  }
0x684: {  	[tilespmem:v3+s19+$0x0] =	vst.idx.add.f32.msk $0xffff, v8  }
0x685: {  	v5 =	vadd.s32 $0xE00, v5;
	[tilespmem:v4+s25+$0x0] =	vst.idx.add.f32.msk $0xffff, v7  }
0x686: {  	s3 =	sor.u32 s1, s16;
	v4 =	vadd.s32 $0xF00, v6;
	[tilespmem:v3+s25+$0x0] =	vst.idx.add.f32.msk $0xffff, v7  }
0x687: {  	s4 =	sor.u32 s1, s17;
	v3 =	vld [tilespmem:s3+$0x0]  }
0x688: {  	v6 =	vld [tilespmem:s4+$0x0];
	_ =	sdelay $0x1  }
0x689: {  	[tilespmem:v5+s19+$0x0] =	vst.idx.add.f32.msk $0xffff, v1  }
0x68a: {  	[tilespmem:v4+s19+$0x0] =	vst.idx.add.f32.msk $0xffff, v1  }
0x68b: {  	s21 =	sor.u32 $0x2000, s2;
	[tilespmem:v5+s25+$0x0] =	vst.idx.add.f32.msk $0xffff, v2;
	v3 =	vadd.s32 $0xE00, v3  }
0x68c: {  	s22 =	sor.u32 $0x2080, s2;
	s23 =	sor.u32 s0, s21;
	[tilespmem:v4+s25+$0x0] =	vst.idx.add.f32.msk $0xffff, v2;
	v4 =	vadd.s32 $0xF00, v6  }
0x68d: {  	s24 =	sor.u32 s0, s22;
	v5 =	vld [tilespmem:s23+$0x0]  }
0x68e: {  	v6 =	vld [tilespmem:s24+$0x0];
	_ =	sdelay $0x1  }
0x68f: {  	[tilespmem:v3+s19+$0x0] =	vst.idx.add.f32.msk $0xffff, v8  }
0x690: {  	[tilespmem:v4+s19+$0x0] =	vst.idx.add.f32.msk $0xffff, v8  }
0x691: {  	v5 =	vadd.s32 $0x1000, v5;
	[tilespmem:v3+s25+$0x0] =	vst.idx.add.f32.msk $0xffff, v7  }
0x692: {  	s3 =	sor.u32 s1, s21;
	v3 =	vadd.s32 $0x1100, v6;
	[tilespmem:v4+s25+$0x0] =	vst.idx.add.f32.msk $0xffff, v7  }
0x693: {  	s4 =	sor.u32 s1, s22;
	v4 =	vld [tilespmem:s3+$0x0]  }
0x694: {  	v6 =	vld [tilespmem:s4+$0x0];
	_ =	sdelay $0x1  }
0x695: {  	[tilespmem:v5+s19+$0x0] =	vst.idx.add.f32.msk $0xffff, v1  }
0x696: {  	[tilespmem:v3+s19+$0x0] =	vst.idx.add.f32.msk $0xffff, v1  }
0x697: {  	s26 =	sor.u32 $0x2100, s2;
	[tilespmem:v5+s25+$0x0] =	vst.idx.add.f32.msk $0xffff, v2;
	v4 =	vadd.s32 $0x1000, v4  }
0x698: {  	s31 =	sor.u32 $0x2180, s2;
	s7 =	sor.u32 s0, s26;
	[tilespmem:v3+s25+$0x0] =	vst.idx.add.f32.msk $0xffff, v2;
	v3 =	vadd.s32 $0x1100, v6  }
0x699: {  	s8 =	sor.u32 s0, s31;
	v5 =	vld [tilespmem:s7+$0x0]  }
0x69a: {  	v6 =	vld [tilespmem:s8+$0x0];
	_ =	sdelay $0x1  }
0x69b: {  	[tilespmem:v4+s19+$0x0] =	vst.idx.add.f32.msk $0xffff, v8  }
0x69c: {  	[tilespmem:v3+s19+$0x0] =	vst.idx.add.f32.msk $0xffff, v8  }
0x69d: {  	v5 =	vadd.s32 $0x1200, v5;
	[tilespmem:v4+s25+$0x0] =	vst.idx.add.f32.msk $0xffff, v7  }
0x69e: {  	s3 =	sor.u32 s1, s26;
	v4 =	vadd.s32 $0x1300, v6;
	[tilespmem:v3+s25+$0x0] =	vst.idx.add.f32.msk $0xffff, v7  }
0x69f: {  	s4 =	sor.u32 s1, s31;
	v3 =	vld [tilespmem:s3+$0x0]  }
0x6a0: {  	v6 =	vld [tilespmem:s4+$0x0];
	_ =	sdelay $0x1  }
0x6a1: {  	[tilespmem:v5+s19+$0x0] =	vst.idx.add.f32.msk $0xffff, v1  }
0x6a2: {  	[tilespmem:v4+s19+$0x0] =	vst.idx.add.f32.msk $0xffff, v1  }
0x6a3: {  	s9 =	sor.u32 $0x2200, s2;
	[tilespmem:v5+s25+$0x0] =	vst.idx.add.f32.msk $0xffff, v2;
	v3 =	vadd.s32 $0x1200, v3  }
0x6a4: {  	s10 =	sor.u32 $0x2280, s2;
	s11 =	sor.u32 s0, s9;
	[tilespmem:v4+s25+$0x0] =	vst.idx.add.f32.msk $0xffff, v2;
	v4 =	vadd.s32 $0x1300, v6  }
0x6a5: {  	s12 =	sor.u32 s0, s10;
	v5 =	vld [tilespmem:s11+$0x0]  }
0x6a6: {  	v6 =	vld [tilespmem:s12+$0x0];
	_ =	sdelay $0x1  }
0x6a7: {  	[tilespmem:v3+s19+$0x0] =	vst.idx.add.f32.msk $0xffff, v8  }
0x6a8: {  	[tilespmem:v4+s19+$0x0] =	vst.idx.add.f32.msk $0xffff, v8  }
0x6a9: {  	v5 =	vadd.s32 $0x1400, v5;
	[tilespmem:v3+s25+$0x0] =	vst.idx.add.f32.msk $0xffff, v7  }
0x6aa: {  	s3 =	sor.u32 s1, s9;
	v3 =	vadd.s32 $0x1500, v6;
	[tilespmem:v4+s25+$0x0] =	vst.idx.add.f32.msk $0xffff, v7  }
0x6ab: {  	s4 =	sor.u32 s1, s10;
	v4 =	vld [tilespmem:s3+$0x0]  }
0x6ac: {  	v6 =	vld [tilespmem:s4+$0x0];
	_ =	sdelay $0x1  }
0x6ad: {  	[tilespmem:v5+s19+$0x0] =	vst.idx.add.f32.msk $0xffff, v1  }
0x6ae: {  	[tilespmem:v3+s19+$0x0] =	vst.idx.add.f32.msk $0xffff, v1  }
0x6af: {  	s13 =	sor.u32 $0x2300, s2;
	s14 =	sor.u32 $0x2380, s2;
	[tilespmem:v5+s25+$0x0] =	vst.idx.add.f32.msk $0xffff, v2;
	v4 =	vadd.s32 $0x1400, v4  }
0x6b0: {  	s15 =	sor.u32 s0, s13;
	s22 =	simm.s32 $0x20;
	s7 =	simm.s32 $0x100;
	[tilespmem:v3+s25+$0x0] =	vst.idx.add.f32.msk $0xffff, v2;
	v3 =	vadd.s32 $0x1500, v6  }
0x6b1: {  	s16 =	sor.u32 s0, s14;
	s6 =	sand.u32 $0x60, s22;
	s11 =	sand.u32 $0x400, s7;
	v5 =	vld [tilespmem:s15+$0x0]  }
0x6b2: {  	s10 =	sor.u32 s6, s11;
	v6 =	vld [tilespmem:s16+$0x0]  }
0x6b3: {  	v12 =	vld [tilespmem:s10+$0x0]  }
0x6b4: {  	[tilespmem:v4+s19+$0x0] =	vst.idx.add.f32.msk $0xffff, v8  }
0x6b5: {  	[tilespmem:v3+s19+$0x0] =	vst.idx.add.f32.msk $0xffff, v8  }
0x6b6: {  	v5 =	vadd.s32 $0x1600, v5;
	[tilespmem:v4+s25+$0x0] =	vst.idx.add.f32.msk $0xffff, v7  }
0x6b7: {  	s3 =	sor.u32 s1, s13;
	v4 =	vadd.s32 $0x1700, v6;
	[tilespmem:v3+s25+$0x0] =	vst.idx.add.f32.msk $0xffff, v7  }
0x6b8: {  	s4 =	sor.u32 s1, s14;
	s16 =	sor.u32 $0x10, s6;
	v3 =	vld [tilespmem:s3+$0x0]  }
0x6b9: {  	s12 =	sor.u32 s16, s11;
	v6 =	vld [tilespmem:s4+$0x0]  }
0x6ba: {  	v14 =	vld [tilespmem:s12+$0x80]  }
0x6bb: {  	[tilespmem:v5+s19+$0x0] =	vst.idx.add.f32.msk $0xffff, v1  }
0x6bc: {  	[tilespmem:v4+s19+$0x0] =	vst.idx.add.f32.msk $0xffff, v1  }
0x6bd: {  	s17 =	sor.u32 $0x3000, s2;
	[tilespmem:v5+s25+$0x0] =	vst.idx.add.f32.msk $0xffff, v2;
	v3 =	vadd.s32 $0x1600, v3  }
0x6be: {  	s18 =	sor.u32 $0x3080, s2;
	s20 =	sor.u32 s0, s17;
	v6 =	vadd.s32 $0x1700, v6;
	[tilespmem:v4+s25+$0x0] =	vst.idx.add.f32.msk $0xffff, v2  }
0x6bf: {  	s21 =	sor.u32 s0, s18;
	v4 =	vld [tilespmem:s20+$0x0]  }
0x6c0: {  	v5 =	vld [tilespmem:s21+$0x0]  }
0x6c1: {  	v16 =	vld [tilespmem:s12+$0x0]  }
0x6c2: {  	[tilespmem:v3+s19+$0x0] =	vst.idx.add.f32.msk $0xffff, v8  }
0x6c3: {  	[tilespmem:v6+s19+$0x0] =	vst.idx.add.f32.msk $0xffff, v8  }
0x6c4: {  	s31 =	sand.u32 $0x80, s22;
	v4 =	vadd.s32 $0x1800, v4;
	[tilespmem:v3+s25+$0x0] =	vst.idx.add.f32.msk $0xffff, v7  }
0x6c5: {  	s13 =	sor.u32 s31, s16;
	v5 =	vadd.s32 $0x1900, v5;
	[tilespmem:v6+s25+$0x0] =	vst.idx.add.f32.msk $0xffff, v7  }
0x6c6: {  	s3 =	sor.u32 s1, s17;
	v6 =	vld [tilespmem:s13+$0xC780]  }
0x6c7: {  	s8 =	sor.u32 s1, s18;
	v11 =	vld [tilespmem:s3+$0x0]  }
0x6c8: {  	v13 =	vld [tilespmem:s8+$0x0]  }
0x6c9: {  	[tilespmem:v4+s19+$0x0] =	vst.idx.add.f32.msk $0xffff, v1  }
0x6ca: {  	[tilespmem:v5+s19+$0x0] =	vst.idx.add.f32.msk $0xffff, v1  }
0x6cb: {  	[tilespmem:v4+s25+$0x0] =	vst.idx.add.f32.msk $0xffff, v2  }
0x6cc: {  	v4 =	vld [tilespmem:s10+$0x80]  }
0x6cd: {  	s24 =	sor.u32 $0x3100, s2;
	[tilespmem:v5+s25+$0x0] =	vst.idx.add.f32.msk $0xffff, v2  }
0x6ce: {  	s26 =	sor.u32 s0, s24;
	v11 =	vadd.s32 $0x1800, v11;
	v5 =	vld [tilespmem:s13+$0xC000]  }
0x6cf: {  	s23 =	sor.u32 $0x3180, s2;
	v10 =	vld [tilespmem:s26+$0x0];
	s26 =	simm.s32 $0xC020  }
0x6d0: {  	s9 =	sor.u32 s0, s23;
	v3 =	vld [tilespmem:s26+$0x0]  }
0x6d1: {  	v9 =	vld [tilespmem:s9+$0x0];
	s9 =	simm.s32 $0xC7A0;
	v15 =	vadd.s32 $0x100, v4  }
0x6d2: {  	v4 =	vld [tilespmem:s9+$0x0]  }
0x6d3: {  	[tilespmem:v11+s19+$0x0] =	vst.idx.add.f32.msk $0xffff, v8  }
0x6d4: {  	[tilespmem:v16+s19+$0x0] =	vst.idx.add.f32.msk $0xffff, v5  }
0x6d5: {  	[tilespmem:v12+s19+$0x0] =	vst.idx.add.f32.msk $0xffff, v3  }
0x6d6: {  	v13 =	vadd.s32 $0x1900, v13;
	[tilespmem:v15+s19+$0x0] =	vst.idx.add.f32.msk $0xffff, v3  }
0x6d7: {  	v60 =	vadd.s32 $0x100, v14;
	[tilespmem:v12+s25+$0x0] =	vst.idx.add.f32.msk $0xffff, v4  }
0x6d8: {  	[tilespmem:v15+s25+$0x0] =	vst.idx.add.f32.msk $0xffff, v4  }
0x6d9: {  	v61 =	vld [tilespmem:s10+$0x100]  }
0x6da: {  	v15 =	vld [tilespmem:s10+$0x180]  }
0x6db: {  	[tilespmem:v13+s19+$0x0] =	vst.idx.add.f32.msk $0xffff, v8  }
0x6dc: {  	[tilespmem:v60+s19+$0x0] =	vst.idx.add.f32.msk $0xffff, v5  }
0x6dd: {  	[tilespmem:v16+s25+$0x0] =	vst.idx.add.f32.msk $0xffff, v6  }
0x6de: {  	[tilespmem:v60+s25+$0x0] =	vst.idx.add.f32.msk $0xffff, v6;
	v14 =	vadd.s32 $0x200, v61  }
0x6df: {  	v63 =	vld [tilespmem:s12+$0x100];
	v62 =	vadd.s32 $0x300, v15  }
0x6e0: {  	v16 =	vld [tilespmem:s12+$0x180]  }
0x6e1: {  	[tilespmem:v11+s25+$0x0] =	vst.idx.add.f32.msk $0xffff, v7  }
0x6e2: {  	[tilespmem:v13+s25+$0x0] =	vst.idx.add.f32.msk $0xffff, v7  }
0x6e3: {  	[tilespmem:v14+s19+$0x0] =	vst.idx.add.f32.msk $0xffff, v3  }
0x6e4: {  	v15 =	vadd.s32 $0x200, v63;
	[tilespmem:v62+s19+$0x0] =	vst.idx.add.f32.msk $0xffff, v3  }
0x6e5: {  	v20 =	vadd.s32 $0x300, v16;
	[tilespmem:v14+s25+$0x0] =	vst.idx.add.f32.msk $0xffff, v4  }
0x6e6: {  	[tilespmem:v62+s25+$0x0] =	vst.idx.add.f32.msk $0xffff, v4  }
0x6e7: {  	v12 =	vld [tilespmem:s10+$0x200]  }
0x6e8: {  	v21 =	vld [tilespmem:s10+$0x280]  }
0x6e9: {  	[tilespmem:v15+s19+$0x0] =	vst.idx.add.f32.msk $0xffff, v5  }
0x6ea: {  	[tilespmem:v20+s19+$0x0] =	vst.idx.add.f32.msk $0xffff, v5  }
0x6eb: {  	[tilespmem:v15+s25+$0x0] =	vst.idx.add.f32.msk $0xffff, v6  }
0x6ec: {  	[tilespmem:v20+s25+$0x0] =	vst.idx.add.f32.msk $0xffff, v6;
	v12 =	vadd.s32 $0x400, v12  }
0x6ed: {  	v15 =	vld [tilespmem:s12+$0x200];
	v22 =	vadd.s32 $0x500, v21  }
0x6ee: {  	s4 =	sor.u32 s1, s24;
	v23 =	vld [tilespmem:s12+$0x280]  }
0x6ef: {  	s3 =	sor.u32 s1, s23;
	v29 =	vld [tilespmem:s4+$0x0]  }
0x6f0: {  	s30 =	simm.s32 $0x1;
	v30 =	vld [tilespmem:s3+$0x0]  }
0x6f1: {  	s8 =	sand.u32 $0x3, s30;
	[tilespmem:v12+s19+$0x0] =	vst.idx.add.f32.msk $0xffff, v3  }
0x6f2: {  	s12 =	sshll.u32 s8, $0x5;
	v11 =	vadd.s32 $0x400, v15;
	[tilespmem:v22+s19+$0x0] =	vst.idx.add.f32.msk $0xffff, v3  }
0x6f3: {  	s12 =	sadd.s32 $0x100, s12;
	v24 =	vadd.s32 $0x500, v23;
	[tilespmem:v12+s25+$0x0] =	vst.idx.add.f32.msk $0xffff, v4  }
0x6f4: {  	s5 =	sor.u32 s7, s22;
	s10 =	sor.u32 $0x300, s12;
	[tilespmem:v22+s25+$0x0] =	vst.idx.add.f32.msk $0xffff, v4  }
0x6f5: {  	s5 =	sor.u32 $0x380, s5;
	v25 =	vld [tilespmem:s10+$0x0]  }
0x6f6: {  	v14 =	vld [tilespmem:s5+$0x0]  }
0x6f7: {  	[tilespmem:v11+s19+$0x0] =	vst.idx.add.f32.msk $0xffff, v5  }
0x6f8: {  	v15 =	vadd.s32 $0x1A00, v29;
	[tilespmem:v24+s19+$0x0] =	vst.idx.add.f32.msk $0xffff, v5  }
0x6f9: {  	v32 =	vadd.s32 $0x1B00, v30;
	s13 =	sadd.s32 $0x10, s12;
	[tilespmem:v11+s25+$0x0] =	vst.idx.add.f32.msk $0xffff, v6  }
0x6fa: {  	s12 =	sor.u32 $0x300, s13;
	[tilespmem:v24+s25+$0x0] =	vst.idx.add.f32.msk $0xffff, v6;
	v11 =	vadd.s32 $0x600, v25  }
0x6fb: {  	s5 =	sor.u32 $0x380, s13;
	v27 =	vld [tilespmem:s12+$0x0];
	v26 =	vadd.s32 $0x700, v14  }
0x6fc: {  	v28 =	vld [tilespmem:s5+$0x0]  }
0x6fd: {  	[tilespmem:v15+s19+$0x0] =	vst.idx.add.f32.msk $0xffff, v8  }
0x6fe: {  	[tilespmem:v32+s19+$0x0] =	vst.idx.add.f32.msk $0xffff, v8  }
0x6ff: {  	[tilespmem:v11+s19+$0x0] =	vst.idx.add.f32.msk $0xffff, v3  }
0x700: {  	v13 =	vadd.s32 $0x600, v27;
	[tilespmem:v26+s19+$0x0] =	vst.idx.add.f32.msk $0xffff, v3  }
0x701: {  	s14 =	sor.u32 $0x1000, s11;
	[tilespmem:v11+s25+$0x0] =	vst.idx.add.f32.msk $0xffff, v4;
	v11 =	vadd.s32 $0x700, v28  }
0x702: {  	s15 =	sor.u32 $0x1080, s11;
	s17 =	sor.u32 s6, s14;
	[tilespmem:v26+s25+$0x0] =	vst.idx.add.f32.msk $0xffff, v4  }
0x703: {  	s18 =	sor.u32 s6, s15;
	v12 =	vld [tilespmem:s17+$0x0]  }
0x704: {  	v31 =	vld [tilespmem:s18+$0x0]  }
0x705: {  	[tilespmem:v13+s19+$0x0] =	vst.idx.add.f32.msk $0xffff, v5  }
0x706: {  	[tilespmem:v11+s19+$0x0] =	vst.idx.add.f32.msk $0xffff, v5  }
0x707: {  	[tilespmem:v13+s25+$0x0] =	vst.idx.add.f32.msk $0xffff, v6  }
0x708: {  	s3 =	sor.u32 s16, s14;
	v12 =	vadd.s32 $0x800, v12;
	[tilespmem:v11+s25+$0x0] =	vst.idx.add.f32.msk $0xffff, v6  }
0x709: {  	s4 =	sor.u32 s16, s15;
	v11 =	vadd.s32 $0x900, v31;
	v33 =	vld [tilespmem:s3+$0x0]  }
0x70a: {  	v34 =	vld [tilespmem:s4+$0x0]  }
0x70b: {  	[tilespmem:v15+s25+$0x0] =	vst.idx.add.f32.msk $0xffff, v7  }
0x70c: {  	[tilespmem:v32+s25+$0x0] =	vst.idx.add.f32.msk $0xffff, v7  }
0x70d: {  	[tilespmem:v12+s19+$0x0] =	vst.idx.add.f32.msk $0xffff, v3  }
0x70e: {  	[tilespmem:v11+s19+$0x0] =	vst.idx.add.f32.msk $0xffff, v3;
	v14 =	vadd.s32 $0x800, v33  }
0x70f: {  	s20 =	sor.u32 $0x1100, s11;
	v35 =	vadd.s32 $0x900, v34;
	[tilespmem:v12+s25+$0x0] =	vst.idx.add.f32.msk $0xffff, v4  }
0x710: {  	s21 =	sor.u32 $0x1180, s11;
	s22 =	sor.u32 s6, s20;
	[tilespmem:v11+s25+$0x0] =	vst.idx.add.f32.msk $0xffff, v4  }
0x711: {  	s23 =	sor.u32 s6, s21;
	v11 =	vld [tilespmem:s22+$0x0]  }
0x712: {  	v36 =	vld [tilespmem:s23+$0x0]  }
0x713: {  	[tilespmem:v14+s19+$0x0] =	vst.idx.add.f32.msk $0xffff, v5  }
0x714: {  	[tilespmem:v35+s19+$0x0] =	vst.idx.add.f32.msk $0xffff, v5  }
0x715: {  	[tilespmem:v14+s25+$0x0] =	vst.idx.add.f32.msk $0xffff, v6  }
0x716: {  	s3 =	sor.u32 s16, s20;
	v11 =	vadd.s32 $0xA00, v11;
	[tilespmem:v35+s25+$0x0] =	vst.idx.add.f32.msk $0xffff, v6  }
0x717: {  	s4 =	sor.u32 s16, s21;
	v37 =	vadd.s32 $0xB00, v36;
	v14 =	vld [tilespmem:s3+$0x0];
	s3 =	sor.u32 $0x3200, s2  }
0x718: {  	v38 =	vld [tilespmem:s4+$0x0];
	s4 =	sor.u32 $0x3280, s2;
	s14 =	sor.u32 s1, s3  }
0x719: {  	s15 =	sor.u32 s1, s4;
	v15 =	vld [tilespmem:s14+$0x0]  }
0x71a: {  	v42 =	vld [tilespmem:s15+$0x0]  }
0x71b: {  	[tilespmem:v11+s19+$0x0] =	vst.idx.add.f32.msk $0xffff, v3  }
0x71c: {  	[tilespmem:v37+s19+$0x0] =	vst.idx.add.f32.msk $0xffff, v3;
	v39 =	vadd.s32 $0xA00, v14  }
0x71d: {  	s24 =	sor.u32 $0x1200, s11;
	[tilespmem:v11+s25+$0x0] =	vst.idx.add.f32.msk $0xffff, v4;
	v11 =	vadd.s32 $0xB00, v38  }
0x71e: {  	s31 =	sor.u32 $0x1280, s11;
	s8 =	sor.u32 s6, s24;
	[tilespmem:v37+s25+$0x0] =	vst.idx.add.f32.msk $0xffff, v4  }
0x71f: {  	s10 =	sor.u32 s6, s31;
	v12 =	vld [tilespmem:s8+$0x0]  }
0x720: {  	v40 =	vld [tilespmem:s10+$0x0]  }
0x721: {  	[tilespmem:v39+s19+$0x0] =	vst.idx.add.f32.msk $0xffff, v5  }
0x722: {  	v15 =	vadd.s32 $0x1C00, v15;
	[tilespmem:v11+s19+$0x0] =	vst.idx.add.f32.msk $0xffff, v5  }
0x723: {  	v45 =	vadd.s32 $0x1D00, v42;
	[tilespmem:v39+s25+$0x0] =	vst.idx.add.f32.msk $0xffff, v6  }
0x724: {  	s12 =	sor.u32 s16, s24;
	v12 =	vadd.s32 $0xC00, v12;
	[tilespmem:v11+s25+$0x0] =	vst.idx.add.f32.msk $0xffff, v6  }
0x725: {  	s13 =	sor.u32 s16, s31;
	v11 =	vadd.s32 $0xD00, v40;
	v13 =	vld [tilespmem:s12+$0x0]  }
0x726: {  	v41 =	vld [tilespmem:s13+$0x0]  }
0x727: {  	[tilespmem:v15+s19+$0x0] =	vst.idx.add.f32.msk $0xffff, v8  }
0x728: {  	[tilespmem:v45+s19+$0x0] =	vst.idx.add.f32.msk $0xffff, v8  }
0x729: {  	[tilespmem:v12+s19+$0x0] =	vst.idx.add.f32.msk $0xffff, v3  }
0x72a: {  	[tilespmem:v11+s19+$0x0] =	vst.idx.add.f32.msk $0xffff, v3;
	v13 =	vadd.s32 $0xC00, v13  }
0x72b: {  	s17 =	sor.u32 $0x1300, s11;
	v43 =	vadd.s32 $0xD00, v41;
	[tilespmem:v12+s25+$0x0] =	vst.idx.add.f32.msk $0xffff, v4  }
0x72c: {  	s18 =	sor.u32 $0x1380, s11;
	s20 =	sor.u32 s6, s17;
	[tilespmem:v11+s25+$0x0] =	vst.idx.add.f32.msk $0xffff, v4  }
0x72d: {  	s15 =	sor.u32 s6, s18;
	v11 =	vld [tilespmem:s20+$0x0]  }
0x72e: {  	v44 =	vld [tilespmem:s15+$0x0]  }
0x72f: {  	[tilespmem:v13+s19+$0x0] =	vst.idx.add.f32.msk $0xffff, v5  }
0x730: {  	[tilespmem:v43+s19+$0x0] =	vst.idx.add.f32.msk $0xffff, v5  }
0x731: {  	[tilespmem:v13+s25+$0x0] =	vst.idx.add.f32.msk $0xffff, v6  }
0x732: {  	s5 =	sor.u32 s16, s17;
	v11 =	vadd.s32 $0xE00, v11;
	[tilespmem:v43+s25+$0x0] =	vst.idx.add.f32.msk $0xffff, v6  }
0x733: {  	s12 =	sor.u32 s16, s18;
	v46 =	vadd.s32 $0xF00, v44;
	v47 =	vld [tilespmem:s5+$0x0]  }
0x734: {  	v48 =	vld [tilespmem:s12+$0x0]  }
0x735: {  	[tilespmem:v15+s25+$0x0] =	vst.idx.add.f32.msk $0xffff, v7  }
0x736: {  	[tilespmem:v45+s25+$0x0] =	vst.idx.add.f32.msk $0xffff, v7  }
0x737: {  	[tilespmem:v11+s19+$0x0] =	vst.idx.add.f32.msk $0xffff, v3  }
0x738: {  	[tilespmem:v46+s19+$0x0] =	vst.idx.add.f32.msk $0xffff, v3;
	v14 =	vadd.s32 $0xE00, v47  }
0x739: {  	s21 =	sor.u32 $0x2000, s11;
	[tilespmem:v11+s25+$0x0] =	vst.idx.add.f32.msk $0xffff, v4;
	v11 =	vadd.s32 $0xF00, v48  }
0x73a: {  	s22 =	sor.u32 $0x2080, s11;
	s23 =	sor.u32 s6, s21;
	[tilespmem:v46+s25+$0x0] =	vst.idx.add.f32.msk $0xffff, v4  }
0x73b: {  	s24 =	sor.u32 s6, s22;
	v12 =	vld [tilespmem:s23+$0x0]  }
0x73c: {  	v49 =	vld [tilespmem:s24+$0x0]  }
0x73d: {  	[tilespmem:v14+s19+$0x0] =	vst.idx.add.f32.msk $0xffff, v5  }
0x73e: {  	[tilespmem:v11+s19+$0x0] =	vst.idx.add.f32.msk $0xffff, v5  }
0x73f: {  	[tilespmem:v14+s25+$0x0] =	vst.idx.add.f32.msk $0xffff, v6  }
0x740: {  	s5 =	sor.u32 s16, s21;
	v12 =	vadd.s32 $0x1000, v12;
	[tilespmem:v11+s25+$0x0] =	vst.idx.add.f32.msk $0xffff, v6  }
0x741: {  	s12 =	sor.u32 s16, s22;
	v11 =	vadd.s32 $0x1100, v49;
	v14 =	vld [tilespmem:s5+$0x0];
	s5 =	sor.u32 $0x3300, s2  }
0x742: {  	v50 =	vld [tilespmem:s12+$0x0];
	s2 =	sor.u32 $0x3380, s2;
	s18 =	sor.u32 s1, s5  }
0x743: {  	s1 =	sor.u32 s1, s2;
	v15 =	vld [tilespmem:s18+$0x0]  }
0x744: {  	v56 =	vld [tilespmem:s1+$0x0]  }
0x745: {  	[tilespmem:v12+s19+$0x0] =	vst.idx.add.f32.msk $0xffff, v3  }
0x746: {  	[tilespmem:v11+s19+$0x0] =	vst.idx.add.f32.msk $0xffff, v3;
	v51 =	vadd.s32 $0x1000, v14  }
0x747: {  	s31 =	sor.u32 $0x2100, s11;
	v52 =	vadd.s32 $0x1100, v50;
	[tilespmem:v12+s25+$0x0] =	vst.idx.add.f32.msk $0xffff, v4  }
0x748: {  	s8 =	sor.u32 $0x2180, s11;
	s10 =	sor.u32 s6, s31;
	[tilespmem:v11+s25+$0x0] =	vst.idx.add.f32.msk $0xffff, v4  }
0x749: {  	s14 =	sor.u32 s6, s8;
	v15 =	vadd.s32 $0x1E00, v15;
	v11 =	vld [tilespmem:s10+$0x0]  }
0x74a: {  	v53 =	vld [tilespmem:s14+$0x0]  }
0x74b: {  	v58 =	vadd.s32 $0x1F00, v56;
	[tilespmem:v51+s19+$0x0] =	vst.idx.add.f32.msk $0xffff, v5  }
0x74c: {  	[tilespmem:v52+s19+$0x0] =	vst.idx.add.f32.msk $0xffff, v5  }
0x74d: {  	[tilespmem:v51+s25+$0x0] =	vst.idx.add.f32.msk $0xffff, v6  }
0x74e: {  	[tilespmem:v15+s19+$0x0] =	vst.idx.add.f32.msk $0xffff, v8  }
0x74f: {  	[tilespmem:v52+s25+$0x0] =	vst.idx.add.f32.msk $0xffff, v6  }
0x750: {  	s17 =	sor.u32 s16, s31;
	v11 =	vadd.s32 $0x1200, v11;
	[tilespmem:v58+s19+$0x0] =	vst.idx.add.f32.msk $0xffff, v8  }
0x751: {  	s12 =	sor.u32 s16, s8;
	v54 =	vadd.s32 $0x1300, v53;
	v13 =	vld [tilespmem:s17+$0x0]  }
0x752: {  	v55 =	vld [tilespmem:s12+$0x0]  }
0x753: {  	[tilespmem:v15+s25+$0x0] =	vst.idx.add.f32.msk $0xffff, v7  }
0x754: {  	[tilespmem:v58+s25+$0x0] =	vst.idx.add.f32.msk $0xffff, v7  }
0x755: {  	[tilespmem:v11+s19+$0x0] =	vst.idx.add.f32.msk $0xffff, v3  }
0x756: {  	[tilespmem:v54+s19+$0x0] =	vst.idx.add.f32.msk $0xffff, v3;
	v13 =	vadd.s32 $0x1200, v13  }
0x757: {  	s20 =	sor.u32 $0x2200, s11;
	[tilespmem:v11+s25+$0x0] =	vst.idx.add.f32.msk $0xffff, v4;
	v11 =	vadd.s32 $0x1300, v55  }
0x758: {  	s21 =	sor.u32 $0x2280, s11;
	s22 =	sor.u32 s6, s20;
	[tilespmem:v54+s25+$0x0] =	vst.idx.add.f32.msk $0xffff, v4  }
0x759: {  	s23 =	sor.u32 s6, s21;
	v12 =	vld [tilespmem:s22+$0x0]  }
0x75a: {  	v57 =	vld [tilespmem:s23+$0x0]  }
0x75b: {  	[tilespmem:v13+s19+$0x0] =	vst.idx.add.f32.msk $0xffff, v5  }
0x75c: {  	[tilespmem:v11+s19+$0x0] =	vst.idx.add.f32.msk $0xffff, v5  }
0x75d: {  	[tilespmem:v13+s25+$0x0] =	vst.idx.add.f32.msk $0xffff, v6  }
0x75e: {  	s1 =	sor.u32 s16, s20;
	[tilespmem:v11+s25+$0x0] =	vst.idx.add.f32.msk $0xffff, v6  }
0x75f: {  	s12 =	sor.u32 s16, s21;
	v59 =	vld [tilespmem:s1+$0x0]  }
0x760: {  	v7 =	vadd.s32 $0x1A00, v10;
	v60 =	vld [tilespmem:s12+$0x0]  }
0x761: {  	v12 =	vadd.s32 $0x1400, v12  }
0x762: {  	v11 =	vadd.s32 $0x1500, v57;
	_ =	sdelay $0x1  }
0x763: {  	v8 =	vadd.s32 $0x1400, v59  }
0x764: {  	[tilespmem:v7+s19+$0x0] =	vst.idx.add.f32.msk $0xffff, v1;
	v61 =	vadd.s32 $0x1500, v60  }
0x765: {  	[tilespmem:v12+s19+$0x0] =	vst.idx.add.f32.msk $0xffff, v3  }
0x766: {  	[tilespmem:v11+s19+$0x0] =	vst.idx.add.f32.msk $0xffff, v3  }
0x767: {  	[tilespmem:v12+s25+$0x0] =	vst.idx.add.f32.msk $0xffff, v4  }
0x768: {  	[tilespmem:v8+s19+$0x0] =	vst.idx.add.f32.msk $0xffff, v5  }
0x769: {  	[tilespmem:v61+s19+$0x0] =	vst.idx.add.f32.msk $0xffff, v5  }
0x76a: {  	s24 =	sor.u32 $0x2300, s11;
	[tilespmem:v8+s25+$0x0] =	vst.idx.add.f32.msk $0xffff, v6;
	v8 =	vadd.s32 $0x1B00, v9  }
0x76b: {  	s31 =	sor.u32 $0x2380, s11;
	s8 =	sor.u32 s16, s24;
	[tilespmem:v61+s25+$0x0] =	vst.idx.add.f32.msk $0xffff, v6  }
0x76c: {  	s10 =	sor.u32 s16, s31;
	v9 =	vld [tilespmem:s8+$0x0]  }
0x76d: {  	v10 =	vld [tilespmem:s10+$0x0]  }
0x76e: {  	[tilespmem:v11+s25+$0x0] =	vst.idx.add.f32.msk $0xffff, v4  }
0x76f: {  	[tilespmem:v8+s19+$0x0] =	vst.idx.add.f32.msk $0xffff, v1  }
0x770: {  	[tilespmem:v7+s25+$0x0] =	vst.idx.add.f32.msk $0xffff, v2  }
0x771: {  	s3 =	sor.u32 s0, s3;
	v7 =	vadd.s32 $0x1600, v9;
	[tilespmem:v8+s25+$0x0] =	vst.idx.add.f32.msk $0xffff, v2  }
0x772: {  	s4 =	sor.u32 s0, s4;
	v8 =	vadd.s32 $0x1700, v10;
	v9 =	vld [tilespmem:s3+$0x0]  }
0x773: {  	s1 =	sor.u32 s6, s24;
	v10 =	vld [tilespmem:s4+$0x0]  }
0x774: {  	s14 =	sor.u32 s6, s31;
	v11 =	vld [tilespmem:s1+$0x0]  }
0x775: {  	v12 =	vld [tilespmem:s14+$0x0]  }
0x776: {  	[tilespmem:v7+s19+$0x0] =	vst.idx.add.f32.msk $0xffff, v5  }
0x777: {  	[tilespmem:v8+s19+$0x0] =	vst.idx.add.f32.msk $0xffff, v5;
	v62 =	vadd.s32 $0x1C00, v9  }
0x778: {  	s15 =	sor.u32 $0x3000, s11;
	[tilespmem:v7+s25+$0x0] =	vst.idx.add.f32.msk $0xffff, v6;
	v7 =	vadd.s32 $0x1D00, v10  }
0x779: {  	s18 =	sor.u32 s16, s15;
	s17 =	sor.u32 $0x3080, s11;
	v10 =	vadd.s32 $0x1600, v11;
	[tilespmem:v8+s25+$0x0] =	vst.idx.add.f32.msk $0xffff, v6  }
0x77a: {  	s20 =	sor.u32 s16, s17;
	v8 =	vld [tilespmem:s18+$0x0]  }
0x77b: {  	v14 =	vld [tilespmem:s20+$0x0]  }
0x77c: {  	[tilespmem:v62+s19+$0x0] =	vst.idx.add.f32.msk $0xffff, v1  }
0x77d: {  	[tilespmem:v7+s19+$0x0] =	vst.idx.add.f32.msk $0xffff, v1  }
0x77e: {  	v9 =	vadd.s32 $0x1700, v12;
	[tilespmem:v10+s19+$0x0] =	vst.idx.add.f32.msk $0xffff, v3  }
0x77f: {  	[tilespmem:v62+s25+$0x0] =	vst.idx.add.f32.msk $0xffff, v2;
	v8 =	vadd.s32 $0x1800, v8  }
0x780: {  	s5 =	sor.u32 s0, s5;
	s0 =	sor.u32 s0, s2;
	s31 =	sor.u32 $0x3300, s11;
	[tilespmem:v7+s25+$0x0] =	vst.idx.add.f32.msk $0xffff, v2;
	v11 =	vadd.s32 $0x1900, v14  }
0x781: {  	s21 =	sor.u32 $0x3100, s11;
	s29 =	sor.u32 s6, s17;
	s22 =	sor.u32 $0x3180, s11;
	v7 =	vld [tilespmem:s5+$0x0]  }
0x782: {  	s28 =	sor.u32 s16, s21;
	s23 =	sor.u32 $0x3200, s11;
	s2 =	sor.u32 s16, s22;
	v63 =	vld [tilespmem:s0+$0x0]  }
0x783: {  	s24 =	sor.u32 $0x3280, s11;
	s12 =	sor.u32 s6, s23;
	s11 =	sor.u32 $0x3380, s11;
	[tilespmem:v9+s19+$0x0] =	vst.idx.add.f32.msk $0xffff, v3  }
0x784: {  	s13 =	sor.u32 s6, s24;
	s1 =	sor.u32 s16, s11;
	s10 =	sor.u32 s6, s31;
	[tilespmem:v8+s19+$0x0] =	vst.idx.add.f32.msk $0xffff, v5  }
0x785: {  	s8 =	sor.u32 s16, s23;
	s23 =	simm.s32 $0x2;
	s4 =	sor.u32 s6, s15;
	[tilespmem:v11+s19+$0x0] =	vst.idx.add.f32.msk $0xffff, v5  }
0x786: {  	s3 =	sor.u32 s16, s24;
	s24 =	simm.s32 $0x40;
	s20 =	sor.u32 s6, s22;
	[tilespmem:v8+s25+$0x0] =	vst.idx.add.f32.msk $0xffff, v6  }
0x787: {  	s22 =	sor.u32 s6, s21;
	s6 =	sor.u32 s6, s11;
	s0 =	sor.u32 s16, s31;
	v8 =	vadd.s32 $0x1E00, v7;
	v7 =	vadd.s32 $0x1F00, v63;
	[tilespmem:v11+s25+$0x0] =	vst.idx.add.f32.msk $0xffff, v6  }
.LBB2_12:
0x788: {  	_ = 	snop  }
0x789: {  	[smem:$0x7BB] =	sst s13  }
0x78a: {  	[smem:$0x7BA] =	sst s12  }
0x78b: {  	[dreg:$0x1e] =	wrdreg s6;
	[tilespmem:v10+s25+$0x0] =	vst.idx.add.f32.msk $0xffff, v4  }
0x78c: {  	[dreg:$0x18] =	wrdreg s10;
	[tilespmem:v8+s19+$0x0] =	vst.idx.add.f32.msk $0xffff, v1  }
0x78d: {  	[dreg:$0xe] =	wrdreg s3;
	[tilespmem:v9+s25+$0x0] =	vst.idx.add.f32.msk $0xffff, v4  }
0x78e: {  	[dreg:$0xd] =	wrdreg s8;
	[tilespmem:v7+s19+$0x0] =	vst.idx.add.f32.msk $0xffff, v1  }
0x78f: {  	[dreg:$0xc] =	wrdreg s0;
	[tilespmem:v8+s25+$0x0] =	vst.idx.add.f32.msk $0xffff, v2  }
0x790: {  	[dreg:$0x7] =	wrdreg s1;
	s3 =	sand.u32 $0x60, s24;
	s7 =	sadd.s32 $0x100, s7;
	v11 =	vld [tilespmem:s4+$0x0]  }
0x791: {  	s10 =	sadd.s32 $0x20, s9;
	s16 =	smov.u32 s20;
	s26 =	sadd.s32 $0x20, s26;
	v13 =	vld [tilespmem:s29+$0x0]  }
0x792: {  	s8 =	smov.u32 s22;
	s18 =	sand.u32 $0x80, s24;
	s20 =	sand.u32 $0x400, s7;
	v9 =	vld [tilespmem:s26+$0x0]  }
0x793: {  	s22 =	sor.u32 $0x10, s3;
	s14 =	sor.u32 $0x1000, s20;
	s12 =	sor.u32 s3, s20;
	v10 =	vld [tilespmem:s10+$0x0]  }
0x794: {  	v1 =	vmov v5;
	s11 =	sor.u32 $0x1100, s20;
	s5 =	sor.u32 s22, s20;
	s13 =	sor.u32 $0x1080, s20;
	v5 =	vld [tilespmem:s12+$0x80]  }
0x795: {  	s15 =	sor.u32 $0x1200, s20;
	s17 =	sor.u32 $0x1180, s20;
	s21 =	sor.u32 s22, s14;
	v12 =	vld [tilespmem:s12+$0x0]  }
0x796: {  	s18 =	sor.u32 s18, s22;
	s31 =	sor.u32 s22, s11;
	[tilespmem:v7+s25+$0x0] =	vst.idx.add.f32.msk $0xffff, v2;
	[smem:$0x7B2] =	sst s21  }
0x797: {  	s6 =	sor.u32 s22, s17;
	s9 =	sor.u32 s22, s15;
	[smem:$0x7B4] =	sst s31;
	v7 =	vld [tilespmem:s2+$0x0]  }
0x798: {  	s4 =	sor.u32 s3, s17;
	s17 =	sor.u32 s22, s13;
	[smem:$0x7B5] =	sst s6;
	v8 =	vld [tilespmem:s28+$0x0]  }
0x799: {  	[smem:$0x7B8] =	sst s9;
	s6 =	sor.u32 s3, s14;
	s14 =	sor.u32 $0x1280, s20;
	v14 =	vld [tilespmem:s5+$0x80];
	v15 =	vadd.s32 $0x100, v5  }
0x79a: {  	s21 =	sor.u32 s3, s13;
	[smem:$0x7B3] =	sst s4;
	s13 =	sor.u32 s3, s15;
	v16 =	vld [tilespmem:s5+$0x0]  }
0x79b: {  	v2 =	vmov v6;
	v6 =	vld [tilespmem:s18+$0xC780];
	s9 =	sor.u32 s22, s14;
	[smem:$0x7B6] =	sst s13  }
0x79c: {  	s15 =	sor.u32 $0x1380, s20;
	s0 =	sor.u32 s3, s14;
	[smem:$0x7B9] =	sst s9;
	v5 =	vld [tilespmem:s18+$0xC000]  }
0x79d: {  	s31 =	sor.u32 s3, s11;
	s11 =	sor.u32 s3, s15;
	[smem:$0x7B7] =	sst s0;
	[tilespmem:v12+s19+$0x0] =	vst.idx.add.f32.msk $0xffff, v9  }
0x79e: {  	s14 =	sor.u32 $0x1300, s20;
	s15 =	sor.u32 s22, s15;
	[smem:$0x7BD] =	sst s11;
	[tilespmem:v15+s19+$0x0] =	vst.idx.add.f32.msk $0xffff, v9  }
0x79f: {  	s9 =	sor.u32 s3, s14;
	[smem:$0x7BF] =	sst s15;
	v61 =	vadd.s32 $0x100, v14;
	[tilespmem:v12+s25+$0x0] =	vst.idx.add.f32.msk $0xffff, v10  }
0x7a0: {  	s13 =	sor.u32 $0x2000, s20;
	s0 =	sor.u32 s22, s14;
	[smem:$0x7BC] =	sst s9;
	[tilespmem:v15+s25+$0x0] =	vst.idx.add.f32.msk $0xffff, v10  }
0x7a1: {  	s14 =	sor.u32 $0x2080, s20;
	s4 =	sor.u32 s3, s13;
	[smem:$0x7BE] =	sst s0;
	v62 =	vld [tilespmem:s12+$0x100]  }
0x7a2: {  	s30 =	sadd.s32 $0x1, s30;
	[smem:$0x7C0] =	sst s4;
	s9 =	sor.u32 s3, s14;
	v15 =	vld [tilespmem:s12+$0x180]  }
0x7a3: {  	s29 =	sor.u32 $0x3200, s20;
	s0 =	sor.u32 s22, s13;
	[smem:$0x7C1] =	sst s9;
	[tilespmem:v16+s19+$0x0] =	vst.idx.add.f32.msk $0xffff, v5  }
0x7a4: {  	s11 =	sor.u32 $0x2100, s20;
	s1 =	sor.u32 s22, s14;
	v11 =	vadd.s32 $0x1800, v11;
	[smem:$0x7C2] =	sst s0;
	[tilespmem:v61+s19+$0x0] =	vst.idx.add.f32.msk $0xffff, v5  }
0x7a5: {  	s13 =	sor.u32 $0x2180, s20;
	s14 =	sor.u32 s3, s11;
	v13 =	vadd.s32 $0x1900, v13;
	[smem:$0x7C3] =	sst s1;
	[tilespmem:v16+s25+$0x0] =	vst.idx.add.f32.msk $0xffff, v6  }
0x7a6: {  	s28 =	sor.u32 $0x3280, s20;
	[smem:$0x7C4] =	sst s14;
	s15 =	sor.u32 s3, s13;
	[tilespmem:v61+s25+$0x0] =	vst.idx.add.f32.msk $0xffff, v6;
	v14 =	vadd.s32 $0x200, v62  }
0x7a7: {  	s4 =	sor.u32 $0x2200, s20;
	s0 =	sor.u32 s22, s11;
	[smem:$0x7C5] =	sst s15;
	v20 =	vld [tilespmem:s5+$0x100];
	v63 =	vadd.s32 $0x300, v15  }
0x7a8: {  	s9 =	sor.u32 $0x2280, s20;
	s2 =	sor.u32 s22, s13;
	[smem:$0x7C6] =	sst s0;
	v16 =	vld [tilespmem:s5+$0x180]  }
0x7a9: {  	s11 =	sor.u32 s3, s4;
	s14 =	sor.u32 $0x2300, s20;
	[smem:$0x7C7] =	sst s2;
	[tilespmem:v11+s19+$0x0] =	vst.idx.add.f32.msk $0xffff, v3  }
0x7aa: {  	[smem:$0x7C9] =	sst s11;
	s13 =	sor.u32 s3, s9;
	s0 =	sor.u32 s22, s4;
	[tilespmem:v13+s19+$0x0] =	vst.idx.add.f32.msk $0xffff, v3  }
0x7ab: {  	s15 =	sor.u32 $0x2380, s20;
	s1 =	sor.u32 s22, s9;
	[smem:$0x7CA] =	sst s13;
	[tilespmem:v14+s19+$0x0] =	vst.idx.add.f32.msk $0xffff, v9  }
0x7ac: {  	s18 =	sor.u32 s3, s14;
	s9 =	sor.u32 $0x3000, s20;
	[smem:$0x7CB] =	sst s0;
	v15 =	vadd.s32 $0x200, v20;
	[tilespmem:v63+s19+$0x0] =	vst.idx.add.f32.msk $0xffff, v9  }
0x7ad: {  	s11 =	sor.u32 $0x3080, s20;
	s2 =	sor.u32 $0x3180, s20;
	[smem:$0x7CC] =	sst s1;
	v21 =	vadd.s32 $0x300, v16;
	[tilespmem:v14+s25+$0x0] =	vst.idx.add.f32.msk $0xffff, v10  }
0x7ae: {  	[dreg:$0x14] =	wrdreg s18;
	s0 =	sor.u32 s22, s14;
	s1 =	sor.u32 s22, s15;
	[tilespmem:v63+s25+$0x0] =	vst.idx.add.f32.msk $0xffff, v10  }
0x7af: {  	s4 =	sor.u32 s3, s15;
	s14 =	sor.u32 s3, s9;
	[smem:$0x7CD] =	sst s0;
	v12 =	vld [tilespmem:s12+$0x200]  }
0x7b0: {  	s13 =	sor.u32 s22, s11;
	s15 =	sor.u32 $0x3100, s20;
	[dreg:$0x1c] =	wrdreg s1;
	v22 =	vld [tilespmem:s12+$0x280]  }
0x7b1: {  	s18 =	sor.u32 s3, s2;
	s2 =	sor.u32 s22, s2;
	[dreg:$0x16] =	wrdreg s4;
	[tilespmem:v15+s19+$0x0] =	vst.idx.add.f32.msk $0xffff, v5  }
0x7b2: {  	s0 =	sor.u32 s22, s9;
	[dreg:$0x10] =	wrdreg s13;
	s9 =	sor.u32 s3, s11;
	[tilespmem:v21+s19+$0x0] =	vst.idx.add.f32.msk $0xffff, v5  }
0x7b3: {  	s4 =	sor.u32 s22, s15;
	s1 =	smov.u32 s26;
	s26 =	sor.u32 $0x3300, s20;
	[tilespmem:v15+s25+$0x0] =	vst.idx.add.f32.msk $0xffff, v6  }
0x7b4: {  	s13 =	sor.u32 s3, s15;
	[dreg:$0x12] =	wrdreg s0;
	s15 =	sor.u32 s3, s26;
	[tilespmem:v21+s25+$0x0] =	vst.idx.add.f32.msk $0xffff, v6;
	v12 =	vadd.s32 $0x400, v12  }
0x7b5: {  	s0 =	sor.u32 s3, s29;
	s29 =	sor.u32 s22, s29;
	[smem:$0x7C8] =	sst s15;
	v15 =	vld [tilespmem:s5+$0x200];
	v23 =	vadd.s32 $0x500, v22  }
0x7b6: {  	s11 =	sor.u32 s3, s28;
	s20 =	sor.u32 $0x3380, s20;
	[smem:$0x7CE] =	sst s29;
	v24 =	vld [tilespmem:s5+$0x280]  }
0x7b7: {  	s29 =	smov.u32 s9;
	s9 =	smov.u32 s10;
	s15 =	sor.u32 s3, s20;
	[tilespmem:v11+s25+$0x0] =	vst.idx.add.f32.msk $0xffff, v4  }
0x7b8: {  	s10 =	sor.u32 s22, s28;
	s28 =	smov.u32 s4;
	s4 =	smov.u32 s14;
	[tilespmem:v13+s25+$0x0] =	vst.idx.add.f32.msk $0xffff, v4  }
0x7b9: {  	s14 =	sor.u32 s22, s26;
	s20 =	sor.u32 s22, s20;
	s22 =	sand.u32 $0x3, s30;
	[tilespmem:v12+s19+$0x0] =	vst.idx.add.f32.msk $0xffff, v9  }
0x7ba: {  	s3 =	sshll.u32 s22, $0x5;
	v11 =	vadd.s32 $0x400, v15;
	[tilespmem:v23+s19+$0x0] =	vst.idx.add.f32.msk $0xffff, v9  }
0x7bb: {  	s26 =	smov.u32 s1;
	[smem:$0x7CF] =	sst s10;
	s3 =	sadd.s32 s3, s7;
	v25 =	vadd.s32 $0x500, v24;
	[tilespmem:v12+s25+$0x0] =	vst.idx.add.f32.msk $0xffff, v10  }
0x7bc: {  	s22 =	sor.u32 s7, s24;
	s1 =	sadd.s32 $0x10, s3;
	s3 =	sor.u32 $0x300, s3;
	[tilespmem:v23+s25+$0x0] =	vst.idx.add.f32.msk $0xffff, v10  }
0x7bd: {  	s10 =	sor.u32 $0x300, s1;
	s12 =	sor.u32 $0x380, s1;
	s1 =	sor.u32 $0x380, s22;
	v13 =	vld [tilespmem:s3+$0x0]  }
0x7be: {  	v14 =	vld [tilespmem:s1+$0x0]  }
0x7bf: {  	[tilespmem:v11+s19+$0x0] =	vst.idx.add.f32.msk $0xffff, v5  }
0x7c0: {  	[tilespmem:v25+s19+$0x0] =	vst.idx.add.f32.msk $0xffff, v5  }
0x7c1: {  	[tilespmem:v11+s25+$0x0] =	vst.idx.add.f32.msk $0xffff, v6  }
0x7c2: {  	[tilespmem:v25+s25+$0x0] =	vst.idx.add.f32.msk $0xffff, v6;
	v11 =	vadd.s32 $0x600, v13  }
0x7c3: {  	v27 =	vld [tilespmem:s10+$0x0];
	v26 =	vadd.s32 $0x700, v14  }
0x7c4: {  	v28 =	vld [tilespmem:s12+$0x0]  }
0x7c5: {  	v29 =	vld [tilespmem:s8+$0x0]  }
0x7c6: {  	v30 =	vld [tilespmem:s16+$0x0]  }
0x7c7: {  	[tilespmem:v11+s19+$0x0] =	vst.idx.add.f32.msk $0xffff, v9  }
0x7c8: {  	v13 =	vadd.s32 $0x600, v27;
	[tilespmem:v26+s19+$0x0] =	vst.idx.add.f32.msk $0xffff, v9  }
0x7c9: {  	[tilespmem:v11+s25+$0x0] =	vst.idx.add.f32.msk $0xffff, v10;
	v11 =	vadd.s32 $0x700, v28  }
0x7ca: {  	[tilespmem:v26+s25+$0x0] =	vst.idx.add.f32.msk $0xffff, v10  }
0x7cb: {  	v12 =	vld [tilespmem:s6+$0x0]  }
0x7cc: {  	v31 =	vld [tilespmem:s21+$0x0]  }
0x7cd: {  	[tilespmem:v13+s19+$0x0] =	vst.idx.add.f32.msk $0xffff, v5  }
0x7ce: {  	s8 =	sld [smem:$0x7B2];
	v15 =	vadd.s32 $0x1A00, v29;
	[tilespmem:v11+s19+$0x0] =	vst.idx.add.f32.msk $0xffff, v5  }
0x7cf: {  	v32 =	vadd.s32 $0x1B00, v30;
	[tilespmem:v13+s25+$0x0] =	vst.idx.add.f32.msk $0xffff, v6  }
0x7d0: {  	v12 =	vadd.s32 $0x800, v12;
	[tilespmem:v11+s25+$0x0] =	vst.idx.add.f32.msk $0xffff, v6  }
0x7d1: {  	v11 =	vadd.s32 $0x900, v31;
	v33 =	vld [tilespmem:s8+$0x0]  }
0x7d2: {  	v34 =	vld [tilespmem:s17+$0x0]  }
0x7d3: {  	[tilespmem:v15+s19+$0x0] =	vst.idx.add.f32.msk $0xffff, v3  }
0x7d4: {  	[tilespmem:v32+s19+$0x0] =	vst.idx.add.f32.msk $0xffff, v3  }
0x7d5: {  	[tilespmem:v12+s19+$0x0] =	vst.idx.add.f32.msk $0xffff, v9  }
0x7d6: {  	[tilespmem:v11+s19+$0x0] =	vst.idx.add.f32.msk $0xffff, v9;
	v14 =	vadd.s32 $0x800, v33  }
0x7d7: {  	s10 =	sld [smem:$0x7B3];
	v35 =	vadd.s32 $0x900, v34;
	[tilespmem:v12+s25+$0x0] =	vst.idx.add.f32.msk $0xffff, v10  }
0x7d8: {  	[tilespmem:v11+s25+$0x0] =	vst.idx.add.f32.msk $0xffff, v10  }
0x7d9: {  	v11 =	vld [tilespmem:s31+$0x0]  }
0x7da: {  	v36 =	vld [tilespmem:s10+$0x0]  }
0x7db: {  	[tilespmem:v14+s19+$0x0] =	vst.idx.add.f32.msk $0xffff, v5  }
0x7dc: {  	s12 =	sld [smem:$0x7B4];
	[tilespmem:v35+s19+$0x0] =	vst.idx.add.f32.msk $0xffff, v5  }
0x7dd: {  	s22 =	smov.u32 s13;
	s13 =	sld [smem:$0x7B5];
	[tilespmem:v14+s25+$0x0] =	vst.idx.add.f32.msk $0xffff, v6  }
0x7de: {  	v11 =	vadd.s32 $0xA00, v11;
	[tilespmem:v35+s25+$0x0] =	vst.idx.add.f32.msk $0xffff, v6  }
0x7df: {  	v37 =	vadd.s32 $0xB00, v36;
	v14 =	vld [tilespmem:s12+$0x0]  }
0x7e0: {  	v38 =	vld [tilespmem:s13+$0x0]  }
0x7e1: {  	[tilespmem:v15+s25+$0x0] =	vst.idx.add.f32.msk $0xffff, v4  }
0x7e2: {  	[tilespmem:v32+s25+$0x0] =	vst.idx.add.f32.msk $0xffff, v4  }
0x7e3: {  	[tilespmem:v11+s19+$0x0] =	vst.idx.add.f32.msk $0xffff, v9  }
0x7e4: {  	s16 =	sld [smem:$0x7B6];
	[tilespmem:v37+s19+$0x0] =	vst.idx.add.f32.msk $0xffff, v9;
	v39 =	vadd.s32 $0xA00, v14  }
0x7e5: {  	s17 =	sld [smem:$0x7B7];
	[tilespmem:v11+s25+$0x0] =	vst.idx.add.f32.msk $0xffff, v10;
	v11 =	vadd.s32 $0xB00, v38  }
0x7e6: {  	[tilespmem:v37+s25+$0x0] =	vst.idx.add.f32.msk $0xffff, v10  }
0x7e7: {  	v12 =	vld [tilespmem:s16+$0x0]  }
0x7e8: {  	v40 =	vld [tilespmem:s17+$0x0]  }
0x7e9: {  	[dreg:$0x1a] =	wrdreg s20;
	[tilespmem:v39+s19+$0x0] =	vst.idx.add.f32.msk $0xffff, v5  }
0x7ea: {  	s20 =	smov.u32 s18;
	s18 =	sld [smem:$0x7B8];
	[tilespmem:v11+s19+$0x0] =	vst.idx.add.f32.msk $0xffff, v5  }
0x7eb: {  	s21 =	sld [smem:$0x7B9];
	[tilespmem:v39+s25+$0x0] =	vst.idx.add.f32.msk $0xffff, v6  }
0x7ec: {  	s31 =	sld [smem:$0x7BA];
	v12 =	vadd.s32 $0xC00, v12;
	[tilespmem:v11+s25+$0x0] =	vst.idx.add.f32.msk $0xffff, v6  }
0x7ed: {  	s3 =	sld [smem:$0x7BB];
	v11 =	vadd.s32 $0xD00, v40;
	v13 =	vld [tilespmem:s18+$0x0]  }
0x7ee: {  	v41 =	vld [tilespmem:s21+$0x0]  }
0x7ef: {  	v15 =	vld [tilespmem:s31+$0x0]  }
0x7f0: {  	v42 =	vld [tilespmem:s3+$0x0]  }
0x7f1: {  	[tilespmem:v12+s19+$0x0] =	vst.idx.add.f32.msk $0xffff, v9  }
0x7f2: {  	s5 =	sld [smem:$0x7BC];
	[tilespmem:v11+s19+$0x0] =	vst.idx.add.f32.msk $0xffff, v9;
	v13 =	vadd.s32 $0xC00, v13  }
0x7f3: {  	s6 =	sld [smem:$0x7BD];
	v43 =	vadd.s32 $0xD00, v41;
	[tilespmem:v12+s25+$0x0] =	vst.idx.add.f32.msk $0xffff, v10  }
0x7f4: {  	[tilespmem:v11+s25+$0x0] =	vst.idx.add.f32.msk $0xffff, v10  }
0x7f5: {  	v11 =	vld [tilespmem:s5+$0x0]  }
0x7f6: {  	v44 =	vld [tilespmem:s6+$0x0]  }
0x7f7: {  	[tilespmem:v13+s19+$0x0] =	vst.idx.add.f32.msk $0xffff, v5  }
0x7f8: {  	s8 =	sld [smem:$0x7BE];
	v15 =	vadd.s32 $0x1C00, v15;
	[tilespmem:v43+s19+$0x0] =	vst.idx.add.f32.msk $0xffff, v5  }
0x7f9: {  	s10 =	sld [smem:$0x7BF];
	v45 =	vadd.s32 $0x1D00, v42;
	[tilespmem:v13+s25+$0x0] =	vst.idx.add.f32.msk $0xffff, v6  }
0x7fa: {  	v11 =	vadd.s32 $0xE00, v11;
	[tilespmem:v43+s25+$0x0] =	vst.idx.add.f32.msk $0xffff, v6  }
0x7fb: {  	v46 =	vadd.s32 $0xF00, v44;
	v47 =	vld [tilespmem:s8+$0x0]  }
0x7fc: {  	v48 =	vld [tilespmem:s10+$0x0]  }
0x7fd: {  	[tilespmem:v15+s19+$0x0] =	vst.idx.add.f32.msk $0xffff, v3  }
0x7fe: {  	[tilespmem:v45+s19+$0x0] =	vst.idx.add.f32.msk $0xffff, v3  }
0x7ff: {  	[tilespmem:v11+s19+$0x0] =	vst.idx.add.f32.msk $0xffff, v9  }
0x800: {  	s13 =	smov.u32 s11;
	s11 =	sld [smem:$0x7C0];
	[tilespmem:v46+s19+$0x0] =	vst.idx.add.f32.msk $0xffff, v9;
	v14 =	vadd.s32 $0xE00, v47  }
0x801: {  	s16 =	sld [smem:$0x7C1];
	[tilespmem:v11+s25+$0x0] =	vst.idx.add.f32.msk $0xffff, v10;
	v11 =	vadd.s32 $0xF00, v48  }
0x802: {  	[tilespmem:v46+s25+$0x0] =	vst.idx.add.f32.msk $0xffff, v10  }
0x803: {  	v12 =	vld [tilespmem:s11+$0x0]  }
0x804: {  	v49 =	vld [tilespmem:s16+$0x0]  }
0x805: {  	[tilespmem:v14+s19+$0x0] =	vst.idx.add.f32.msk $0xffff, v5  }
0x806: {  	s17 =	sld [smem:$0x7C2];
	[tilespmem:v11+s19+$0x0] =	vst.idx.add.f32.msk $0xffff, v5  }
0x807: {  	s18 =	sld [smem:$0x7C3];
	[tilespmem:v14+s25+$0x0] =	vst.idx.add.f32.msk $0xffff, v6  }
0x808: {  	v12 =	vadd.s32 $0x1000, v12;
	[tilespmem:v11+s25+$0x0] =	vst.idx.add.f32.msk $0xffff, v6  }
0x809: {  	v11 =	vadd.s32 $0x1100, v49;
	v14 =	vld [tilespmem:s17+$0x0]  }
0x80a: {  	v50 =	vld [tilespmem:s18+$0x0]  }
0x80b: {  	[tilespmem:v15+s25+$0x0] =	vst.idx.add.f32.msk $0xffff, v4  }
0x80c: {  	[tilespmem:v45+s25+$0x0] =	vst.idx.add.f32.msk $0xffff, v4  }
0x80d: {  	[tilespmem:v12+s19+$0x0] =	vst.idx.add.f32.msk $0xffff, v9  }
0x80e: {  	s21 =	sld [smem:$0x7C4];
	[tilespmem:v11+s19+$0x0] =	vst.idx.add.f32.msk $0xffff, v9;
	v51 =	vadd.s32 $0x1000, v14  }
0x80f: {  	s31 =	sld [smem:$0x7C5];
	v52 =	vadd.s32 $0x1100, v50;
	[tilespmem:v12+s25+$0x0] =	vst.idx.add.f32.msk $0xffff, v10  }
0x810: {  	[tilespmem:v11+s25+$0x0] =	vst.idx.add.f32.msk $0xffff, v10  }
0x811: {  	v11 =	vld [tilespmem:s21+$0x0]  }
0x812: {  	v53 =	vld [tilespmem:s31+$0x0]  }
0x813: {  	[tilespmem:v51+s19+$0x0] =	vst.idx.add.f32.msk $0xffff, v5  }
0x814: {  	s1 =	sld [smem:$0x7C6];
	[tilespmem:v52+s19+$0x0] =	vst.idx.add.f32.msk $0xffff, v5  }
0x815: {  	s3 =	sld [smem:$0x7C7];
	[tilespmem:v51+s25+$0x0] =	vst.idx.add.f32.msk $0xffff, v6  }
0x816: {  	v11 =	vadd.s32 $0x1200, v11;
	[tilespmem:v52+s25+$0x0] =	vst.idx.add.f32.msk $0xffff, v6  }
0x817: {  	v54 =	vadd.s32 $0x1300, v53;
	v13 =	vld [tilespmem:s1+$0x0]  }
0x818: {  	s5 =	rddreg [dreg:$0x18];
	v55 =	vld [tilespmem:s3+$0x0]  }
0x819: {  	s8 =	rddreg [dreg:$0x1e];
	v15 =	vld [tilespmem:s5+$0x0]  }
0x81a: {  	s6 =	sld [smem:$0x7C8];
	v56 =	vld [tilespmem:s8+$0x0]  }
0x81b: {  	[tilespmem:v11+s19+$0x0] =	vst.idx.add.f32.msk $0xffff, v9  }
0x81c: {  	s11 =	sld [smem:$0x7C9];
	[tilespmem:v54+s19+$0x0] =	vst.idx.add.f32.msk $0xffff, v9;
	v13 =	vadd.s32 $0x1200, v13  }
0x81d: {  	s10 =	smov.u32 s6;
	s6 =	smov.u32 s15;
	s15 =	sld [smem:$0x7CA];
	[tilespmem:v11+s25+$0x0] =	vst.idx.add.f32.msk $0xffff, v10;
	v11 =	vadd.s32 $0x1300, v55  }
0x81e: {  	[tilespmem:v54+s25+$0x0] =	vst.idx.add.f32.msk $0xffff, v10  }
0x81f: {  	v12 =	vld [tilespmem:s11+$0x0]  }
0x820: {  	v57 =	vld [tilespmem:s15+$0x0]  }
0x821: {  	[tilespmem:v13+s19+$0x0] =	vst.idx.add.f32.msk $0xffff, v5  }
0x822: {  	s16 =	sld [smem:$0x7CB];
	v15 =	vadd.s32 $0x1E00, v15;
	[tilespmem:v11+s19+$0x0] =	vst.idx.add.f32.msk $0xffff, v5  }
0x823: {  	s17 =	sld [smem:$0x7CC];
	v58 =	vadd.s32 $0x1F00, v56;
	[tilespmem:v13+s25+$0x0] =	vst.idx.add.f32.msk $0xffff, v6  }
0x824: {  	v12 =	vadd.s32 $0x1400, v12;
	[tilespmem:v11+s25+$0x0] =	vst.idx.add.f32.msk $0xffff, v6  }
0x825: {  	v11 =	vadd.s32 $0x1500, v57;
	v59 =	vld [tilespmem:s16+$0x0]  }
0x826: {  	v60 =	vld [tilespmem:s17+$0x0]  }
0x827: {  	[tilespmem:v15+s19+$0x0] =	vst.idx.add.f32.msk $0xffff, v3  }
0x828: {  	[tilespmem:v58+s19+$0x0] =	vst.idx.add.f32.msk $0xffff, v3;
	v3 =	vmov v9  }
0x829: {  	[tilespmem:v12+s19+$0x0] =	vst.idx.add.f32.msk $0xffff, v3  }
0x82a: {  	[tilespmem:v11+s19+$0x0] =	vst.idx.add.f32.msk $0xffff, v3;
	v9 =	vadd.s32 $0x1400, v59  }
0x82b: {  	v61 =	vadd.s32 $0x1500, v60;
	[tilespmem:v15+s25+$0x0] =	vst.idx.add.f32.msk $0xffff, v4  }
0x82c: {  	[tilespmem:v58+s25+$0x0] =	vst.idx.add.f32.msk $0xffff, v4;
	v4 =	vmov v10  }
0x82d: {  	[tilespmem:v12+s25+$0x0] =	vst.idx.add.f32.msk $0xffff, v4  }
0x82e: {  	[tilespmem:v11+s25+$0x0] =	vst.idx.add.f32.msk $0xffff, v4  }
0x82f: {  	[tilespmem:v9+s19+$0x0] =	vst.idx.add.f32.msk $0xffff, v5  }
0x830: {  	v8 =	vadd.s32 $0x1A00, v8;
	s18 =	sld [smem:$0x7CD];
	[tilespmem:v61+s19+$0x0] =	vst.idx.add.f32.msk $0xffff, v5  }
0x831: {  	v7 =	vadd.s32 $0x1B00, v7;
	[tilespmem:v9+s25+$0x0] =	vst.idx.add.f32.msk $0xffff, v6  }
0x832: {  	[tilespmem:v61+s25+$0x0] =	vst.idx.add.f32.msk $0xffff, v6  }
0x833: {  	s21 =	rddreg [dreg:$0x1c];
	v9 =	vld [tilespmem:s18+$0x0]  }
0x834: {  	v10 =	vld [tilespmem:s21+$0x0]  }
0x835: {  	[tilespmem:v8+s19+$0x0] =	vst.idx.add.f32.msk $0xffff, v1  }
0x836: {  	[tilespmem:v7+s19+$0x0] =	vst.idx.add.f32.msk $0xffff, v1  }
0x837: {  	[tilespmem:v8+s25+$0x0] =	vst.idx.add.f32.msk $0xffff, v2  }
0x838: {  	s31 =	rddreg [dreg:$0xd];
	[tilespmem:v7+s25+$0x0] =	vst.idx.add.f32.msk $0xffff, v2;
	v8 =	vadd.s32 $0x1600, v9  }
0x839: {  	s3 =	rddreg [dreg:$0xe];
	v7 =	vadd.s32 $0x1700, v10;
	v9 =	vld [tilespmem:s31+$0x0]  }
0x83a: {  	s11 =	rddreg [dreg:$0x14];
	v10 =	vld [tilespmem:s3+$0x0]  }
0x83b: {  	s15 =	rddreg [dreg:$0x16];
	v11 =	vld [tilespmem:s11+$0x0]  }
0x83c: {  	v12 =	vld [tilespmem:s15+$0x0]  }
0x83d: {  	[tilespmem:v8+s19+$0x0] =	vst.idx.add.f32.msk $0xffff, v5  }
0x83e: {  	v62 =	vadd.s32 $0x1C00, v9;
	[tilespmem:v7+s19+$0x0] =	vst.idx.add.f32.msk $0xffff, v5  }
0x83f: {  	[tilespmem:v8+s25+$0x0] =	vst.idx.add.f32.msk $0xffff, v6;
	v8 =	vadd.s32 $0x1D00, v10  }
0x840: {  	s16 =	rddreg [dreg:$0x12];
	v10 =	vadd.s32 $0x1600, v11;
	[tilespmem:v7+s25+$0x0] =	vst.idx.add.f32.msk $0xffff, v6  }
0x841: {  	s17 =	rddreg [dreg:$0x10];
	v7 =	vld [tilespmem:s16+$0x0]  }
0x842: {  	v14 =	vld [tilespmem:s17+$0x0]  }
0x843: {  	[tilespmem:v62+s19+$0x0] =	vst.idx.add.f32.msk $0xffff, v1  }
0x844: {  	[tilespmem:v8+s19+$0x0] =	vst.idx.add.f32.msk $0xffff, v1  }
0x845: {  	v9 =	vadd.s32 $0x1700, v12;
	[tilespmem:v10+s19+$0x0] =	vst.idx.add.f32.msk $0xffff, v3  }
0x846: {  	[tilespmem:v62+s25+$0x0] =	vst.idx.add.f32.msk $0xffff, v2;
	v7 =	vadd.s32 $0x1800, v7  }
0x847: {  	s18 =	rddreg [dreg:$0xc];
	[tilespmem:v8+s25+$0x0] =	vst.idx.add.f32.msk $0xffff, v2;
	v11 =	vadd.s32 $0x1900, v14  }
0x848: {  	s23 =	sadd.s32 $0x2, s23;
	s21 =	rddreg [dreg:$0x7];
	v8 =	vld [tilespmem:s18+$0x0]  }
0x849: {  	p1 =	slt.u32 s23, $0xE;
	v63 =	vld [tilespmem:s21+$0x0]  }
.Ltmp7:
0x84a: {  	s5 =	sld [smem:$0x7CF];
	[tilespmem:v9+s19+$0x0] =	vst.idx.add.f32.msk $0xffff, v3;
	(pc) =	sbr.rel @p1 .LBB2_12-.Ltmp7, $4  }
0x84b: {  	s1 =	sld [smem:$0x7CE];
	[tilespmem:v7+s19+$0x0] =	vst.idx.add.f32.msk $0xffff, v5  }
0x84c: {  	s24 =	sadd.s32 $0x20, s24;
	[tilespmem:v11+s19+$0x0] =	vst.idx.add.f32.msk $0xffff, v5  }
0x84d: {  	s12 =	smov.u32 s0;
	s0 =	smov.u32 s14;
	s31 =	rddreg [dreg:$0x1a];
	[tilespmem:v7+s25+$0x0] =	vst.idx.add.f32.msk $0xffff, v6  }
0x84e: {  	s8 =	smov.u32 s1;
	s3 =	smov.u32 s5;
	s1 =	smov.u32 s31;
	v8 =	vadd.s32 $0x1E00, v8;
	v7 =	vadd.s32 $0x1F00, v63;
	[tilespmem:v11+s25+$0x0] =	vst.idx.add.f32.msk $0xffff, v6  }
0x84f: {  	_ =	sdelay $0x3  }
0x850: {  	[tilespmem:v10+s25+$0x0] =	vst.idx.add.f32.msk $0xffff, v4  }
0x851: {  	[tilespmem:v9+s25+$0x0] =	vst.idx.add.f32.msk $0xffff, v4  }
0x852: {  	v9 =	vld [tilespmem:s4+$0x0]  }
0x853: {  	v10 =	vld [tilespmem:s29+$0x0];
	_ =	sdelay $0x3  }
0x854: {  	v9 =	vadd.s32 $0x1800, v9  }
0x855: {  	v10 =	vadd.s32 $0x1900, v10;
	_ =	sdelay $0x1  }
0x856: {  	v11 =	vld [tilespmem:s28+$0x0]  }
0x857: {  	v12 =	vld [tilespmem:s2+$0x0]  }
0x858: {  	[tilespmem:v9+s19+$0x0] =	vst.idx.add.f32.msk $0xffff, v3  }
0x859: {  	[tilespmem:v10+s19+$0x0] =	vst.idx.add.f32.msk $0xffff, v3  }
0x85a: {  	[tilespmem:v9+s25+$0x0] =	vst.idx.add.f32.msk $0xffff, v4  }
0x85b: {  	v11 =	vadd.s32 $0x1A00, v11;
	[tilespmem:v10+s25+$0x0] =	vst.idx.add.f32.msk $0xffff, v4  }
0x85c: {  	v58 =	vadd.s32 $0x1B00, v12;
	v9 =	vld [tilespmem:s22+$0x0]  }
0x85d: {  	v10 =	vld [tilespmem:s20+$0x0];
	_ =	sdelay $0x2  }
0x85e: {  	[tilespmem:v11+s19+$0x0] =	vst.idx.add.f32.msk $0xffff, v5  }
0x85f: {  	[tilespmem:v58+s19+$0x0] =	vst.idx.add.f32.msk $0xffff, v5;
	v9 =	vadd.s32 $0x1A00, v9  }
0x860: {  	[tilespmem:v11+s25+$0x0] =	vst.idx.add.f32.msk $0xffff, v6;
	v10 =	vadd.s32 $0x1B00, v10  }
0x861: {  	[tilespmem:v58+s25+$0x0] =	vst.idx.add.f32.msk $0xffff, v6  }
0x862: {  	v11 =	vld [tilespmem:s8+$0x0]  }
0x863: {  	v61 =	vld [tilespmem:s3+$0x0]  }
0x864: {  	[tilespmem:v9+s19+$0x0] =	vst.idx.add.f32.msk $0xffff, v3  }
0x865: {  	[tilespmem:v10+s19+$0x0] =	vst.idx.add.f32.msk $0xffff, v3  }
0x866: {  	[tilespmem:v9+s25+$0x0] =	vst.idx.add.f32.msk $0xffff, v4  }
0x867: {  	[tilespmem:v10+s25+$0x0] =	vst.idx.add.f32.msk $0xffff, v4  }
0x868: {  	v11 =	vadd.s32 $0x1C00, v11;
	v10 =	vld [tilespmem:s12+$0x0]  }
0x869: {  	v62 =	vadd.s32 $0x1D00, v61;
	v59 =	vld [tilespmem:s13+$0x0];
	_ =	sdelay $0x2  }
0x86a: {  	[tilespmem:v8+s19+$0x0] =	vst.idx.add.f32.msk $0xffff, v1  }
0x86b: {  	[tilespmem:v11+s19+$0x0] =	vst.idx.add.f32.msk $0xffff, v5;
	v10 =	vadd.s32 $0x1C00, v10  }
0x86c: {  	[tilespmem:v62+s19+$0x0] =	vst.idx.add.f32.msk $0xffff, v5;
	v60 =	vadd.s32 $0x1D00, v59  }
0x86d: {  	[tilespmem:v11+s25+$0x0] =	vst.idx.add.f32.msk $0xffff, v6  }
0x86e: {  	[tilespmem:v62+s25+$0x0] =	vst.idx.add.f32.msk $0xffff, v6  }
0x86f: {  	v11 =	vld [tilespmem:s1+$0x0]  }
0x870: {  	[tilespmem:v10+s19+$0x0] =	vst.idx.add.f32.msk $0xffff, v3  }
0x871: {  	[tilespmem:v60+s19+$0x0] =	vst.idx.add.f32.msk $0xffff, v3  }
0x872: {  	[tilespmem:v10+s25+$0x0] =	vst.idx.add.f32.msk $0xffff, v4  }
0x873: {  	v10 =	vld [tilespmem:s0+$0x0]  }
0x874: {  	[tilespmem:v60+s25+$0x0] =	vst.idx.add.f32.msk $0xffff, v4  }
0x875: {  	v9 =	vld [tilespmem:s10+$0x0]  }
0x876: {  	[tilespmem:v7+s19+$0x0] =	vst.idx.add.f32.msk $0xffff, v1  }
0x877: {  	v63 =	vld [tilespmem:s6+$0x0]  }
0x878: {  	[tilespmem:v8+s25+$0x0] =	vst.idx.add.f32.msk $0xffff, v2;
	v1 =	vadd.s32 $0x1E00, v10  }
0x879: {  	[tilespmem:v7+s25+$0x0] =	vst.idx.add.f32.msk $0xffff, v2;
	v2 =	vadd.s32 $0x1F00, v11  }
0x87a: {  	v9 =	vadd.s32 $0x1E00, v9;
	_ =	sdelay $0x1  }
0x87b: {  	v12 =	vadd.s32 $0x1F00, v63  }
0x87c: {  	[tilespmem:v1+s19+$0x0] =	vst.idx.add.f32.msk $0xffff, v5  }
0x87d: {  	[tilespmem:v2+s19+$0x0] =	vst.idx.add.f32.msk $0xffff, v5  }
0x87e: {  	[tilespmem:v9+s19+$0x0] =	vst.idx.add.f32.msk $0xffff, v3  }
0x87f: {  	[tilespmem:v1+s25+$0x0] =	vst.idx.add.f32.msk $0xffff, v6  }
.Ltmp8:
0x880: {  	[tilespmem:v12+s19+$0x0] =	vst.idx.add.f32.msk $0xffff, v3;
	(pc) =	sbr.rel @p0 .LBB2_17-.Ltmp8, $4  }
0x881: {  	s24 =	rddreg [dreg:$0x0];
	[tilespmem:v2+s25+$0x0] =	vst.idx.add.f32.msk $0xffff, v6  }
0x882: {  	s26 =	rddreg [dreg:$0x1];
	[tilespmem:v9+s25+$0x0] =	vst.idx.add.f32.msk $0xffff, v4  }
0x883: {  	s28 =	rddreg [dreg:$0x2];
	[tilespmem:v12+s25+$0x0] =	vst.idx.add.f32.msk $0xffff, v4  }
0x884: {  	s2 =	sld [smem:$0x7EC]  }
0x885: {  	s1 =	sld [smem:$0x7F8];
	_ =	sdelay $0x1  }
0x886: {  	s10 =	simm.s32 $0x0;
	s0 =	simm.s32 $0x4000  }
0x887: {  	[tilespmem:s0], [sflag:$0x2] =	stream.linear.gather [hbm4b:s1+s10], $0x800, $0x38;
	[tilespmem:$0x10F00] =	vst v63  }
0x888: {  	s2 =	simm.s32 $0x5000;
	s9 =	sadd.s32 $0x7A180, s1  }
0x889: {  	[tilespmem:s2], [sflag:$0x2] =	stream.linear.gather [hbm4b:s9+s10], $0x800, $0x38;
	[tilespmem:$0x10F00] =	vst v63  }
0x88a: {  	s12 =	simm.s32 $0x6000;
	s11 =	sadd.s32 $0xF4300, s1  }
0x88b: {  	[tilespmem:s12], [sflag:$0x2] =	stream.linear.gather [hbm4b:s11+s10], $0x800, $0x38;
	[tilespmem:$0x10F00] =	vst v63  }
0x88c: {  	s14 =	simm.s32 $0x7000;
	s16 =	sld [smem:$0x7F9];
	s13 =	sadd.s32 $0x16E480, s1  }
0x88d: {  	[tilespmem:s14], [sflag:$0x2] =	stream.linear.gather [hbm4b:s13+s10], $0x800, $0x38;
	[tilespmem:$0x10F00] =	vst v63  }
0x88e: {  	s15 =	simm.s32 $0xC280;
	s17 =	sld [smem:$0x7FA]  }
0x88f: {  	[tilespmem:s15], [sflag:$0x2] =	stream.linear.gather [hbm4b:s16+s10], $0x100, $0x38;
	[tilespmem:$0x10F00] =	vst v63  }
0x890: {  	s18 =	simm.s32 $0x2;
	s11 =	simm.s32 $0xCA00  }
0x891: {  	[tilespmem:s11], [sflag:$0x2] =	stream.linear.gather [hbm4b:s17+s10], $0x100, $0x38;
	[tilespmem:$0x10F00] =	vst v63  }
0x892: {  	_ =	swait.ge [sflag:s18], $0x2000  }
0x893: {  	[sflag:s18] =	ssyncset.done $0x0  }
0x894: {  	[sflag:s18] =	ssyncadd.s32 $0xFFFFE000  }
0x895: {  	_ =	swait.ge [sflag:s18], $0x100  }
0x896: {  	[sflag:s18] =	ssyncset.done $0x0  }
0x897: {  	[sflag:s18] =	ssyncadd.s32 $0xFFFFFF00  }
0x898: {  	s7 =	sand.u32 $0x60, s10;
	s9 =	sand.u32 $0x400, s10;
	_ =	swait.ge [sflag:s18], $0x100  }
0x899: {  	s8 =	sor.u32 $0x10, s7;
	s20 =	sor.u32 $0x4000, s9;
	[sflag:s18] =	ssyncset.done $0x0  }
0x89a: {  	s21 =	sor.u32 s8, s20;
	[sflag:s18] =	ssyncadd.s32 $0xFFFFFF00  }
0x89b: {  	v4 =	vld [tilespmem:s21+$0x80]  }
0x89c: {  	v5 =	vld [tilespmem:s21+$0x0]  }
0x89d: {  	s3 =	sand.u32 $0x80, s10  }
0x89e: {  	s22 =	sor.u32 s3, s8;
	v1 =	vld [tilespmem:s15+$0x0]  }
0x89f: {  	v2 =	vld [tilespmem:s22+$0xC280]  }
0x8a0: {  	s1 =	sor.u32 s7, s20;
	v3 =	vld [tilespmem:s22+$0xCA00];
	v6 =	vadd.s32 $0x100, v4  }
0x8a1: {  	v7 =	vld [tilespmem:s1+$0x80]  }
0x8a2: {  	v8 =	vld [tilespmem:s1+$0x0]  }
0x8a3: {  	v4 =	vld [tilespmem:s11+$0x0]  }
0x8a4: {  	[tilespmem:v5+s19+$0x0] =	vst.idx.add.f32.msk $0xffff, v2  }
0x8a5: {  	[tilespmem:v6+s19+$0x0] =	vst.idx.add.f32.msk $0xffff, v2  }
0x8a6: {  	[tilespmem:v5+s25+$0x0] =	vst.idx.add.f32.msk $0xffff, v3;
	v5 =	vadd.s32 $0x100, v7  }
0x8a7: {  	[tilespmem:v6+s25+$0x0] =	vst.idx.add.f32.msk $0xffff, v3  }
0x8a8: {  	v6 =	vld [tilespmem:s21+$0x100]  }
0x8a9: {  	v7 =	vld [tilespmem:s21+$0x180]  }
0x8aa: {  	[tilespmem:v8+s19+$0x0] =	vst.idx.add.f32.msk $0xffff, v1  }
0x8ab: {  	[tilespmem:v5+s19+$0x0] =	vst.idx.add.f32.msk $0xffff, v1  }
0x8ac: {  	[tilespmem:v8+s25+$0x0] =	vst.idx.add.f32.msk $0xffff, v4  }
0x8ad: {  	v6 =	vadd.s32 $0x200, v6;
	[tilespmem:v5+s25+$0x0] =	vst.idx.add.f32.msk $0xffff, v4  }
0x8ae: {  	v5 =	vadd.s32 $0x300, v7;
	v7 =	vld [tilespmem:s1+$0x100]  }
0x8af: {  	v8 =	vld [tilespmem:s1+$0x180];
	_ =	sdelay $0x2  }
0x8b0: {  	[tilespmem:v6+s19+$0x0] =	vst.idx.add.f32.msk $0xffff, v2  }
0x8b1: {  	[tilespmem:v5+s19+$0x0] =	vst.idx.add.f32.msk $0xffff, v2;
	v7 =	vadd.s32 $0x200, v7  }
0x8b2: {  	v8 =	vadd.s32 $0x300, v8;
	[tilespmem:v6+s25+$0x0] =	vst.idx.add.f32.msk $0xffff, v3  }
0x8b3: {  	[tilespmem:v5+s25+$0x0] =	vst.idx.add.f32.msk $0xffff, v3  }
0x8b4: {  	v5 =	vld [tilespmem:s21+$0x200]  }
0x8b5: {  	v6 =	vld [tilespmem:s21+$0x280]  }
0x8b6: {  	[tilespmem:v7+s19+$0x0] =	vst.idx.add.f32.msk $0xffff, v1  }
0x8b7: {  	[tilespmem:v8+s19+$0x0] =	vst.idx.add.f32.msk $0xffff, v1  }
0x8b8: {  	[tilespmem:v7+s25+$0x0] =	vst.idx.add.f32.msk $0xffff, v4  }
0x8b9: {  	[tilespmem:v8+s25+$0x0] =	vst.idx.add.f32.msk $0xffff, v4;
	v5 =	vadd.s32 $0x400, v5  }
0x8ba: {  	v6 =	vadd.s32 $0x500, v6;
	v7 =	vld [tilespmem:s1+$0x200]  }
0x8bb: {  	v8 =	vld [tilespmem:s1+$0x280];
	_ =	sdelay $0x1  }
0x8bc: {  	s23 =	sand.u32 $0x3, s10  }
0x8bd: {  	s0 =	sshll.u32 s23, $0x5;
	[tilespmem:v5+s19+$0x0] =	vst.idx.add.f32.msk $0xffff, v2  }
0x8be: {  	s0 =	sadd.s32 $0x0, s0;
	v7 =	vadd.s32 $0x400, v7;
	[tilespmem:v6+s19+$0x0] =	vst.idx.add.f32.msk $0xffff, v2  }
0x8bf: {  	s29 =	sadd.s32 $0x10, s0;
	v8 =	vadd.s32 $0x500, v8;
	[tilespmem:v5+s25+$0x0] =	vst.idx.add.f32.msk $0xffff, v3  }
0x8c0: {  	s30 =	sor.u32 $0x300, s29;
	[tilespmem:v6+s25+$0x0] =	vst.idx.add.f32.msk $0xffff, v3  }
0x8c1: {  	s1 =	sor.u32 $0x380, s29;
	v5 =	vld [tilespmem:s30+$0x4000]  }
0x8c2: {  	v6 =	vld [tilespmem:s1+$0x4000]  }
0x8c3: {  	[tilespmem:v7+s19+$0x0] =	vst.idx.add.f32.msk $0xffff, v1  }
0x8c4: {  	[tilespmem:v8+s19+$0x0] =	vst.idx.add.f32.msk $0xffff, v1  }
0x8c5: {  	[tilespmem:v7+s25+$0x0] =	vst.idx.add.f32.msk $0xffff, v4  }
0x8c6: {  	s31 =	sor.u32 s10, s10;
	s0 =	sor.u32 $0x300, s0;
	[tilespmem:v8+s25+$0x0] =	vst.idx.add.f32.msk $0xffff, v4;
	v5 =	vadd.s32 $0x600, v5  }
0x8c7: {  	s1 =	sor.u32 $0x380, s31;
	v6 =	vadd.s32 $0x700, v6;
	v7 =	vld [tilespmem:s0+$0x4000]  }
0x8c8: {  	v8 =	vld [tilespmem:s1+$0x4000];
	_ =	sdelay $0x2  }
0x8c9: {  	[tilespmem:v5+s19+$0x0] =	vst.idx.add.f32.msk $0xffff, v2  }
0x8ca: {  	v7 =	vadd.s32 $0x600, v7;
	[tilespmem:v6+s19+$0x0] =	vst.idx.add.f32.msk $0xffff, v2  }
0x8cb: {  	s1 =	sor.u32 $0x5000, s9;
	v8 =	vadd.s32 $0x700, v8;
	[tilespmem:v5+s25+$0x0] =	vst.idx.add.f32.msk $0xffff, v3  }
0x8cc: {  	s3 =	sor.u32 $0x5080, s9;
	s4 =	sor.u32 s8, s1;
	[tilespmem:v6+s25+$0x0] =	vst.idx.add.f32.msk $0xffff, v3  }
0x8cd: {  	s5 =	sor.u32 s8, s3;
	v5 =	vld [tilespmem:s4+$0x0]  }
0x8ce: {  	v6 =	vld [tilespmem:s5+$0x0]  }
0x8cf: {  	[tilespmem:v7+s19+$0x0] =	vst.idx.add.f32.msk $0xffff, v1  }
0x8d0: {  	[tilespmem:v8+s19+$0x0] =	vst.idx.add.f32.msk $0xffff, v1  }
0x8d1: {  	[tilespmem:v7+s25+$0x0] =	vst.idx.add.f32.msk $0xffff, v4  }
0x8d2: {  	s0 =	sor.u32 s7, s1;
	[tilespmem:v8+s25+$0x0] =	vst.idx.add.f32.msk $0xffff, v4;
	v5 =	vadd.s32 $0x800, v5  }
0x8d3: {  	s1 =	sor.u32 s7, s3;
	v6 =	vadd.s32 $0x900, v6;
	v7 =	vld [tilespmem:s0+$0x0]  }
0x8d4: {  	v8 =	vld [tilespmem:s1+$0x0];
	_ =	sdelay $0x2  }
0x8d5: {  	[tilespmem:v5+s19+$0x0] =	vst.idx.add.f32.msk $0xffff, v2  }
0x8d6: {  	v7 =	vadd.s32 $0x800, v7;
	[tilespmem:v6+s19+$0x0] =	vst.idx.add.f32.msk $0xffff, v2  }
0x8d7: {  	s6 =	sor.u32 $0x5100, s9;
	v8 =	vadd.s32 $0x900, v8;
	[tilespmem:v5+s25+$0x0] =	vst.idx.add.f32.msk $0xffff, v3  }
0x8d8: {  	s12 =	sor.u32 $0x5180, s9;
	s13 =	sor.u32 s8, s6;
	[tilespmem:v6+s25+$0x0] =	vst.idx.add.f32.msk $0xffff, v3  }
0x8d9: {  	s14 =	sor.u32 s8, s12;
	v5 =	vld [tilespmem:s13+$0x0]  }
0x8da: {  	v6 =	vld [tilespmem:s14+$0x0]  }
0x8db: {  	[tilespmem:v7+s19+$0x0] =	vst.idx.add.f32.msk $0xffff, v1  }
0x8dc: {  	[tilespmem:v8+s19+$0x0] =	vst.idx.add.f32.msk $0xffff, v1  }
0x8dd: {  	[tilespmem:v7+s25+$0x0] =	vst.idx.add.f32.msk $0xffff, v4  }
0x8de: {  	s0 =	sor.u32 s7, s6;
	[tilespmem:v8+s25+$0x0] =	vst.idx.add.f32.msk $0xffff, v4;
	v5 =	vadd.s32 $0xA00, v5  }
0x8df: {  	s1 =	sor.u32 s7, s12;
	v6 =	vadd.s32 $0xB00, v6;
	v7 =	vld [tilespmem:s0+$0x0]  }
0x8e0: {  	v8 =	vld [tilespmem:s1+$0x0];
	_ =	sdelay $0x2  }
0x8e1: {  	[tilespmem:v5+s19+$0x0] =	vst.idx.add.f32.msk $0xffff, v2  }
0x8e2: {  	v7 =	vadd.s32 $0xA00, v7;
	[tilespmem:v6+s19+$0x0] =	vst.idx.add.f32.msk $0xffff, v2  }
0x8e3: {  	s15 =	sor.u32 $0x5200, s9;
	v8 =	vadd.s32 $0xB00, v8;
	[tilespmem:v5+s25+$0x0] =	vst.idx.add.f32.msk $0xffff, v3  }
0x8e4: {  	s16 =	sor.u32 $0x5280, s9;
	s17 =	sor.u32 s8, s15;
	[tilespmem:v6+s25+$0x0] =	vst.idx.add.f32.msk $0xffff, v3  }
0x8e5: {  	s18 =	sor.u32 s8, s16;
	v5 =	vld [tilespmem:s17+$0x0]  }
0x8e6: {  	v6 =	vld [tilespmem:s18+$0x0]  }
0x8e7: {  	[tilespmem:v7+s19+$0x0] =	vst.idx.add.f32.msk $0xffff, v1  }
0x8e8: {  	[tilespmem:v8+s19+$0x0] =	vst.idx.add.f32.msk $0xffff, v1  }
0x8e9: {  	[tilespmem:v7+s25+$0x0] =	vst.idx.add.f32.msk $0xffff, v4  }
0x8ea: {  	s0 =	sor.u32 s7, s15;
	[tilespmem:v8+s25+$0x0] =	vst.idx.add.f32.msk $0xffff, v4;
	v5 =	vadd.s32 $0xC00, v5  }
0x8eb: {  	s1 =	sor.u32 s7, s16;
	v6 =	vadd.s32 $0xD00, v6;
	v7 =	vld [tilespmem:s0+$0x0]  }
0x8ec: {  	v8 =	vld [tilespmem:s1+$0x0];
	_ =	sdelay $0x2  }
0x8ed: {  	[tilespmem:v5+s19+$0x0] =	vst.idx.add.f32.msk $0xffff, v2  }
0x8ee: {  	v7 =	vadd.s32 $0xC00, v7;
	[tilespmem:v6+s19+$0x0] =	vst.idx.add.f32.msk $0xffff, v2  }
0x8ef: {  	s20 =	sor.u32 $0x5300, s9;
	v8 =	vadd.s32 $0xD00, v8;
	[tilespmem:v5+s25+$0x0] =	vst.idx.add.f32.msk $0xffff, v3  }
0x8f0: {  	s22 =	sor.u32 s8, s20;
	s21 =	sor.u32 $0x5380, s9;
	[tilespmem:v6+s25+$0x0] =	vst.idx.add.f32.msk $0xffff, v3  }
0x8f1: {  	s23 =	sor.u32 s8, s21;
	v5 =	vld [tilespmem:s22+$0x0]  }
0x8f2: {  	v6 =	vld [tilespmem:s23+$0x0]  }
0x8f3: {  	[tilespmem:v7+s19+$0x0] =	vst.idx.add.f32.msk $0xffff, v1  }
0x8f4: {  	[tilespmem:v8+s19+$0x0] =	vst.idx.add.f32.msk $0xffff, v1  }
0x8f5: {  	[tilespmem:v7+s25+$0x0] =	vst.idx.add.f32.msk $0xffff, v4  }
0x8f6: {  	s0 =	sor.u32 s7, s20;
	[tilespmem:v8+s25+$0x0] =	vst.idx.add.f32.msk $0xffff, v4;
	v5 =	vadd.s32 $0xE00, v5  }
0x8f7: {  	s1 =	sor.u32 s7, s21;
	v6 =	vadd.s32 $0xF00, v6;
	v7 =	vld [tilespmem:s0+$0x0]  }
0x8f8: {  	v8 =	vld [tilespmem:s1+$0x0];
	_ =	sdelay $0x2  }
0x8f9: {  	[tilespmem:v5+s19+$0x0] =	vst.idx.add.f32.msk $0xffff, v2  }
0x8fa: {  	v7 =	vadd.s32 $0xE00, v7;
	[tilespmem:v6+s19+$0x0] =	vst.idx.add.f32.msk $0xffff, v2  }
0x8fb: {  	s29 =	sor.u32 $0x6000, s9;
	v8 =	vadd.s32 $0xF00, v8;
	[tilespmem:v5+s25+$0x0] =	vst.idx.add.f32.msk $0xffff, v3  }
0x8fc: {  	s30 =	sor.u32 $0x6080, s9;
	s31 =	sor.u32 s8, s29;
	[tilespmem:v6+s25+$0x0] =	vst.idx.add.f32.msk $0xffff, v3  }
0x8fd: {  	s3 =	sor.u32 s8, s30;
	v5 =	vld [tilespmem:s31+$0x0]  }
0x8fe: {  	v6 =	vld [tilespmem:s3+$0x0]  }
0x8ff: {  	[tilespmem:v7+s19+$0x0] =	vst.idx.add.f32.msk $0xffff, v1  }
0x900: {  	[tilespmem:v8+s19+$0x0] =	vst.idx.add.f32.msk $0xffff, v1  }
0x901: {  	[tilespmem:v7+s25+$0x0] =	vst.idx.add.f32.msk $0xffff, v4  }
0x902: {  	s0 =	sor.u32 s7, s29;
	[tilespmem:v8+s25+$0x0] =	vst.idx.add.f32.msk $0xffff, v4;
	v5 =	vadd.s32 $0x1000, v5  }
0x903: {  	s1 =	sor.u32 s7, s30;
	v6 =	vadd.s32 $0x1100, v6;
	v7 =	vld [tilespmem:s0+$0x0]  }
0x904: {  	v8 =	vld [tilespmem:s1+$0x0];
	_ =	sdelay $0x2  }
0x905: {  	[tilespmem:v5+s19+$0x0] =	vst.idx.add.f32.msk $0xffff, v2  }
0x906: {  	v7 =	vadd.s32 $0x1000, v7;
	[tilespmem:v6+s19+$0x0] =	vst.idx.add.f32.msk $0xffff, v2  }
0x907: {  	s4 =	sor.u32 $0x6100, s9;
	v8 =	vadd.s32 $0x1100, v8;
	[tilespmem:v5+s25+$0x0] =	vst.idx.add.f32.msk $0xffff, v3  }
0x908: {  	s5 =	sor.u32 $0x6180, s9;
	s6 =	sor.u32 s8, s4;
	[tilespmem:v6+s25+$0x0] =	vst.idx.add.f32.msk $0xffff, v3  }
0x909: {  	s12 =	sor.u32 s8, s5;
	v5 =	vld [tilespmem:s6+$0x0]  }
0x90a: {  	v6 =	vld [tilespmem:s12+$0x0]  }
0x90b: {  	[tilespmem:v7+s19+$0x0] =	vst.idx.add.f32.msk $0xffff, v1  }
0x90c: {  	[tilespmem:v8+s19+$0x0] =	vst.idx.add.f32.msk $0xffff, v1  }
0x90d: {  	[tilespmem:v7+s25+$0x0] =	vst.idx.add.f32.msk $0xffff, v4  }
0x90e: {  	s0 =	sor.u32 s7, s4;
	[tilespmem:v8+s25+$0x0] =	vst.idx.add.f32.msk $0xffff, v4;
	v5 =	vadd.s32 $0x1200, v5  }
0x90f: {  	s1 =	sor.u32 s7, s5;
	v6 =	vadd.s32 $0x1300, v6;
	v7 =	vld [tilespmem:s0+$0x0]  }
0x910: {  	v8 =	vld [tilespmem:s1+$0x0];
	_ =	sdelay $0x2  }
0x911: {  	[tilespmem:v5+s19+$0x0] =	vst.idx.add.f32.msk $0xffff, v2  }
0x912: {  	v7 =	vadd.s32 $0x1200, v7;
	[tilespmem:v6+s19+$0x0] =	vst.idx.add.f32.msk $0xffff, v2  }
0x913: {  	s13 =	sor.u32 $0x6200, s9;
	v8 =	vadd.s32 $0x1300, v8;
	[tilespmem:v5+s25+$0x0] =	vst.idx.add.f32.msk $0xffff, v3  }
0x914: {  	s14 =	sor.u32 $0x6280, s9;
	s15 =	sor.u32 s8, s13;
	[tilespmem:v6+s25+$0x0] =	vst.idx.add.f32.msk $0xffff, v3  }
0x915: {  	s16 =	sor.u32 s8, s14;
	v5 =	vld [tilespmem:s15+$0x0]  }
0x916: {  	v6 =	vld [tilespmem:s16+$0x0]  }
0x917: {  	[tilespmem:v7+s19+$0x0] =	vst.idx.add.f32.msk $0xffff, v1  }
0x918: {  	[tilespmem:v8+s19+$0x0] =	vst.idx.add.f32.msk $0xffff, v1  }
0x919: {  	[tilespmem:v7+s25+$0x0] =	vst.idx.add.f32.msk $0xffff, v4  }
0x91a: {  	s0 =	sor.u32 s7, s13;
	[tilespmem:v8+s25+$0x0] =	vst.idx.add.f32.msk $0xffff, v4;
	v5 =	vadd.s32 $0x1400, v5  }
0x91b: {  	s1 =	sor.u32 s7, s14;
	v6 =	vadd.s32 $0x1500, v6;
	v7 =	vld [tilespmem:s0+$0x0]  }
0x91c: {  	v8 =	vld [tilespmem:s1+$0x0];
	_ =	sdelay $0x2  }
0x91d: {  	[tilespmem:v5+s19+$0x0] =	vst.idx.add.f32.msk $0xffff, v2  }
0x91e: {  	v7 =	vadd.s32 $0x1400, v7;
	[tilespmem:v6+s19+$0x0] =	vst.idx.add.f32.msk $0xffff, v2  }
0x91f: {  	s17 =	sor.u32 $0x6300, s9;
	v8 =	vadd.s32 $0x1500, v8;
	[tilespmem:v5+s25+$0x0] =	vst.idx.add.f32.msk $0xffff, v3  }
0x920: {  	s18 =	sor.u32 $0x6380, s9;
	s20 =	sor.u32 s8, s17;
	[tilespmem:v6+s25+$0x0] =	vst.idx.add.f32.msk $0xffff, v3  }
0x921: {  	s21 =	sor.u32 s8, s18;
	v5 =	vld [tilespmem:s20+$0x0]  }
0x922: {  	v6 =	vld [tilespmem:s21+$0x0]  }
0x923: {  	[tilespmem:v7+s19+$0x0] =	vst.idx.add.f32.msk $0xffff, v1  }
0x924: {  	[tilespmem:v8+s19+$0x0] =	vst.idx.add.f32.msk $0xffff, v1  }
0x925: {  	[tilespmem:v7+s25+$0x0] =	vst.idx.add.f32.msk $0xffff, v4  }
0x926: {  	s0 =	sor.u32 s7, s17;
	[tilespmem:v8+s25+$0x0] =	vst.idx.add.f32.msk $0xffff, v4;
	v5 =	vadd.s32 $0x1600, v5  }
0x927: {  	s1 =	sor.u32 s7, s18;
	v6 =	vadd.s32 $0x1700, v6;
	v7 =	vld [tilespmem:s0+$0x0]  }
0x928: {  	v8 =	vld [tilespmem:s1+$0x0];
	_ =	sdelay $0x2  }
0x929: {  	[tilespmem:v5+s19+$0x0] =	vst.idx.add.f32.msk $0xffff, v2  }
0x92a: {  	v7 =	vadd.s32 $0x1600, v7;
	[tilespmem:v6+s19+$0x0] =	vst.idx.add.f32.msk $0xffff, v2  }
0x92b: {  	s22 =	sor.u32 $0x7000, s9;
	v8 =	vadd.s32 $0x1700, v8;
	[tilespmem:v5+s25+$0x0] =	vst.idx.add.f32.msk $0xffff, v3  }
0x92c: {  	s23 =	sor.u32 $0x7080, s9;
	s29 =	sor.u32 s8, s22;
	[tilespmem:v6+s25+$0x0] =	vst.idx.add.f32.msk $0xffff, v3  }
0x92d: {  	s30 =	sor.u32 s8, s23;
	v5 =	vld [tilespmem:s29+$0x0]  }
0x92e: {  	v6 =	vld [tilespmem:s30+$0x0]  }
0x92f: {  	[tilespmem:v7+s19+$0x0] =	vst.idx.add.f32.msk $0xffff, v1  }
0x930: {  	[tilespmem:v8+s19+$0x0] =	vst.idx.add.f32.msk $0xffff, v1  }
0x931: {  	[tilespmem:v7+s25+$0x0] =	vst.idx.add.f32.msk $0xffff, v4  }
0x932: {  	s31 =	sor.u32 s7, s22;
	[tilespmem:v8+s25+$0x0] =	vst.idx.add.f32.msk $0xffff, v4;
	v8 =	vadd.s32 $0x1800, v5  }
0x933: {  	s3 =	simm.s32 $0xC2A0;
	s1 =	sor.u32 s7, s23;
	v7 =	vadd.s32 $0x1900, v6;
	v9 =	vld [tilespmem:s31+$0x0]  }
0x934: {  	s5 =	simm.s32 $0x0;
	s12 =	simm.s32 $0x0;
	s0 =	simm.s32 $0x0;
	v10 =	vld [tilespmem:s1+$0x0]  }
.LBB2_15:
0x935: {  	v6 =	vld [tilespmem:s3+$0x0];
	s11 =	sadd.s32 $0x20, s11  }
0x936: {  	v5 =	vld [tilespmem:s11+$0x0]  }
0x937: {  	[tilespmem:v8+s19+$0x0] =	vst.idx.add.f32.msk $0xffff, v2  }
0x938: {  	v9 =	vadd.s32 $0x1800, v9;
	[tilespmem:v7+s19+$0x0] =	vst.idx.add.f32.msk $0xffff, v2  }
0x939: {  	s1 =	sor.u32 $0x7100, s9;
	v10 =	vadd.s32 $0x1900, v10;
	[tilespmem:v8+s25+$0x0] =	vst.idx.add.f32.msk $0xffff, v3  }
0x93a: {  	s2 =	sor.u32 $0x7180, s9;
	s14 =	sor.u32 s7, s1;
	s1 =	sor.u32 s8, s1;
	[tilespmem:v7+s25+$0x0] =	vst.idx.add.f32.msk $0xffff, v3  }
0x93b: {  	s15 =	sor.u32 s7, s2;
	v7 =	vld [tilespmem:s1+$0x0];
	s1 =	sor.u32 s8, s2  }
0x93c: {  	v8 =	vld [tilespmem:s1+$0x0]  }
0x93d: {  	s10 =	sadd.s32 $0x20, s10;
	[tilespmem:v9+s19+$0x0] =	vst.idx.add.f32.msk $0xffff, v1  }
0x93e: {  	s18 =	sand.u32 $0x60, s10;
	[tilespmem:v10+s19+$0x0] =	vst.idx.add.f32.msk $0xffff, v1  }
0x93f: {  	s5 =	sadd.s32 $0x100, s5;
	s20 =	sor.u32 $0x10, s18;
	s1 =	sand.u32 $0x80, s10;
	[tilespmem:v9+s25+$0x0] =	vst.idx.add.f32.msk $0xffff, v4  }
0x940: {  	s21 =	sand.u32 $0x400, s5;
	s2 =	sor.u32 s5, s10;
	s1 =	sor.u32 s1, s20;
	[tilespmem:v10+s25+$0x0] =	vst.idx.add.f32.msk $0xffff, v4;
	v7 =	vadd.s32 $0x1A00, v7  }
0x941: {  	s4 =	sor.u32 $0x4000, s21;
	s13 =	sor.u32 $0x380, s2;
	v9 =	vld [tilespmem:s1+$0xC280];
	v8 =	vadd.s32 $0x1B00, v8  }
0x942: {  	s16 =	sor.u32 s18, s4;
	s17 =	sor.u32 s20, s4;
	v10 =	vld [tilespmem:s1+$0xCA00]  }
0x943: {  	v11 =	vld [tilespmem:s17+$0x0]  }
0x944: {  	v12 =	vld [tilespmem:s17+$0x80]  }
0x945: {  	[tilespmem:v7+s19+$0x0] =	vst.idx.add.f32.msk $0xffff, v2  }
0x946: {  	[tilespmem:v8+s19+$0x0] =	vst.idx.add.f32.msk $0xffff, v2  }
0x947: {  	s1 =	sor.u32 $0x7200, s9;
	[tilespmem:v7+s25+$0x0] =	vst.idx.add.f32.msk $0xffff, v3  }
0x948: {  	s2 =	sor.u32 $0x7280, s9;
	s4 =	sor.u32 s7, s1;
	s1 =	sor.u32 s8, s1;
	[tilespmem:v8+s25+$0x0] =	vst.idx.add.f32.msk $0xffff, v3  }
0x949: {  	s6 =	sor.u32 s7, s2;
	v7 =	vadd.s32 $0x100, v12;
	v8 =	vld [tilespmem:s1+$0x0];
	s1 =	sor.u32 s8, s2  }
0x94a: {  	v12 =	vld [tilespmem:s1+$0x0]  }
0x94b: {  	v13 =	vld [tilespmem:s16+$0x80]  }
0x94c: {  	v14 =	vld [tilespmem:s16+$0x0]  }
0x94d: {  	[tilespmem:v11+s19+$0x0] =	vst.idx.add.f32.msk $0xffff, v9  }
0x94e: {  	[tilespmem:v7+s19+$0x0] =	vst.idx.add.f32.msk $0xffff, v9;
	v8 =	vadd.s32 $0x1C00, v8  }
0x94f: {  	[tilespmem:v11+s25+$0x0] =	vst.idx.add.f32.msk $0xffff, v10;
	v11 =	vadd.s32 $0x1D00, v12  }
0x950: {  	v12 =	vadd.s32 $0x100, v13;
	[tilespmem:v7+s25+$0x0] =	vst.idx.add.f32.msk $0xffff, v10  }
0x951: {  	v7 =	vld [tilespmem:s17+$0x100]  }
0x952: {  	v13 =	vld [tilespmem:s17+$0x180]  }
0x953: {  	[tilespmem:v8+s19+$0x0] =	vst.idx.add.f32.msk $0xffff, v2  }
0x954: {  	[tilespmem:v11+s19+$0x0] =	vst.idx.add.f32.msk $0xffff, v2  }
0x955: {  	s2 =	sor.u32 $0x7300, s9;
	[tilespmem:v8+s25+$0x0] =	vst.idx.add.f32.msk $0xffff, v3  }
0x956: {  	s9 =	sor.u32 $0x7380, s9;
	s1 =	sor.u32 s7, s2;
	s22 =	sor.u32 s8, s2;
	[tilespmem:v11+s25+$0x0] =	vst.idx.add.f32.msk $0xffff, v3  }
0x957: {  	s2 =	sor.u32 s7, s9;
	s8 =	sor.u32 s8, s9;
	s7 =	smov.u32 s18;
	v8 =	vld [tilespmem:s22+$0x0]  }
0x958: {  	s9 =	smov.u32 s21;
	v11 =	vld [tilespmem:s8+$0x0];
	s8 =	smov.u32 s20  }
0x959: {  	[tilespmem:v14+s19+$0x0] =	vst.idx.add.f32.msk $0xffff, v6  }
0x95a: {  	v7 =	vadd.s32 $0x200, v7;
	[tilespmem:v12+s19+$0x0] =	vst.idx.add.f32.msk $0xffff, v6  }
0x95b: {  	v13 =	vadd.s32 $0x300, v13;
	[tilespmem:v14+s25+$0x0] =	vst.idx.add.f32.msk $0xffff, v5  }
0x95c: {  	[tilespmem:v12+s25+$0x0] =	vst.idx.add.f32.msk $0xffff, v5;
	v8 =	vadd.s32 $0x1E00, v8  }
0x95d: {  	v12 =	vld [tilespmem:s16+$0x100];
	v11 =	vadd.s32 $0x1F00, v11  }
0x95e: {  	v14 =	vld [tilespmem:s16+$0x180]  }
0x95f: {  	[tilespmem:v7+s19+$0x0] =	vst.idx.add.f32.msk $0xffff, v9  }
0x960: {  	[tilespmem:v13+s19+$0x0] =	vst.idx.add.f32.msk $0xffff, v9  }
0x961: {  	[tilespmem:v8+s19+$0x0] =	vst.idx.add.f32.msk $0xffff, v2  }
0x962: {  	v12 =	vadd.s32 $0x200, v12;
	[tilespmem:v11+s19+$0x0] =	vst.idx.add.f32.msk $0xffff, v2;
	v2 =	vmov v9  }
0x963: {  	v9 =	vadd.s32 $0x300, v14;
	[tilespmem:v8+s25+$0x0] =	vst.idx.add.f32.msk $0xffff, v3  }
0x964: {  	[tilespmem:v11+s25+$0x0] =	vst.idx.add.f32.msk $0xffff, v3;
	v3 =	vmov v10  }
0x965: {  	[tilespmem:v7+s25+$0x0] =	vst.idx.add.f32.msk $0xffff, v3  }
0x966: {  	[tilespmem:v13+s25+$0x0] =	vst.idx.add.f32.msk $0xffff, v3  }
0x967: {  	v7 =	vld [tilespmem:s17+$0x200]  }
0x968: {  	v8 =	vld [tilespmem:s17+$0x280]  }
0x969: {  	[tilespmem:v12+s19+$0x0] =	vst.idx.add.f32.msk $0xffff, v6  }
0x96a: {  	[tilespmem:v9+s19+$0x0] =	vst.idx.add.f32.msk $0xffff, v6  }
0x96b: {  	[tilespmem:v12+s25+$0x0] =	vst.idx.add.f32.msk $0xffff, v5  }
0x96c: {  	[tilespmem:v9+s25+$0x0] =	vst.idx.add.f32.msk $0xffff, v5;
	v7 =	vadd.s32 $0x400, v7  }
0x96d: {  	v9 =	vld [tilespmem:s16+$0x200];
	v8 =	vadd.s32 $0x500, v8  }
0x96e: {  	v10 =	vld [tilespmem:s16+$0x280]  }
0x96f: {  	s12 =	sadd.s32 $0x1, s12;
	v11 =	vld [tilespmem:s14+$0x0]  }
0x970: {  	s14 =	sand.u32 $0x3, s12;
	v12 =	vld [tilespmem:s15+$0x0]  }
0x971: {  	s14 =	sshll.u32 s14, $0x5;
	[tilespmem:v7+s19+$0x0] =	vst.idx.add.f32.msk $0xffff, v2  }
0x972: {  	s14 =	sadd.s32 s14, s5;
	v9 =	vadd.s32 $0x400, v9;
	[tilespmem:v8+s19+$0x0] =	vst.idx.add.f32.msk $0xffff, v2  }
0x973: {  	s15 =	sor.u32 $0x300, s14;
	s14 =	sadd.s32 $0x10, s14;
	v10 =	vadd.s32 $0x500, v10;
	[tilespmem:v7+s25+$0x0] =	vst.idx.add.f32.msk $0xffff, v3  }
0x974: {  	s16 =	sor.u32 $0x300, s14;
	[tilespmem:v8+s25+$0x0] =	vst.idx.add.f32.msk $0xffff, v3;
	v7 =	vadd.s32 $0x1A00, v11  }
0x975: {  	s14 =	sor.u32 $0x380, s14;
	v8 =	vld [tilespmem:s16+$0x4000];
	v11 =	vadd.s32 $0x1B00, v12  }
0x976: {  	v12 =	vld [tilespmem:s14+$0x4000]  }
0x977: {  	[tilespmem:v9+s19+$0x0] =	vst.idx.add.f32.msk $0xffff, v6  }
0x978: {  	s0 =	sadd.s32 $0x2, s0;
	[tilespmem:v10+s19+$0x0] =	vst.idx.add.f32.msk $0xffff, v6  }
0x979: {  	p1 =	slt.u32 s0, $0xE;
	[tilespmem:v9+s25+$0x0] =	vst.idx.add.f32.msk $0xffff, v5  }
0x97a: {  	[tilespmem:v10+s25+$0x0] =	vst.idx.add.f32.msk $0xffff, v5;
	v8 =	vadd.s32 $0x600, v8  }
0x97b: {  	v9 =	vld [tilespmem:s15+$0x4000];
	v10 =	vadd.s32 $0x700, v12  }
0x97c: {  	v12 =	vld [tilespmem:s13+$0x4000]  }
0x97d: {  	[tilespmem:v7+s19+$0x0] =	vst.idx.add.f32.msk $0xffff, v1  }
0x97e: {  	[tilespmem:v11+s19+$0x0] =	vst.idx.add.f32.msk $0xffff, v1  }
0x97f: {  	[tilespmem:v8+s19+$0x0] =	vst.idx.add.f32.msk $0xffff, v2  }
0x980: {  	v9 =	vadd.s32 $0x600, v9;
	[tilespmem:v10+s19+$0x0] =	vst.idx.add.f32.msk $0xffff, v2  }
0x981: {  	s13 =	sor.u32 $0x5000, s9;
	v12 =	vadd.s32 $0x700, v12;
	[tilespmem:v8+s25+$0x0] =	vst.idx.add.f32.msk $0xffff, v3  }
0x982: {  	s15 =	sor.u32 $0x5080, s9;
	s14 =	sor.u32 s7, s13;
	s13 =	sor.u32 s8, s13;
	[tilespmem:v10+s25+$0x0] =	vst.idx.add.f32.msk $0xffff, v3  }
0x983: {  	s16 =	sor.u32 s7, s15;
	v8 =	vld [tilespmem:s13+$0x0];
	s13 =	sor.u32 s8, s15  }
0x984: {  	v10 =	vld [tilespmem:s13+$0x0]  }
0x985: {  	[tilespmem:v9+s19+$0x0] =	vst.idx.add.f32.msk $0xffff, v6  }
0x986: {  	[tilespmem:v12+s19+$0x0] =	vst.idx.add.f32.msk $0xffff, v6  }
0x987: {  	[tilespmem:v9+s25+$0x0] =	vst.idx.add.f32.msk $0xffff, v5  }
0x988: {  	[tilespmem:v12+s25+$0x0] =	vst.idx.add.f32.msk $0xffff, v5;
	v8 =	vadd.s32 $0x800, v8  }
0x989: {  	v9 =	vld [tilespmem:s14+$0x0];
	v10 =	vadd.s32 $0x900, v10  }
0x98a: {  	v12 =	vld [tilespmem:s16+$0x0]  }
0x98b: {  	[tilespmem:v7+s25+$0x0] =	vst.idx.add.f32.msk $0xffff, v4  }
0x98c: {  	[tilespmem:v11+s25+$0x0] =	vst.idx.add.f32.msk $0xffff, v4  }
0x98d: {  	[tilespmem:v8+s19+$0x0] =	vst.idx.add.f32.msk $0xffff, v2  }
0x98e: {  	v7 =	vadd.s32 $0x800, v9;
	[tilespmem:v10+s19+$0x0] =	vst.idx.add.f32.msk $0xffff, v2  }
0x98f: {  	s13 =	sor.u32 $0x5100, s9;
	v9 =	vadd.s32 $0x900, v12;
	[tilespmem:v8+s25+$0x0] =	vst.idx.add.f32.msk $0xffff, v3  }
0x990: {  	s15 =	sor.u32 $0x5180, s9;
	s14 =	sor.u32 s7, s13;
	s13 =	sor.u32 s8, s13;
	[tilespmem:v10+s25+$0x0] =	vst.idx.add.f32.msk $0xffff, v3  }
0x991: {  	s16 =	sor.u32 s7, s15;
	v8 =	vld [tilespmem:s13+$0x0];
	s13 =	sor.u32 s8, s15  }
0x992: {  	v10 =	vld [tilespmem:s13+$0x0]  }
0x993: {  	[tilespmem:v7+s19+$0x0] =	vst.idx.add.f32.msk $0xffff, v6  }
0x994: {  	[tilespmem:v9+s19+$0x0] =	vst.idx.add.f32.msk $0xffff, v6  }
0x995: {  	[tilespmem:v7+s25+$0x0] =	vst.idx.add.f32.msk $0xffff, v5  }
0x996: {  	[tilespmem:v9+s25+$0x0] =	vst.idx.add.f32.msk $0xffff, v5;
	v7 =	vadd.s32 $0xA00, v8  }
0x997: {  	v8 =	vld [tilespmem:s14+$0x0];
	v9 =	vadd.s32 $0xB00, v10  }
0x998: {  	v10 =	vld [tilespmem:s16+$0x0]  }
0x999: {  	v11 =	vld [tilespmem:s4+$0x0]  }
0x99a: {  	v12 =	vld [tilespmem:s6+$0x0]  }
0x99b: {  	[tilespmem:v7+s19+$0x0] =	vst.idx.add.f32.msk $0xffff, v2  }
0x99c: {  	v8 =	vadd.s32 $0xA00, v8;
	[tilespmem:v9+s19+$0x0] =	vst.idx.add.f32.msk $0xffff, v2  }
0x99d: {  	s4 =	sor.u32 $0x5200, s9;
	v10 =	vadd.s32 $0xB00, v10;
	[tilespmem:v7+s25+$0x0] =	vst.idx.add.f32.msk $0xffff, v3  }
0x99e: {  	s13 =	sor.u32 $0x5280, s9;
	s6 =	sor.u32 s7, s4;
	s4 =	sor.u32 s8, s4;
	[tilespmem:v9+s25+$0x0] =	vst.idx.add.f32.msk $0xffff, v3;
	v7 =	vadd.s32 $0x1C00, v11  }
0x99f: {  	s14 =	sor.u32 s7, s13;
	v9 =	vld [tilespmem:s4+$0x0];
	s4 =	sor.u32 s8, s13;
	v11 =	vadd.s32 $0x1D00, v12  }
0x9a0: {  	v12 =	vld [tilespmem:s4+$0x0]  }
0x9a1: {  	[tilespmem:v8+s19+$0x0] =	vst.idx.add.f32.msk $0xffff, v6  }
0x9a2: {  	[tilespmem:v10+s19+$0x0] =	vst.idx.add.f32.msk $0xffff, v6  }
0x9a3: {  	[tilespmem:v8+s25+$0x0] =	vst.idx.add.f32.msk $0xffff, v5  }
0x9a4: {  	[tilespmem:v10+s25+$0x0] =	vst.idx.add.f32.msk $0xffff, v5;
	v8 =	vadd.s32 $0xC00, v9  }
0x9a5: {  	v9 =	vld [tilespmem:s6+$0x0];
	v10 =	vadd.s32 $0xD00, v12  }
0x9a6: {  	v12 =	vld [tilespmem:s14+$0x0]  }
0x9a7: {  	[tilespmem:v7+s19+$0x0] =	vst.idx.add.f32.msk $0xffff, v1  }
0x9a8: {  	[tilespmem:v11+s19+$0x0] =	vst.idx.add.f32.msk $0xffff, v1  }
0x9a9: {  	[tilespmem:v8+s19+$0x0] =	vst.idx.add.f32.msk $0xffff, v2  }
0x9aa: {  	v9 =	vadd.s32 $0xC00, v9;
	[tilespmem:v10+s19+$0x0] =	vst.idx.add.f32.msk $0xffff, v2  }
0x9ab: {  	s4 =	sor.u32 $0x5300, s9;
	v12 =	vadd.s32 $0xD00, v12;
	[tilespmem:v8+s25+$0x0] =	vst.idx.add.f32.msk $0xffff, v3  }
0x9ac: {  	s13 =	sor.u32 $0x5380, s9;
	s6 =	sor.u32 s7, s4;
	s4 =	sor.u32 s8, s4;
	[tilespmem:v10+s25+$0x0] =	vst.idx.add.f32.msk $0xffff, v3  }
0x9ad: {  	s14 =	sor.u32 s7, s13;
	v8 =	vld [tilespmem:s4+$0x0];
	s4 =	sor.u32 s8, s13  }
0x9ae: {  	v10 =	vld [tilespmem:s4+$0x0]  }
0x9af: {  	[tilespmem:v9+s19+$0x0] =	vst.idx.add.f32.msk $0xffff, v6  }
0x9b0: {  	[tilespmem:v12+s19+$0x0] =	vst.idx.add.f32.msk $0xffff, v6  }
0x9b1: {  	[tilespmem:v9+s25+$0x0] =	vst.idx.add.f32.msk $0xffff, v5  }
0x9b2: {  	[tilespmem:v12+s25+$0x0] =	vst.idx.add.f32.msk $0xffff, v5;
	v8 =	vadd.s32 $0xE00, v8  }
0x9b3: {  	v9 =	vld [tilespmem:s6+$0x0];
	v10 =	vadd.s32 $0xF00, v10  }
0x9b4: {  	v12 =	vld [tilespmem:s14+$0x0]  }
0x9b5: {  	[tilespmem:v7+s25+$0x0] =	vst.idx.add.f32.msk $0xffff, v4  }
0x9b6: {  	[tilespmem:v11+s25+$0x0] =	vst.idx.add.f32.msk $0xffff, v4  }
0x9b7: {  	[tilespmem:v8+s19+$0x0] =	vst.idx.add.f32.msk $0xffff, v2  }
0x9b8: {  	v7 =	vadd.s32 $0xE00, v9;
	[tilespmem:v10+s19+$0x0] =	vst.idx.add.f32.msk $0xffff, v2  }
0x9b9: {  	s4 =	sor.u32 $0x6000, s9;
	v9 =	vadd.s32 $0xF00, v12;
	[tilespmem:v8+s25+$0x0] =	vst.idx.add.f32.msk $0xffff, v3  }
0x9ba: {  	s13 =	sor.u32 $0x6080, s9;
	s6 =	sor.u32 s7, s4;
	s4 =	sor.u32 s8, s4;
	[tilespmem:v10+s25+$0x0] =	vst.idx.add.f32.msk $0xffff, v3  }
0x9bb: {  	s14 =	sor.u32 s7, s13;
	v8 =	vld [tilespmem:s4+$0x0];
	s4 =	sor.u32 s8, s13  }
0x9bc: {  	v10 =	vld [tilespmem:s4+$0x0]  }
0x9bd: {  	[tilespmem:v7+s19+$0x0] =	vst.idx.add.f32.msk $0xffff, v6  }
0x9be: {  	[tilespmem:v9+s19+$0x0] =	vst.idx.add.f32.msk $0xffff, v6  }
0x9bf: {  	[tilespmem:v7+s25+$0x0] =	vst.idx.add.f32.msk $0xffff, v5  }
0x9c0: {  	[tilespmem:v9+s25+$0x0] =	vst.idx.add.f32.msk $0xffff, v5;
	v7 =	vadd.s32 $0x1000, v8  }
0x9c1: {  	v8 =	vld [tilespmem:s6+$0x0];
	v9 =	vadd.s32 $0x1100, v10  }
0x9c2: {  	v10 =	vld [tilespmem:s14+$0x0]  }
0x9c3: {  	v11 =	vld [tilespmem:s1+$0x0]  }
0x9c4: {  	v12 =	vld [tilespmem:s2+$0x0]  }
0x9c5: {  	[tilespmem:v7+s19+$0x0] =	vst.idx.add.f32.msk $0xffff, v2  }
0x9c6: {  	v8 =	vadd.s32 $0x1000, v8;
	[tilespmem:v9+s19+$0x0] =	vst.idx.add.f32.msk $0xffff, v2  }
0x9c7: {  	s1 =	sor.u32 $0x6100, s9;
	v10 =	vadd.s32 $0x1100, v10;
	[tilespmem:v7+s25+$0x0] =	vst.idx.add.f32.msk $0xffff, v3  }
0x9c8: {  	s4 =	sor.u32 $0x6180, s9;
	s2 =	sor.u32 s7, s1;
	s1 =	sor.u32 s8, s1;
	[tilespmem:v9+s25+$0x0] =	vst.idx.add.f32.msk $0xffff, v3;
	v7 =	vadd.s32 $0x1E00, v11  }
0x9c9: {  	s6 =	sor.u32 s7, s4;
	v9 =	vld [tilespmem:s1+$0x0];
	s1 =	sor.u32 s8, s4;
	v11 =	vadd.s32 $0x1F00, v12  }
0x9ca: {  	v12 =	vld [tilespmem:s1+$0x0]  }
0x9cb: {  	[tilespmem:v8+s19+$0x0] =	vst.idx.add.f32.msk $0xffff, v6  }
0x9cc: {  	[tilespmem:v10+s19+$0x0] =	vst.idx.add.f32.msk $0xffff, v6  }
0x9cd: {  	[tilespmem:v8+s25+$0x0] =	vst.idx.add.f32.msk $0xffff, v5  }
0x9ce: {  	[tilespmem:v10+s25+$0x0] =	vst.idx.add.f32.msk $0xffff, v5;
	v8 =	vadd.s32 $0x1200, v9  }
0x9cf: {  	v9 =	vld [tilespmem:s2+$0x0];
	v10 =	vadd.s32 $0x1300, v12  }
0x9d0: {  	v12 =	vld [tilespmem:s6+$0x0]  }
0x9d1: {  	[tilespmem:v7+s19+$0x0] =	vst.idx.add.f32.msk $0xffff, v1  }
0x9d2: {  	[tilespmem:v11+s19+$0x0] =	vst.idx.add.f32.msk $0xffff, v1;
	v1 =	vmov v6  }
0x9d3: {  	[tilespmem:v8+s19+$0x0] =	vst.idx.add.f32.msk $0xffff, v2  }
0x9d4: {  	v6 =	vadd.s32 $0x1200, v9;
	[tilespmem:v10+s19+$0x0] =	vst.idx.add.f32.msk $0xffff, v2  }
0x9d5: {  	s1 =	sor.u32 $0x6200, s9;
	v9 =	vadd.s32 $0x1300, v12;
	[tilespmem:v8+s25+$0x0] =	vst.idx.add.f32.msk $0xffff, v3  }
0x9d6: {  	s4 =	sor.u32 $0x6280, s9;
	s2 =	sor.u32 s7, s1;
	s1 =	sor.u32 s8, s1;
	[tilespmem:v10+s25+$0x0] =	vst.idx.add.f32.msk $0xffff, v3  }
0x9d7: {  	s6 =	sor.u32 s7, s4;
	v8 =	vld [tilespmem:s1+$0x0];
	s1 =	sor.u32 s8, s4  }
0x9d8: {  	v10 =	vld [tilespmem:s1+$0x0]  }
0x9d9: {  	[tilespmem:v6+s19+$0x0] =	vst.idx.add.f32.msk $0xffff, v1  }
0x9da: {  	[tilespmem:v9+s19+$0x0] =	vst.idx.add.f32.msk $0xffff, v1  }
0x9db: {  	[tilespmem:v6+s25+$0x0] =	vst.idx.add.f32.msk $0xffff, v5  }
0x9dc: {  	[tilespmem:v9+s25+$0x0] =	vst.idx.add.f32.msk $0xffff, v5;
	v6 =	vadd.s32 $0x1400, v8  }
0x9dd: {  	v8 =	vld [tilespmem:s2+$0x0];
	v9 =	vadd.s32 $0x1500, v10  }
0x9de: {  	v10 =	vld [tilespmem:s6+$0x0]  }
0x9df: {  	[tilespmem:v7+s25+$0x0] =	vst.idx.add.f32.msk $0xffff, v4  }
0x9e0: {  	[tilespmem:v11+s25+$0x0] =	vst.idx.add.f32.msk $0xffff, v4;
	v4 =	vmov v5  }
0x9e1: {  	[tilespmem:v6+s19+$0x0] =	vst.idx.add.f32.msk $0xffff, v2  }
0x9e2: {  	v5 =	vadd.s32 $0x1400, v8;
	[tilespmem:v9+s19+$0x0] =	vst.idx.add.f32.msk $0xffff, v2  }
0x9e3: {  	s1 =	sor.u32 $0x6300, s9;
	v7 =	vadd.s32 $0x1500, v10;
	[tilespmem:v6+s25+$0x0] =	vst.idx.add.f32.msk $0xffff, v3  }
0x9e4: {  	s4 =	sor.u32 $0x6380, s9;
	s2 =	sor.u32 s7, s1;
	s1 =	sor.u32 s8, s1;
	[tilespmem:v9+s25+$0x0] =	vst.idx.add.f32.msk $0xffff, v3  }
0x9e5: {  	s6 =	sor.u32 s7, s4;
	v6 =	vld [tilespmem:s1+$0x0];
	s1 =	sor.u32 s8, s4  }
0x9e6: {  	v8 =	vld [tilespmem:s1+$0x0]  }
0x9e7: {  	[tilespmem:v5+s19+$0x0] =	vst.idx.add.f32.msk $0xffff, v1  }
0x9e8: {  	[tilespmem:v7+s19+$0x0] =	vst.idx.add.f32.msk $0xffff, v1  }
0x9e9: {  	[tilespmem:v5+s25+$0x0] =	vst.idx.add.f32.msk $0xffff, v4  }
0x9ea: {  	[tilespmem:v7+s25+$0x0] =	vst.idx.add.f32.msk $0xffff, v4;
	v5 =	vadd.s32 $0x1600, v6  }
0x9eb: {  	v6 =	vld [tilespmem:s2+$0x0];
	v7 =	vadd.s32 $0x1700, v8  }
0x9ec: {  	v8 =	vld [tilespmem:s6+$0x0];
	_ =	sdelay $0x2  }
0x9ed: {  	[tilespmem:v5+s19+$0x0] =	vst.idx.add.f32.msk $0xffff, v2  }
0x9ee: {  	v6 =	vadd.s32 $0x1600, v6;
	[tilespmem:v7+s19+$0x0] =	vst.idx.add.f32.msk $0xffff, v2  }
0x9ef: {  	s1 =	sor.u32 $0x7000, s9;
	v8 =	vadd.s32 $0x1700, v8;
	[tilespmem:v5+s25+$0x0] =	vst.idx.add.f32.msk $0xffff, v3  }
0x9f0: {  	s4 =	sor.u32 $0x7080, s9;
	s2 =	sor.u32 s7, s1;
	s1 =	sor.u32 s8, s1;
	[tilespmem:v7+s25+$0x0] =	vst.idx.add.f32.msk $0xffff, v3  }
0x9f1: {  	s6 =	sor.u32 s7, s4;
	v5 =	vld [tilespmem:s1+$0x0];
	s1 =	sor.u32 s8, s4  }
0x9f2: {  	v7 =	vld [tilespmem:s1+$0x0]  }
0x9f3: {  	[tilespmem:v6+s19+$0x0] =	vst.idx.add.f32.msk $0xffff, v1  }
.Ltmp9:
0x9f4: {  	[tilespmem:v8+s19+$0x0] =	vst.idx.add.f32.msk $0xffff, v1;
	(pc) =	sbr.rel @p1 .LBB2_15-.Ltmp9, $4  }
0x9f5: {  	[tilespmem:v6+s25+$0x0] =	vst.idx.add.f32.msk $0xffff, v4  }
0x9f6: {  	[tilespmem:v8+s25+$0x0] =	vst.idx.add.f32.msk $0xffff, v4;
	v8 =	vadd.s32 $0x1800, v5  }
0x9f7: {  	v9 =	vld [tilespmem:s2+$0x0];
	v7 =	vadd.s32 $0x1900, v7  }
0x9f8: {  	s3 =	sadd.s32 $0x20, s3;
	v10 =	vld [tilespmem:s6+$0x0]  }
0x9f9: {  	_ =	sdelay $0x3  }
0x9fa: {  	[tilespmem:v8+s19+$0x0] =	vst.idx.add.f32.msk $0xffff, v2  }
0x9fb: {  	[tilespmem:v7+s19+$0x0] =	vst.idx.add.f32.msk $0xffff, v2;
	v5 =	vadd.s32 $0x1800, v9  }
0x9fc: {  	s0 =	sor.u32 $0x7100, s9;
	[tilespmem:v8+s25+$0x0] =	vst.idx.add.f32.msk $0xffff, v3;
	v6 =	vadd.s32 $0x1900, v10  }
0x9fd: {  	s1 =	sor.u32 $0x7180, s9;
	s2 =	sor.u32 s8, s0;
	[tilespmem:v7+s25+$0x0] =	vst.idx.add.f32.msk $0xffff, v3  }
0x9fe: {  	s17 =	sor.u32 s8, s1;
	v7 =	vld [tilespmem:s2+$0x0]  }
0x9ff: {  	v8 =	vld [tilespmem:s17+$0x0]  }
0xa00: {  	[tilespmem:v5+s19+$0x0] =	vst.idx.add.f32.msk $0xffff, v1  }
0xa01: {  	[tilespmem:v6+s19+$0x0] =	vst.idx.add.f32.msk $0xffff, v1  }
0xa02: {  	[tilespmem:v5+s25+$0x0] =	vst.idx.add.f32.msk $0xffff, v4  }
0xa03: {  	s0 =	sor.u32 s7, s0;
	v54 =	vadd.s32 $0x1A00, v7;
	[tilespmem:v6+s25+$0x0] =	vst.idx.add.f32.msk $0xffff, v4  }
0xa04: {  	s1 =	sor.u32 s7, s1;
	v55 =	vadd.s32 $0x1B00, v8;
	v56 =	vld [tilespmem:s0+$0x0]  }
0xa05: {  	v57 =	vld [tilespmem:s1+$0x0];
	_ =	sdelay $0x2  }
0xa06: {  	[tilespmem:v54+s19+$0x0] =	vst.idx.add.f32.msk $0xffff, v2  }
0xa07: {  	[tilespmem:v55+s19+$0x0] =	vst.idx.add.f32.msk $0xffff, v2;
	v7 =	vadd.s32 $0x1A00, v56  }
0xa08: {  	s18 =	sor.u32 $0x7200, s9;
	[tilespmem:v54+s25+$0x0] =	vst.idx.add.f32.msk $0xffff, v3;
	v58 =	vadd.s32 $0x1B00, v57  }
0xa09: {  	s20 =	sor.u32 $0x7280, s9;
	s21 =	sor.u32 s8, s18;
	[tilespmem:v55+s25+$0x0] =	vst.idx.add.f32.msk $0xffff, v3  }
0xa0a: {  	s22 =	sor.u32 s8, s20;
	v6 =	vld [tilespmem:s21+$0x0]  }
0xa0b: {  	v59 =	vld [tilespmem:s22+$0x0]  }
0xa0c: {  	[tilespmem:v7+s19+$0x0] =	vst.idx.add.f32.msk $0xffff, v1  }
0xa0d: {  	[tilespmem:v58+s19+$0x0] =	vst.idx.add.f32.msk $0xffff, v1  }
0xa0e: {  	[tilespmem:v7+s25+$0x0] =	vst.idx.add.f32.msk $0xffff, v4  }
0xa0f: {  	s0 =	sor.u32 s7, s18;
	v6 =	vadd.s32 $0x1C00, v6;
	[tilespmem:v58+s25+$0x0] =	vst.idx.add.f32.msk $0xffff, v4  }
0xa10: {  	s1 =	sor.u32 s7, s20;
	v60 =	vadd.s32 $0x1D00, v59;
	v7 =	vld [tilespmem:s0+$0x0]  }
0xa11: {  	v61 =	vld [tilespmem:s1+$0x0];
	_ =	sdelay $0x2  }
0xa12: {  	[tilespmem:v6+s19+$0x0] =	vst.idx.add.f32.msk $0xffff, v2  }
0xa13: {  	[tilespmem:v60+s19+$0x0] =	vst.idx.add.f32.msk $0xffff, v2;
	v7 =	vadd.s32 $0x1C00, v7  }
0xa14: {  	s23 =	sor.u32 $0x7300, s9;
	[tilespmem:v6+s25+$0x0] =	vst.idx.add.f32.msk $0xffff, v3;
	v62 =	vadd.s32 $0x1D00, v61  }
0xa15: {  	s29 =	sor.u32 $0x7380, s9;
	s30 =	sor.u32 s8, s23;
	[tilespmem:v60+s25+$0x0] =	vst.idx.add.f32.msk $0xffff, v3  }
0xa16: {  	s31 =	sor.u32 s8, s29;
	v5 =	vld [tilespmem:s30+$0x0]  }
0xa17: {  	v63 =	vld [tilespmem:s31+$0x0]  }
0xa18: {  	[tilespmem:v7+s19+$0x0] =	vst.idx.add.f32.msk $0xffff, v1  }
0xa19: {  	[tilespmem:v62+s19+$0x0] =	vst.idx.add.f32.msk $0xffff, v1  }
0xa1a: {  	[tilespmem:v7+s25+$0x0] =	vst.idx.add.f32.msk $0xffff, v4  }
0xa1b: {  	s0 =	sor.u32 s7, s23;
	[tilespmem:v62+s25+$0x0] =	vst.idx.add.f32.msk $0xffff, v4  }
0xa1c: {  	s1 =	sor.u32 s7, s29;
	v6 =	vld [tilespmem:s0+$0x0]  }
0xa1d: {  	v5 =	vadd.s32 $0x1E00, v5;
	v7 =	vld [tilespmem:s1+$0x0]  }
0xa1e: {  	v8 =	vadd.s32 $0x1F00, v63;
	_ =	sdelay $0x2  }
0xa1f: {  	v6 =	vadd.s32 $0x1E00, v6  }
0xa20: {  	[tilespmem:v5+s19+$0x0] =	vst.idx.add.f32.msk $0xffff, v2;
	v7 =	vadd.s32 $0x1F00, v7  }
0xa21: {  	[tilespmem:v8+s19+$0x0] =	vst.idx.add.f32.msk $0xffff, v2  }
0xa22: {  	[tilespmem:v5+s25+$0x0] =	vst.idx.add.f32.msk $0xffff, v3  }
0xa23: {  	[tilespmem:v8+s25+$0x0] =	vst.idx.add.f32.msk $0xffff, v3  }
.Ltmp10:
0xa24: {  	[tilespmem:v6+s19+$0x0] =	vst.idx.add.f32.msk $0xffff, v1;
	(pc) =	sbr.rel .LBB2_17-.Ltmp10, $4  }
0xa25: {  	[tilespmem:v7+s19+$0x0] =	vst.idx.add.f32.msk $0xffff, v1  }
0xa26: {  	[tilespmem:v6+s25+$0x0] =	vst.idx.add.f32.msk $0xffff, v4  }
0xa27: {  	[tilespmem:v7+s25+$0x0] =	vst.idx.add.f32.msk $0xffff, v4  }
0xa28: {  	s2 =	sld [smem:$0x7EC]  }
.LBB2_18:
0xa29: {  	_ =	sfence.sel $0x180000  }
0xa2a: {  	[bflag:$0x0] =	sbarrier.arrive $0xFFFF  }
0xa2b: {  	_ =	strace $0x90000047  }
0xa2c: {  	s0 =	stileid.u32;
	[bflag:$0x2] =	sbarrier.arrive $0xFFFF  }
0xa2d: {  	p0 =	sne.s32 s0, $0x0;
	s0 =	rddreg [dreg:$0x4]  }
0xa2e: {  	s0 =	sadd.s32 @!p0 $0x100000, s0  }
0xa2f: {  	[sflag:s0] =	ssyncadd.tile.s32 @!p0 $0x1;
	_ =	shalt  }
.Lfunc_end2:
_tile_overlayer_lowered:
.L_overlay_start_2:
0xa30: {  	(tag) =	ssettag $0x2  }
0xa31: {  	s0 =	rddreg [dreg:$0x0];
	s2 =	stileid.u32  }
0xa32: {  	s1 =	rddreg [dreg:$0x1];
	p0 =	sne.s32 s2, $0x0  }
0xa33: {  	s3 =	rddreg [dreg:$0x2];
	[bflag:$0x3] =	sbarrier.arrive $0xFFFF;
	s2 =	simm.s32 @!p0 $0x1C04  }
0xa34: {  	[timem:s3], [sflag:s2] =	dma.local @!p0 [hbm:s0], s1  }
0xa35: {  	s0 =	simm.s32 @!p0 $0x4  }
0xa36: {  	_ =	swait.ge @!p0 [sflag:s0], s1  }
0xa37: {  	s1 =	ssub.s32 @!p0 $0x0, s1;
	[sflag:s0] =	ssyncset.done @!p0 $0x0  }
0xa38: {  	[sflag:s0] =	ssyncadd.s32 @!p0 s1  }
0xa39: {  	[bflag:$0x3] =	sbarrier.arrive $0xFFFF  }
0xa3a: {  	_ =	shalt  }

</sc_bundles>
